<compile_context>
chip_gen: v7x
topology: tpu7x:2x2x1
jax: 0.10.2.dev20260603
libtpu: 0.0.44.dev20260713+nightly
codegen_flags: <defaults>
</compile_context>

<pallas_src>
import functools

import jax
import jax.numpy as jnp
from jax import lax
from jax.experimental import pallas as pl
from jax.experimental.pallas import tpu as pltpu
from jax.experimental.pallas import tpu_sc as plsc

_RATIO = 0.05


def _fps_body(n_chunks, width, c_dim, n_samples, flat3_ref, flate_ref,
              sel_ref, md_ref, d2_ref, idx_ref):
    subl = lax.broadcasted_iota(jnp.int32, (8, width), 0)
    lane = lax.broadcasted_iota(jnp.int32, (8, width), 1)
    md_ref[...] = jnp.where(subl < n_chunks, jnp.inf, -jnp.inf)
    d2_ref[...] = jnp.zeros((8, width), jnp.float32)
    idx_ref[...] = subl * width + lane
    sel_ref[0] = 0
    n_points = n_chunks * width

    def outer(i, idx):
        tile_of = idx // 128
        lane_of = idx % 128
        lanes0 = lax.broadcasted_iota(jnp.int32, (1, 128), 1)
        mask = lanes0 == lane_of
        tile = flate_ref[tile_of]
        col = jnp.sum(jnp.where(mask, tile, 0.0), axis=1, keepdims=True)

        def block(k, bi):
            acc = None
            for r in range(16):
                rr = bi * 16 + r
                x = flat3_ref[k, rr * 8:rr * 8 + 8, :]
                cseg = col[rr * 8:rr * 8 + 8, :]
                dd = x - cseg
                sq = dd * dd
                acc = sq if acc is None else acc + sq
            t1 = acc + pltpu.roll(acc, 4, axis=0)
            t2 = t1 + pltpu.roll(t1, 2, axis=0)
            return t2 + pltpu.roll(t2, 1, axis=0)

        for k in range(n_chunks):
            d28 = (block(k, 0) + block(k, 1)) + block(k, 2)
            d2_ref[k:k + 1, :] = d28[0:1, :]

        mdall = jnp.minimum(md_ref[...], jnp.sqrt(d2_ref[...]))
        md_ref[...] = mdall
        cmax = jnp.max(mdall)
        cand = jnp.where(mdall == cmax, idx_ref[...], n_points)
        bidx = jnp.min(cand)
        sel_ref[i] = bidx
        return bidx

    lax.fori_loop(1, n_samples, outer, jnp.int32(0))


def _fps_select(flat3, flate, n_chunks, width, c_dim, n_samples):
    body = functools.partial(_fps_body, n_chunks, width, c_dim, n_samples)
    return pl.pallas_call(
        body,
        out_shape=jax.ShapeDtypeStruct((n_samples,), jnp.int32),
        in_specs=[pl.BlockSpec(memory_space=pltpu.VMEM),
                  pl.BlockSpec(memory_space=pltpu.VMEM)],
        out_specs=pl.BlockSpec(memory_space=pltpu.SMEM),
        scratch_shapes=[
            pltpu.VMEM((8, width), jnp.float32),
            pltpu.VMEM((8, width), jnp.float32),
            pltpu.VMEM((8, width), jnp.int32),
        ],
    )(flat3, flate)


def _sc_gather(table, idx_padded, b_padded, d_dim):
    info = plsc.get_sparse_core_info()
    num_workers = info.num_cores * info.num_subcores
    b_per_w = b_padded // num_workers
    mesh = plsc.VectorSubcoreMesh(core_axis_name="c", subcore_axis_name="s")

    @functools.partial(
        pl.kernel,
        mesh=mesh,
        out_type=jax.ShapeDtypeStruct((b_padded, d_dim), jnp.float32),
        scratch_types=[
            pltpu.VMEM((b_per_w,), jnp.int32),
            pltpu.VMEM((b_per_w, d_dim), jnp.float32),
            pltpu.SemaphoreType.DMA,
        ],
    )
    def gather_kernel(table_hbm, idx_hbm, out_hbm, idx_v, rows_v, sem):
        wid = lax.axis_index("s") * info.num_cores + lax.axis_index("c")
        base = wid * b_per_w
        pltpu.sync_copy(idx_hbm.at[pl.ds(base, b_per_w)], idx_v)
        pltpu.async_copy(table_hbm.at[idx_v], rows_v, sem).wait()
        pltpu.sync_copy(rows_v, out_hbm.at[pl.ds(base, b_per_w)])

    return gather_kernel(table, idx_padded)


def kernel(features):
    b, c, h, w = features.shape
    flat = jnp.transpose(features, (0, 2, 3, 1)).reshape(b * h * w, c)
    n = flat.shape[0]
    n_samples = max(1, int(n * _RATIO))

    width = 1792
    n_chunks = n // width
    flat_t = flat.T
    flat3 = jnp.transpose(flat_t.reshape(c, n_chunks, width), (1, 0, 2))
    flate = jnp.transpose(flat_t.reshape(c, n // 128, 128), (1, 0, 2))

    sel = _fps_select(flat3, flate, n_chunks, width, c, n_samples)

    b_padded = ((n_samples + 255) // 256) * 256
    idx_padded = jnp.concatenate(
        [sel, jnp.zeros((b_padded - n_samples,), jnp.int32)])
    gathered = _sc_gather(flat, idx_padded, b_padded, c)
    return gathered[:n_samples]

# --- scband reference (transcript-rebuilt; emitter-appended) ---
"""Pipeline reference for scband-patch-memory-bank-34102040330522 (READ-ONLY COPY).

The authoritative reference and input builder live on the scoring server;
editing this copy changes nothing except your own understanding.
"""

import jax, jax.numpy as jnp
import numpy as np

CORESET_RATIO = 0.05


def setup_inputs(seed: int = 0) -> dict:
    key = jax.random.key(seed)
    features = jax.random.normal(key, (16, 384, 28, 28), dtype=jnp.float32)
    return {"features": features}


def reference(features):
    # PatchMemoryBank.update + build for a single layer.
    # 1) _flatten_patches: [B, C, H, W] -> [B*H*W, C]
    B, C, H, W = features.shape
    flat = jnp.transpose(features, (0, 2, 3, 1)).reshape(B * H * W, C)
    N = flat.shape[0]
    num_samples = max(1, int(N * CORESET_RATIO))

    # 2) greedy_coreset (torch picks a random initial index; we use 0
    #    deterministically for reproducibility)
    sel_idx = jnp.zeros((num_samples,), dtype=jnp.int32)
    min_dist = jnp.full((N,), jnp.inf, dtype=flat.dtype)

    def body(i, carry):
        sel_idx, min_dist = carry
        last = flat[sel_idx[i - 1]]
        # torch.cdist(selected[-1].unsqueeze(0), remaining, p=2).squeeze(0)
        d = jax.lax.stop_gradient(
            jnp.sqrt(jnp.sum((flat - last[None, :]) ** 2, axis=1))
        )
        min_dist = jnp.minimum(min_dist, d)
        nxt = jnp.argmax(min_dist).astype(jnp.int32)
        sel_idx = sel_idx.at[i].set(nxt)
        return (sel_idx, min_dist)

    sel_idx, _ = jax.lax.fori_loop(1, num_samples, body, (sel_idx, min_dist))

    # features[indices] -> memory bank contents (MemoryBankItem.features)
    sampled = jnp.take(flat, sel_idx, axis=0)
    return sampled

if __name__ == "__main__":
    import jax
    _d = setup_inputs()
    print(jax.jit(kernel)(*tuple(_d.values())))

</pallas_src>

<mosaic_0001>
#map = affine_map<(d0, d1) -> (0, 0)>
#map1 = affine_map<(d0, d1) -> (0)>
module attributes {stable_mosaic.version = 14 : i64} {
  func.func @gather_kernel(%arg0: i32, %arg1: i32, %arg2: memref<12544x384xf32, #tpu.memory_space<hbm>>, %arg3: memref<768xi32, #tpu.memory_space<hbm>>, %arg4: memref<768x384xf32, #tpu.memory_space<hbm>>, %arg5: memref<24xi32, #tpu.memory_space<vmem>>, %arg6: memref<24x384xf32, #tpu.memory_space<vmem>>, %arg7: memref<!tpu.dma_semaphore, #tpu.memory_space<semaphore_mem>>) attributes {dimension_semantics = [#tpu.dimension_semantics<core_parallel>, #tpu.dimension_semantics<subcore_parallel>], iteration_bounds = array<i64: 2, 16>, scalar_prefetch = 0 : i64, scratch_operands = 3 : i64, tpu.core_type = #tpu.core_type<sc_vector_subcore>, window_params = [{transform_indices = #map}, {transform_indices = #map1}, {transform_indices = #map}]} {
    %mul3A = arith.constant 2 : i32
    %mul3A_0 = arith.muli %arg1, %mul3A : i32
    %add3A = arith.addi %mul3A_0, %arg0 : i32
    %mul3A_1 = arith.constant 24 : i32
    %mul3A_2 = arith.muli %add3A, %mul3A_1 : i32
    "tpu.region"() ({
      %run_scoped3A = tpu.sem_alloc : memref<!tpu.dma_semaphore, #tpu.memory_space<semaphore_mem>>
      %dma_start3A_7 = tpu.memref_slice %arg3[%mul3A_2] : memref<768xi32, #tpu.memory_space<hbm>> -> memref<24xi32, #tpu.memory_space<hbm>>
      %dma_start3A_8 = tpu.memref_slice %arg3[%mul3A_2] : memref<768xi32, #tpu.memory_space<hbm>> -> memref<24xi32, #tpu.memory_space<hbm>>
      tpu.enqueue_dma source(%dma_start3A_8 : memref<24xi32, #tpu.memory_space<hbm>>) target(%arg5 : memref<24xi32, #tpu.memory_space<vmem>>) target_semaphore(%run_scoped3A : memref<!tpu.dma_semaphore, #tpu.memory_space<semaphore_mem>>)
      %dma_wait3A_9 = tpu.memref_slice %arg3[%mul3A_2] : memref<768xi32, #tpu.memory_space<hbm>> -> memref<24xi32, #tpu.memory_space<hbm>>
      %dma_wait3A_10 = tpu.memref_slice %arg3[%mul3A_2] : memref<768xi32, #tpu.memory_space<hbm>> -> memref<24xi32, #tpu.memory_space<hbm>>
      tpu.wait_dma2 semaphore(%run_scoped3A : memref<!tpu.dma_semaphore, #tpu.memory_space<semaphore_mem>>) src(%dma_wait3A_10 : memref<24xi32, #tpu.memory_space<hbm>>) dst(%arg5 : memref<24xi32, #tpu.memory_space<vmem>>)
      tpu.yield
    }) : () -> ()
    %dma_start3A = arith.constant 0 : i32
    %dma_start3A_3 = arith.constant 0 : i32
    %dma_start3A_4 = tpu.memref_slice %arg2[%dma_start3A, %dma_start3A_3] : memref<12544x384xf32, #tpu.memory_space<hbm>> -> memref<12544x384xf32, #tpu.memory_space<hbm>>
    tpu.enqueue_indirect_dma source(%dma_start3A_4 : memref<12544x384xf32, #tpu.memory_space<hbm>>) target(%arg6 : memref<24x384xf32, #tpu.memory_space<vmem>>) offsets(%arg5 : memref<24xi32, #tpu.memory_space<vmem>>) semaphore(%arg7 : memref<!tpu.dma_semaphore, #tpu.memory_space<semaphore_mem>>)
    %dma_wait3A = arith.constant 0 : i32
    %dma_wait3A_5 = arith.constant 0 : i32
    %dma_wait3A_6 = tpu.memref_slice %arg2[%dma_wait3A, %dma_wait3A_5] : memref<12544x384xf32, #tpu.memory_space<hbm>> -> memref<12544x384xf32, #tpu.memory_space<hbm>>
    tpu.wait_indirect_dma semaphore(%arg7 : memref<!tpu.dma_semaphore, #tpu.memory_space<semaphore_mem>>) src(%dma_wait3A_6 : memref<12544x384xf32, #tpu.memory_space<hbm>>) dst(%arg6 : memref<24x384xf32, #tpu.memory_space<vmem>>)
    "tpu.region"() ({
      %run_scoped3A = tpu.sem_alloc : memref<!tpu.dma_semaphore, #tpu.memory_space<semaphore_mem>>
      %dma_start3A_7 = arith.constant 0 : i32
      %dma_start3A_8 = tpu.memref_slice %arg4[%mul3A_2, %dma_start3A_7] : memref<768x384xf32, #tpu.memory_space<hbm>> -> memref<24x384xf32, #tpu.memory_space<hbm>>
      %dma_start3A_9 = arith.constant 0 : i32
      %dma_start3A_10 = tpu.memref_slice %arg4[%mul3A_2, %dma_start3A_9] : memref<768x384xf32, #tpu.memory_space<hbm>> -> memref<24x384xf32, #tpu.memory_space<hbm>>
      tpu.enqueue_dma source(%arg6 : memref<24x384xf32, #tpu.memory_space<vmem>>) target(%dma_start3A_10 : memref<24x384xf32, #tpu.memory_space<hbm>>) target_semaphore(%run_scoped3A : memref<!tpu.dma_semaphore, #tpu.memory_space<semaphore_mem>>)
      %dma_wait3A_11 = arith.constant 0 : i32
      %dma_wait3A_12 = tpu.memref_slice %arg4[%mul3A_2, %dma_wait3A_11] : memref<768x384xf32, #tpu.memory_space<hbm>> -> memref<24x384xf32, #tpu.memory_space<hbm>>
      %dma_wait3A_13 = arith.constant 0 : i32
      %dma_wait3A_14 = tpu.memref_slice %arg4[%mul3A_2, %dma_wait3A_13] : memref<768x384xf32, #tpu.memory_space<hbm>> -> memref<24x384xf32, #tpu.memory_space<hbm>>
      tpu.wait_dma2 semaphore(%run_scoped3A : memref<!tpu.dma_semaphore, #tpu.memory_space<semaphore_mem>>) src(%arg6 : memref<24x384xf32, #tpu.memory_space<vmem>>) dst(%dma_wait3A_14 : memref<24x384xf32, #tpu.memory_space<hbm>>)
      tpu.yield
    }) : () -> ()
    return
  }
}

module attributes {stable_mosaic.version = 14 : i64} {
  func.func @_fps_body(%arg0: memref<7x384x1792xf32, #tpu.memory_space<vmem>>, %arg1: memref<98x384x128xf32, #tpu.memory_space<vmem>>, %arg2: memref<627xi32, #tpu.memory_space<smem>>, %arg3: memref<8x1792xf32, #tpu.memory_space<vmem>>, %arg4: memref<8x1792xf32, #tpu.memory_space<vmem>>, %arg5: memref<8x1792xi32, #tpu.memory_space<vmem>>) attributes {dimension_semantics = [], scalar_prefetch = 0 : i64, scratch_operands = 3 : i64, tpu.core_type = #tpu.core_type<tc>} {
    %iota3A = tpu.iota {dimensions = array<i32: 0>} : vector<8x1792xi32>
    %iota3A_0 = tpu.iota {dimensions = array<i32: 1>} : vector<8x1792xi32>
    %lt3A = arith.constant 7 : i32
    %lt3A_1 = vector.broadcast %lt3A : i32 to vector<8x1792xi32>
    %lt3A_2 = arith.cmpi slt, %iota3A, %lt3A_1 : vector<8x1792xi32>
    %jit3A = arith.constant 0x7F800000 : f32
    %jit3A_3 = arith.constant 0xFF800000 : f32
    %broadcast_in_dim3A = vector.broadcast %jit3A : f32 to vector<8x1792xf32>
    %broadcast_in_dim3A_4 = vector.broadcast %jit3A_3 : f32 to vector<8x1792xf32>
    %select_n3A = arith.select %lt3A_2, %broadcast_in_dim3A, %broadcast_in_dim3A_4 : vector<8x1792xi1>, vector<8x1792xf32>
    %swap3A = arith.constant 0 : index
    %swap3A_5 = arith.constant 0 : index
    %swap3A_6 = vector.load %arg3[%swap3A, %swap3A_5] : memref<8x1792xf32, #tpu.memory_space<vmem>>, vector<8x1792xf32>
    tpu.vector_store %arg3[%swap3A, %swap3A_5], %select_n3A {strides = array<i32>} : memref<8x1792xf32, #tpu.memory_space<vmem>>, vector<8x1792xf32>,
    %broadcast_in_dim3A_7 = arith.constant 0.000000e+00 : f32
    %broadcast_in_dim3A_8 = vector.broadcast %broadcast_in_dim3A_7 : f32 to vector<8x1792xf32>
    %swap3A_9 = arith.constant 0 : index
    %swap3A_10 = arith.constant 0 : index
    %swap3A_11 = vector.load %arg4[%swap3A_9, %swap3A_10] : memref<8x1792xf32, #tpu.memory_space<vmem>>, vector<8x1792xf32>
    tpu.vector_store %arg4[%swap3A_9, %swap3A_10], %broadcast_in_dim3A_8 {strides = array<i32>} : memref<8x1792xf32, #tpu.memory_space<vmem>>, vector<8x1792xf32>,
    %mul3A = arith.constant 1792 : i32
    %mul3A_12 = vector.broadcast %mul3A : i32 to vector<8x1792xi32>
    %mul3A_13 = arith.muli %iota3A, %mul3A_12 : vector<8x1792xi32>
    %add3A = arith.addi %mul3A_13, %iota3A_0 : vector<8x1792xi32>
    %swap3A_14 = arith.constant 0 : index
    %swap3A_15 = arith.constant 0 : index
    %swap3A_16 = vector.load %arg5[%swap3A_14, %swap3A_15] : memref<8x1792xi32, #tpu.memory_space<vmem>>, vector<8x1792xi32>
    tpu.vector_store %arg5[%swap3A_14, %swap3A_15], %add3A {strides = array<i32>} : memref<8x1792xi32, #tpu.memory_space<vmem>>, vector<8x1792xi32>,
    %swap3A_17 = arith.constant 0 : i32
    %swap3A_18 = arith.constant 0 : index
    %swap3A_19 = memref.load %arg2[%swap3A_18] : memref<627xi32, #tpu.memory_space<smem>>
    memref.store %swap3A_17, %arg2[%swap3A_18] : memref<627xi32, #tpu.memory_space<smem>>
    %scan3A = arith.constant 0 : i32
    %scan3A_20 = arith.constant 1 : i32
    %scan3A_21 = arith.constant 626 : i32
    %scan3A_22 = arith.addi %scan3A_20, %scan3A_21 : i32
    %scan3A_23 = arith.constant 1 : i32
    %scan3A_24 = scf.for %scan3A_26 = %scan3A_20 to %scan3A_22 step %scan3A_23 iter_args(%scan3A_27 = %scan3A) -> (i32)  : i32 {
      %jit3A_28 = arith.constant 128 : i32
      %div3A = arith.divsi %scan3A_27, %jit3A_28 : i32
      %sign3A = arith.constant 0 : i32
      %sign3A_29 = arith.cmpi sgt, %scan3A_27, %sign3A : i32
      %sign3A_30 = arith.extui %sign3A_29 : i1 to i32
      %sign3A_31 = arith.constant 0 : i32
      %sign3A_32 = arith.cmpi slt, %scan3A_27, %sign3A_31 : i32
      %sign3A_33 = arith.extui %sign3A_32 : i1 to i32
      %sign3A_34 = arith.subi %sign3A_30, %sign3A_33 : i32
      %sign3A_35 = arith.constant 0 : i32
      %sign3A_36 = arith.cmpi sgt, %jit3A_28, %sign3A_35 : i32
      %sign3A_37 = arith.extui %sign3A_36 : i1 to i32
      %sign3A_38 = arith.constant 0 : i32
      %sign3A_39 = arith.cmpi slt, %jit3A_28, %sign3A_38 : i32
      %sign3A_40 = arith.extui %sign3A_39 : i1 to i32
      %sign3A_41 = arith.subi %sign3A_37, %sign3A_40 : i32
      %ne3A = arith.cmpi ne, %sign3A_34, %sign3A_41 : i32
      %rem3A = arith.remsi %scan3A_27, %jit3A_28 : i32
      %ne3A_42 = arith.constant 0 : i32
      %ne3A_43 = arith.cmpi ne, %rem3A, %ne3A_42 : i32
      %and3A = arith.andi %ne3A, %ne3A_43 : i1
      %sub3A = arith.constant 1 : i32
      %sub3A_44 = arith.subi %div3A, %sub3A : i32
      %select_n3A_45 = arith.select %and3A, %sub3A_44, %div3A : i32
      %jit3A_46 = arith.constant 128 : i32
      %eq3A = arith.constant 0 : i32
      %eq3A_47 = arith.cmpi eq, %jit3A_46, %eq3A : i32
      %jit3A_48 = arith.constant 1 : i32
      %select_n3A_49 = arith.select %eq3A_47, %jit3A_48, %jit3A_46 : i32
      %rem3A_50 = arith.remsi %scan3A_27, %select_n3A_49 : i32
      %ne3A_51 = arith.constant 0 : i32
      %ne3A_52 = arith.cmpi ne, %rem3A_50, %ne3A_51 : i32
      %lt3A_53 = arith.constant 0 : i32
      %lt3A_54 = arith.cmpi slt, %rem3A_50, %lt3A_53 : i32
      %lt3A_55 = arith.constant 0 : i32
      %lt3A_56 = arith.cmpi slt, %select_n3A_49, %lt3A_55 : i32
      %ne3A_57 = arith.xori %lt3A_54, %lt3A_56 : i1
      %and3A_58 = arith.andi %ne3A_57, %ne3A_52 : i1
      %add3A_59 = arith.addi %rem3A_50, %select_n3A_49 : i32
      %select_n3A_60 = arith.select %and3A_58, %add3A_59, %rem3A_50 : i32
      %iota3A_61 = tpu.iota {dimensions = array<i32: 1>} : vector<1x128xi32>
      %eq3A_62 = vector.broadcast %select_n3A_60 : i32 to vector<1x128xi32>
      %eq3A_63 = arith.cmpi eq, %iota3A_61, %eq3A_62 : vector<1x128xi32>
      %get3A = arith.index_cast %select_n3A_45 : i32 to index
      %get3A_64 = arith.constant 0 : index
      %get3A_65 = arith.constant 0 : index
      %get3A_66 = vector.load %arg1[%get3A, %get3A_64, %get3A_65] : memref<98x384x128xf32, #tpu.memory_space<vmem>>, vector<1x384x128xf32>
      %get3A_67 = vector.shape_cast %get3A_66 : vector<1x384x128xf32> to vector<384x128xf32>
      %jit3A_68 = arith.constant 0.000000e+00 : f32
      %broadcast_in_dim3A_69 = vector.shape_cast %eq3A_63 : vector<1x128xi1> to vector<1x128xi1>
      %broadcast_in_dim3A_70 = vector.broadcast %broadcast_in_dim3A_69 : vector<1x128xi1> to vector<384x128xi1>
      %broadcast_in_dim3A_71 = vector.broadcast %jit3A_68 : f32 to vector<384x128xf32>
      %select_n3A_72 = arith.select %broadcast_in_dim3A_70, %get3A_67, %broadcast_in_dim3A_71 : vector<384x128xi1>, vector<384x128xf32>
      %reduce_sum3A = arith.constant dense<0.000000e+00> : vector<384xf32>
      %reduce_sum3A_73 = vector.multi_reduction <add>, %select_n3A_72, %reduce_sum3A [1] : vector<384x128xf32> to vector<384xf32>
      %broadcast_in_dim3A_74 = vector.shape_cast %reduce_sum3A_73 : vector<384xf32> to vector<384x1xf32>
      %get3A_75 = arith.constant 0 : index
      %get3A_76 = arith.constant 0 : index
      %get3A_77 = arith.constant 0 : index
      %get3A_78 = vector.load %arg0[%get3A_75, %get3A_76, %get3A_77] : memref<7x384x1792xf32, #tpu.memory_space<vmem>>, vector<1x8x1792xf32>
      %get3A_79 = vector.shape_cast %get3A_78 : vector<1x8x1792xf32> to vector<8x1792xf32>
      %slice3A = vector.extract_strided_slice %broadcast_in_dim3A_74 {offsets = [0, 0], sizes = [8, 1], strides = [1, 1]} : vector<384x1xf32> to vector<8x1xf32>
      %sub3A_80 = vector.broadcast %slice3A : vector<8x1xf32> to vector<8x1792xf32>
      %sub3A_81 = arith.subf %get3A_79, %sub3A_80 : vector<8x1792xf32>
      %mul3A_82 = arith.mulf %sub3A_81, %sub3A_81 : vector<8x1792xf32>
      %get3A_83 = arith.constant 0 : index
      %get3A_84 = arith.constant 8 : index
      %get3A_85 = arith.constant 0 : index
      %get3A_86 = vector.load %arg0[%get3A_83, %get3A_84, %get3A_85] : memref<7x384x1792xf32, #tpu.memory_space<vmem>>, vector<1x8x1792xf32>
      %get3A_87 = vector.shape_cast %get3A_86 : vector<1x8x1792xf32> to vector<8x1792xf32>
      %slice3A_88 = vector.extract_strided_slice %broadcast_in_dim3A_74 {offsets = [8, 0], sizes = [8, 1], strides = [1, 1]} : vector<384x1xf32> to vector<8x1xf32>
      %sub3A_89 = vector.broadcast %slice3A_88 : vector<8x1xf32> to vector<8x1792xf32>
      %sub3A_90 = arith.subf %get3A_87, %sub3A_89 : vector<8x1792xf32>
      %mul3A_91 = arith.mulf %sub3A_90, %sub3A_90 : vector<8x1792xf32>
      %add3A_92 = arith.addf %mul3A_82, %mul3A_91 : vector<8x1792xf32>
      %get3A_93 = arith.constant 0 : index
      %get3A_94 = arith.constant 16 : index
      %get3A_95 = arith.constant 0 : index
      %get3A_96 = vector.load %arg0[%get3A_93, %get3A_94, %get3A_95] : memref<7x384x1792xf32, #tpu.memory_space<vmem>>, vector<1x8x1792xf32>
      %get3A_97 = vector.shape_cast %get3A_96 : vector<1x8x1792xf32> to vector<8x1792xf32>
      %slice3A_98 = vector.extract_strided_slice %broadcast_in_dim3A_74 {offsets = [16, 0], sizes = [8, 1], strides = [1, 1]} : vector<384x1xf32> to vector<8x1xf32>
      %sub3A_99 = vector.broadcast %slice3A_98 : vector<8x1xf32> to vector<8x1792xf32>
      %sub3A_100 = arith.subf %get3A_97, %sub3A_99 : vector<8x1792xf32>
      %mul3A_101 = arith.mulf %sub3A_100, %sub3A_100 : vector<8x1792xf32>
      %add3A_102 = arith.addf %add3A_92, %mul3A_101 : vector<8x1792xf32>
      %get3A_103 = arith.constant 0 : index
      %get3A_104 = arith.constant 24 : index
      %get3A_105 = arith.constant 0 : index
      %get3A_106 = vector.load %arg0[%get3A_103, %get3A_104, %get3A_105] : memref<7x384x1792xf32, #tpu.memory_space<vmem>>, vector<1x8x1792xf32>
      %get3A_107 = vector.shape_cast %get3A_106 : vector<1x8x1792xf32> to vector<8x1792xf32>
      %slice3A_108 = vector.extract_strided_slice %broadcast_in_dim3A_74 {offsets = [24, 0], sizes = [8, 1], strides = [1, 1]} : vector<384x1xf32> to vector<8x1xf32>
      %sub3A_109 = vector.broadcast %slice3A_108 : vector<8x1xf32> to vector<8x1792xf32>
      %sub3A_110 = arith.subf %get3A_107, %sub3A_109 : vector<8x1792xf32>
      %mul3A_111 = arith.mulf %sub3A_110, %sub3A_110 : vector<8x1792xf32>
      %add3A_112 = arith.addf %add3A_102, %mul3A_111 : vector<8x1792xf32>
      %get3A_113 = arith.constant 0 : index
      %get3A_114 = arith.constant 32 : index
      %get3A_115 = arith.constant 0 : index
      %get3A_116 = vector.load %arg0[%get3A_113, %get3A_114, %get3A_115] : memref<7x384x1792xf32, #tpu.memory_space<vmem>>, vector<1x8x1792xf32>
      %get3A_117 = vector.shape_cast %get3A_116 : vector<1x8x1792xf32> to vector<8x1792xf32>
      %slice3A_118 = vector.extract_strided_slice %broadcast_in_dim3A_74 {offsets = [32, 0], sizes = [8, 1], strides = [1, 1]} : vector<384x1xf32> to vector<8x1xf32>
      %sub3A_119 = vector.broadcast %slice3A_118 : vector<8x1xf32> to vector<8x1792xf32>
      %sub3A_120 = arith.subf %get3A_117, %sub3A_119 : vector<8x1792xf32>
      %mul3A_121 = arith.mulf %sub3A_120, %sub3A_120 : vector<8x1792xf32>
      %add3A_122 = arith.addf %add3A_112, %mul3A_121 : vector<8x1792xf32>
      %get3A_123 = arith.constant 0 : index
      %get3A_124 = arith.constant 40 : index
      %get3A_125 = arith.constant 0 : index
      %get3A_126 = vector.load %arg0[%get3A_123, %get3A_124, %get3A_125] : memref<7x384x1792xf32, #tpu.memory_space<vmem>>, vector<1x8x1792xf32>
      %get3A_127 = vector.shape_cast %get3A_126 : vector<1x8x1792xf32> to vector<8x1792xf32>
      %slice3A_128 = vector.extract_strided_slice %broadcast_in_dim3A_74 {offsets = [40, 0], sizes = [8, 1], strides = [1, 1]} : vector<384x1xf32> to vector<8x1xf32>
      %sub3A_129 = vector.broadcast %slice3A_128 : vector<8x1xf32> to vector<8x1792xf32>
      %sub3A_130 = arith.subf %get3A_127, %sub3A_129 : vector<8x1792xf32>
      %mul3A_131 = arith.mulf %sub3A_130, %sub3A_130 : vector<8x1792xf32>
      %add3A_132 = arith.addf %add3A_122, %mul3A_131 : vector<8x1792xf32>
      %get3A_133 = arith.constant 0 : index
      %get3A_134 = arith.constant 48 : index
      %get3A_135 = arith.constant 0 : index
      %get3A_136 = vector.load %arg0[%get3A_133, %get3A_134, %get3A_135] : memref<7x384x1792xf32, #tpu.memory_space<vmem>>, vector<1x8x1792xf32>
      %get3A_137 = vector.shape_cast %get3A_136 : vector<1x8x1792xf32> to vector<8x1792xf32>
      %slice3A_138 = vector.extract_strided_slice %broadcast_in_dim3A_74 {offsets = [48, 0], sizes = [8, 1], strides = [1, 1]} : vector<384x1xf32> to vector<8x1xf32>
      %sub3A_139 = vector.broadcast %slice3A_138 : vector<8x1xf32> to vector<8x1792xf32>
      %sub3A_140 = arith.subf %get3A_137, %sub3A_139 : vector<8x1792xf32>
      %mul3A_141 = arith.mulf %sub3A_140, %sub3A_140 : vector<8x1792xf32>
      %add3A_142 = arith.addf %add3A_132, %mul3A_141 : vector<8x1792xf32>
      %get3A_143 = arith.constant 0 : index
      %get3A_144 = arith.constant 56 : index
      %get3A_145 = arith.constant 0 : index
      %get3A_146 = vector.load %arg0[%get3A_143, %get3A_144, %get3A_145] : memref<7x384x1792xf32, #tpu.memory_space<vmem>>, vector<1x8x1792xf32>
      %get3A_147 = vector.shape_cast %get3A_146 : vector<1x8x1792xf32> to vector<8x1792xf32>
      %slice3A_148 = vector.extract_strided_slice %broadcast_in_dim3A_74 {offsets = [56, 0], sizes = [8, 1], strides = [1, 1]} : vector<384x1xf32> to vector<8x1xf32>
      %sub3A_149 = vector.broadcast %slice3A_148 : vector<8x1xf32> to vector<8x1792xf32>
      %sub3A_150 = arith.subf %get3A_147, %sub3A_149 : vector<8x1792xf32>
      %mul3A_151 = arith.mulf %sub3A_150, %sub3A_150 : vector<8x1792xf32>
      %add3A_152 = arith.addf %add3A_142, %mul3A_151 : vector<8x1792xf32>
      %get3A_153 = arith.constant 0 : index
      %get3A_154 = arith.constant 64 : index
      %get3A_155 = arith.constant 0 : index
      %get3A_156 = vector.load %arg0[%get3A_153, %get3A_154, %get3A_155] : memref<7x384x1792xf32, #tpu.memory_space<vmem>>, vector<1x8x1792xf32>
      %get3A_157 = vector.shape_cast %get3A_156 : vector<1x8x1792xf32> to vector<8x1792xf32>
      %slice3A_158 = vector.extract_strided_slice %broadcast_in_dim3A_74 {offsets = [64, 0], sizes = [8, 1], strides = [1, 1]} : vector<384x1xf32> to vector<8x1xf32>
      %sub3A_159 = vector.broadcast %slice3A_158 : vector<8x1xf32> to vector<8x1792xf32>
      %sub3A_160 = arith.subf %get3A_157, %sub3A_159 : vector<8x1792xf32>
      %mul3A_161 = arith.mulf %sub3A_160, %sub3A_160 : vector<8x1792xf32>
      %add3A_162 = arith.addf %add3A_152, %mul3A_161 : vector<8x1792xf32>
      %get3A_163 = arith.constant 0 : index
      %get3A_164 = arith.constant 72 : index
      %get3A_165 = arith.constant 0 : index
      %get3A_166 = vector.load %arg0[%get3A_163, %get3A_164, %get3A_165] : memref<7x384x1792xf32, #tpu.memory_space<vmem>>, vector<1x8x1792xf32>
      %get3A_167 = vector.shape_cast %get3A_166 : vector<1x8x1792xf32> to vector<8x1792xf32>
      %slice3A_168 = vector.extract_strided_slice %broadcast_in_dim3A_74 {offsets = [72, 0], sizes = [8, 1], strides = [1, 1]} : vector<384x1xf32> to vector<8x1xf32>
      %sub3A_169 = vector.broadcast %slice3A_168 : vector<8x1xf32> to vector<8x1792xf32>
      %sub3A_170 = arith.subf %get3A_167, %sub3A_169 : vector<8x1792xf32>
      %mul3A_171 = arith.mulf %sub3A_170, %sub3A_170 : vector<8x1792xf32>
      %add3A_172 = arith.addf %add3A_162, %mul3A_171 : vector<8x1792xf32>
      %get3A_173 = arith.constant 0 : index
      %get3A_174 = arith.constant 80 : index
      %get3A_175 = arith.constant 0 : index
      %get3A_176 = vector.load %arg0[%get3A_173, %get3A_174, %get3A_175] : memref<7x384x1792xf32, #tpu.memory_space<vmem>>, vector<1x8x1792xf32>
      %get3A_177 = vector.shape_cast %get3A_176 : vector<1x8x1792xf32> to vector<8x1792xf32>
      %slice3A_178 = vector.extract_strided_slice %broadcast_in_dim3A_74 {offsets = [80, 0], sizes = [8, 1], strides = [1, 1]} : vector<384x1xf32> to vector<8x1xf32>
      %sub3A_179 = vector.broadcast %slice3A_178 : vector<8x1xf32> to vector<8x1792xf32>
      %sub3A_180 = arith.subf %get3A_177, %sub3A_179 : vector<8x1792xf32>
      %mul3A_181 = arith.mulf %sub3A_180, %sub3A_180 : vector<8x1792xf32>
      %add3A_182 = arith.addf %add3A_172, %mul3A_181 : vector<8x1792xf32>
      %get3A_183 = arith.constant 0 : index
      %get3A_184 = arith.constant 88 : index
      %get3A_185 = arith.constant 0 : index
      %get3A_186 = vector.load %arg0[%get3A_183, %get3A_184, %get3A_185] : memref<7x384x1792xf32, #tpu.memory_space<vmem>>, vector<1x8x1792xf32>
      %get3A_187 = vector.shape_cast %get3A_186 : vector<1x8x1792xf32> to vector<8x1792xf32>
      %slice3A_188 = vector.extract_strided_slice %broadcast_in_dim3A_74 {offsets = [88, 0], sizes = [8, 1], strides = [1, 1]} : vector<384x1xf32> to vector<8x1xf32>
      %sub3A_189 = vector.broadcast %slice3A_188 : vector<8x1xf32> to vector<8x1792xf32>
      %sub3A_190 = arith.subf %get3A_187, %sub3A_189 : vector<8x1792xf32>
      %mul3A_191 = arith.mulf %sub3A_190, %sub3A_190 : vector<8x1792xf32>
      %add3A_192 = arith.addf %add3A_182, %mul3A_191 : vector<8x1792xf32>
      %get3A_193 = arith.constant 0 : index
      %get3A_194 = arith.constant 96 : index
      %get3A_195 = arith.constant 0 : index
      %get3A_196 = vector.load %arg0[%get3A_193, %get3A_194, %get3A_195] : memref<7x384x1792xf32, #tpu.memory_space<vmem>>, vector<1x8x1792xf32>
      %get3A_197 = vector.shape_cast %get3A_196 : vector<1x8x1792xf32> to vector<8x1792xf32>
      %slice3A_198 = vector.extract_strided_slice %broadcast_in_dim3A_74 {offsets = [96, 0], sizes = [8, 1], strides = [1, 1]} : vector<384x1xf32> to vector<8x1xf32>
      %sub3A_199 = vector.broadcast %slice3A_198 : vector<8x1xf32> to vector<8x1792xf32>
      %sub3A_200 = arith.subf %get3A_197, %sub3A_199 : vector<8x1792xf32>
      %mul3A_201 = arith.mulf %sub3A_200, %sub3A_200 : vector<8x1792xf32>
      %add3A_202 = arith.addf %add3A_192, %mul3A_201 : vector<8x1792xf32>
      %get3A_203 = arith.constant 0 : index
      %get3A_204 = arith.constant 104 : index
      %get3A_205 = arith.constant 0 : index
      %get3A_206 = vector.load %arg0[%get3A_203, %get3A_204, %get3A_205] : memref<7x384x1792xf32, #tpu.memory_space<vmem>>, vector<1x8x1792xf32>
      %get3A_207 = vector.shape_cast %get3A_206 : vector<1x8x1792xf32> to vector<8x1792xf32>
      %slice3A_208 = vector.extract_strided_slice %broadcast_in_dim3A_74 {offsets = [104, 0], sizes = [8, 1], strides = [1, 1]} : vector<384x1xf32> to vector<8x1xf32>
      %sub3A_209 = vector.broadcast %slice3A_208 : vector<8x1xf32> to vector<8x1792xf32>
      %sub3A_210 = arith.subf %get3A_207, %sub3A_209 : vector<8x1792xf32>
      %mul3A_211 = arith.mulf %sub3A_210, %sub3A_210 : vector<8x1792xf32>
      %add3A_212 = arith.addf %add3A_202, %mul3A_211 : vector<8x1792xf32>
      %get3A_213 = arith.constant 0 : index
      %get3A_214 = arith.constant 112 : index
      %get3A_215 = arith.constant 0 : index
      %get3A_216 = vector.load %arg0[%get3A_213, %get3A_214, %get3A_215] : memref<7x384x1792xf32, #tpu.memory_space<vmem>>, vector<1x8x1792xf32>
      %get3A_217 = vector.shape_cast %get3A_216 : vector<1x8x1792xf32> to vector<8x1792xf32>
      %slice3A_218 = vector.extract_strided_slice %broadcast_in_dim3A_74 {offsets = [112, 0], sizes = [8, 1], strides = [1, 1]} : vector<384x1xf32> to vector<8x1xf32>
      %sub3A_219 = vector.broadcast %slice3A_218 : vector<8x1xf32> to vector<8x1792xf32>
      %sub3A_220 = arith.subf %get3A_217, %sub3A_219 : vector<8x1792xf32>
      %mul3A_221 = arith.mulf %sub3A_220, %sub3A_220 : vector<8x1792xf32>
      %add3A_222 = arith.addf %add3A_212, %mul3A_221 : vector<8x1792xf32>
      %get3A_223 = arith.constant 0 : index
      %get3A_224 = arith.constant 120 : index
      %get3A_225 = arith.constant 0 : index
      %get3A_226 = vector.load %arg0[%get3A_223, %get3A_224, %get3A_225] : memref<7x384x1792xf32, #tpu.memory_space<vmem>>, vector<1x8x1792xf32>
      %get3A_227 = vector.shape_cast %get3A_226 : vector<1x8x1792xf32> to vector<8x1792xf32>
      %slice3A_228 = vector.extract_strided_slice %broadcast_in_dim3A_74 {offsets = [120, 0], sizes = [8, 1], strides = [1, 1]} : vector<384x1xf32> to vector<8x1xf32>
      %sub3A_229 = vector.broadcast %slice3A_228 : vector<8x1xf32> to vector<8x1792xf32>
      %sub3A_230 = arith.subf %get3A_227, %sub3A_229 : vector<8x1792xf32>
      %mul3A_231 = arith.mulf %sub3A_230, %sub3A_230 : vector<8x1792xf32>
      %add3A_232 = arith.addf %add3A_222, %mul3A_231 : vector<8x1792xf32>
      %roll3A = arith.constant 4 : i32
      %roll3A_233 = tpu.dynamic_rotate %add3A_232 by %roll3A dim 0 : vector<8x1792xf32>, i32 -> vector<8x1792xf32>
      %add3A_234 = arith.addf %add3A_232, %roll3A_233 : vector<8x1792xf32>
      %roll3A_235 = arith.constant 2 : i32
      %roll3A_236 = tpu.dynamic_rotate %add3A_234 by %roll3A_235 dim 0 : vector<8x1792xf32>, i32 -> vector<8x1792xf32>
      %add3A_237 = arith.addf %add3A_234, %roll3A_236 : vector<8x1792xf32>
      %roll3A_238 = arith.constant 1 : i32
      %roll3A_239 = tpu.dynamic_rotate %add3A_237 by %roll3A_238 dim 0 : vector<8x1792xf32>, i32 -> vector<8x1792xf32>
      %add3A_240 = arith.addf %add3A_237, %roll3A_239 : vector<8x1792xf32>
      %get3A_241 = arith.constant 0 : index
      %get3A_242 = arith.constant 128 : index
      %get3A_243 = arith.constant 0 : index
      %get3A_244 = vector.load %arg0[%get3A_241, %get3A_242, %get3A_243] : memref<7x384x1792xf32, #tpu.memory_space<vmem>>, vector<1x8x1792xf32>
      %get3A_245 = vector.shape_cast %get3A_244 : vector<1x8x1792xf32> to vector<8x1792xf32>
      %slice3A_246 = vector.extract_strided_slice %broadcast_in_dim3A_74 {offsets = [128, 0], sizes = [8, 1], strides = [1, 1]} : vector<384x1xf32> to vector<8x1xf32>
      %sub3A_247 = vector.broadcast %slice3A_246 : vector<8x1xf32> to vector<8x1792xf32>
      %sub3A_248 = arith.subf %get3A_245, %sub3A_247 : vector<8x1792xf32>
      %mul3A_249 = arith.mulf %sub3A_248, %sub3A_248 : vector<8x1792xf32>
      %get3A_250 = arith.constant 0 : index
      %get3A_251 = arith.constant 136 : index
      %get3A_252 = arith.constant 0 : index
      %get3A_253 = vector.load %arg0[%get3A_250, %get3A_251, %get3A_252] : memref<7x384x1792xf32, #tpu.memory_space<vmem>>, vector<1x8x1792xf32>
      %get3A_254 = vector.shape_cast %get3A_253 : vector<1x8x1792xf32> to vector<8x1792xf32>
      %slice3A_255 = vector.extract_strided_slice %broadcast_in_dim3A_74 {offsets = [136, 0], sizes = [8, 1], strides = [1, 1]} : vector<384x1xf32> to vector<8x1xf32>
      %sub3A_256 = vector.broadcast %slice3A_255 : vector<8x1xf32> to vector<8x1792xf32>
      %sub3A_257 = arith.subf %get3A_254, %sub3A_256 : vector<8x1792xf32>
      %mul3A_258 = arith.mulf %sub3A_257, %sub3A_257 : vector<8x1792xf32>
      %add3A_259 = arith.addf %mul3A_249, %mul3A_258 : vector<8x1792xf32>
      %get3A_260 = arith.constant 0 : index
      %get3A_261 = arith.constant 144 : index
      %get3A_262 = arith.constant 0 : index
      %get3A_263 = vector.load %arg0[%get3A_260, %get3A_261, %get3A_262] : memref<7x384x1792xf32, #tpu.memory_space<vmem>>, vector<1x8x1792xf32>
      %get3A_264 = vector.shape_cast %get3A_263 : vector<1x8x1792xf32> to vector<8x1792xf32>
      %slice3A_265 = vector.extract_strided_slice %broadcast_in_dim3A_74 {offsets = [144, 0], sizes = [8, 1], strides = [1, 1]} : vector<384x1xf32> to vector<8x1xf32>
      %sub3A_266 = vector.broadcast %slice3A_265 : vector<8x1xf32> to vector<8x1792xf32>
      %sub3A_267 = arith.subf %get3A_264, %sub3A_266 : vector<8x1792xf32>
      %mul3A_268 = arith.mulf %sub3A_267, %sub3A_267 : vector<8x1792xf32>
      %add3A_269 = arith.addf %add3A_259, %mul3A_268 : vector<8x1792xf32>
      %get3A_270 = arith.constant 0 : index
      %get3A_271 = arith.constant 152 : index
      %get3A_272 = arith.constant 0 : index
      %get3A_273 = vector.load %arg0[%get3A_270, %get3A_271, %get3A_272] : memref<7x384x1792xf32, #tpu.memory_space<vmem>>, vector<1x8x1792xf32>
      %get3A_274 = vector.shape_cast %get3A_273 : vector<1x8x1792xf32> to vector<8x1792xf32>
      %slice3A_275 = vector.extract_strided_slice %broadcast_in_dim3A_74 {offsets = [152, 0], sizes = [8, 1], strides = [1, 1]} : vector<384x1xf32> to vector<8x1xf32>
      %sub3A_276 = vector.broadcast %slice3A_275 : vector<8x1xf32> to vector<8x1792xf32>
      %sub3A_277 = arith.subf %get3A_274, %sub3A_276 : vector<8x1792xf32>
      %mul3A_278 = arith.mulf %sub3A_277, %sub3A_277 : vector<8x1792xf32>
      %add3A_279 = arith.addf %add3A_269, %mul3A_278 : vector<8x1792xf32>
      %get3A_280 = arith.constant 0 : index
      %get3A_281 = arith.constant 160 : index
      %get3A_282 = arith.constant 0 : index
      %get3A_283 = vector.load %arg0[%get3A_280, %get3A_281, %get3A_282] : memref<7x384x1792xf32, #tpu.memory_space<vmem>>, vector<1x8x1792xf32>
      %get3A_284 = vector.shape_cast %get3A_283 : vector<1x8x1792xf32> to vector<8x1792xf32>
      %slice3A_285 = vector.extract_strided_slice %broadcast_in_dim3A_74 {offsets = [160, 0], sizes = [8, 1], strides = [1, 1]} : vector<384x1xf32> to vector<8x1xf32>
      %sub3A_286 = vector.broadcast %slice3A_285 : vector<8x1xf32> to vector<8x1792xf32>
      %sub3A_287 = arith.subf %get3A_284, %sub3A_286 : vector<8x1792xf32>
      %mul3A_288 = arith.mulf %sub3A_287, %sub3A_287 : vector<8x1792xf32>
      %add3A_289 = arith.addf %add3A_279, %mul3A_288 : vector<8x1792xf32>
      %get3A_290 = arith.constant 0 : index
      %get3A_291 = arith.constant 168 : index
      %get3A_292 = arith.constant 0 : index
      %get3A_293 = vector.load %arg0[%get3A_290, %get3A_291, %get3A_292] : memref<7x384x1792xf32, #tpu.memory_space<vmem>>, vector<1x8x1792xf32>
      %get3A_294 = vector.shape_cast %get3A_293 : vector<1x8x1792xf32> to vector<8x1792xf32>
      %slice3A_295 = vector.extract_strided_slice %broadcast_in_dim3A_74 {offsets = [168, 0], sizes = [8, 1], strides = [1, 1]} : vector<384x1xf32> to vector<8x1xf32>
      %sub3A_296 = vector.broadcast %slice3A_295 : vector<8x1xf32> to vector<8x1792xf32>
      %sub3A_297 = arith.subf %get3A_294, %sub3A_296 : vector<8x1792xf32>
      %mul3A_298 = arith.mulf %sub3A_297, %sub3A_297 : vector<8x1792xf32>
      %add3A_299 = arith.addf %add3A_289, %mul3A_298 : vector<8x1792xf32>
      %get3A_300 = arith.constant 0 : index
      %get3A_301 = arith.constant 176 : index
      %get3A_302 = arith.constant 0 : index
      %get3A_303 = vector.load %arg0[%get3A_300, %get3A_301, %get3A_302] : memref<7x384x1792xf32, #tpu.memory_space<vmem>>, vector<1x8x1792xf32>
      %get3A_304 = vector.shape_cast %get3A_303 : vector<1x8x1792xf32> to vector<8x1792xf32>
      %slice3A_305 = vector.extract_strided_slice %broadcast_in_dim3A_74 {offsets = [176, 0], sizes = [8, 1], strides = [1, 1]} : vector<384x1xf32> to vector<8x1xf32>
      %sub3A_306 = vector.broadcast %slice3A_305 : vector<8x1xf32> to vector<8x1792xf32>
      %sub3A_307 = arith.subf %get3A_304, %sub3A_306 : vector<8x1792xf32>
      %mul3A_308 = arith.mulf %sub3A_307, %sub3A_307 : vector<8x1792xf32>
      %add3A_309 = arith.addf %add3A_299, %mul3A_308 : vector<8x1792xf32>
      %get3A_310 = arith.constant 0 : index
      %get3A_311 = arith.constant 184 : index
      %get3A_312 = arith.constant 0 : index
      %get3A_313 = vector.load %arg0[%get3A_310, %get3A_311, %get3A_312] : memref<7x384x1792xf32, #tpu.memory_space<vmem>>, vector<1x8x1792xf32>
      %get3A_314 = vector.shape_cast %get3A_313 : vector<1x8x1792xf32> to vector<8x1792xf32>
      %slice3A_315 = vector.extract_strided_slice %broadcast_in_dim3A_74 {offsets = [184, 0], sizes = [8, 1], strides = [1, 1]} : vector<384x1xf32> to vector<8x1xf32>
      %sub3A_316 = vector.broadcast %slice3A_315 : vector<8x1xf32> to vector<8x1792xf32>
      %sub3A_317 = arith.subf %get3A_314, %sub3A_316 : vector<8x1792xf32>
      %mul3A_318 = arith.mulf %sub3A_317, %sub3A_317 : vector<8x1792xf32>
      %add3A_319 = arith.addf %add3A_309, %mul3A_318 : vector<8x1792xf32>
      %get3A_320 = arith.constant 0 : index
      %get3A_321 = arith.constant 192 : index
      %get3A_322 = arith.constant 0 : index
      %get3A_323 = vector.load %arg0[%get3A_320, %get3A_321, %get3A_322] : memref<7x384x1792xf32, #tpu.memory_space<vmem>>, vector<1x8x1792xf32>
      %get3A_324 = vector.shape_cast %get3A_323 : vector<1x8x1792xf32> to vector<8x1792xf32>
      %slice3A_325 = vector.extract_strided_slice %broadcast_in_dim3A_74 {offsets = [192, 0], sizes = [8, 1], strides = [1, 1]} : vector<384x1xf32> to vector<8x1xf32>
      %sub3A_326 = vector.broadcast %slice3A_325 : vector<8x1xf32> to vector<8x1792xf32>
      %sub3A_327 = arith.subf %get3A_324, %sub3A_326 : vector<8x1792xf32>
      %mul3A_328 = arith.mulf %sub3A_327, %sub3A_327 : vector<8x1792xf32>
      %add3A_329 = arith.addf %add3A_319, %mul3A_328 : vector<8x1792xf32>
      %get3A_330 = arith.constant 0 : index
      %get3A_331 = arith.constant 200 : index
      %get3A_332 = arith.constant 0 : index
      %get3A_333 = vector.load %arg0[%get3A_330, %get3A_331, %get3A_332] : memref<7x384x1792xf32, #tpu.memory_space<vmem>>, vector<1x8x1792xf32>
      %get3A_334 = vector.shape_cast %get3A_333 : vector<1x8x1792xf32> to vector<8x1792xf32>
      %slice3A_335 = vector.extract_strided_slice %broadcast_in_dim3A_74 {offsets = [200, 0], sizes = [8, 1], strides = [1, 1]} : vector<384x1xf32> to vector<8x1xf32>
      %sub3A_336 = vector.broadcast %slice3A_335 : vector<8x1xf32> to vector<8x1792xf32>
      %sub3A_337 = arith.subf %get3A_334, %sub3A_336 : vector<8x1792xf32>
      %mul3A_338 = arith.mulf %sub3A_337, %sub3A_337 : vector<8x1792xf32>
      %add3A_339 = arith.addf %add3A_329, %mul3A_338 : vector<8x1792xf32>
      %get3A_340 = arith.constant 0 : index
      %get3A_341 = arith.constant 208 : index
      %get3A_342 = arith.constant 0 : index
      %get3A_343 = vector.load %arg0[%get3A_340, %get3A_341, %get3A_342] : memref<7x384x1792xf32, #tpu.memory_space<vmem>>, vector<1x8x1792xf32>
      %get3A_344 = vector.shape_cast %get3A_343 : vector<1x8x1792xf32> to vector<8x1792xf32>
      %slice3A_345 = vector.extract_strided_slice %broadcast_in_dim3A_74 {offsets = [208, 0], sizes = [8, 1], strides = [1, 1]} : vector<384x1xf32> to vector<8x1xf32>
      %sub3A_346 = vector.broadcast %slice3A_345 : vector<8x1xf32> to vector<8x1792xf32>
      %sub3A_347 = arith.subf %get3A_344, %sub3A_346 : vector<8x1792xf32>
      %mul3A_348 = arith.mulf %sub3A_347, %sub3A_347 : vector<8x1792xf32>
      %add3A_349 = arith.addf %add3A_339, %mul3A_348 : vector<8x1792xf32>
      %get3A_350 = arith.constant 0 : index
      %get3A_351 = arith.constant 216 : index
      %get3A_352 = arith.constant 0 : index
      %get3A_353 = vector.load %arg0[%get3A_350, %get3A_351, %get3A_352] : memref<7x384x1792xf32, #tpu.memory_space<vmem>>, vector<1x8x1792xf32>
      %get3A_354 = vector.shape_cast %get3A_353 : vector<1x8x1792xf32> to vector<8x1792xf32>
      %slice3A_355 = vector.extract_strided_slice %broadcast_in_dim3A_74 {offsets = [216, 0], sizes = [8, 1], strides = [1, 1]} : vector<384x1xf32> to vector<8x1xf32>
      %sub3A_356 = vector.broadcast %slice3A_355 : vector<8x1xf32> to vector<8x1792xf32>
      %sub3A_357 = arith.subf %get3A_354, %sub3A_356 : vector<8x1792xf32>
      %mul3A_358 = arith.mulf %sub3A_357, %sub3A_357 : vector<8x1792xf32>
      %add3A_359 = arith.addf %add3A_349, %mul3A_358 : vector<8x1792xf32>
      %get3A_360 = arith.constant 0 : index
      %get3A_361 = arith.constant 224 : index
      %get3A_362 = arith.constant 0 : index
      %get3A_363 = vector.load %arg0[%get3A_360, %get3A_361, %get3A_362] : memref<7x384x1792xf32, #tpu.memory_space<vmem>>, vector<1x8x1792xf32>
      %get3A_364 = vector.shape_cast %get3A_363 : vector<1x8x1792xf32> to vector<8x1792xf32>
      %slice3A_365 = vector.extract_strided_slice %broadcast_in_dim3A_74 {offsets = [224, 0], sizes = [8, 1], strides = [1, 1]} : vector<384x1xf32> to vector<8x1xf32>
      %sub3A_366 = vector.broadcast %slice3A_365 : vector<8x1xf32> to vector<8x1792xf32>
      %sub3A_367 = arith.subf %get3A_364, %sub3A_366 : vector<8x1792xf32>
      %mul3A_368 = arith.mulf %sub3A_367, %sub3A_367 : vector<8x1792xf32>
      %add3A_369 = arith.addf %add3A_359, %mul3A_368 : vector<8x1792xf32>
      %get3A_370 = arith.constant 0 : index
      %get3A_371 = arith.constant 232 : index
      %get3A_372 = arith.constant 0 : index
      %get3A_373 = vector.load %arg0[%get3A_370, %get3A_371, %get3A_372] : memref<7x384x1792xf32, #tpu.memory_space<vmem>>, vector<1x8x1792xf32>
      %get3A_374 = vector.shape_cast %get3A_373 : vector<1x8x1792xf32> to vector<8x1792xf32>
      %slice3A_375 = vector.extract_strided_slice %broadcast_in_dim3A_74 {offsets = [232, 0], sizes = [8, 1], strides = [1, 1]} : vector<384x1xf32> to vector<8x1xf32>
      %sub3A_376 = vector.broadcast %slice3A_375 : vector<8x1xf32> to vector<8x1792xf32>
      %sub3A_377 = arith.subf %get3A_374, %sub3A_376 : vector<8x1792xf32>
      %mul3A_378 = arith.mulf %sub3A_377, %sub3A_377 : vector<8x1792xf32>
      %add3A_379 = arith.addf %add3A_369, %mul3A_378 : vector<8x1792xf32>
      %get3A_380 = arith.constant 0 : index
      %get3A_381 = arith.constant 240 : index
      %get3A_382 = arith.constant 0 : index
      %get3A_383 = vector.load %arg0[%get3A_380, %get3A_381, %get3A_382] : memref<7x384x1792xf32, #tpu.memory_space<vmem>>, vector<1x8x1792xf32>
      %get3A_384 = vector.shape_cast %get3A_383 : vector<1x8x1792xf32> to vector<8x1792xf32>
      %slice3A_385 = vector.extract_strided_slice %broadcast_in_dim3A_74 {offsets = [240, 0], sizes = [8, 1], strides = [1, 1]} : vector<384x1xf32> to vector<8x1xf32>
      %sub3A_386 = vector.broadcast %slice3A_385 : vector<8x1xf32> to vector<8x1792xf32>
      %sub3A_387 = arith.subf %get3A_384, %sub3A_386 : vector<8x1792xf32>
      %mul3A_388 = arith.mulf %sub3A_387, %sub3A_387 : vector<8x1792xf32>
      %add3A_389 = arith.addf %add3A_379, %mul3A_388 : vector<8x1792xf32>
      %get3A_390 = arith.constant 0 : index
      %get3A_391 = arith.constant 248 : index
      %get3A_392 = arith.constant 0 : index
      %get3A_393 = vector.load %arg0[%get3A_390, %get3A_391, %get3A_392] : memref<7x384x1792xf32, #tpu.memory_space<vmem>>, vector<1x8x1792xf32>
      %get3A_394 = vector.shape_cast %get3A_393 : vector<1x8x1792xf32> to vector<8x1792xf32>
      %slice3A_395 = vector.extract_strided_slice %broadcast_in_dim3A_74 {offsets = [248, 0], sizes = [8, 1], strides = [1, 1]} : vector<384x1xf32> to vector<8x1xf32>
      %sub3A_396 = vector.broadcast %slice3A_395 : vector<8x1xf32> to vector<8x1792xf32>
      %sub3A_397 = arith.subf %get3A_394, %sub3A_396 : vector<8x1792xf32>
      %mul3A_398 = arith.mulf %sub3A_397, %sub3A_397 : vector<8x1792xf32>
      %add3A_399 = arith.addf %add3A_389, %mul3A_398 : vector<8x1792xf32>
      %roll3A_400 = arith.constant 4 : i32
      %roll3A_401 = tpu.dynamic_rotate %add3A_399 by %roll3A_400 dim 0 : vector<8x1792xf32>, i32 -> vector<8x1792xf32>
      %add3A_402 = arith.addf %add3A_399, %roll3A_401 : vector<8x1792xf32>
      %roll3A_403 = arith.constant 2 : i32
      %roll3A_404 = tpu.dynamic_rotate %add3A_402 by %roll3A_403 dim 0 : vector<8x1792xf32>, i32 -> vector<8x1792xf32>
      %add3A_405 = arith.addf %add3A_402, %roll3A_404 : vector<8x1792xf32>
      %roll3A_406 = arith.constant 1 : i32
      %roll3A_407 = tpu.dynamic_rotate %add3A_405 by %roll3A_406 dim 0 : vector<8x1792xf32>, i32 -> vector<8x1792xf32>
      %add3A_408 = arith.addf %add3A_405, %roll3A_407 : vector<8x1792xf32>
      %add3A_409 = arith.addf %add3A_240, %add3A_408 : vector<8x1792xf32>
      %get3A_410 = arith.constant 0 : index
      %get3A_411 = arith.constant 256 : index
      %get3A_412 = arith.constant 0 : index
      %get3A_413 = vector.load %arg0[%get3A_410, %get3A_411, %get3A_412] : memref<7x384x1792xf32, #tpu.memory_space<vmem>>, vector<1x8x1792xf32>
      %get3A_414 = vector.shape_cast %get3A_413 : vector<1x8x1792xf32> to vector<8x1792xf32>
      %slice3A_415 = vector.extract_strided_slice %broadcast_in_dim3A_74 {offsets = [256, 0], sizes = [8, 1], strides = [1, 1]} : vector<384x1xf32> to vector<8x1xf32>
      %sub3A_416 = vector.broadcast %slice3A_415 : vector<8x1xf32> to vector<8x1792xf32>
      %sub3A_417 = arith.subf %get3A_414, %sub3A_416 : vector<8x1792xf32>
      %mul3A_418 = arith.mulf %sub3A_417, %sub3A_417 : vector<8x1792xf32>
      %get3A_419 = arith.constant 0 : index
      %get3A_420 = arith.constant 264 : index
      %get3A_421 = arith.constant 0 : index
      %get3A_422 = vector.load %arg0[%get3A_419, %get3A_420, %get3A_421] : memref<7x384x1792xf32, #tpu.memory_space<vmem>>, vector<1x8x1792xf32>
      %get3A_423 = vector.shape_cast %get3A_422 : vector<1x8x1792xf32> to vector<8x1792xf32>
      %slice3A_424 = vector.extract_strided_slice %broadcast_in_dim3A_74 {offsets = [264, 0], sizes = [8, 1], strides = [1, 1]} : vector<384x1xf32> to vector<8x1xf32>
      %sub3A_425 = vector.broadcast %slice3A_424 : vector<8x1xf32> to vector<8x1792xf32>
      %sub3A_426 = arith.subf %get3A_423, %sub3A_425 : vector<8x1792xf32>
      %mul3A_427 = arith.mulf %sub3A_426, %sub3A_426 : vector<8x1792xf32>
      %add3A_428 = arith.addf %mul3A_418, %mul3A_427 : vector<8x1792xf32>
      %get3A_429 = arith.constant 0 : index
      %get3A_430 = arith.constant 272 : index
      %get3A_431 = arith.constant 0 : index
      %get3A_432 = vector.load %arg0[%get3A_429, %get3A_430, %get3A_431] : memref<7x384x1792xf32, #tpu.memory_space<vmem>>, vector<1x8x1792xf32>
      %get3A_433 = vector.shape_cast %get3A_432 : vector<1x8x1792xf32> to vector<8x1792xf32>
      %slice3A_434 = vector.extract_strided_slice %broadcast_in_dim3A_74 {offsets = [272, 0], sizes = [8, 1], strides = [1, 1]} : vector<384x1xf32> to vector<8x1xf32>
      %sub3A_435 = vector.broadcast %slice3A_434 : vector<8x1xf32> to vector<8x1792xf32>
      %sub3A_436 = arith.subf %get3A_433, %sub3A_435 : vector<8x1792xf32>
      %mul3A_437 = arith.mulf %sub3A_436, %sub3A_436 : vector<8x1792xf32>
      %add3A_438 = arith.addf %add3A_428, %mul3A_437 : vector<8x1792xf32>
      %get3A_439 = arith.constant 0 : index
      %get3A_440 = arith.constant 280 : index
      %get3A_441 = arith.constant 0 : index
      %get3A_442 = vector.load %arg0[%get3A_439, %get3A_440, %get3A_441] : memref<7x384x1792xf32, #tpu.memory_space<vmem>>, vector<1x8x1792xf32>
      %get3A_443 = vector.shape_cast %get3A_442 : vector<1x8x1792xf32> to vector<8x1792xf32>
      %slice3A_444 = vector.extract_strided_slice %broadcast_in_dim3A_74 {offsets = [280, 0], sizes = [8, 1], strides = [1, 1]} : vector<384x1xf32> to vector<8x1xf32>
      %sub3A_445 = vector.broadcast %slice3A_444 : vector<8x1xf32> to vector<8x1792xf32>
      %sub3A_446 = arith.subf %get3A_443, %sub3A_445 : vector<8x1792xf32>
      %mul3A_447 = arith.mulf %sub3A_446, %sub3A_446 : vector<8x1792xf32>
      %add3A_448 = arith.addf %add3A_438, %mul3A_447 : vector<8x1792xf32>
      %get3A_449 = arith.constant 0 : index
      %get3A_450 = arith.constant 288 : index
      %get3A_451 = arith.constant 0 : index
      %get3A_452 = vector.load %arg0[%get3A_449, %get3A_450, %get3A_451] : memref<7x384x1792xf32, #tpu.memory_space<vmem>>, vector<1x8x1792xf32>
      %get3A_453 = vector.shape_cast %get3A_452 : vector<1x8x1792xf32> to vector<8x1792xf32>
      %slice3A_454 = vector.extract_strided_slice %broadcast_in_dim3A_74 {offsets = [288, 0], sizes = [8, 1], strides = [1, 1]} : vector<384x1xf32> to vector<8x1xf32>
      %sub3A_455 = vector.broadcast %slice3A_454 : vector<8x1xf32> to vector<8x1792xf32>
      %sub3A_456 = arith.subf %get3A_453, %sub3A_455 : vector<8x1792xf32>
      %mul3A_457 = arith.mulf %sub3A_456, %sub3A_456 : vector<8x1792xf32>
      %add3A_458 = arith.addf %add3A_448, %mul3A_457 : vector<8x1792xf32>
      %get3A_459 = arith.constant 0 : index
      %get3A_460 = arith.constant 296 : index
      %get3A_461 = arith.constant 0 : index
      %get3A_462 = vector.load %arg0[%get3A_459, %get3A_460, %get3A_461] : memref<7x384x1792xf32, #tpu.memory_space<vmem>>, vector<1x8x1792xf32>
      %get3A_463 = vector.shape_cast %get3A_462 : vector<1x8x1792xf32> to vector<8x1792xf32>
      %slice3A_464 = vector.extract_strided_slice %broadcast_in_dim3A_74 {offsets = [296, 0], sizes = [8, 1], strides = [1, 1]} : vector<384x1xf32> to vector<8x1xf32>
      %sub3A_465 = vector.broadcast %slice3A_464 : vector<8x1xf32> to vector<8x1792xf32>
      %sub3A_466 = arith.subf %get3A_463, %sub3A_465 : vector<8x1792xf32>
      %mul3A_467 = arith.mulf %sub3A_466, %sub3A_466 : vector<8x1792xf32>
      %add3A_468 = arith.addf %add3A_458, %mul3A_467 : vector<8x1792xf32>
      %get3A_469 = arith.constant 0 : index
      %get3A_470 = arith.constant 304 : index
      %get3A_471 = arith.constant 0 : index
      %get3A_472 = vector.load %arg0[%get3A_469, %get3A_470, %get3A_471] : memref<7x384x1792xf32, #tpu.memory_space<vmem>>, vector<1x8x1792xf32>
      %get3A_473 = vector.shape_cast %get3A_472 : vector<1x8x1792xf32> to vector<8x1792xf32>
      %slice3A_474 = vector.extract_strided_slice %broadcast_in_dim3A_74 {offsets = [304, 0], sizes = [8, 1], strides = [1, 1]} : vector<384x1xf32> to vector<8x1xf32>
      %sub3A_475 = vector.broadcast %slice3A_474 : vector<8x1xf32> to vector<8x1792xf32>
      %sub3A_476 = arith.subf %get3A_473, %sub3A_475 : vector<8x1792xf32>
      %mul3A_477 = arith.mulf %sub3A_476, %sub3A_476 : vector<8x1792xf32>
      %add3A_478 = arith.addf %add3A_468, %mul3A_477 : vector<8x1792xf32>
      %get3A_479 = arith.constant 0 : index
      %get3A_480 = arith.constant 312 : index
      %get3A_481 = arith.constant 0 : index
      %get3A_482 = vector.load %arg0[%get3A_479, %get3A_480, %get3A_481] : memref<7x384x1792xf32, #tpu.memory_space<vmem>>, vector<1x8x1792xf32>
      %get3A_483 = vector.shape_cast %get3A_482 : vector<1x8x1792xf32> to vector<8x1792xf32>
      %slice3A_484 = vector.extract_strided_slice %broadcast_in_dim3A_74 {offsets = [312, 0], sizes = [8, 1], strides = [1, 1]} : vector<384x1xf32> to vector<8x1xf32>
      %sub3A_485 = vector.broadcast %slice3A_484 : vector<8x1xf32> to vector<8x1792xf32>
      %sub3A_486 = arith.subf %get3A_483, %sub3A_485 : vector<8x1792xf32>
      %mul3A_487 = arith.mulf %sub3A_486, %sub3A_486 : vector<8x1792xf32>
      %add3A_488 = arith.addf %add3A_478, %mul3A_487 : vector<8x1792xf32>
      %get3A_489 = arith.constant 0 : index
      %get3A_490 = arith.constant 320 : index
      %get3A_491 = arith.constant 0 : index
      %get3A_492 = vector.load %arg0[%get3A_489, %get3A_490, %get3A_491] : memref<7x384x1792xf32, #tpu.memory_space<vmem>>, vector<1x8x1792xf32>
      %get3A_493 = vector.shape_cast %get3A_492 : vector<1x8x1792xf32> to vector<8x1792xf32>
      %slice3A_494 = vector.extract_strided_slice %broadcast_in_dim3A_74 {offsets = [320, 0], sizes = [8, 1], strides = [1, 1]} : vector<384x1xf32> to vector<8x1xf32>
      %sub3A_495 = vector.broadcast %slice3A_494 : vector<8x1xf32> to vector<8x1792xf32>
      %sub3A_496 = arith.subf %get3A_493, %sub3A_495 : vector<8x1792xf32>
      %mul3A_497 = arith.mulf %sub3A_496, %sub3A_496 : vector<8x1792xf32>
      %add3A_498 = arith.addf %add3A_488, %mul3A_497 : vector<8x1792xf32>
      %get3A_499 = arith.constant 0 : index
      %get3A_500 = arith.constant 328 : index
      %get3A_501 = arith.constant 0 : index
      %get3A_502 = vector.load %arg0[%get3A_499, %get3A_500, %get3A_501] : memref<7x384x1792xf32, #tpu.memory_space<vmem>>, vector<1x8x1792xf32>
      %get3A_503 = vector.shape_cast %get3A_502 : vector<1x8x1792xf32> to vector<8x1792xf32>
      %slice3A_504 = vector.extract_strided_slice %broadcast_in_dim3A_74 {offsets = [328, 0], sizes = [8, 1], strides = [1, 1]} : vector<384x1xf32> to vector<8x1xf32>
      %sub3A_505 = vector.broadcast %slice3A_504 : vector<8x1xf32> to vector<8x1792xf32>
      %sub3A_506 = arith.subf %get3A_503, %sub3A_505 : vector<8x1792xf32>
      %mul3A_507 = arith.mulf %sub3A_506, %sub3A_506 : vector<8x1792xf32>
      %add3A_508 = arith.addf %add3A_498, %mul3A_507 : vector<8x1792xf32>
      %get3A_509 = arith.constant 0 : index
      %get3A_510 = arith.constant 336 : index
      %get3A_511 = arith.constant 0 : index
      %get3A_512 = vector.load %arg0[%get3A_509, %get3A_510, %get3A_511] : memref<7x384x1792xf32, #tpu.memory_space<vmem>>, vector<1x8x1792xf32>
      %get3A_513 = vector.shape_cast %get3A_512 : vector<1x8x1792xf32> to vector<8x1792xf32>
      %slice3A_514 = vector.extract_strided_slice %broadcast_in_dim3A_74 {offsets = [336, 0], sizes = [8, 1], strides = [1, 1]} : vector<384x1xf32> to vector<8x1xf32>
      %sub3A_515 = vector.broadcast %slice3A_514 : vector<8x1xf32> to vector<8x1792xf32>
      %sub3A_516 = arith.subf %get3A_513, %sub3A_515 : vector<8x1792xf32>
      %mul3A_517 = arith.mulf %sub3A_516, %sub3A_516 : vector<8x1792xf32>
      %add3A_518 = arith.addf %add3A_508, %mul3A_517 : vector<8x1792xf32>
      %get3A_519 = arith.constant 0 : index
      %get3A_520 = arith.constant 344 : index
      %get3A_521 = arith.constant 0 : index
      %get3A_522 = vector.load %arg0[%get3A_519, %get3A_520, %get3A_521] : memref<7x384x1792xf32, #tpu.memory_space<vmem>>, vector<1x8x1792xf32>
      %get3A_523 = vector.shape_cast %get3A_522 : vector<1x8x1792xf32> to vector<8x1792xf32>
      %slice3A_524 = vector.extract_strided_slice %broadcast_in_dim3A_74 {offsets = [344, 0], sizes = [8, 1], strides = [1, 1]} : vector<384x1xf32> to vector<8x1xf32>
      %sub3A_525 = vector.broadcast %slice3A_524 : vector<8x1xf32> to vector<8x1792xf32>
      %sub3A_526 = arith.subf %get3A_523, %sub3A_525 : vector<8x1792xf32>
      %mul3A_527 = arith.mulf %sub3A_526, %sub3A_526 : vector<8x1792xf32>
      %add3A_528 = arith.addf %add3A_518, %mul3A_527 : vector<8x1792xf32>
      %get3A_529 = arith.constant 0 : index
      %get3A_530 = arith.constant 352 : index
      %get3A_531 = arith.constant 0 : index
      %get3A_532 = vector.load %arg0[%get3A_529, %get3A_530, %get3A_531] : memref<7x384x1792xf32, #tpu.memory_space<vmem>>, vector<1x8x1792xf32>
      %get3A_533 = vector.shape_cast %get3A_532 : vector<1x8x1792xf32> to vector<8x1792xf32>
      %slice3A_534 = vector.extract_strided_slice %broadcast_in_dim3A_74 {offsets = [352, 0], sizes = [8, 1], strides = [1, 1]} : vector<384x1xf32> to vector<8x1xf32>
      %sub3A_535 = vector.broadcast %slice3A_534 : vector<8x1xf32> to vector<8x1792xf32>
      %sub3A_536 = arith.subf %get3A_533, %sub3A_535 : vector<8x1792xf32>
      %mul3A_537 = arith.mulf %sub3A_536, %sub3A_536 : vector<8x1792xf32>
      %add3A_538 = arith.addf %add3A_528, %mul3A_537 : vector<8x1792xf32>
      %get3A_539 = arith.constant 0 : index
      %get3A_540 = arith.constant 360 : index
      %get3A_541 = arith.constant 0 : index
      %get3A_542 = vector.load %arg0[%get3A_539, %get3A_540, %get3A_541] : memref<7x384x1792xf32, #tpu.memory_space<vmem>>, vector<1x8x1792xf32>
      %get3A_543 = vector.shape_cast %get3A_542 : vector<1x8x1792xf32> to vector<8x1792xf32>
      %slice3A_544 = vector.extract_strided_slice %broadcast_in_dim3A_74 {offsets = [360, 0], sizes = [8, 1], strides = [1, 1]} : vector<384x1xf32> to vector<8x1xf32>
      %sub3A_545 = vector.broadcast %slice3A_544 : vector<8x1xf32> to vector<8x1792xf32>
      %sub3A_546 = arith.subf %get3A_543, %sub3A_545 : vector<8x1792xf32>
      %mul3A_547 = arith.mulf %sub3A_546, %sub3A_546 : vector<8x1792xf32>
      %add3A_548 = arith.addf %add3A_538, %mul3A_547 : vector<8x1792xf32>
      %get3A_549 = arith.constant 0 : index
      %get3A_550 = arith.constant 368 : index
      %get3A_551 = arith.constant 0 : index
      %get3A_552 = vector.load %arg0[%get3A_549, %get3A_550, %get3A_551] : memref<7x384x1792xf32, #tpu.memory_space<vmem>>, vector<1x8x1792xf32>
      %get3A_553 = vector.shape_cast %get3A_552 : vector<1x8x1792xf32> to vector<8x1792xf32>
      %slice3A_554 = vector.extract_strided_slice %broadcast_in_dim3A_74 {offsets = [368, 0], sizes = [8, 1], strides = [1, 1]} : vector<384x1xf32> to vector<8x1xf32>
      %sub3A_555 = vector.broadcast %slice3A_554 : vector<8x1xf32> to vector<8x1792xf32>
      %sub3A_556 = arith.subf %get3A_553, %sub3A_555 : vector<8x1792xf32>
      %mul3A_557 = arith.mulf %sub3A_556, %sub3A_556 : vector<8x1792xf32>
      %add3A_558 = arith.addf %add3A_548, %mul3A_557 : vector<8x1792xf32>
      %get3A_559 = arith.constant 0 : index
      %get3A_560 = arith.constant 376 : index
      %get3A_561 = arith.constant 0 : index
      %get3A_562 = vector.load %arg0[%get3A_559, %get3A_560, %get3A_561] : memref<7x384x1792xf32, #tpu.memory_space<vmem>>, vector<1x8x1792xf32>
      %get3A_563 = vector.shape_cast %get3A_562 : vector<1x8x1792xf32> to vector<8x1792xf32>
      %slice3A_564 = vector.extract_strided_slice %broadcast_in_dim3A_74 {offsets = [376, 0], sizes = [8, 1], strides = [1, 1]} : vector<384x1xf32> to vector<8x1xf32>
      %sub3A_565 = vector.broadcast %slice3A_564 : vector<8x1xf32> to vector<8x1792xf32>
      %sub3A_566 = arith.subf %get3A_563, %sub3A_565 : vector<8x1792xf32>
      %mul3A_567 = arith.mulf %sub3A_566, %sub3A_566 : vector<8x1792xf32>
      %add3A_568 = arith.addf %add3A_558, %mul3A_567 : vector<8x1792xf32>
      %roll3A_569 = arith.constant 4 : i32
      %roll3A_570 = tpu.dynamic_rotate %add3A_568 by %roll3A_569 dim 0 : vector<8x1792xf32>, i32 -> vector<8x1792xf32>
      %add3A_571 = arith.addf %add3A_568, %roll3A_570 : vector<8x1792xf32>
      %roll3A_572 = arith.constant 2 : i32
      %roll3A_573 = tpu.dynamic_rotate %add3A_571 by %roll3A_572 dim 0 : vector<8x1792xf32>, i32 -> vector<8x1792xf32>
      %add3A_574 = arith.addf %add3A_571, %roll3A_573 : vector<8x1792xf32>
      %roll3A_575 = arith.constant 1 : i32
      %roll3A_576 = tpu.dynamic_rotate %add3A_574 by %roll3A_575 dim 0 : vector<8x1792xf32>, i32 -> vector<8x1792xf32>
      %add3A_577 = arith.addf %add3A_574, %roll3A_576 : vector<8x1792xf32>
      %add3A_578 = arith.addf %add3A_409, %add3A_577 : vector<8x1792xf32>
      %slice3A_579 = vector.extract_strided_slice %add3A_578 {offsets = [0, 0], sizes = [1, 1792], strides = [1, 1]} : vector<8x1792xf32> to vector<1x1792xf32>
      %swap3A_580 = arith.constant 0 : index
      %swap3A_581 = arith.constant 0 : index
      %swap3A_582 = vector.load %arg4[%swap3A_580, %swap3A_581] : memref<8x1792xf32, #tpu.memory_space<vmem>>, vector<1x1792xf32>
      tpu.vector_store %arg4[%swap3A_580, %swap3A_581], %slice3A_579 {strides = array<i32>} : memref<8x1792xf32, #tpu.memory_space<vmem>>, vector<1x1792xf32>,
      %get3A_583 = arith.constant 1 : index
      %get3A_584 = arith.constant 0 : index
      %get3A_585 = arith.constant 0 : index
      %get3A_586 = vector.load %arg0[%get3A_583, %get3A_584, %get3A_585] : memref<7x384x1792xf32, #tpu.memory_space<vmem>>, vector<1x8x1792xf32>
      %get3A_587 = vector.shape_cast %get3A_586 : vector<1x8x1792xf32> to vector<8x1792xf32>
      %slice3A_588 = vector.extract_strided_slice %broadcast_in_dim3A_74 {offsets = [0, 0], sizes = [8, 1], strides = [1, 1]} : vector<384x1xf32> to vector<8x1xf32>
      %sub3A_589 = vector.broadcast %slice3A_588 : vector<8x1xf32> to vector<8x1792xf32>
      %sub3A_590 = arith.subf %get3A_587, %sub3A_589 : vector<8x1792xf32>
      %mul3A_591 = arith.mulf %sub3A_590, %sub3A_590 : vector<8x1792xf32>
      %get3A_592 = arith.constant 1 : index
      %get3A_593 = arith.constant 8 : index
      %get3A_594 = arith.constant 0 : index
      %get3A_595 = vector.load %arg0[%get3A_592, %get3A_593, %get3A_594] : memref<7x384x1792xf32, #tpu.memory_space<vmem>>, vector<1x8x1792xf32>
      %get3A_596 = vector.shape_cast %get3A_595 : vector<1x8x1792xf32> to vector<8x1792xf32>
      %slice3A_597 = vector.extract_strided_slice %broadcast_in_dim3A_74 {offsets = [8, 0], sizes = [8, 1], strides = [1, 1]} : vector<384x1xf32> to vector<8x1xf32>
      %sub3A_598 = vector.broadcast %slice3A_597 : vector<8x1xf32> to vector<8x1792xf32>
      %sub3A_599 = arith.subf %get3A_596, %sub3A_598 : vector<8x1792xf32>
      %mul3A_600 = arith.mulf %sub3A_599, %sub3A_599 : vector<8x1792xf32>
      %add3A_601 = arith.addf %mul3A_591, %mul3A_600 : vector<8x1792xf32>
      %get3A_602 = arith.constant 1 : index
      %get3A_603 = arith.constant 16 : index
      %get3A_604 = arith.constant 0 : index
      %get3A_605 = vector.load %arg0[%get3A_602, %get3A_603, %get3A_604] : memref<7x384x1792xf32, #tpu.memory_space<vmem>>, vector<1x8x1792xf32>
      %get3A_606 = vector.shape_cast %get3A_605 : vector<1x8x1792xf32> to vector<8x1792xf32>
      %slice3A_607 = vector.extract_strided_slice %broadcast_in_dim3A_74 {offsets = [16, 0], sizes = [8, 1], strides = [1, 1]} : vector<384x1xf32> to vector<8x1xf32>
      %sub3A_608 = vector.broadcast %slice3A_607 : vector<8x1xf32> to vector<8x1792xf32>
      %sub3A_609 = arith.subf %get3A_606, %sub3A_608 : vector<8x1792xf32>
      %mul3A_610 = arith.mulf %sub3A_609, %sub3A_609 : vector<8x1792xf32>
      %add3A_611 = arith.addf %add3A_601, %mul3A_610 : vector<8x1792xf32>
      %get3A_612 = arith.constant 1 : index
      %get3A_613 = arith.constant 24 : index
      %get3A_614 = arith.constant 0 : index
      %get3A_615 = vector.load %arg0[%get3A_612, %get3A_613, %get3A_614] : memref<7x384x1792xf32, #tpu.memory_space<vmem>>, vector<1x8x1792xf32>
      %get3A_616 = vector.shape_cast %get3A_615 : vector<1x8x1792xf32> to vector<8x1792xf32>
      %slice3A_617 = vector.extract_strided_slice %broadcast_in_dim3A_74 {offsets = [24, 0], sizes = [8, 1], strides = [1, 1]} : vector<384x1xf32> to vector<8x1xf32>
      %sub3A_618 = vector.broadcast %slice3A_617 : vector<8x1xf32> to vector<8x1792xf32>
      %sub3A_619 = arith.subf %get3A_616, %sub3A_618 : vector<8x1792xf32>
      %mul3A_620 = arith.mulf %sub3A_619, %sub3A_619 : vector<8x1792xf32>
      %add3A_621 = arith.addf %add3A_611, %mul3A_620 : vector<8x1792xf32>
      %get3A_622 = arith.constant 1 : index
      %get3A_623 = arith.constant 32 : index
      %get3A_624 = arith.constant 0 : index
      %get3A_625 = vector.load %arg0[%get3A_622, %get3A_623, %get3A_624] : memref<7x384x1792xf32, #tpu.memory_space<vmem>>, vector<1x8x1792xf32>
      %get3A_626 = vector.shape_cast %get3A_625 : vector<1x8x1792xf32> to vector<8x1792xf32>
      %slice3A_627 = vector.extract_strided_slice %broadcast_in_dim3A_74 {offsets = [32, 0], sizes = [8, 1], strides = [1, 1]} : vector<384x1xf32> to vector<8x1xf32>
      %sub3A_628 = vector.broadcast %slice3A_627 : vector<8x1xf32> to vector<8x1792xf32>
      %sub3A_629 = arith.subf %get3A_626, %sub3A_628 : vector<8x1792xf32>
      %mul3A_630 = arith.mulf %sub3A_629, %sub3A_629 : vector<8x1792xf32>
      %add3A_631 = arith.addf %add3A_621, %mul3A_630 : vector<8x1792xf32>
      %get3A_632 = arith.constant 1 : index
      %get3A_633 = arith.constant 40 : index
      %get3A_634 = arith.constant 0 : index
      %get3A_635 = vector.load %arg0[%get3A_632, %get3A_633, %get3A_634] : memref<7x384x1792xf32, #tpu.memory_space<vmem>>, vector<1x8x1792xf32>
      %get3A_636 = vector.shape_cast %get3A_635 : vector<1x8x1792xf32> to vector<8x1792xf32>
      %slice3A_637 = vector.extract_strided_slice %broadcast_in_dim3A_74 {offsets = [40, 0], sizes = [8, 1], strides = [1, 1]} : vector<384x1xf32> to vector<8x1xf32>
      %sub3A_638 = vector.broadcast %slice3A_637 : vector<8x1xf32> to vector<8x1792xf32>
      %sub3A_639 = arith.subf %get3A_636, %sub3A_638 : vector<8x1792xf32>
      %mul3A_640 = arith.mulf %sub3A_639, %sub3A_639 : vector<8x1792xf32>
      %add3A_641 = arith.addf %add3A_631, %mul3A_640 : vector<8x1792xf32>
      %get3A_642 = arith.constant 1 : index
      %get3A_643 = arith.constant 48 : index
      %get3A_644 = arith.constant 0 : index
      %get3A_645 = vector.load %arg0[%get3A_642, %get3A_643, %get3A_644] : memref<7x384x1792xf32, #tpu.memory_space<vmem>>, vector<1x8x1792xf32>
      %get3A_646 = vector.shape_cast %get3A_645 : vector<1x8x1792xf32> to vector<8x1792xf32>
      %slice3A_647 = vector.extract_strided_slice %broadcast_in_dim3A_74 {offsets = [48, 0], sizes = [8, 1], strides = [1, 1]} : vector<384x1xf32> to vector<8x1xf32>
      %sub3A_648 = vector.broadcast %slice3A_647 : vector<8x1xf32> to vector<8x1792xf32>
      %sub3A_649 = arith.subf %get3A_646, %sub3A_648 : vector<8x1792xf32>
      %mul3A_650 = arith.mulf %sub3A_649, %sub3A_649 : vector<8x1792xf32>
      %add3A_651 = arith.addf %add3A_641, %mul3A_650 : vector<8x1792xf32>
      %get3A_652 = arith.constant 1 : index
      %get3A_653 = arith.constant 56 : index
      %get3A_654 = arith.constant 0 : index
      %get3A_655 = vector.load %arg0[%get3A_652, %get3A_653, %get3A_654] : memref<7x384x1792xf32, #tpu.memory_space<vmem>>, vector<1x8x1792xf32>
      %get3A_656 = vector.shape_cast %get3A_655 : vector<1x8x1792xf32> to vector<8x1792xf32>
      %slice3A_657 = vector.extract_strided_slice %broadcast_in_dim3A_74 {offsets = [56, 0], sizes = [8, 1], strides = [1, 1]} : vector<384x1xf32> to vector<8x1xf32>
      %sub3A_658 = vector.broadcast %slice3A_657 : vector<8x1xf32> to vector<8x1792xf32>
      %sub3A_659 = arith.subf %get3A_656, %sub3A_658 : vector<8x1792xf32>
      %mul3A_660 = arith.mulf %sub3A_659, %sub3A_659 : vector<8x1792xf32>
      %add3A_661 = arith.addf %add3A_651, %mul3A_660 : vector<8x1792xf32>
      %get3A_662 = arith.constant 1 : index
      %get3A_663 = arith.constant 64 : index
      %get3A_664 = arith.constant 0 : index
      %get3A_665 = vector.load %arg0[%get3A_662, %get3A_663, %get3A_664] : memref<7x384x1792xf32, #tpu.memory_space<vmem>>, vector<1x8x1792xf32>
      %get3A_666 = vector.shape_cast %get3A_665 : vector<1x8x1792xf32> to vector<8x1792xf32>
      %slice3A_667 = vector.extract_strided_slice %broadcast_in_dim3A_74 {offsets = [64, 0], sizes = [8, 1], strides = [1, 1]} : vector<384x1xf32> to vector<8x1xf32>
      %sub3A_668 = vector.broadcast %slice3A_667 : vector<8x1xf32> to vector<8x1792xf32>
      %sub3A_669 = arith.subf %get3A_666, %sub3A_668 : vector<8x1792xf32>
      %mul3A_670 = arith.mulf %sub3A_669, %sub3A_669 : vector<8x1792xf32>
      %add3A_671 = arith.addf %add3A_661, %mul3A_670 : vector<8x1792xf32>
      %get3A_672 = arith.constant 1 : index
      %get3A_673 = arith.constant 72 : index
      %get3A_674 = arith.constant 0 : index
      %get3A_675 = vector.load %arg0[%get3A_672, %get3A_673, %get3A_674] : memref<7x384x1792xf32, #tpu.memory_space<vmem>>, vector<1x8x1792xf32>
      %get3A_676 = vector.shape_cast %get3A_675 : vector<1x8x1792xf32> to vector<8x1792xf32>
      %slice3A_677 = vector.extract_strided_slice %broadcast_in_dim3A_74 {offsets = [72, 0], sizes = [8, 1], strides = [1, 1]} : vector<384x1xf32> to vector<8x1xf32>
      %sub3A_678 = vector.broadcast %slice3A_677 : vector<8x1xf32> to vector<8x1792xf32>
      %sub3A_679 = arith.subf %get3A_676, %sub3A_678 : vector<8x1792xf32>
      %mul3A_680 = arith.mulf %sub3A_679, %sub3A_679 : vector<8x1792xf32>
      %add3A_681 = arith.addf %add3A_671, %mul3A_680 : vector<8x1792xf32>
      %get3A_682 = arith.constant 1 : index
      %get3A_683 = arith.constant 80 : index
      %get3A_684 = arith.constant 0 : index
      %get3A_685 = vector.load %arg0[%get3A_682, %get3A_683, %get3A_684] : memref<7x384x1792xf32, #tpu.memory_space<vmem>>, vector<1x8x1792xf32>
      %get3A_686 = vector.shape_cast %get3A_685 : vector<1x8x1792xf32> to vector<8x1792xf32>
      %slice3A_687 = vector.extract_strided_slice %broadcast_in_dim3A_74 {offsets = [80, 0], sizes = [8, 1], strides = [1, 1]} : vector<384x1xf32> to vector<8x1xf32>
      %sub3A_688 = vector.broadcast %slice3A_687 : vector<8x1xf32> to vector<8x1792xf32>
      %sub3A_689 = arith.subf %get3A_686, %sub3A_688 : vector<8x1792xf32>
      %mul3A_690 = arith.mulf %sub3A_689, %sub3A_689 : vector<8x1792xf32>
      %add3A_691 = arith.addf %add3A_681, %mul3A_690 : vector<8x1792xf32>
      %get3A_692 = arith.constant 1 : index
      %get3A_693 = arith.constant 88 : index
      %get3A_694 = arith.constant 0 : index
      %get3A_695 = vector.load %arg0[%get3A_692, %get3A_693, %get3A_694] : memref<7x384x1792xf32, #tpu.memory_space<vmem>>, vector<1x8x1792xf32>
      %get3A_696 = vector.shape_cast %get3A_695 : vector<1x8x1792xf32> to vector<8x1792xf32>
      %slice3A_697 = vector.extract_strided_slice %broadcast_in_dim3A_74 {offsets = [88, 0], sizes = [8, 1], strides = [1, 1]} : vector<384x1xf32> to vector<8x1xf32>
      %sub3A_698 = vector.broadcast %slice3A_697 : vector<8x1xf32> to vector<8x1792xf32>
      %sub3A_699 = arith.subf %get3A_696, %sub3A_698 : vector<8x1792xf32>
      %mul3A_700 = arith.mulf %sub3A_699, %sub3A_699 : vector<8x1792xf32>
      %add3A_701 = arith.addf %add3A_691, %mul3A_700 : vector<8x1792xf32>
      %get3A_702 = arith.constant 1 : index
      %get3A_703 = arith.constant 96 : index
      %get3A_704 = arith.constant 0 : index
      %get3A_705 = vector.load %arg0[%get3A_702, %get3A_703, %get3A_704] : memref<7x384x1792xf32, #tpu.memory_space<vmem>>, vector<1x8x1792xf32>
      %get3A_706 = vector.shape_cast %get3A_705 : vector<1x8x1792xf32> to vector<8x1792xf32>
      %slice3A_707 = vector.extract_strided_slice %broadcast_in_dim3A_74 {offsets = [96, 0], sizes = [8, 1], strides = [1, 1]} : vector<384x1xf32> to vector<8x1xf32>
      %sub3A_708 = vector.broadcast %slice3A_707 : vector<8x1xf32> to vector<8x1792xf32>
      %sub3A_709 = arith.subf %get3A_706, %sub3A_708 : vector<8x1792xf32>
      %mul3A_710 = arith.mulf %sub3A_709, %sub3A_709 : vector<8x1792xf32>
      %add3A_711 = arith.addf %add3A_701, %mul3A_710 : vector<8x1792xf32>
      %get3A_712 = arith.constant 1 : index
      %get3A_713 = arith.constant 104 : index
      %get3A_714 = arith.constant 0 : index
      %get3A_715 = vector.load %arg0[%get3A_712, %get3A_713, %get3A_714] : memref<7x384x1792xf32, #tpu.memory_space<vmem>>, vector<1x8x1792xf32>
      %get3A_716 = vector.shape_cast %get3A_715 : vector<1x8x1792xf32> to vector<8x1792xf32>
      %slice3A_717 = vector.extract_strided_slice %broadcast_in_dim3A_74 {offsets = [104, 0], sizes = [8, 1], strides = [1, 1]} : vector<384x1xf32> to vector<8x1xf32>
      %sub3A_718 = vector.broadcast %slice3A_717 : vector<8x1xf32> to vector<8x1792xf32>
      %sub3A_719 = arith.subf %get3A_716, %sub3A_718 : vector<8x1792xf32>
      %mul3A_720 = arith.mulf %sub3A_719, %sub3A_719 : vector<8x1792xf32>
      %add3A_721 = arith.addf %add3A_711, %mul3A_720 : vector<8x1792xf32>
      %get3A_722 = arith.constant 1 : index
      %get3A_723 = arith.constant 112 : index
      %get3A_724 = arith.constant 0 : index
      %get3A_725 = vector.load %arg0[%get3A_722, %get3A_723, %get3A_724] : memref<7x384x1792xf32, #tpu.memory_space<vmem>>, vector<1x8x1792xf32>
      %get3A_726 = vector.shape_cast %get3A_725 : vector<1x8x1792xf32> to vector<8x1792xf32>
      %slice3A_727 = vector.extract_strided_slice %broadcast_in_dim3A_74 {offsets = [112, 0], sizes = [8, 1], strides = [1, 1]} : vector<384x1xf32> to vector<8x1xf32>
      %sub3A_728 = vector.broadcast %slice3A_727 : vector<8x1xf32> to vector<8x1792xf32>
      %sub3A_729 = arith.subf %get3A_726, %sub3A_728 : vector<8x1792xf32>
      %mul3A_730 = arith.mulf %sub3A_729, %sub3A_729 : vector<8x1792xf32>
      %add3A_731 = arith.addf %add3A_721, %mul3A_730 : vector<8x1792xf32>
      %get3A_732 = arith.constant 1 : index
      %get3A_733 = arith.constant 120 : index
      %get3A_734 = arith.constant 0 : index
      %get3A_735 = vector.load %arg0[%get3A_732, %get3A_733, %get3A_734] : memref<7x384x1792xf32, #tpu.memory_space<vmem>>, vector<1x8x1792xf32>
      %get3A_736 = vector.shape_cast %get3A_735 : vector<1x8x1792xf32> to vector<8x1792xf32>
      %slice3A_737 = vector.extract_strided_slice %broadcast_in_dim3A_74 {offsets = [120, 0], sizes = [8, 1], strides = [1, 1]} : vector<384x1xf32> to vector<8x1xf32>
      %sub3A_738 = vector.broadcast %slice3A_737 : vector<8x1xf32> to vector<8x1792xf32>
      %sub3A_739 = arith.subf %get3A_736, %sub3A_738 : vector<8x1792xf32>
      %mul3A_740 = arith.mulf %sub3A_739, %sub3A_739 : vector<8x1792xf32>
      %add3A_741 = arith.addf %add3A_731, %mul3A_740 : vector<8x1792xf32>
      %roll3A_742 = arith.constant 4 : i32
      %roll3A_743 = tpu.dynamic_rotate %add3A_741 by %roll3A_742 dim 0 : vector<8x1792xf32>, i32 -> vector<8x1792xf32>
      %add3A_744 = arith.addf %add3A_741, %roll3A_743 : vector<8x1792xf32>
      %roll3A_745 = arith.constant 2 : i32
      %roll3A_746 = tpu.dynamic_rotate %add3A_744 by %roll3A_745 dim 0 : vector<8x1792xf32>, i32 -> vector<8x1792xf32>
      %add3A_747 = arith.addf %add3A_744, %roll3A_746 : vector<8x1792xf32>
      %roll3A_748 = arith.constant 1 : i32
      %roll3A_749 = tpu.dynamic_rotate %add3A_747 by %roll3A_748 dim 0 : vector<8x1792xf32>, i32 -> vector<8x1792xf32>
      %add3A_750 = arith.addf %add3A_747, %roll3A_749 : vector<8x1792xf32>
      %get3A_751 = arith.constant 1 : index
      %get3A_752 = arith.constant 128 : index
      %get3A_753 = arith.constant 0 : index
      %get3A_754 = vector.load %arg0[%get3A_751, %get3A_752, %get3A_753] : memref<7x384x1792xf32, #tpu.memory_space<vmem>>, vector<1x8x1792xf32>
      %get3A_755 = vector.shape_cast %get3A_754 : vector<1x8x1792xf32> to vector<8x1792xf32>
      %slice3A_756 = vector.extract_strided_slice %broadcast_in_dim3A_74 {offsets = [128, 0], sizes = [8, 1], strides = [1, 1]} : vector<384x1xf32> to vector<8x1xf32>
      %sub3A_757 = vector.broadcast %slice3A_756 : vector<8x1xf32> to vector<8x1792xf32>
      %sub3A_758 = arith.subf %get3A_755, %sub3A_757 : vector<8x1792xf32>
      %mul3A_759 = arith.mulf %sub3A_758, %sub3A_758 : vector<8x1792xf32>
      %get3A_760 = arith.constant 1 : index
      %get3A_761 = arith.constant 136 : index
      %get3A_762 = arith.constant 0 : index
      %get3A_763 = vector.load %arg0[%get3A_760, %get3A_761, %get3A_762] : memref<7x384x1792xf32, #tpu.memory_space<vmem>>, vector<1x8x1792xf32>
      %get3A_764 = vector.shape_cast %get3A_763 : vector<1x8x1792xf32> to vector<8x1792xf32>
      %slice3A_765 = vector.extract_strided_slice %broadcast_in_dim3A_74 {offsets = [136, 0], sizes = [8, 1], strides = [1, 1]} : vector<384x1xf32> to vector<8x1xf32>
      %sub3A_766 = vector.broadcast %slice3A_765 : vector<8x1xf32> to vector<8x1792xf32>
      %sub3A_767 = arith.subf %get3A_764, %sub3A_766 : vector<8x1792xf32>
      %mul3A_768 = arith.mulf %sub3A_767, %sub3A_767 : vector<8x1792xf32>
      %add3A_769 = arith.addf %mul3A_759, %mul3A_768 : vector<8x1792xf32>
      %get3A_770 = arith.constant 1 : index
      %get3A_771 = arith.constant 144 : index
      %get3A_772 = arith.constant 0 : index
      %get3A_773 = vector.load %arg0[%get3A_770, %get3A_771, %get3A_772] : memref<7x384x1792xf32, #tpu.memory_space<vmem>>, vector<1x8x1792xf32>
      %get3A_774 = vector.shape_cast %get3A_773 : vector<1x8x1792xf32> to vector<8x1792xf32>
      %slice3A_775 = vector.extract_strided_slice %broadcast_in_dim3A_74 {offsets = [144, 0], sizes = [8, 1], strides = [1, 1]} : vector<384x1xf32> to vector<8x1xf32>
      %sub3A_776 = vector.broadcast %slice3A_775 : vector<8x1xf32> to vector<8x1792xf32>
      %sub3A_777 = arith.subf %get3A_774, %sub3A_776 : vector<8x1792xf32>
      %mul3A_778 = arith.mulf %sub3A_777, %sub3A_777 : vector<8x1792xf32>
      %add3A_779 = arith.addf %add3A_769, %mul3A_778 : vector<8x1792xf32>
      %get3A_780 = arith.constant 1 : index
      %get3A_781 = arith.constant 152 : index
      %get3A_782 = arith.constant 0 : index
      %get3A_783 = vector.load %arg0[%get3A_780, %get3A_781, %get3A_782] : memref<7x384x1792xf32, #tpu.memory_space<vmem>>, vector<1x8x1792xf32>
      %get3A_784 = vector.shape_cast %get3A_783 : vector<1x8x1792xf32> to vector<8x1792xf32>
      %slice3A_785 = vector.extract_strided_slice %broadcast_in_dim3A_74 {offsets = [152, 0], sizes = [8, 1], strides = [1, 1]} : vector<384x1xf32> to vector<8x1xf32>
      %sub3A_786 = vector.broadcast %slice3A_785 : vector<8x1xf32> to vector<8x1792xf32>
      %sub3A_787 = arith.subf %get3A_784, %sub3A_786 : vector<8x1792xf32>
      %mul3A_788 = arith.mulf %sub3A_787, %sub3A_787 : vector<8x1792xf32>
      %add3A_789 = arith.addf %add3A_779, %mul3A_788 : vector<8x1792xf32>
      %get3A_790 = arith.constant 1 : index
      %get3A_791 = arith.constant 160 : index
      %get3A_792 = arith.constant 0 : index
      %get3A_793 = vector.load %arg0[%get3A_790, %get3A_791, %get3A_792] : memref<7x384x1792xf32, #tpu.memory_space<vmem>>, vector<1x8x1792xf32>
      %get3A_794 = vector.shape_cast %get3A_793 : vector<1x8x1792xf32> to vector<8x1792xf32>
      %slice3A_795 = vector.extract_strided_slice %broadcast_in_dim3A_74 {offsets = [160, 0], sizes = [8, 1], strides = [1, 1]} : vector<384x1xf32> to vector<8x1xf32>
      %sub3A_796 = vector.broadcast %slice3A_795 : vector<8x1xf32> to vector<8x1792xf32>
      %sub3A_797 = arith.subf %get3A_794, %sub3A_796 : vector<8x1792xf32>
      %mul3A_798 = arith.mulf %sub3A_797, %sub3A_797 : vector<8x1792xf32>
      %add3A_799 = arith.addf %add3A_789, %mul3A_798 : vector<8x1792xf32>
      %get3A_800 = arith.constant 1 : index
      %get3A_801 = arith.constant 168 : index
      %get3A_802 = arith.constant 0 : index
      %get3A_803 = vector.load %arg0[%get3A_800, %get3A_801, %get3A_802] : memref<7x384x1792xf32, #tpu.memory_space<vmem>>, vector<1x8x1792xf32>
      %get3A_804 = vector.shape_cast %get3A_803 : vector<1x8x1792xf32> to vector<8x1792xf32>
      %slice3A_805 = vector.extract_strided_slice %broadcast_in_dim3A_74 {offsets = [168, 0], sizes = [8, 1], strides = [1, 1]} : vector<384x1xf32> to vector<8x1xf32>
      %sub3A_806 = vector.broadcast %slice3A_805 : vector<8x1xf32> to vector<8x1792xf32>
      %sub3A_807 = arith.subf %get3A_804, %sub3A_806 : vector<8x1792xf32>
      %mul3A_808 = arith.mulf %sub3A_807, %sub3A_807 : vector<8x1792xf32>
      %add3A_809 = arith.addf %add3A_799, %mul3A_808 : vector<8x1792xf32>
      %get3A_810 = arith.constant 1 : index
      %get3A_811 = arith.constant 176 : index
      %get3A_812 = arith.constant 0 : index
      %get3A_813 = vector.load %arg0[%get3A_810, %get3A_811, %get3A_812] : memref<7x384x1792xf32, #tpu.memory_space<vmem>>, vector<1x8x1792xf32>
      %get3A_814 = vector.shape_cast %get3A_813 : vector<1x8x1792xf32> to vector<8x1792xf32>
      %slice3A_815 = vector.extract_strided_slice %broadcast_in_dim3A_74 {offsets = [176, 0], sizes = [8, 1], strides = [1, 1]} : vector<384x1xf32> to vector<8x1xf32>
      %sub3A_816 = vector.broadcast %slice3A_815 : vector<8x1xf32> to vector<8x1792xf32>
      %sub3A_817 = arith.subf %get3A_814, %sub3A_816 : vector<8x1792xf32>
      %mul3A_818 = arith.mulf %sub3A_817, %sub3A_817 : vector<8x1792xf32>
      %add3A_819 = arith.addf %add3A_809, %mul3A_818 : vector<8x1792xf32>
      %get3A_820 = arith.constant 1 : index
      %get3A_821 = arith.constant 184 : index
      %get3A_822 = arith.constant 0 : index
      %get3A_823 = vector.load %arg0[%get3A_820, %get3A_821, %get3A_822] : memref<7x384x1792xf32, #tpu.memory_space<vmem>>, vector<1x8x1792xf32>
      %get3A_824 = vector.shape_cast %get3A_823 : vector<1x8x1792xf32> to vector<8x1792xf32>
      %slice3A_825 = vector.extract_strided_slice %broadcast_in_dim3A_74 {offsets = [184, 0], sizes = [8, 1], strides = [1, 1]} : vector<384x1xf32> to vector<8x1xf32>
      %sub3A_826 = vector.broadcast %slice3A_825 : vector<8x1xf32> to vector<8x1792xf32>
      %sub3A_827 = arith.subf %get3A_824, %sub3A_826 : vector<8x1792xf32>
      %mul3A_828 = arith.mulf %sub3A_827, %sub3A_827 : vector<8x1792xf32>
      %add3A_829 = arith.addf %add3A_819, %mul3A_828 : vector<8x1792xf32>
      %get3A_830 = arith.constant 1 : index
      %get3A_831 = arith.constant 192 : index
      %get3A_832 = arith.constant 0 : index
      %get3A_833 = vector.load %arg0[%get3A_830, %get3A_831, %get3A_832] : memref<7x384x1792xf32, #tpu.memory_space<vmem>>, vector<1x8x1792xf32>
      %get3A_834 = vector.shape_cast %get3A_833 : vector<1x8x1792xf32> to vector<8x1792xf32>
      %slice3A_835 = vector.extract_strided_slice %broadcast_in_dim3A_74 {offsets = [192, 0], sizes = [8, 1], strides = [1, 1]} : vector<384x1xf32> to vector<8x1xf32>
      %sub3A_836 = vector.broadcast %slice3A_835 : vector<8x1xf32> to vector<8x1792xf32>
      %sub3A_837 = arith.subf %get3A_834, %sub3A_836 : vector<8x1792xf32>
      %mul3A_838 = arith.mulf %sub3A_837, %sub3A_837 : vector<8x1792xf32>
      %add3A_839 = arith.addf %add3A_829, %mul3A_838 : vector<8x1792xf32>
      %get3A_840 = arith.constant 1 : index
      %get3A_841 = arith.constant 200 : index
      %get3A_842 = arith.constant 0 : index
      %get3A_843 = vector.load %arg0[%get3A_840, %get3A_841, %get3A_842] : memref<7x384x1792xf32, #tpu.memory_space<vmem>>, vector<1x8x1792xf32>
      %get3A_844 = vector.shape_cast %get3A_843 : vector<1x8x1792xf32> to vector<8x1792xf32>
      %slice3A_845 = vector.extract_strided_slice %broadcast_in_dim3A_74 {offsets = [200, 0], sizes = [8, 1], strides = [1, 1]} : vector<384x1xf32> to vector<8x1xf32>
      %sub3A_846 = vector.broadcast %slice3A_845 : vector<8x1xf32> to vector<8x1792xf32>
      %sub3A_847 = arith.subf %get3A_844, %sub3A_846 : vector<8x1792xf32>
      %mul3A_848 = arith.mulf %sub3A_847, %sub3A_847 : vector<8x1792xf32>
      %add3A_849 = arith.addf %add3A_839, %mul3A_848 : vector<8x1792xf32>
      %get3A_850 = arith.constant 1 : index
      %get3A_851 = arith.constant 208 : index
      %get3A_852 = arith.constant 0 : index
      %get3A_853 = vector.load %arg0[%get3A_850, %get3A_851, %get3A_852] : memref<7x384x1792xf32, #tpu.memory_space<vmem>>, vector<1x8x1792xf32>
      %get3A_854 = vector.shape_cast %get3A_853 : vector<1x8x1792xf32> to vector<8x1792xf32>
      %slice3A_855 = vector.extract_strided_slice %broadcast_in_dim3A_74 {offsets = [208, 0], sizes = [8, 1], strides = [1, 1]} : vector<384x1xf32> to vector<8x1xf32>
      %sub3A_856 = vector.broadcast %slice3A_855 : vector<8x1xf32> to vector<8x1792xf32>
      %sub3A_857 = arith.subf %get3A_854, %sub3A_856 : vector<8x1792xf32>
      %mul3A_858 = arith.mulf %sub3A_857, %sub3A_857 : vector<8x1792xf32>
      %add3A_859 = arith.addf %add3A_849, %mul3A_858 : vector<8x1792xf32>
      %get3A_860 = arith.constant 1 : index
      %get3A_861 = arith.constant 216 : index
      %get3A_862 = arith.constant 0 : index
      %get3A_863 = vector.load %arg0[%get3A_860, %get3A_861, %get3A_862] : memref<7x384x1792xf32, #tpu.memory_space<vmem>>, vector<1x8x1792xf32>
      %get3A_864 = vector.shape_cast %get3A_863 : vector<1x8x1792xf32> to vector<8x1792xf32>
      %slice3A_865 = vector.extract_strided_slice %broadcast_in_dim3A_74 {offsets = [216, 0], sizes = [8, 1], strides = [1, 1]} : vector<384x1xf32> to vector<8x1xf32>
      %sub3A_866 = vector.broadcast %slice3A_865 : vector<8x1xf32> to vector<8x1792xf32>
      %sub3A_867 = arith.subf %get3A_864, %sub3A_866 : vector<8x1792xf32>
      %mul3A_868 = arith.mulf %sub3A_867, %sub3A_867 : vector<8x1792xf32>
      %add3A_869 = arith.addf %add3A_859, %mul3A_868 : vector<8x1792xf32>
      %get3A_870 = arith.constant 1 : index
      %get3A_871 = arith.constant 224 : index
      %get3A_872 = arith.constant 0 : index
      %get3A_873 = vector.load %arg0[%get3A_870, %get3A_871, %get3A_872] : memref<7x384x1792xf32, #tpu.memory_space<vmem>>, vector<1x8x1792xf32>
      %get3A_874 = vector.shape_cast %get3A_873 : vector<1x8x1792xf32> to vector<8x1792xf32>
      %slice3A_875 = vector.extract_strided_slice %broadcast_in_dim3A_74 {offsets = [224, 0], sizes = [8, 1], strides = [1, 1]} : vector<384x1xf32> to vector<8x1xf32>
      %sub3A_876 = vector.broadcast %slice3A_875 : vector<8x1xf32> to vector<8x1792xf32>
      %sub3A_877 = arith.subf %get3A_874, %sub3A_876 : vector<8x1792xf32>
      %mul3A_878 = arith.mulf %sub3A_877, %sub3A_877 : vector<8x1792xf32>
      %add3A_879 = arith.addf %add3A_869, %mul3A_878 : vector<8x1792xf32>
      %get3A_880 = arith.constant 1 : index
      %get3A_881 = arith.constant 232 : index
      %get3A_882 = arith.constant 0 : index
      %get3A_883 = vector.load %arg0[%get3A_880, %get3A_881, %get3A_882] : memref<7x384x1792xf32, #tpu.memory_space<vmem>>, vector<1x8x1792xf32>
      %get3A_884 = vector.shape_cast %get3A_883 : vector<1x8x1792xf32> to vector<8x1792xf32>
      %slice3A_885 = vector.extract_strided_slice %broadcast_in_dim3A_74 {offsets = [232, 0], sizes = [8, 1], strides = [1, 1]} : vector<384x1xf32> to vector<8x1xf32>
      %sub3A_886 = vector.broadcast %slice3A_885 : vector<8x1xf32> to vector<8x1792xf32>
      %sub3A_887 = arith.subf %get3A_884, %sub3A_886 : vector<8x1792xf32>
      %mul3A_888 = arith.mulf %sub3A_887, %sub3A_887 : vector<8x1792xf32>
      %add3A_889 = arith.addf %add3A_879, %mul3A_888 : vector<8x1792xf32>
      %get3A_890 = arith.constant 1 : index
      %get3A_891 = arith.constant 240 : index
      %get3A_892 = arith.constant 0 : index
      %get3A_893 = vector.load %arg0[%get3A_890, %get3A_891, %get3A_892] : memref<7x384x1792xf32, #tpu.memory_space<vmem>>, vector<1x8x1792xf32>
      %get3A_894 = vector.shape_cast %get3A_893 : vector<1x8x1792xf32> to vector<8x1792xf32>
      %slice3A_895 = vector.extract_strided_slice %broadcast_in_dim3A_74 {offsets = [240, 0], sizes = [8, 1], strides = [1, 1]} : vector<384x1xf32> to vector<8x1xf32>
      %sub3A_896 = vector.broadcast %slice3A_895 : vector<8x1xf32> to vector<8x1792xf32>
      %sub3A_897 = arith.subf %get3A_894, %sub3A_896 : vector<8x1792xf32>
      %mul3A_898 = arith.mulf %sub3A_897, %sub3A_897 : vector<8x1792xf32>
      %add3A_899 = arith.addf %add3A_889, %mul3A_898 : vector<8x1792xf32>
      %get3A_900 = arith.constant 1 : index
      %get3A_901 = arith.constant 248 : index
      %get3A_902 = arith.constant 0 : index
      %get3A_903 = vector.load %arg0[%get3A_900, %get3A_901, %get3A_902] : memref<7x384x1792xf32, #tpu.memory_space<vmem>>, vector<1x8x1792xf32>
      %get3A_904 = vector.shape_cast %get3A_903 : vector<1x8x1792xf32> to vector<8x1792xf32>
      %slice3A_905 = vector.extract_strided_slice %broadcast_in_dim3A_74 {offsets = [248, 0], sizes = [8, 1], strides = [1, 1]} : vector<384x1xf32> to vector<8x1xf32>
      %sub3A_906 = vector.broadcast %slice3A_905 : vector<8x1xf32> to vector<8x1792xf32>
      %sub3A_907 = arith.subf %get3A_904, %sub3A_906 : vector<8x1792xf32>
      %mul3A_908 = arith.mulf %sub3A_907, %sub3A_907 : vector<8x1792xf32>
      %add3A_909 = arith.addf %add3A_899, %mul3A_908 : vector<8x1792xf32>
      %roll3A_910 = arith.constant 4 : i32
      %roll3A_911 = tpu.dynamic_rotate %add3A_909 by %roll3A_910 dim 0 : vector<8x1792xf32>, i32 -> vector<8x1792xf32>
      %add3A_912 = arith.addf %add3A_909, %roll3A_911 : vector<8x1792xf32>
      %roll3A_913 = arith.constant 2 : i32
      %roll3A_914 = tpu.dynamic_rotate %add3A_912 by %roll3A_913 dim 0 : vector<8x1792xf32>, i32 -> vector<8x1792xf32>
      %add3A_915 = arith.addf %add3A_912, %roll3A_914 : vector<8x1792xf32>
      %roll3A_916 = arith.constant 1 : i32
      %roll3A_917 = tpu.dynamic_rotate %add3A_915 by %roll3A_916 dim 0 : vector<8x1792xf32>, i32 -> vector<8x1792xf32>
      %add3A_918 = arith.addf %add3A_915, %roll3A_917 : vector<8x1792xf32>
      %add3A_919 = arith.addf %add3A_750, %add3A_918 : vector<8x1792xf32>
      %get3A_920 = arith.constant 1 : index
      %get3A_921 = arith.constant 256 : index
      %get3A_922 = arith.constant 0 : index
      %get3A_923 = vector.load %arg0[%get3A_920, %get3A_921, %get3A_922] : memref<7x384x1792xf32, #tpu.memory_space<vmem>>, vector<1x8x1792xf32>
      %get3A_924 = vector.shape_cast %get3A_923 : vector<1x8x1792xf32> to vector<8x1792xf32>
      %slice3A_925 = vector.extract_strided_slice %broadcast_in_dim3A_74 {offsets = [256, 0], sizes = [8, 1], strides = [1, 1]} : vector<384x1xf32> to vector<8x1xf32>
      %sub3A_926 = vector.broadcast %slice3A_925 : vector<8x1xf32> to vector<8x1792xf32>
      %sub3A_927 = arith.subf %get3A_924, %sub3A_926 : vector<8x1792xf32>
      %mul3A_928 = arith.mulf %sub3A_927, %sub3A_927 : vector<8x1792xf32>
      %get3A_929 = arith.constant 1 : index
      %get3A_930 = arith.constant 264 : index
      %get3A_931 = arith.constant 0 : index
      %get3A_932 = vector.load %arg0[%get3A_929, %get3A_930, %get3A_931] : memref<7x384x1792xf32, #tpu.memory_space<vmem>>, vector<1x8x1792xf32>
      %get3A_933 = vector.shape_cast %get3A_932 : vector<1x8x1792xf32> to vector<8x1792xf32>
      %slice3A_934 = vector.extract_strided_slice %broadcast_in_dim3A_74 {offsets = [264, 0], sizes = [8, 1], strides = [1, 1]} : vector<384x1xf32> to vector<8x1xf32>
      %sub3A_935 = vector.broadcast %slice3A_934 : vector<8x1xf32> to vector<8x1792xf32>
      %sub3A_936 = arith.subf %get3A_933, %sub3A_935 : vector<8x1792xf32>
      %mul3A_937 = arith.mulf %sub3A_936, %sub3A_936 : vector<8x1792xf32>
      %add3A_938 = arith.addf %mul3A_928, %mul3A_937 : vector<8x1792xf32>
      %get3A_939 = arith.constant 1 : index
      %get3A_940 = arith.constant 272 : index
      %get3A_941 = arith.constant 0 : index
      %get3A_942 = vector.load %arg0[%get3A_939, %get3A_940, %get3A_941] : memref<7x384x1792xf32, #tpu.memory_space<vmem>>, vector<1x8x1792xf32>
      %get3A_943 = vector.shape_cast %get3A_942 : vector<1x8x1792xf32> to vector<8x1792xf32>
      %slice3A_944 = vector.extract_strided_slice %broadcast_in_dim3A_74 {offsets = [272, 0], sizes = [8, 1], strides = [1, 1]} : vector<384x1xf32> to vector<8x1xf32>
      %sub3A_945 = vector.broadcast %slice3A_944 : vector<8x1xf32> to vector<8x1792xf32>
      %sub3A_946 = arith.subf %get3A_943, %sub3A_945 : vector<8x1792xf32>
      %mul3A_947 = arith.mulf %sub3A_946, %sub3A_946 : vector<8x1792xf32>
      %add3A_948 = arith.addf %add3A_938, %mul3A_947 : vector<8x1792xf32>
      %get3A_949 = arith.constant 1 : index
      %get3A_950 = arith.constant 280 : index
      %get3A_951 = arith.constant 0 : index
      %get3A_952 = vector.load %arg0[%get3A_949, %get3A_950, %get3A_951] : memref<7x384x1792xf32, #tpu.memory_space<vmem>>, vector<1x8x1792xf32>
      %get3A_953 = vector.shape_cast %get3A_952 : vector<1x8x1792xf32> to vector<8x1792xf32>
      %slice3A_954 = vector.extract_strided_slice %broadcast_in_dim3A_74 {offsets = [280, 0], sizes = [8, 1], strides = [1, 1]} : vector<384x1xf32> to vector<8x1xf32>
      %sub3A_955 = vector.broadcast %slice3A_954 : vector<8x1xf32> to vector<8x1792xf32>
      %sub3A_956 = arith.subf %get3A_953, %sub3A_955 : vector<8x1792xf32>
      %mul3A_957 = arith.mulf %sub3A_956, %sub3A_956 : vector<8x1792xf32>
      %add3A_958 = arith.addf %add3A_948, %mul3A_957 : vector<8x1792xf32>
      %get3A_959 = arith.constant 1 : index
      %get3A_960 = arith.constant 288 : index
      %get3A_961 = arith.constant 0 : index
      %get3A_962 = vector.load %arg0[%get3A_959, %get3A_960, %get3A_961] : memref<7x384x1792xf32, #tpu.memory_space<vmem>>, vector<1x8x1792xf32>
      %get3A_963 = vector.shape_cast %get3A_962 : vector<1x8x1792xf32> to vector<8x1792xf32>
      %slice3A_964 = vector.extract_strided_slice %broadcast_in_dim3A_74 {offsets = [288, 0], sizes = [8, 1], strides = [1, 1]} : vector<384x1xf32> to vector<8x1xf32>
      %sub3A_965 = vector.broadcast %slice3A_964 : vector<8x1xf32> to vector<8x1792xf32>
      %sub3A_966 = arith.subf %get3A_963, %sub3A_965 : vector<8x1792xf32>
      %mul3A_967 = arith.mulf %sub3A_966, %sub3A_966 : vector<8x1792xf32>
      %add3A_968 = arith.addf %add3A_958, %mul3A_967 : vector<8x1792xf32>
      %get3A_969 = arith.constant 1 : index
      %get3A_970 = arith.constant 296 : index
      %get3A_971 = arith.constant 0 : index
      %get3A_972 = vector.load %arg0[%get3A_969, %get3A_970, %get3A_971] : memref<7x384x1792xf32, #tpu.memory_space<vmem>>, vector<1x8x1792xf32>
      %get3A_973 = vector.shape_cast %get3A_972 : vector<1x8x1792xf32> to vector<8x1792xf32>
      %slice3A_974 = vector.extract_strided_slice %broadcast_in_dim3A_74 {offsets = [296, 0], sizes = [8, 1], strides = [1, 1]} : vector<384x1xf32> to vector<8x1xf32>
      %sub3A_975 = vector.broadcast %slice3A_974 : vector<8x1xf32> to vector<8x1792xf32>
      %sub3A_976 = arith.subf %get3A_973, %sub3A_975 : vector<8x1792xf32>
      %mul3A_977 = arith.mulf %sub3A_976, %sub3A_976 : vector<8x1792xf32>
      %add3A_978 = arith.addf %add3A_968, %mul3A_977 : vector<8x1792xf32>
      %get3A_979 = arith.constant 1 : index
      %get3A_980 = arith.constant 304 : index
      %get3A_981 = arith.constant 0 : index
      %get3A_982 = vector.load %arg0[%get3A_979, %get3A_980, %get3A_981] : memref<7x384x1792xf32, #tpu.memory_space<vmem>>, vector<1x8x1792xf32>
      %get3A_983 = vector.shape_cast %get3A_982 : vector<1x8x1792xf32> to vector<8x1792xf32>
      %slice3A_984 = vector.extract_strided_slice %broadcast_in_dim3A_74 {offsets = [304, 0], sizes = [8, 1], strides = [1, 1]} : vector<384x1xf32> to vector<8x1xf32>
      %sub3A_985 = vector.broadcast %slice3A_984 : vector<8x1xf32> to vector<8x1792xf32>
      %sub3A_986 = arith.subf %get3A_983, %sub3A_985 : vector<8x1792xf32>
      %mul3A_987 = arith.mulf %sub3A_986, %sub3A_986 : vector<8x1792xf32>
      %add3A_988 = arith.addf %add3A_978, %mul3A_987 : vector<8x1792xf32>
      %get3A_989 = arith.constant 1 : index
      %get3A_990 = arith.constant 312 : index
      %get3A_991 = arith.constant 0 : index
      %get3A_992 = vector.load %arg0[%get3A_989, %get3A_990, %get3A_991] : memref<7x384x1792xf32, #tpu.memory_space<vmem>>, vector<1x8x1792xf32>
      %get3A_993 = vector.shape_cast %get3A_992 : vector<1x8x1792xf32> to vector<8x1792xf32>
      %slice3A_994 = vector.extract_strided_slice %broadcast_in_dim3A_74 {offsets = [312, 0], sizes = [8, 1], strides = [1, 1]} : vector<384x1xf32> to vector<8x1xf32>
      %sub3A_995 = vector.broadcast %slice3A_994 : vector<8x1xf32> to vector<8x1792xf32>
      %sub3A_996 = arith.subf %get3A_993, %sub3A_995 : vector<8x1792xf32>
      %mul3A_997 = arith.mulf %sub3A_996, %sub3A_996 : vector<8x1792xf32>
      %add3A_998 = arith.addf %add3A_988, %mul3A_997 : vector<8x1792xf32>
      %get3A_999 = arith.constant 1 : index
      %get3A_1000 = arith.constant 320 : index
      %get3A_1001 = arith.constant 0 : index
      %get3A_1002 = vector.load %arg0[%get3A_999, %get3A_1000, %get3A_1001] : memref<7x384x1792xf32, #tpu.memory_space<vmem>>, vector<1x8x1792xf32>
      %get3A_1003 = vector.shape_cast %get3A_1002 : vector<1x8x1792xf32> to vector<8x1792xf32>
      %slice3A_1004 = vector.extract_strided_slice %broadcast_in_dim3A_74 {offsets = [320, 0], sizes = [8, 1], strides = [1, 1]} : vector<384x1xf32> to vector<8x1xf32>
      %sub3A_1005 = vector.broadcast %slice3A_1004 : vector<8x1xf32> to vector<8x1792xf32>
      %sub3A_1006 = arith.subf %get3A_1003, %sub3A_1005 : vector<8x1792xf32>
      %mul3A_1007 = arith.mulf %sub3A_1006, %sub3A_1006 : vector<8x1792xf32>
      %add3A_1008 = arith.addf %add3A_998, %mul3A_1007 : vector<8x1792xf32>
      %get3A_1009 = arith.constant 1 : index
      %get3A_1010 = arith.constant 328 : index
      %get3A_1011 = arith.constant 0 : index
      %get3A_1012 = vector.load %arg0[%get3A_1009, %get3A_1010, %get3A_1011] : memref<7x384x1792xf32, #tpu.memory_space<vmem>>, vector<1x8x1792xf32>
      %get3A_1013 = vector.shape_cast %get3A_1012 : vector<1x8x1792xf32> to vector<8x1792xf32>
      %slice3A_1014 = vector.extract_strided_slice %broadcast_in_dim3A_74 {offsets = [328, 0], sizes = [8, 1], strides = [1, 1]} : vector<384x1xf32> to vector<8x1xf32>
      %sub3A_1015 = vector.broadcast %slice3A_1014 : vector<8x1xf32> to vector<8x1792xf32>
      %sub3A_1016 = arith.subf %get3A_1013, %sub3A_1015 : vector<8x1792xf32>
      %mul3A_1017 = arith.mulf %sub3A_1016, %sub3A_1016 : vector<8x1792xf32>
      %add3A_1018 = arith.addf %add3A_1008, %mul3A_1017 : vector<8x1792xf32>
      %get3A_1019 = arith.constant 1 : index
      %get3A_1020 = arith.constant 336 : index
      %get3A_1021 = arith.constant 0 : index
      %get3A_1022 = vector.load %arg0[%get3A_1019, %get3A_1020, %get3A_1021] : memref<7x384x1792xf32, #tpu.memory_space<vmem>>, vector<1x8x1792xf32>
      %get3A_1023 = vector.shape_cast %get3A_1022 : vector<1x8x1792xf32> to vector<8x1792xf32>
      %slice3A_1024 = vector.extract_strided_slice %broadcast_in_dim3A_74 {offsets = [336, 0], sizes = [8, 1], strides = [1, 1]} : vector<384x1xf32> to vector<8x1xf32>
      %sub3A_1025 = vector.broadcast %slice3A_1024 : vector<8x1xf32> to vector<8x1792xf32>
      %sub3A_1026 = arith.subf %get3A_1023, %sub3A_1025 : vector<8x1792xf32>
      %mul3A_1027 = arith.mulf %sub3A_1026, %sub3A_1026 : vector<8x1792xf32>
      %add3A_1028 = arith.addf %add3A_1018, %mul3A_1027 : vector<8x1792xf32>
      %get3A_1029 = arith.constant 1 : index
      %get3A_1030 = arith.constant 344 : index
      %get3A_1031 = arith.constant 0 : index
      %get3A_1032 = vector.load %arg0[%get3A_1029, %get3A_1030, %get3A_1031] : memref<7x384x1792xf32, #tpu.memory_space<vmem>>, vector<1x8x1792xf32>
      %get3A_1033 = vector.shape_cast %get3A_1032 : vector<1x8x1792xf32> to vector<8x1792xf32>
      %slice3A_1034 = vector.extract_strided_slice %broadcast_in_dim3A_74 {offsets = [344, 0], sizes = [8, 1], strides = [1, 1]} : vector<384x1xf32> to vector<8x1xf32>
      %sub3A_1035 = vector.broadcast %slice3A_1034 : vector<8x1xf32> to vector<8x1792xf32>
      %sub3A_1036 = arith.subf %get3A_1033, %sub3A_1035 : vector<8x1792xf32>
      %mul3A_1037 = arith.mulf %sub3A_1036, %sub3A_1036 : vector<8x1792xf32>
      %add3A_1038 = arith.addf %add3A_1028, %mul3A_1037 : vector<8x1792xf32>
      %get3A_1039 = arith.constant 1 : index
      %get3A_1040 = arith.constant 352 : index
      %get3A_1041 = arith.constant 0 : index
      %get3A_1042 = vector.load %arg0[%get3A_1039, %get3A_1040, %get3A_1041] : memref<7x384x1792xf32, #tpu.memory_space<vmem>>, vector<1x8x1792xf32>
      %get3A_1043 = vector.shape_cast %get3A_1042 : vector<1x8x1792xf32> to vector<8x1792xf32>
      %slice3A_1044 = vector.extract_strided_slice %broadcast_in_dim3A_74 {offsets = [352, 0], sizes = [8, 1], strides = [1, 1]} : vector<384x1xf32> to vector<8x1xf32>
      %sub3A_1045 = vector.broadcast %slice3A_1044 : vector<8x1xf32> to vector<8x1792xf32>
      %sub3A_1046 = arith.subf %get3A_1043, %sub3A_1045 : vector<8x1792xf32>
      %mul3A_1047 = arith.mulf %sub3A_1046, %sub3A_1046 : vector<8x1792xf32>
      %add3A_1048 = arith.addf %add3A_1038, %mul3A_1047 : vector<8x1792xf32>
      %get3A_1049 = arith.constant 1 : index
      %get3A_1050 = arith.constant 360 : index
      %get3A_1051 = arith.constant 0 : index
      %get3A_1052 = vector.load %arg0[%get3A_1049, %get3A_1050, %get3A_1051] : memref<7x384x1792xf32, #tpu.memory_space<vmem>>, vector<1x8x1792xf32>
      %get3A_1053 = vector.shape_cast %get3A_1052 : vector<1x8x1792xf32> to vector<8x1792xf32>
      %slice3A_1054 = vector.extract_strided_slice %broadcast_in_dim3A_74 {offsets = [360, 0], sizes = [8, 1], strides = [1, 1]} : vector<384x1xf32> to vector<8x1xf32>
      %sub3A_1055 = vector.broadcast %slice3A_1054 : vector<8x1xf32> to vector<8x1792xf32>
      %sub3A_1056 = arith.subf %get3A_1053, %sub3A_1055 : vector<8x1792xf32>
      %mul3A_1057 = arith.mulf %sub3A_1056, %sub3A_1056 : vector<8x1792xf32>
      %add3A_1058 = arith.addf %add3A_1048, %mul3A_1057 : vector<8x1792xf32>
      %get3A_1059 = arith.constant 1 : index
      %get3A_1060 = arith.constant 368 : index
      %get3A_1061 = arith.constant 0 : index
      %get3A_1062 = vector.load %arg0[%get3A_1059, %get3A_1060, %get3A_1061] : memref<7x384x1792xf32, #tpu.memory_space<vmem>>, vector<1x8x1792xf32>
      %get3A_1063 = vector.shape_cast %get3A_1062 : vector<1x8x1792xf32> to vector<8x1792xf32>
      %slice3A_1064 = vector.extract_strided_slice %broadcast_in_dim3A_74 {offsets = [368, 0], sizes = [8, 1], strides = [1, 1]} : vector<384x1xf32> to vector<8x1xf32>
      %sub3A_1065 = vector.broadcast %slice3A_1064 : vector<8x1xf32> to vector<8x1792xf32>
      %sub3A_1066 = arith.subf %get3A_1063, %sub3A_1065 : vector<8x1792xf32>
      %mul3A_1067 = arith.mulf %sub3A_1066, %sub3A_1066 : vector<8x1792xf32>
      %add3A_1068 = arith.addf %add3A_1058, %mul3A_1067 : vector<8x1792xf32>
      %get3A_1069 = arith.constant 1 : index
      %get3A_1070 = arith.constant 376 : index
      %get3A_1071 = arith.constant 0 : index
      %get3A_1072 = vector.load %arg0[%get3A_1069, %get3A_1070, %get3A_1071] : memref<7x384x1792xf32, #tpu.memory_space<vmem>>, vector<1x8x1792xf32>
      %get3A_1073 = vector.shape_cast %get3A_1072 : vector<1x8x1792xf32> to vector<8x1792xf32>
      %slice3A_1074 = vector.extract_strided_slice %broadcast_in_dim3A_74 {offsets = [376, 0], sizes = [8, 1], strides = [1, 1]} : vector<384x1xf32> to vector<8x1xf32>
      %sub3A_1075 = vector.broadcast %slice3A_1074 : vector<8x1xf32> to vector<8x1792xf32>
      %sub3A_1076 = arith.subf %get3A_1073, %sub3A_1075 : vector<8x1792xf32>
      %mul3A_1077 = arith.mulf %sub3A_1076, %sub3A_1076 : vector<8x1792xf32>
      %add3A_1078 = arith.addf %add3A_1068, %mul3A_1077 : vector<8x1792xf32>
      %roll3A_1079 = arith.constant 4 : i32
      %roll3A_1080 = tpu.dynamic_rotate %add3A_1078 by %roll3A_1079 dim 0 : vector<8x1792xf32>, i32 -> vector<8x1792xf32>
      %add3A_1081 = arith.addf %add3A_1078, %roll3A_1080 : vector<8x1792xf32>
      %roll3A_1082 = arith.constant 2 : i32
      %roll3A_1083 = tpu.dynamic_rotate %add3A_1081 by %roll3A_1082 dim 0 : vector<8x1792xf32>, i32 -> vector<8x1792xf32>
      %add3A_1084 = arith.addf %add3A_1081, %roll3A_1083 : vector<8x1792xf32>
      %roll3A_1085 = arith.constant 1 : i32
      %roll3A_1086 = tpu.dynamic_rotate %add3A_1084 by %roll3A_1085 dim 0 : vector<8x1792xf32>, i32 -> vector<8x1792xf32>
      %add3A_1087 = arith.addf %add3A_1084, %roll3A_1086 : vector<8x1792xf32>
      %add3A_1088 = arith.addf %add3A_919, %add3A_1087 : vector<8x1792xf32>
      %slice3A_1089 = vector.extract_strided_slice %add3A_1088 {offsets = [0, 0], sizes = [1, 1792], strides = [1, 1]} : vector<8x1792xf32> to vector<1x1792xf32>
      %swap3A_1090 = arith.constant 1 : index
      %swap3A_1091 = arith.constant 0 : index
      %swap3A_1092 = vector.load %arg4[%swap3A_1090, %swap3A_1091] : memref<8x1792xf32, #tpu.memory_space<vmem>>, vector<1x1792xf32>
      tpu.vector_store %arg4[%swap3A_1090, %swap3A_1091], %slice3A_1089 {strides = array<i32>} : memref<8x1792xf32, #tpu.memory_space<vmem>>, vector<1x1792xf32>,
      %get3A_1093 = arith.constant 2 : index
      %get3A_1094 = arith.constant 0 : index
      %get3A_1095 = arith.constant 0 : index
      %get3A_1096 = vector.load %arg0[%get3A_1093, %get3A_1094, %get3A_1095] : memref<7x384x1792xf32, #tpu.memory_space<vmem>>, vector<1x8x1792xf32>
      %get3A_1097 = vector.shape_cast %get3A_1096 : vector<1x8x1792xf32> to vector<8x1792xf32>
      %slice3A_1098 = vector.extract_strided_slice %broadcast_in_dim3A_74 {offsets = [0, 0], sizes = [8, 1], strides = [1, 1]} : vector<384x1xf32> to vector<8x1xf32>
      %sub3A_1099 = vector.broadcast %slice3A_1098 : vector<8x1xf32> to vector<8x1792xf32>
      %sub3A_1100 = arith.subf %get3A_1097, %sub3A_1099 : vector<8x1792xf32>
      %mul3A_1101 = arith.mulf %sub3A_1100, %sub3A_1100 : vector<8x1792xf32>
      %get3A_1102 = arith.constant 2 : index
      %get3A_1103 = arith.constant 8 : index
      %get3A_1104 = arith.constant 0 : index
      %get3A_1105 = vector.load %arg0[%get3A_1102, %get3A_1103, %get3A_1104] : memref<7x384x1792xf32, #tpu.memory_space<vmem>>, vector<1x8x1792xf32>
      %get3A_1106 = vector.shape_cast %get3A_1105 : vector<1x8x1792xf32> to vector<8x1792xf32>
      %slice3A_1107 = vector.extract_strided_slice %broadcast_in_dim3A_74 {offsets = [8, 0], sizes = [8, 1], strides = [1, 1]} : vector<384x1xf32> to vector<8x1xf32>
      %sub3A_1108 = vector.broadcast %slice3A_1107 : vector<8x1xf32> to vector<8x1792xf32>
      %sub3A_1109 = arith.subf %get3A_1106, %sub3A_1108 : vector<8x1792xf32>
      %mul3A_1110 = arith.mulf %sub3A_1109, %sub3A_1109 : vector<8x1792xf32>
      %add3A_1111 = arith.addf %mul3A_1101, %mul3A_1110 : vector<8x1792xf32>
      %get3A_1112 = arith.constant 2 : index
      %get3A_1113 = arith.constant 16 : index
      %get3A_1114 = arith.constant 0 : index
      %get3A_1115 = vector.load %arg0[%get3A_1112, %get3A_1113, %get3A_1114] : memref<7x384x1792xf32, #tpu.memory_space<vmem>>, vector<1x8x1792xf32>
      %get3A_1116 = vector.shape_cast %get3A_1115 : vector<1x8x1792xf32> to vector<8x1792xf32>
      %slice3A_1117 = vector.extract_strided_slice %broadcast_in_dim3A_74 {offsets = [16, 0], sizes = [8, 1], strides = [1, 1]} : vector<384x1xf32> to vector<8x1xf32>
      %sub3A_1118 = vector.broadcast %slice3A_1117 : vector<8x1xf32> to vector<8x1792xf32>
      %sub3A_1119 = arith.subf %get3A_1116, %sub3A_1118 : vector<8x1792xf32>
      %mul3A_1120 = arith.mulf %sub3A_1119, %sub3A_1119 : vector<8x1792xf32>
      %add3A_1121 = arith.addf %add3A_1111, %mul3A_1120 : vector<8x1792xf32>
      %get3A_1122 = arith.constant 2 : index
      %get3A_1123 = arith.constant 24 : index
      %get3A_1124 = arith.constant 0 : index
      %get3A_1125 = vector.load %arg0[%get3A_1122, %get3A_1123, %get3A_1124] : memref<7x384x1792xf32, #tpu.memory_space<vmem>>, vector<1x8x1792xf32>
      %get3A_1126 = vector.shape_cast %get3A_1125 : vector<1x8x1792xf32> to vector<8x1792xf32>
      %slice3A_1127 = vector.extract_strided_slice %broadcast_in_dim3A_74 {offsets = [24, 0], sizes = [8, 1], strides = [1, 1]} : vector<384x1xf32> to vector<8x1xf32>
      %sub3A_1128 = vector.broadcast %slice3A_1127 : vector<8x1xf32> to vector<8x1792xf32>
      %sub3A_1129 = arith.subf %get3A_1126, %sub3A_1128 : vector<8x1792xf32>
      %mul3A_1130 = arith.mulf %sub3A_1129, %sub3A_1129 : vector<8x1792xf32>
      %add3A_1131 = arith.addf %add3A_1121, %mul3A_1130 : vector<8x1792xf32>
      %get3A_1132 = arith.constant 2 : index
      %get3A_1133 = arith.constant 32 : index
      %get3A_1134 = arith.constant 0 : index
      %get3A_1135 = vector.load %arg0[%get3A_1132, %get3A_1133, %get3A_1134] : memref<7x384x1792xf32, #tpu.memory_space<vmem>>, vector<1x8x1792xf32>
      %get3A_1136 = vector.shape_cast %get3A_1135 : vector<1x8x1792xf32> to vector<8x1792xf32>
      %slice3A_1137 = vector.extract_strided_slice %broadcast_in_dim3A_74 {offsets = [32, 0], sizes = [8, 1], strides = [1, 1]} : vector<384x1xf32> to vector<8x1xf32>
      %sub3A_1138 = vector.broadcast %slice3A_1137 : vector<8x1xf32> to vector<8x1792xf32>
      %sub3A_1139 = arith.subf %get3A_1136, %sub3A_1138 : vector<8x1792xf32>
      %mul3A_1140 = arith.mulf %sub3A_1139, %sub3A_1139 : vector<8x1792xf32>
      %add3A_1141 = arith.addf %add3A_1131, %mul3A_1140 : vector<8x1792xf32>
      %get3A_1142 = arith.constant 2 : index
      %get3A_1143 = arith.constant 40 : index
      %get3A_1144 = arith.constant 0 : index
      %get3A_1145 = vector.load %arg0[%get3A_1142, %get3A_1143, %get3A_1144] : memref<7x384x1792xf32, #tpu.memory_space<vmem>>, vector<1x8x1792xf32>
      %get3A_1146 = vector.shape_cast %get3A_1145 : vector<1x8x1792xf32> to vector<8x1792xf32>
      %slice3A_1147 = vector.extract_strided_slice %broadcast_in_dim3A_74 {offsets = [40, 0], sizes = [8, 1], strides = [1, 1]} : vector<384x1xf32> to vector<8x1xf32>
      %sub3A_1148 = vector.broadcast %slice3A_1147 : vector<8x1xf32> to vector<8x1792xf32>
      %sub3A_1149 = arith.subf %get3A_1146, %sub3A_1148 : vector<8x1792xf32>
      %mul3A_1150 = arith.mulf %sub3A_1149, %sub3A_1149 : vector<8x1792xf32>
      %add3A_1151 = arith.addf %add3A_1141, %mul3A_1150 : vector<8x1792xf32>
      %get3A_1152 = arith.constant 2 : index
      %get3A_1153 = arith.constant 48 : index
      %get3A_1154 = arith.constant 0 : index
      %get3A_1155 = vector.load %arg0[%get3A_1152, %get3A_1153, %get3A_1154] : memref<7x384x1792xf32, #tpu.memory_space<vmem>>, vector<1x8x1792xf32>
      %get3A_1156 = vector.shape_cast %get3A_1155 : vector<1x8x1792xf32> to vector<8x1792xf32>
      %slice3A_1157 = vector.extract_strided_slice %broadcast_in_dim3A_74 {offsets = [48, 0], sizes = [8, 1], strides = [1, 1]} : vector<384x1xf32> to vector<8x1xf32>
      %sub3A_1158 = vector.broadcast %slice3A_1157 : vector<8x1xf32> to vector<8x1792xf32>
      %sub3A_1159 = arith.subf %get3A_1156, %sub3A_1158 : vector<8x1792xf32>
      %mul3A_1160 = arith.mulf %sub3A_1159, %sub3A_1159 : vector<8x1792xf32>
      %add3A_1161 = arith.addf %add3A_1151, %mul3A_1160 : vector<8x1792xf32>
      %get3A_1162 = arith.constant 2 : index
      %get3A_1163 = arith.constant 56 : index
      %get3A_1164 = arith.constant 0 : index
      %get3A_1165 = vector.load %arg0[%get3A_1162, %get3A_1163, %get3A_1164] : memref<7x384x1792xf32, #tpu.memory_space<vmem>>, vector<1x8x1792xf32>
      %get3A_1166 = vector.shape_cast %get3A_1165 : vector<1x8x1792xf32> to vector<8x1792xf32>
      %slice3A_1167 = vector.extract_strided_slice %broadcast_in_dim3A_74 {offsets = [56, 0], sizes = [8, 1], strides = [1, 1]} : vector<384x1xf32> to vector<8x1xf32>
      %sub3A_1168 = vector.broadcast %slice3A_1167 : vector<8x1xf32> to vector<8x1792xf32>
      %sub3A_1169 = arith.subf %get3A_1166, %sub3A_1168 : vector<8x1792xf32>
      %mul3A_1170 = arith.mulf %sub3A_1169, %sub3A_1169 : vector<8x1792xf32>
      %add3A_1171 = arith.addf %add3A_1161, %mul3A_1170 : vector<8x1792xf32>
      %get3A_1172 = arith.constant 2 : index
      %get3A_1173 = arith.constant 64 : index
      %get3A_1174 = arith.constant 0 : index
      %get3A_1175 = vector.load %arg0[%get3A_1172, %get3A_1173, %get3A_1174] : memref<7x384x1792xf32, #tpu.memory_space<vmem>>, vector<1x8x1792xf32>
      %get3A_1176 = vector.shape_cast %get3A_1175 : vector<1x8x1792xf32> to vector<8x1792xf32>
      %slice3A_1177 = vector.extract_strided_slice %broadcast_in_dim3A_74 {offsets = [64, 0], sizes = [8, 1], strides = [1, 1]} : vector<384x1xf32> to vector<8x1xf32>
      %sub3A_1178 = vector.broadcast %slice3A_1177 : vector<8x1xf32> to vector<8x1792xf32>
      %sub3A_1179 = arith.subf %get3A_1176, %sub3A_1178 : vector<8x1792xf32>
      %mul3A_1180 = arith.mulf %sub3A_1179, %sub3A_1179 : vector<8x1792xf32>
      %add3A_1181 = arith.addf %add3A_1171, %mul3A_1180 : vector<8x1792xf32>
      %get3A_1182 = arith.constant 2 : index
      %get3A_1183 = arith.constant 72 : index
      %get3A_1184 = arith.constant 0 : index
      %get3A_1185 = vector.load %arg0[%get3A_1182, %get3A_1183, %get3A_1184] : memref<7x384x1792xf32, #tpu.memory_space<vmem>>, vector<1x8x1792xf32>
      %get3A_1186 = vector.shape_cast %get3A_1185 : vector<1x8x1792xf32> to vector<8x1792xf32>
      %slice3A_1187 = vector.extract_strided_slice %broadcast_in_dim3A_74 {offsets = [72, 0], sizes = [8, 1], strides = [1, 1]} : vector<384x1xf32> to vector<8x1xf32>
      %sub3A_1188 = vector.broadcast %slice3A_1187 : vector<8x1xf32> to vector<8x1792xf32>
      %sub3A_1189 = arith.subf %get3A_1186, %sub3A_1188 : vector<8x1792xf32>
      %mul3A_1190 = arith.mulf %sub3A_1189, %sub3A_1189 : vector<8x1792xf32>
      %add3A_1191 = arith.addf %add3A_1181, %mul3A_1190 : vector<8x1792xf32>
      %get3A_1192 = arith.constant 2 : index
      %get3A_1193 = arith.constant 80 : index
      %get3A_1194 = arith.constant 0 : index
      %get3A_1195 = vector.load %arg0[%get3A_1192, %get3A_1193, %get3A_1194] : memref<7x384x1792xf32, #tpu.memory_space<vmem>>, vector<1x8x1792xf32>
      %get3A_1196 = vector.shape_cast %get3A_1195 : vector<1x8x1792xf32> to vector<8x1792xf32>
      %slice3A_1197 = vector.extract_strided_slice %broadcast_in_dim3A_74 {offsets = [80, 0], sizes = [8, 1], strides = [1, 1]} : vector<384x1xf32> to vector<8x1xf32>
      %sub3A_1198 = vector.broadcast %slice3A_1197 : vector<8x1xf32> to vector<8x1792xf32>
      %sub3A_1199 = arith.subf %get3A_1196, %sub3A_1198 : vector<8x1792xf32>
      %mul3A_1200 = arith.mulf %sub3A_1199, %sub3A_1199 : vector<8x1792xf32>
      %add3A_1201 = arith.addf %add3A_1191, %mul3A_1200 : vector<8x1792xf32>
      %get3A_1202 = arith.constant 2 : index
      %get3A_1203 = arith.constant 88 : index
      %get3A_1204 = arith.constant 0 : index
      %get3A_1205 = vector.load %arg0[%get3A_1202, %get3A_1203, %get3A_1204] : memref<7x384x1792xf32, #tpu.memory_space<vmem>>, vector<1x8x1792xf32>
      %get3A_1206 = vector.shape_cast %get3A_1205 : vector<1x8x1792xf32> to vector<8x1792xf32>
      %slice3A_1207 = vector.extract_strided_slice %broadcast_in_dim3A_74 {offsets = [88, 0], sizes = [8, 1], strides = [1, 1]} : vector<384x1xf32> to vector<8x1xf32>
      %sub3A_1208 = vector.broadcast %slice3A_1207 : vector<8x1xf32> to vector<8x1792xf32>
      %sub3A_1209 = arith.subf %get3A_1206, %sub3A_1208 : vector<8x1792xf32>
      %mul3A_1210 = arith.mulf %sub3A_1209, %sub3A_1209 : vector<8x1792xf32>
      %add3A_1211 = arith.addf %add3A_1201, %mul3A_1210 : vector<8x1792xf32>
      %get3A_1212 = arith.constant 2 : index
      %get3A_1213 = arith.constant 96 : index
      %get3A_1214 = arith.constant 0 : index
      %get3A_1215 = vector.load %arg0[%get3A_1212, %get3A_1213, %get3A_1214] : memref<7x384x1792xf32, #tpu.memory_space<vmem>>, vector<1x8x1792xf32>
      %get3A_1216 = vector.shape_cast %get3A_1215 : vector<1x8x1792xf32> to vector<8x1792xf32>
      %slice3A_1217 = vector.extract_strided_slice %broadcast_in_dim3A_74 {offsets = [96, 0], sizes = [8, 1], strides = [1, 1]} : vector<384x1xf32> to vector<8x1xf32>
      %sub3A_1218 = vector.broadcast %slice3A_1217 : vector<8x1xf32> to vector<8x1792xf32>
      %sub3A_1219 = arith.subf %get3A_1216, %sub3A_1218 : vector<8x1792xf32>
      %mul3A_1220 = arith.mulf %sub3A_1219, %sub3A_1219 : vector<8x1792xf32>
      %add3A_1221 = arith.addf %add3A_1211, %mul3A_1220 : vector<8x1792xf32>
      %get3A_1222 = arith.constant 2 : index
      %get3A_1223 = arith.constant 104 : index
      %get3A_1224 = arith.constant 0 : index
      %get3A_1225 = vector.load %arg0[%get3A_1222, %get3A_1223, %get3A_1224] : memref<7x384x1792xf32, #tpu.memory_space<vmem>>, vector<1x8x1792xf32>
      %get3A_1226 = vector.shape_cast %get3A_1225 : vector<1x8x1792xf32> to vector<8x1792xf32>
      %slice3A_1227 = vector.extract_strided_slice %broadcast_in_dim3A_74 {offsets = [104, 0], sizes = [8, 1], strides = [1, 1]} : vector<384x1xf32> to vector<8x1xf32>
      %sub3A_1228 = vector.broadcast %slice3A_1227 : vector<8x1xf32> to vector<8x1792xf32>
      %sub3A_1229 = arith.subf %get3A_1226, %sub3A_1228 : vector<8x1792xf32>
      %mul3A_1230 = arith.mulf %sub3A_1229, %sub3A_1229 : vector<8x1792xf32>
      %add3A_1231 = arith.addf %add3A_1221, %mul3A_1230 : vector<8x1792xf32>
      %get3A_1232 = arith.constant 2 : index
      %get3A_1233 = arith.constant 112 : index
      %get3A_1234 = arith.constant 0 : index
      %get3A_1235 = vector.load %arg0[%get3A_1232, %get3A_1233, %get3A_1234] : memref<7x384x1792xf32, #tpu.memory_space<vmem>>, vector<1x8x1792xf32>
      %get3A_1236 = vector.shape_cast %get3A_1235 : vector<1x8x1792xf32> to vector<8x1792xf32>
      %slice3A_1237 = vector.extract_strided_slice %broadcast_in_dim3A_74 {offsets = [112, 0], sizes = [8, 1], strides = [1, 1]} : vector<384x1xf32> to vector<8x1xf32>
      %sub3A_1238 = vector.broadcast %slice3A_1237 : vector<8x1xf32> to vector<8x1792xf32>
      %sub3A_1239 = arith.subf %get3A_1236, %sub3A_1238 : vector<8x1792xf32>
      %mul3A_1240 = arith.mulf %sub3A_1239, %sub3A_1239 : vector<8x1792xf32>
      %add3A_1241 = arith.addf %add3A_1231, %mul3A_1240 : vector<8x1792xf32>
      %get3A_1242 = arith.constant 2 : index
      %get3A_1243 = arith.constant 120 : index
      %get3A_1244 = arith.constant 0 : index
      %get3A_1245 = vector.load %arg0[%get3A_1242, %get3A_1243, %get3A_1244] : memref<7x384x1792xf32, #tpu.memory_space<vmem>>, vector<1x8x1792xf32>
      %get3A_1246 = vector.shape_cast %get3A_1245 : vector<1x8x1792xf32> to vector<8x1792xf32>
      %slice3A_1247 = vector.extract_strided_slice %broadcast_in_dim3A_74 {offsets = [120, 0], sizes = [8, 1], strides = [1, 1]} : vector<384x1xf32> to vector<8x1xf32>
      %sub3A_1248 = vector.broadcast %slice3A_1247 : vector<8x1xf32> to vector<8x1792xf32>
      %sub3A_1249 = arith.subf %get3A_1246, %sub3A_1248 : vector<8x1792xf32>
      %mul3A_1250 = arith.mulf %sub3A_1249, %sub3A_1249 : vector<8x1792xf32>
      %add3A_1251 = arith.addf %add3A_1241, %mul3A_1250 : vector<8x1792xf32>
      %roll3A_1252 = arith.constant 4 : i32
      %roll3A_1253 = tpu.dynamic_rotate %add3A_1251 by %roll3A_1252 dim 0 : vector<8x1792xf32>, i32 -> vector<8x1792xf32>
      %add3A_1254 = arith.addf %add3A_1251, %roll3A_1253 : vector<8x1792xf32>
      %roll3A_1255 = arith.constant 2 : i32
      %roll3A_1256 = tpu.dynamic_rotate %add3A_1254 by %roll3A_1255 dim 0 : vector<8x1792xf32>, i32 -> vector<8x1792xf32>
      %add3A_1257 = arith.addf %add3A_1254, %roll3A_1256 : vector<8x1792xf32>
      %roll3A_1258 = arith.constant 1 : i32
      %roll3A_1259 = tpu.dynamic_rotate %add3A_1257 by %roll3A_1258 dim 0 : vector<8x1792xf32>, i32 -> vector<8x1792xf32>
      %add3A_1260 = arith.addf %add3A_1257, %roll3A_1259 : vector<8x1792xf32>
      %get3A_1261 = arith.constant 2 : index
      %get3A_1262 = arith.constant 128 : index
      %get3A_1263 = arith.constant 0 : index
      %get3A_1264 = vector.load %arg0[%get3A_1261, %get3A_1262, %get3A_1263] : memref<7x384x1792xf32, #tpu.memory_space<vmem>>, vector<1x8x1792xf32>
      %get3A_1265 = vector.shape_cast %get3A_1264 : vector<1x8x1792xf32> to vector<8x1792xf32>
      %slice3A_1266 = vector.extract_strided_slice %broadcast_in_dim3A_74 {offsets = [128, 0], sizes = [8, 1], strides = [1, 1]} : vector<384x1xf32> to vector<8x1xf32>
      %sub3A_1267 = vector.broadcast %slice3A_1266 : vector<8x1xf32> to vector<8x1792xf32>
      %sub3A_1268 = arith.subf %get3A_1265, %sub3A_1267 : vector<8x1792xf32>
      %mul3A_1269 = arith.mulf %sub3A_1268, %sub3A_1268 : vector<8x1792xf32>
      %get3A_1270 = arith.constant 2 : index
      %get3A_1271 = arith.constant 136 : index
      %get3A_1272 = arith.constant 0 : index
      %get3A_1273 = vector.load %arg0[%get3A_1270, %get3A_1271, %get3A_1272] : memref<7x384x1792xf32, #tpu.memory_space<vmem>>, vector<1x8x1792xf32>
      %get3A_1274 = vector.shape_cast %get3A_1273 : vector<1x8x1792xf32> to vector<8x1792xf32>
      %slice3A_1275 = vector.extract_strided_slice %broadcast_in_dim3A_74 {offsets = [136, 0], sizes = [8, 1], strides = [1, 1]} : vector<384x1xf32> to vector<8x1xf32>
      %sub3A_1276 = vector.broadcast %slice3A_1275 : vector<8x1xf32> to vector<8x1792xf32>
      %sub3A_1277 = arith.subf %get3A_1274, %sub3A_1276 : vector<8x1792xf32>
      %mul3A_1278 = arith.mulf %sub3A_1277, %sub3A_1277 : vector<8x1792xf32>
      %add3A_1279 = arith.addf %mul3A_1269, %mul3A_1278 : vector<8x1792xf32>
      %get3A_1280 = arith.constant 2 : index
      %get3A_1281 = arith.constant 144 : index
      %get3A_1282 = arith.constant 0 : index
      %get3A_1283 = vector.load %arg0[%get3A_1280, %get3A_1281, %get3A_1282] : memref<7x384x1792xf32, #tpu.memory_space<vmem>>, vector<1x8x1792xf32>
      %get3A_1284 = vector.shape_cast %get3A_1283 : vector<1x8x1792xf32> to vector<8x1792xf32>
      %slice3A_1285 = vector.extract_strided_slice %broadcast_in_dim3A_74 {offsets = [144, 0], sizes = [8, 1], strides = [1, 1]} : vector<384x1xf32> to vector<8x1xf32>
      %sub3A_1286 = vector.broadcast %slice3A_1285 : vector<8x1xf32> to vector<8x1792xf32>
      %sub3A_1287 = arith.subf %get3A_1284, %sub3A_1286 : vector<8x1792xf32>
      %mul3A_1288 = arith.mulf %sub3A_1287, %sub3A_1287 : vector<8x1792xf32>
      %add3A_1289 = arith.addf %add3A_1279, %mul3A_1288 : vector<8x1792xf32>
      %get3A_1290 = arith.constant 2 : index
      %get3A_1291 = arith.constant 152 : index
      %get3A_1292 = arith.constant 0 : index
      %get3A_1293 = vector.load %arg0[%get3A_1290, %get3A_1291, %get3A_1292] : memref<7x384x1792xf32, #tpu.memory_space<vmem>>, vector<1x8x1792xf32>
      %get3A_1294 = vector.shape_cast %get3A_1293 : vector<1x8x1792xf32> to vector<8x1792xf32>
      %slice3A_1295 = vector.extract_strided_slice %broadcast_in_dim3A_74 {offsets = [152, 0], sizes = [8, 1], strides = [1, 1]} : vector<384x1xf32> to vector<8x1xf32>
      %sub3A_1296 = vector.broadcast %slice3A_1295 : vector<8x1xf32> to vector<8x1792xf32>
      %sub3A_1297 = arith.subf %get3A_1294, %sub3A_1296 : vector<8x1792xf32>
      %mul3A_1298 = arith.mulf %sub3A_1297, %sub3A_1297 : vector<8x1792xf32>
      %add3A_1299 = arith.addf %add3A_1289, %mul3A_1298 : vector<8x1792xf32>
      %get3A_1300 = arith.constant 2 : index
      %get3A_1301 = arith.constant 160 : index
      %get3A_1302 = arith.constant 0 : index
      %get3A_1303 = vector.load %arg0[%get3A_1300, %get3A_1301, %get3A_1302] : memref<7x384x1792xf32, #tpu.memory_space<vmem>>, vector<1x8x1792xf32>
      %get3A_1304 = vector.shape_cast %get3A_1303 : vector<1x8x1792xf32> to vector<8x1792xf32>
      %slice3A_1305 = vector.extract_strided_slice %broadcast_in_dim3A_74 {offsets = [160, 0], sizes = [8, 1], strides = [1, 1]} : vector<384x1xf32> to vector<8x1xf32>
      %sub3A_1306 = vector.broadcast %slice3A_1305 : vector<8x1xf32> to vector<8x1792xf32>
      %sub3A_1307 = arith.subf %get3A_1304, %sub3A_1306 : vector<8x1792xf32>
      %mul3A_1308 = arith.mulf %sub3A_1307, %sub3A_1307 : vector<8x1792xf32>
      %add3A_1309 = arith.addf %add3A_1299, %mul3A_1308 : vector<8x1792xf32>
      %get3A_1310 = arith.constant 2 : index
      %get3A_1311 = arith.constant 168 : index
      %get3A_1312 = arith.constant 0 : index
      %get3A_1313 = vector.load %arg0[%get3A_1310, %get3A_1311, %get3A_1312] : memref<7x384x1792xf32, #tpu.memory_space<vmem>>, vector<1x8x1792xf32>
      %get3A_1314 = vector.shape_cast %get3A_1313 : vector<1x8x1792xf32> to vector<8x1792xf32>
      %slice3A_1315 = vector.extract_strided_slice %broadcast_in_dim3A_74 {offsets = [168, 0], sizes = [8, 1], strides = [1, 1]} : vector<384x1xf32> to vector<8x1xf32>
      %sub3A_1316 = vector.broadcast %slice3A_1315 : vector<8x1xf32> to vector<8x1792xf32>
      %sub3A_1317 = arith.subf %get3A_1314, %sub3A_1316 : vector<8x1792xf32>
      %mul3A_1318 = arith.mulf %sub3A_1317, %sub3A_1317 : vector<8x1792xf32>
      %add3A_1319 = arith.addf %add3A_1309, %mul3A_1318 : vector<8x1792xf32>
      %get3A_1320 = arith.constant 2 : index
      %get3A_1321 = arith.constant 176 : index
      %get3A_1322 = arith.constant 0 : index
      %get3A_1323 = vector.load %arg0[%get3A_1320, %get3A_1321, %get3A_1322] : memref<7x384x1792xf32, #tpu.memory_space<vmem>>, vector<1x8x1792xf32>
      %get3A_1324 = vector.shape_cast %get3A_1323 : vector<1x8x1792xf32> to vector<8x1792xf32>
      %slice3A_1325 = vector.extract_strided_slice %broadcast_in_dim3A_74 {offsets = [176, 0], sizes = [8, 1], strides = [1, 1]} : vector<384x1xf32> to vector<8x1xf32>
      %sub3A_1326 = vector.broadcast %slice3A_1325 : vector<8x1xf32> to vector<8x1792xf32>
      %sub3A_1327 = arith.subf %get3A_1324, %sub3A_1326 : vector<8x1792xf32>
      %mul3A_1328 = arith.mulf %sub3A_1327, %sub3A_1327 : vector<8x1792xf32>
      %add3A_1329 = arith.addf %add3A_1319, %mul3A_1328 : vector<8x1792xf32>
      %get3A_1330 = arith.constant 2 : index
      %get3A_1331 = arith.constant 184 : index
      %get3A_1332 = arith.constant 0 : index
      %get3A_1333 = vector.load %arg0[%get3A_1330, %get3A_1331, %get3A_1332] : memref<7x384x1792xf32, #tpu.memory_space<vmem>>, vector<1x8x1792xf32>
      %get3A_1334 = vector.shape_cast %get3A_1333 : vector<1x8x1792xf32> to vector<8x1792xf32>
      %slice3A_1335 = vector.extract_strided_slice %broadcast_in_dim3A_74 {offsets = [184, 0], sizes = [8, 1], strides = [1, 1]} : vector<384x1xf32> to vector<8x1xf32>
      %sub3A_1336 = vector.broadcast %slice3A_1335 : vector<8x1xf32> to vector<8x1792xf32>
      %sub3A_1337 = arith.subf %get3A_1334, %sub3A_1336 : vector<8x1792xf32>
      %mul3A_1338 = arith.mulf %sub3A_1337, %sub3A_1337 : vector<8x1792xf32>
      %add3A_1339 = arith.addf %add3A_1329, %mul3A_1338 : vector<8x1792xf32>
      %get3A_1340 = arith.constant 2 : index
      %get3A_1341 = arith.constant 192 : index
      %get3A_1342 = arith.constant 0 : index
      %get3A_1343 = vector.load %arg0[%get3A_1340, %get3A_1341, %get3A_1342] : memref<7x384x1792xf32, #tpu.memory_space<vmem>>, vector<1x8x1792xf32>
      %get3A_1344 = vector.shape_cast %get3A_1343 : vector<1x8x1792xf32> to vector<8x1792xf32>
      %slice3A_1345 = vector.extract_strided_slice %broadcast_in_dim3A_74 {offsets = [192, 0], sizes = [8, 1], strides = [1, 1]} : vector<384x1xf32> to vector<8x1xf32>
      %sub3A_1346 = vector.broadcast %slice3A_1345 : vector<8x1xf32> to vector<8x1792xf32>
      %sub3A_1347 = arith.subf %get3A_1344, %sub3A_1346 : vector<8x1792xf32>
      %mul3A_1348 = arith.mulf %sub3A_1347, %sub3A_1347 : vector<8x1792xf32>
      %add3A_1349 = arith.addf %add3A_1339, %mul3A_1348 : vector<8x1792xf32>
      %get3A_1350 = arith.constant 2 : index
      %get3A_1351 = arith.constant 200 : index
      %get3A_1352 = arith.constant 0 : index
      %get3A_1353 = vector.load %arg0[%get3A_1350, %get3A_1351, %get3A_1352] : memref<7x384x1792xf32, #tpu.memory_space<vmem>>, vector<1x8x1792xf32>
      %get3A_1354 = vector.shape_cast %get3A_1353 : vector<1x8x1792xf32> to vector<8x1792xf32>
      %slice3A_1355 = vector.extract_strided_slice %broadcast_in_dim3A_74 {offsets = [200, 0], sizes = [8, 1], strides = [1, 1]} : vector<384x1xf32> to vector<8x1xf32>
      %sub3A_1356 = vector.broadcast %slice3A_1355 : vector<8x1xf32> to vector<8x1792xf32>
      %sub3A_1357 = arith.subf %get3A_1354, %sub3A_1356 : vector<8x1792xf32>
      %mul3A_1358 = arith.mulf %sub3A_1357, %sub3A_1357 : vector<8x1792xf32>
      %add3A_1359 = arith.addf %add3A_1349, %mul3A_1358 : vector<8x1792xf32>
      %get3A_1360 = arith.constant 2 : index
      %get3A_1361 = arith.constant 208 : index
      %get3A_1362 = arith.constant 0 : index
      %get3A_1363 = vector.load %arg0[%get3A_1360, %get3A_1361, %get3A_1362] : memref<7x384x1792xf32, #tpu.memory_space<vmem>>, vector<1x8x1792xf32>
      %get3A_1364 = vector.shape_cast %get3A_1363 : vector<1x8x1792xf32> to vector<8x1792xf32>
      %slice3A_1365 = vector.extract_strided_slice %broadcast_in_dim3A_74 {offsets = [208, 0], sizes = [8, 1], strides = [1, 1]} : vector<384x1xf32> to vector<8x1xf32>
      %sub3A_1366 = vector.broadcast %slice3A_1365 : vector<8x1xf32> to vector<8x1792xf32>
      %sub3A_1367 = arith.subf %get3A_1364, %sub3A_1366 : vector<8x1792xf32>
      %mul3A_1368 = arith.mulf %sub3A_1367, %sub3A_1367 : vector<8x1792xf32>
      %add3A_1369 = arith.addf %add3A_1359, %mul3A_1368 : vector<8x1792xf32>
      %get3A_1370 = arith.constant 2 : index
      %get3A_1371 = arith.constant 216 : index
      %get3A_1372 = arith.constant 0 : index
      %get3A_1373 = vector.load %arg0[%get3A_1370, %get3A_1371, %get3A_1372] : memref<7x384x1792xf32, #tpu.memory_space<vmem>>, vector<1x8x1792xf32>
      %get3A_1374 = vector.shape_cast %get3A_1373 : vector<1x8x1792xf32> to vector<8x1792xf32>
      %slice3A_1375 = vector.extract_strided_slice %broadcast_in_dim3A_74 {offsets = [216, 0], sizes = [8, 1], strides = [1, 1]} : vector<384x1xf32> to vector<8x1xf32>
      %sub3A_1376 = vector.broadcast %slice3A_1375 : vector<8x1xf32> to vector<8x1792xf32>
      %sub3A_1377 = arith.subf %get3A_1374, %sub3A_1376 : vector<8x1792xf32>
      %mul3A_1378 = arith.mulf %sub3A_1377, %sub3A_1377 : vector<8x1792xf32>
      %add3A_1379 = arith.addf %add3A_1369, %mul3A_1378 : vector<8x1792xf32>
      %get3A_1380 = arith.constant 2 : index
      %get3A_1381 = arith.constant 224 : index
      %get3A_1382 = arith.constant 0 : index
      %get3A_1383 = vector.load %arg0[%get3A_1380, %get3A_1381, %get3A_1382] : memref<7x384x1792xf32, #tpu.memory_space<vmem>>, vector<1x8x1792xf32>
      %get3A_1384 = vector.shape_cast %get3A_1383 : vector<1x8x1792xf32> to vector<8x1792xf32>
      %slice3A_1385 = vector.extract_strided_slice %broadcast_in_dim3A_74 {offsets = [224, 0], sizes = [8, 1], strides = [1, 1]} : vector<384x1xf32> to vector<8x1xf32>
      %sub3A_1386 = vector.broadcast %slice3A_1385 : vector<8x1xf32> to vector<8x1792xf32>
      %sub3A_1387 = arith.subf %get3A_1384, %sub3A_1386 : vector<8x1792xf32>
      %mul3A_1388 = arith.mulf %sub3A_1387, %sub3A_1387 : vector<8x1792xf32>
      %add3A_1389 = arith.addf %add3A_1379, %mul3A_1388 : vector<8x1792xf32>
      %get3A_1390 = arith.constant 2 : index
      %get3A_1391 = arith.constant 232 : index
      %get3A_1392 = arith.constant 0 : index
      %get3A_1393 = vector.load %arg0[%get3A_1390, %get3A_1391, %get3A_1392] : memref<7x384x1792xf32, #tpu.memory_space<vmem>>, vector<1x8x1792xf32>
      %get3A_1394 = vector.shape_cast %get3A_1393 : vector<1x8x1792xf32> to vector<8x1792xf32>
      %slice3A_1395 = vector.extract_strided_slice %broadcast_in_dim3A_74 {offsets = [232, 0], sizes = [8, 1], strides = [1, 1]} : vector<384x1xf32> to vector<8x1xf32>
      %sub3A_1396 = vector.broadcast %slice3A_1395 : vector<8x1xf32> to vector<8x1792xf32>
      %sub3A_1397 = arith.subf %get3A_1394, %sub3A_1396 : vector<8x1792xf32>
      %mul3A_1398 = arith.mulf %sub3A_1397, %sub3A_1397 : vector<8x1792xf32>
      %add3A_1399 = arith.addf %add3A_1389, %mul3A_1398 : vector<8x1792xf32>
      %get3A_1400 = arith.constant 2 : index
      %get3A_1401 = arith.constant 240 : index
      %get3A_1402 = arith.constant 0 : index
      %get3A_1403 = vector.load %arg0[%get3A_1400, %get3A_1401, %get3A_1402] : memref<7x384x1792xf32, #tpu.memory_space<vmem>>, vector<1x8x1792xf32>
      %get3A_1404 = vector.shape_cast %get3A_1403 : vector<1x8x1792xf32> to vector<8x1792xf32>
      %slice3A_1405 = vector.extract_strided_slice %broadcast_in_dim3A_74 {offsets = [240, 0], sizes = [8, 1], strides = [1, 1]} : vector<384x1xf32> to vector<8x1xf32>
      %sub3A_1406 = vector.broadcast %slice3A_1405 : vector<8x1xf32> to vector<8x1792xf32>
      %sub3A_1407 = arith.subf %get3A_1404, %sub3A_1406 : vector<8x1792xf32>
      %mul3A_1408 = arith.mulf %sub3A_1407, %sub3A_1407 : vector<8x1792xf32>
      %add3A_1409 = arith.addf %add3A_1399, %mul3A_1408 : vector<8x1792xf32>
      %get3A_1410 = arith.constant 2 : index
      %get3A_1411 = arith.constant 248 : index
      %get3A_1412 = arith.constant 0 : index
      %get3A_1413 = vector.load %arg0[%get3A_1410, %get3A_1411, %get3A_1412] : memref<7x384x1792xf32, #tpu.memory_space<vmem>>, vector<1x8x1792xf32>
      %get3A_1414 = vector.shape_cast %get3A_1413 : vector<1x8x1792xf32> to vector<8x1792xf32>
      %slice3A_1415 = vector.extract_strided_slice %broadcast_in_dim3A_74 {offsets = [248, 0], sizes = [8, 1], strides = [1, 1]} : vector<384x1xf32> to vector<8x1xf32>
      %sub3A_1416 = vector.broadcast %slice3A_1415 : vector<8x1xf32> to vector<8x1792xf32>
      %sub3A_1417 = arith.subf %get3A_1414, %sub3A_1416 : vector<8x1792xf32>
      %mul3A_1418 = arith.mulf %sub3A_1417, %sub3A_1417 : vector<8x1792xf32>
      %add3A_1419 = arith.addf %add3A_1409, %mul3A_1418 : vector<8x1792xf32>
      %roll3A_1420 = arith.constant 4 : i32
      %roll3A_1421 = tpu.dynamic_rotate %add3A_1419 by %roll3A_1420 dim 0 : vector<8x1792xf32>, i32 -> vector<8x1792xf32>
      %add3A_1422 = arith.addf %add3A_1419, %roll3A_1421 : vector<8x1792xf32>
      %roll3A_1423 = arith.constant 2 : i32
      %roll3A_1424 = tpu.dynamic_rotate %add3A_1422 by %roll3A_1423 dim 0 : vector<8x1792xf32>, i32 -> vector<8x1792xf32>
      %add3A_1425 = arith.addf %add3A_1422, %roll3A_1424 : vector<8x1792xf32>
      %roll3A_1426 = arith.constant 1 : i32
      %roll3A_1427 = tpu.dynamic_rotate %add3A_1425 by %roll3A_1426 dim 0 : vector<8x1792xf32>, i32 -> vector<8x1792xf32>
      %add3A_1428 = arith.addf %add3A_1425, %roll3A_1427 : vector<8x1792xf32>
      %add3A_1429 = arith.addf %add3A_1260, %add3A_1428 : vector<8x1792xf32>
      %get3A_1430 = arith.constant 2 : index
      %get3A_1431 = arith.constant 256 : index
      %get3A_1432 = arith.constant 0 : index
      %get3A_1433 = vector.load %arg0[%get3A_1430, %get3A_1431, %get3A_1432] : memref<7x384x1792xf32, #tpu.memory_space<vmem>>, vector<1x8x1792xf32>
      %get3A_1434 = vector.shape_cast %get3A_1433 : vector<1x8x1792xf32> to vector<8x1792xf32>
      %slice3A_1435 = vector.extract_strided_slice %broadcast_in_dim3A_74 {offsets = [256, 0], sizes = [8, 1], strides = [1, 1]} : vector<384x1xf32> to vector<8x1xf32>
      %sub3A_1436 = vector.broadcast %slice3A_1435 : vector<8x1xf32> to vector<8x1792xf32>
      %sub3A_1437 = arith.subf %get3A_1434, %sub3A_1436 : vector<8x1792xf32>
      %mul3A_1438 = arith.mulf %sub3A_1437, %sub3A_1437 : vector<8x1792xf32>
      %get3A_1439 = arith.constant 2 : index
      %get3A_1440 = arith.constant 264 : index
      %get3A_1441 = arith.constant 0 : index
      %get3A_1442 = vector.load %arg0[%get3A_1439, %get3A_1440, %get3A_1441] : memref<7x384x1792xf32, #tpu.memory_space<vmem>>, vector<1x8x1792xf32>
      %get3A_1443 = vector.shape_cast %get3A_1442 : vector<1x8x1792xf32> to vector<8x1792xf32>
      %slice3A_1444 = vector.extract_strided_slice %broadcast_in_dim3A_74 {offsets = [264, 0], sizes = [8, 1], strides = [1, 1]} : vector<384x1xf32> to vector<8x1xf32>
      %sub3A_1445 = vector.broadcast %slice3A_1444 : vector<8x1xf32> to vector<8x1792xf32>
      %sub3A_1446 = arith.subf %get3A_1443, %sub3A_1445 : vector<8x1792xf32>
      %mul3A_1447 = arith.mulf %sub3A_1446, %sub3A_1446 : vector<8x1792xf32>
      %add3A_1448 = arith.addf %mul3A_1438, %mul3A_1447 : vector<8x1792xf32>
      %get3A_1449 = arith.constant 2 : index
      %get3A_1450 = arith.constant 272 : index
      %get3A_1451 = arith.constant 0 : index
      %get3A_1452 = vector.load %arg0[%get3A_1449, %get3A_1450, %get3A_1451] : memref<7x384x1792xf32, #tpu.memory_space<vmem>>, vector<1x8x1792xf32>
      %get3A_1453 = vector.shape_cast %get3A_1452 : vector<1x8x1792xf32> to vector<8x1792xf32>
      %slice3A_1454 = vector.extract_strided_slice %broadcast_in_dim3A_74 {offsets = [272, 0], sizes = [8, 1], strides = [1, 1]} : vector<384x1xf32> to vector<8x1xf32>
      %sub3A_1455 = vector.broadcast %slice3A_1454 : vector<8x1xf32> to vector<8x1792xf32>
      %sub3A_1456 = arith.subf %get3A_1453, %sub3A_1455 : vector<8x1792xf32>
      %mul3A_1457 = arith.mulf %sub3A_1456, %sub3A_1456 : vector<8x1792xf32>
      %add3A_1458 = arith.addf %add3A_1448, %mul3A_1457 : vector<8x1792xf32>
      %get3A_1459 = arith.constant 2 : index
      %get3A_1460 = arith.constant 280 : index
      %get3A_1461 = arith.constant 0 : index
      %get3A_1462 = vector.load %arg0[%get3A_1459, %get3A_1460, %get3A_1461] : memref<7x384x1792xf32, #tpu.memory_space<vmem>>, vector<1x8x1792xf32>
      %get3A_1463 = vector.shape_cast %get3A_1462 : vector<1x8x1792xf32> to vector<8x1792xf32>
      %slice3A_1464 = vector.extract_strided_slice %broadcast_in_dim3A_74 {offsets = [280, 0], sizes = [8, 1], strides = [1, 1]} : vector<384x1xf32> to vector<8x1xf32>
      %sub3A_1465 = vector.broadcast %slice3A_1464 : vector<8x1xf32> to vector<8x1792xf32>
      %sub3A_1466 = arith.subf %get3A_1463, %sub3A_1465 : vector<8x1792xf32>
      %mul3A_1467 = arith.mulf %sub3A_1466, %sub3A_1466 : vector<8x1792xf32>
      %add3A_1468 = arith.addf %add3A_1458, %mul3A_1467 : vector<8x1792xf32>
      %get3A_1469 = arith.constant 2 : index
      %get3A_1470 = arith.constant 288 : index
      %get3A_1471 = arith.constant 0 : index
      %get3A_1472 = vector.load %arg0[%get3A_1469, %get3A_1470, %get3A_1471] : memref<7x384x1792xf32, #tpu.memory_space<vmem>>, vector<1x8x1792xf32>
      %get3A_1473 = vector.shape_cast %get3A_1472 : vector<1x8x1792xf32> to vector<8x1792xf32>
      %slice3A_1474 = vector.extract_strided_slice %broadcast_in_dim3A_74 {offsets = [288, 0], sizes = [8, 1], strides = [1, 1]} : vector<384x1xf32> to vector<8x1xf32>
      %sub3A_1475 = vector.broadcast %slice3A_1474 : vector<8x1xf32> to vector<8x1792xf32>
      %sub3A_1476 = arith.subf %get3A_1473, %sub3A_1475 : vector<8x1792xf32>
      %mul3A_1477 = arith.mulf %sub3A_1476, %sub3A_1476 : vector<8x1792xf32>
      %add3A_1478 = arith.addf %add3A_1468, %mul3A_1477 : vector<8x1792xf32>
      %get3A_1479 = arith.constant 2 : index
      %get3A_1480 = arith.constant 296 : index
      %get3A_1481 = arith.constant 0 : index
      %get3A_1482 = vector.load %arg0[%get3A_1479, %get3A_1480, %get3A_1481] : memref<7x384x1792xf32, #tpu.memory_space<vmem>>, vector<1x8x1792xf32>
      %get3A_1483 = vector.shape_cast %get3A_1482 : vector<1x8x1792xf32> to vector<8x1792xf32>
      %slice3A_1484 = vector.extract_strided_slice %broadcast_in_dim3A_74 {offsets = [296, 0], sizes = [8, 1], strides = [1, 1]} : vector<384x1xf32> to vector<8x1xf32>
      %sub3A_1485 = vector.broadcast %slice3A_1484 : vector<8x1xf32> to vector<8x1792xf32>
      %sub3A_1486 = arith.subf %get3A_1483, %sub3A_1485 : vector<8x1792xf32>
      %mul3A_1487 = arith.mulf %sub3A_1486, %sub3A_1486 : vector<8x1792xf32>
      %add3A_1488 = arith.addf %add3A_1478, %mul3A_1487 : vector<8x1792xf32>
      %get3A_1489 = arith.constant 2 : index
      %get3A_1490 = arith.constant 304 : index
      %get3A_1491 = arith.constant 0 : index
      %get3A_1492 = vector.load %arg0[%get3A_1489, %get3A_1490, %get3A_1491] : memref<7x384x1792xf32, #tpu.memory_space<vmem>>, vector<1x8x1792xf32>
      %get3A_1493 = vector.shape_cast %get3A_1492 : vector<1x8x1792xf32> to vector<8x1792xf32>
      %slice3A_1494 = vector.extract_strided_slice %broadcast_in_dim3A_74 {offsets = [304, 0], sizes = [8, 1], strides = [1, 1]} : vector<384x1xf32> to vector<8x1xf32>
      %sub3A_1495 = vector.broadcast %slice3A_1494 : vector<8x1xf32> to vector<8x1792xf32>
      %sub3A_1496 = arith.subf %get3A_1493, %sub3A_1495 : vector<8x1792xf32>
      %mul3A_1497 = arith.mulf %sub3A_1496, %sub3A_1496 : vector<8x1792xf32>
      %add3A_1498 = arith.addf %add3A_1488, %mul3A_1497 : vector<8x1792xf32>
      %get3A_1499 = arith.constant 2 : index
      %get3A_1500 = arith.constant 312 : index
      %get3A_1501 = arith.constant 0 : index
      %get3A_1502 = vector.load %arg0[%get3A_1499, %get3A_1500, %get3A_1501] : memref<7x384x1792xf32, #tpu.memory_space<vmem>>, vector<1x8x1792xf32>
      %get3A_1503 = vector.shape_cast %get3A_1502 : vector<1x8x1792xf32> to vector<8x1792xf32>
      %slice3A_1504 = vector.extract_strided_slice %broadcast_in_dim3A_74 {offsets = [312, 0], sizes = [8, 1], strides = [1, 1]} : vector<384x1xf32> to vector<8x1xf32>
      %sub3A_1505 = vector.broadcast %slice3A_1504 : vector<8x1xf32> to vector<8x1792xf32>
      %sub3A_1506 = arith.subf %get3A_1503, %sub3A_1505 : vector<8x1792xf32>
      %mul3A_1507 = arith.mulf %sub3A_1506, %sub3A_1506 : vector<8x1792xf32>
      %add3A_1508 = arith.addf %add3A_1498, %mul3A_1507 : vector<8x1792xf32>
      %get3A_1509 = arith.constant 2 : index
      %get3A_1510 = arith.constant 320 : index
      %get3A_1511 = arith.constant 0 : index
      %get3A_1512 = vector.load %arg0[%get3A_1509, %get3A_1510, %get3A_1511] : memref<7x384x1792xf32, #tpu.memory_space<vmem>>, vector<1x8x1792xf32>
      %get3A_1513 = vector.shape_cast %get3A_1512 : vector<1x8x1792xf32> to vector<8x1792xf32>
      %slice3A_1514 = vector.extract_strided_slice %broadcast_in_dim3A_74 {offsets = [320, 0], sizes = [8, 1], strides = [1, 1]} : vector<384x1xf32> to vector<8x1xf32>
      %sub3A_1515 = vector.broadcast %slice3A_1514 : vector<8x1xf32> to vector<8x1792xf32>
      %sub3A_1516 = arith.subf %get3A_1513, %sub3A_1515 : vector<8x1792xf32>
      %mul3A_1517 = arith.mulf %sub3A_1516, %sub3A_1516 : vector<8x1792xf32>
      %add3A_1518 = arith.addf %add3A_1508, %mul3A_1517 : vector<8x1792xf32>
      %get3A_1519 = arith.constant 2 : index
      %get3A_1520 = arith.constant 328 : index
      %get3A_1521 = arith.constant 0 : index
      %get3A_1522 = vector.load %arg0[%get3A_1519, %get3A_1520, %get3A_1521] : memref<7x384x1792xf32, #tpu.memory_space<vmem>>, vector<1x8x1792xf32>
      %get3A_1523 = vector.shape_cast %get3A_1522 : vector<1x8x1792xf32> to vector<8x1792xf32>
      %slice3A_1524 = vector.extract_strided_slice %broadcast_in_dim3A_74 {offsets = [328, 0], sizes = [8, 1], strides = [1, 1]} : vector<384x1xf32> to vector<8x1xf32>
      %sub3A_1525 = vector.broadcast %slice3A_1524 : vector<8x1xf32> to vector<8x1792xf32>
      %sub3A_1526 = arith.subf %get3A_1523, %sub3A_1525 : vector<8x1792xf32>
      %mul3A_1527 = arith.mulf %sub3A_1526, %sub3A_1526 : vector<8x1792xf32>
      %add3A_1528 = arith.addf %add3A_1518, %mul3A_1527 : vector<8x1792xf32>
      %get3A_1529 = arith.constant 2 : index
      %get3A_1530 = arith.constant 336 : index
      %get3A_1531 = arith.constant 0 : index
      %get3A_1532 = vector.load %arg0[%get3A_1529, %get3A_1530, %get3A_1531] : memref<7x384x1792xf32, #tpu.memory_space<vmem>>, vector<1x8x1792xf32>
      %get3A_1533 = vector.shape_cast %get3A_1532 : vector<1x8x1792xf32> to vector<8x1792xf32>
      %slice3A_1534 = vector.extract_strided_slice %broadcast_in_dim3A_74 {offsets = [336, 0], sizes = [8, 1], strides = [1, 1]} : vector<384x1xf32> to vector<8x1xf32>
      %sub3A_1535 = vector.broadcast %slice3A_1534 : vector<8x1xf32> to vector<8x1792xf32>
      %sub3A_1536 = arith.subf %get3A_1533, %sub3A_1535 : vector<8x1792xf32>
      %mul3A_1537 = arith.mulf %sub3A_1536, %sub3A_1536 : vector<8x1792xf32>
      %add3A_1538 = arith.addf %add3A_1528, %mul3A_1537 : vector<8x1792xf32>
      %get3A_1539 = arith.constant 2 : index
      %get3A_1540 = arith.constant 344 : index
      %get3A_1541 = arith.constant 0 : index
      %get3A_1542 = vector.load %arg0[%get3A_1539, %get3A_1540, %get3A_1541] : memref<7x384x1792xf32, #tpu.memory_space<vmem>>, vector<1x8x1792xf32>
      %get3A_1543 = vector.shape_cast %get3A_1542 : vector<1x8x1792xf32> to vector<8x1792xf32>
      %slice3A_1544 = vector.extract_strided_slice %broadcast_in_dim3A_74 {offsets = [344, 0], sizes = [8, 1], strides = [1, 1]} : vector<384x1xf32> to vector<8x1xf32>
      %sub3A_1545 = vector.broadcast %slice3A_1544 : vector<8x1xf32> to vector<8x1792xf32>
      %sub3A_1546 = arith.subf %get3A_1543, %sub3A_1545 : vector<8x1792xf32>
      %mul3A_1547 = arith.mulf %sub3A_1546, %sub3A_1546 : vector<8x1792xf32>
      %add3A_1548 = arith.addf %add3A_1538, %mul3A_1547 : vector<8x1792xf32>
      %get3A_1549 = arith.constant 2 : index
      %get3A_1550 = arith.constant 352 : index
      %get3A_1551 = arith.constant 0 : index
      %get3A_1552 = vector.load %arg0[%get3A_1549, %get3A_1550, %get3A_1551] : memref<7x384x1792xf32, #tpu.memory_space<vmem>>, vector<1x8x1792xf32>
      %get3A_1553 = vector.shape_cast %get3A_1552 : vector<1x8x1792xf32> to vector<8x1792xf32>
      %slice3A_1554 = vector.extract_strided_slice %broadcast_in_dim3A_74 {offsets = [352, 0], sizes = [8, 1], strides = [1, 1]} : vector<384x1xf32> to vector<8x1xf32>
      %sub3A_1555 = vector.broadcast %slice3A_1554 : vector<8x1xf32> to vector<8x1792xf32>
      %sub3A_1556 = arith.subf %get3A_1553, %sub3A_1555 : vector<8x1792xf32>
      %mul3A_1557 = arith.mulf %sub3A_1556, %sub3A_1556 : vector<8x1792xf32>
      %add3A_1558 = arith.addf %add3A_1548, %mul3A_1557 : vector<8x1792xf32>
      %get3A_1559 = arith.constant 2 : index
      %get3A_1560 = arith.constant 360 : index
      %get3A_1561 = arith.constant 0 : index
      %get3A_1562 = vector.load %arg0[%get3A_1559, %get3A_1560, %get3A_1561] : memref<7x384x1792xf32, #tpu.memory_space<vmem>>, vector<1x8x1792xf32>
      %get3A_1563 = vector.shape_cast %get3A_1562 : vector<1x8x1792xf32> to vector<8x1792xf32>
      %slice3A_1564 = vector.extract_strided_slice %broadcast_in_dim3A_74 {offsets = [360, 0], sizes = [8, 1], strides = [1, 1]} : vector<384x1xf32> to vector<8x1xf32>
      %sub3A_1565 = vector.broadcast %slice3A_1564 : vector<8x1xf32> to vector<8x1792xf32>
      %sub3A_1566 = arith.subf %get3A_1563, %sub3A_1565 : vector<8x1792xf32>
      %mul3A_1567 = arith.mulf %sub3A_1566, %sub3A_1566 : vector<8x1792xf32>
      %add3A_1568 = arith.addf %add3A_1558, %mul3A_1567 : vector<8x1792xf32>
      %get3A_1569 = arith.constant 2 : index
      %get3A_1570 = arith.constant 368 : index
      %get3A_1571 = arith.constant 0 : index
      %get3A_1572 = vector.load %arg0[%get3A_1569, %get3A_1570, %get3A_1571] : memref<7x384x1792xf32, #tpu.memory_space<vmem>>, vector<1x8x1792xf32>
      %get3A_1573 = vector.shape_cast %get3A_1572 : vector<1x8x1792xf32> to vector<8x1792xf32>
      %slice3A_1574 = vector.extract_strided_slice %broadcast_in_dim3A_74 {offsets = [368, 0], sizes = [8, 1], strides = [1, 1]} : vector<384x1xf32> to vector<8x1xf32>
      %sub3A_1575 = vector.broadcast %slice3A_1574 : vector<8x1xf32> to vector<8x1792xf32>
      %sub3A_1576 = arith.subf %get3A_1573, %sub3A_1575 : vector<8x1792xf32>
      %mul3A_1577 = arith.mulf %sub3A_1576, %sub3A_1576 : vector<8x1792xf32>
      %add3A_1578 = arith.addf %add3A_1568, %mul3A_1577 : vector<8x1792xf32>
      %get3A_1579 = arith.constant 2 : index
      %get3A_1580 = arith.constant 376 : index
      %get3A_1581 = arith.constant 0 : index
      %get3A_1582 = vector.load %arg0[%get3A_1579, %get3A_1580, %get3A_1581] : memref<7x384x1792xf32, #tpu.memory_space<vmem>>, vector<1x8x1792xf32>
      %get3A_1583 = vector.shape_cast %get3A_1582 : vector<1x8x1792xf32> to vector<8x1792xf32>
      %slice3A_1584 = vector.extract_strided_slice %broadcast_in_dim3A_74 {offsets = [376, 0], sizes = [8, 1], strides = [1, 1]} : vector<384x1xf32> to vector<8x1xf32>
      %sub3A_1585 = vector.broadcast %slice3A_1584 : vector<8x1xf32> to vector<8x1792xf32>
      %sub3A_1586 = arith.subf %get3A_1583, %sub3A_1585 : vector<8x1792xf32>
      %mul3A_1587 = arith.mulf %sub3A_1586, %sub3A_1586 : vector<8x1792xf32>
      %add3A_1588 = arith.addf %add3A_1578, %mul3A_1587 : vector<8x1792xf32>
      %roll3A_1589 = arith.constant 4 : i32
      %roll3A_1590 = tpu.dynamic_rotate %add3A_1588 by %roll3A_1589 dim 0 : vector<8x1792xf32>, i32 -> vector<8x1792xf32>
      %add3A_1591 = arith.addf %add3A_1588, %roll3A_1590 : vector<8x1792xf32>
      %roll3A_1592 = arith.constant 2 : i32
      %roll3A_1593 = tpu.dynamic_rotate %add3A_1591 by %roll3A_1592 dim 0 : vector<8x1792xf32>, i32 -> vector<8x1792xf32>
      %add3A_1594 = arith.addf %add3A_1591, %roll3A_1593 : vector<8x1792xf32>
      %roll3A_1595 = arith.constant 1 : i32
      %roll3A_1596 = tpu.dynamic_rotate %add3A_1594 by %roll3A_1595 dim 0 : vector<8x1792xf32>, i32 -> vector<8x1792xf32>
      %add3A_1597 = arith.addf %add3A_1594, %roll3A_1596 : vector<8x1792xf32>
      %add3A_1598 = arith.addf %add3A_1429, %add3A_1597 : vector<8x1792xf32>
      %slice3A_1599 = vector.extract_strided_slice %add3A_1598 {offsets = [0, 0], sizes = [1, 1792], strides = [1, 1]} : vector<8x1792xf32> to vector<1x1792xf32>
      %swap3A_1600 = arith.constant 2 : index
      %swap3A_1601 = arith.constant 0 : index
      %swap3A_1602 = vector.load %arg4[%swap3A_1600, %swap3A_1601] : memref<8x1792xf32, #tpu.memory_space<vmem>>, vector<1x1792xf32>
      tpu.vector_store %arg4[%swap3A_1600, %swap3A_1601], %slice3A_1599 {strides = array<i32>} : memref<8x1792xf32, #tpu.memory_space<vmem>>, vector<1x1792xf32>,
      %get3A_1603 = arith.constant 3 : index
      %get3A_1604 = arith.constant 0 : index
      %get3A_1605 = arith.constant 0 : index
      %get3A_1606 = vector.load %arg0[%get3A_1603, %get3A_1604, %get3A_1605] : memref<7x384x1792xf32, #tpu.memory_space<vmem>>, vector<1x8x1792xf32>
      %get3A_1607 = vector.shape_cast %get3A_1606 : vector<1x8x1792xf32> to vector<8x1792xf32>
      %slice3A_1608 = vector.extract_strided_slice %broadcast_in_dim3A_74 {offsets = [0, 0], sizes = [8, 1], strides = [1, 1]} : vector<384x1xf32> to vector<8x1xf32>
      %sub3A_1609 = vector.broadcast %slice3A_1608 : vector<8x1xf32> to vector<8x1792xf32>
      %sub3A_1610 = arith.subf %get3A_1607, %sub3A_1609 : vector<8x1792xf32>
      %mul3A_1611 = arith.mulf %sub3A_1610, %sub3A_1610 : vector<8x1792xf32>
      %get3A_1612 = arith.constant 3 : index
      %get3A_1613 = arith.constant 8 : index
      %get3A_1614 = arith.constant 0 : index
      %get3A_1615 = vector.load %arg0[%get3A_1612, %get3A_1613, %get3A_1614] : memref<7x384x1792xf32, #tpu.memory_space<vmem>>, vector<1x8x1792xf32>
      %get3A_1616 = vector.shape_cast %get3A_1615 : vector<1x8x1792xf32> to vector<8x1792xf32>
      %slice3A_1617 = vector.extract_strided_slice %broadcast_in_dim3A_74 {offsets = [8, 0], sizes = [8, 1], strides = [1, 1]} : vector<384x1xf32> to vector<8x1xf32>
      %sub3A_1618 = vector.broadcast %slice3A_1617 : vector<8x1xf32> to vector<8x1792xf32>
      %sub3A_1619 = arith.subf %get3A_1616, %sub3A_1618 : vector<8x1792xf32>
      %mul3A_1620 = arith.mulf %sub3A_1619, %sub3A_1619 : vector<8x1792xf32>
      %add3A_1621 = arith.addf %mul3A_1611, %mul3A_1620 : vector<8x1792xf32>
      %get3A_1622 = arith.constant 3 : index
      %get3A_1623 = arith.constant 16 : index
      %get3A_1624 = arith.constant 0 : index
      %get3A_1625 = vector.load %arg0[%get3A_1622, %get3A_1623, %get3A_1624] : memref<7x384x1792xf32, #tpu.memory_space<vmem>>, vector<1x8x1792xf32>
      %get3A_1626 = vector.shape_cast %get3A_1625 : vector<1x8x1792xf32> to vector<8x1792xf32>
      %slice3A_1627 = vector.extract_strided_slice %broadcast_in_dim3A_74 {offsets = [16, 0], sizes = [8, 1], strides = [1, 1]} : vector<384x1xf32> to vector<8x1xf32>
      %sub3A_1628 = vector.broadcast %slice3A_1627 : vector<8x1xf32> to vector<8x1792xf32>
      %sub3A_1629 = arith.subf %get3A_1626, %sub3A_1628 : vector<8x1792xf32>
      %mul3A_1630 = arith.mulf %sub3A_1629, %sub3A_1629 : vector<8x1792xf32>
      %add3A_1631 = arith.addf %add3A_1621, %mul3A_1630 : vector<8x1792xf32>
      %get3A_1632 = arith.constant 3 : index
      %get3A_1633 = arith.constant 24 : index
      %get3A_1634 = arith.constant 0 : index
      %get3A_1635 = vector.load %arg0[%get3A_1632, %get3A_1633, %get3A_1634] : memref<7x384x1792xf32, #tpu.memory_space<vmem>>, vector<1x8x1792xf32>
      %get3A_1636 = vector.shape_cast %get3A_1635 : vector<1x8x1792xf32> to vector<8x1792xf32>
      %slice3A_1637 = vector.extract_strided_slice %broadcast_in_dim3A_74 {offsets = [24, 0], sizes = [8, 1], strides = [1, 1]} : vector<384x1xf32> to vector<8x1xf32>
      %sub3A_1638 = vector.broadcast %slice3A_1637 : vector<8x1xf32> to vector<8x1792xf32>
      %sub3A_1639 = arith.subf %get3A_1636, %sub3A_1638 : vector<8x1792xf32>
      %mul3A_1640 = arith.mulf %sub3A_1639, %sub3A_1639 : vector<8x1792xf32>
      %add3A_1641 = arith.addf %add3A_1631, %mul3A_1640 : vector<8x1792xf32>
      %get3A_1642 = arith.constant 3 : index
      %get3A_1643 = arith.constant 32 : index
      %get3A_1644 = arith.constant 0 : index
      %get3A_1645 = vector.load %arg0[%get3A_1642, %get3A_1643, %get3A_1644] : memref<7x384x1792xf32, #tpu.memory_space<vmem>>, vector<1x8x1792xf32>
      %get3A_1646 = vector.shape_cast %get3A_1645 : vector<1x8x1792xf32> to vector<8x1792xf32>
      %slice3A_1647 = vector.extract_strided_slice %broadcast_in_dim3A_74 {offsets = [32, 0], sizes = [8, 1], strides = [1, 1]} : vector<384x1xf32> to vector<8x1xf32>
      %sub3A_1648 = vector.broadcast %slice3A_1647 : vector<8x1xf32> to vector<8x1792xf32>
      %sub3A_1649 = arith.subf %get3A_1646, %sub3A_1648 : vector<8x1792xf32>
      %mul3A_1650 = arith.mulf %sub3A_1649, %sub3A_1649 : vector<8x1792xf32>
      %add3A_1651 = arith.addf %add3A_1641, %mul3A_1650 : vector<8x1792xf32>
      %get3A_1652 = arith.constant 3 : index
      %get3A_1653 = arith.constant 40 : index
      %get3A_1654 = arith.constant 0 : index
      %get3A_1655 = vector.load %arg0[%get3A_1652, %get3A_1653, %get3A_1654] : memref<7x384x1792xf32, #tpu.memory_space<vmem>>, vector<1x8x1792xf32>
      %get3A_1656 = vector.shape_cast %get3A_1655 : vector<1x8x1792xf32> to vector<8x1792xf32>
      %slice3A_1657 = vector.extract_strided_slice %broadcast_in_dim3A_74 {offsets = [40, 0], sizes = [8, 1], strides = [1, 1]} : vector<384x1xf32> to vector<8x1xf32>
      %sub3A_1658 = vector.broadcast %slice3A_1657 : vector<8x1xf32> to vector<8x1792xf32>
      %sub3A_1659 = arith.subf %get3A_1656, %sub3A_1658 : vector<8x1792xf32>
      %mul3A_1660 = arith.mulf %sub3A_1659, %sub3A_1659 : vector<8x1792xf32>
      %add3A_1661 = arith.addf %add3A_1651, %mul3A_1660 : vector<8x1792xf32>
      %get3A_1662 = arith.constant 3 : index
      %get3A_1663 = arith.constant 48 : index
      %get3A_1664 = arith.constant 0 : index
      %get3A_1665 = vector.load %arg0[%get3A_1662, %get3A_1663, %get3A_1664] : memref<7x384x1792xf32, #tpu.memory_space<vmem>>, vector<1x8x1792xf32>
      %get3A_1666 = vector.shape_cast %get3A_1665 : vector<1x8x1792xf32> to vector<8x1792xf32>
      %slice3A_1667 = vector.extract_strided_slice %broadcast_in_dim3A_74 {offsets = [48, 0], sizes = [8, 1], strides = [1, 1]} : vector<384x1xf32> to vector<8x1xf32>
      %sub3A_1668 = vector.broadcast %slice3A_1667 : vector<8x1xf32> to vector<8x1792xf32>
      %sub3A_1669 = arith.subf %get3A_1666, %sub3A_1668 : vector<8x1792xf32>
      %mul3A_1670 = arith.mulf %sub3A_1669, %sub3A_1669 : vector<8x1792xf32>
      %add3A_1671 = arith.addf %add3A_1661, %mul3A_1670 : vector<8x1792xf32>
      %get3A_1672 = arith.constant 3 : index
      %get3A_1673 = arith.constant 56 : index
      %get3A_1674 = arith.constant 0 : index
      %get3A_1675 = vector.load %arg0[%get3A_1672, %get3A_1673, %get3A_1674] : memref<7x384x1792xf32, #tpu.memory_space<vmem>>, vector<1x8x1792xf32>
      %get3A_1676 = vector.shape_cast %get3A_1675 : vector<1x8x1792xf32> to vector<8x1792xf32>
      %slice3A_1677 = vector.extract_strided_slice %broadcast_in_dim3A_74 {offsets = [56, 0], sizes = [8, 1], strides = [1, 1]} : vector<384x1xf32> to vector<8x1xf32>
      %sub3A_1678 = vector.broadcast %slice3A_1677 : vector<8x1xf32> to vector<8x1792xf32>
      %sub3A_1679 = arith.subf %get3A_1676, %sub3A_1678 : vector<8x1792xf32>
      %mul3A_1680 = arith.mulf %sub3A_1679, %sub3A_1679 : vector<8x1792xf32>
      %add3A_1681 = arith.addf %add3A_1671, %mul3A_1680 : vector<8x1792xf32>
      %get3A_1682 = arith.constant 3 : index
      %get3A_1683 = arith.constant 64 : index
      %get3A_1684 = arith.constant 0 : index
      %get3A_1685 = vector.load %arg0[%get3A_1682, %get3A_1683, %get3A_1684] : memref<7x384x1792xf32, #tpu.memory_space<vmem>>, vector<1x8x1792xf32>
      %get3A_1686 = vector.shape_cast %get3A_1685 : vector<1x8x1792xf32> to vector<8x1792xf32>
      %slice3A_1687 = vector.extract_strided_slice %broadcast_in_dim3A_74 {offsets = [64, 0], sizes = [8, 1], strides = [1, 1]} : vector<384x1xf32> to vector<8x1xf32>
      %sub3A_1688 = vector.broadcast %slice3A_1687 : vector<8x1xf32> to vector<8x1792xf32>
      %sub3A_1689 = arith.subf %get3A_1686, %sub3A_1688 : vector<8x1792xf32>
      %mul3A_1690 = arith.mulf %sub3A_1689, %sub3A_1689 : vector<8x1792xf32>
      %add3A_1691 = arith.addf %add3A_1681, %mul3A_1690 : vector<8x1792xf32>
      %get3A_1692 = arith.constant 3 : index
      %get3A_1693 = arith.constant 72 : index
      %get3A_1694 = arith.constant 0 : index
      %get3A_1695 = vector.load %arg0[%get3A_1692, %get3A_1693, %get3A_1694] : memref<7x384x1792xf32, #tpu.memory_space<vmem>>, vector<1x8x1792xf32>
      %get3A_1696 = vector.shape_cast %get3A_1695 : vector<1x8x1792xf32> to vector<8x1792xf32>
      %slice3A_1697 = vector.extract_strided_slice %broadcast_in_dim3A_74 {offsets = [72, 0], sizes = [8, 1], strides = [1, 1]} : vector<384x1xf32> to vector<8x1xf32>
      %sub3A_1698 = vector.broadcast %slice3A_1697 : vector<8x1xf32> to vector<8x1792xf32>
      %sub3A_1699 = arith.subf %get3A_1696, %sub3A_1698 : vector<8x1792xf32>
      %mul3A_1700 = arith.mulf %sub3A_1699, %sub3A_1699 : vector<8x1792xf32>
      %add3A_1701 = arith.addf %add3A_1691, %mul3A_1700 : vector<8x1792xf32>
      %get3A_1702 = arith.constant 3 : index
      %get3A_1703 = arith.constant 80 : index
      %get3A_1704 = arith.constant 0 : index
      %get3A_1705 = vector.load %arg0[%get3A_1702, %get3A_1703, %get3A_1704] : memref<7x384x1792xf32, #tpu.memory_space<vmem>>, vector<1x8x1792xf32>
      %get3A_1706 = vector.shape_cast %get3A_1705 : vector<1x8x1792xf32> to vector<8x1792xf32>
      %slice3A_1707 = vector.extract_strided_slice %broadcast_in_dim3A_74 {offsets = [80, 0], sizes = [8, 1], strides = [1, 1]} : vector<384x1xf32> to vector<8x1xf32>
      %sub3A_1708 = vector.broadcast %slice3A_1707 : vector<8x1xf32> to vector<8x1792xf32>
      %sub3A_1709 = arith.subf %get3A_1706, %sub3A_1708 : vector<8x1792xf32>
      %mul3A_1710 = arith.mulf %sub3A_1709, %sub3A_1709 : vector<8x1792xf32>
      %add3A_1711 = arith.addf %add3A_1701, %mul3A_1710 : vector<8x1792xf32>
      %get3A_1712 = arith.constant 3 : index
      %get3A_1713 = arith.constant 88 : index
      %get3A_1714 = arith.constant 0 : index
      %get3A_1715 = vector.load %arg0[%get3A_1712, %get3A_1713, %get3A_1714] : memref<7x384x1792xf32, #tpu.memory_space<vmem>>, vector<1x8x1792xf32>
      %get3A_1716 = vector.shape_cast %get3A_1715 : vector<1x8x1792xf32> to vector<8x1792xf32>
      %slice3A_1717 = vector.extract_strided_slice %broadcast_in_dim3A_74 {offsets = [88, 0], sizes = [8, 1], strides = [1, 1]} : vector<384x1xf32> to vector<8x1xf32>
      %sub3A_1718 = vector.broadcast %slice3A_1717 : vector<8x1xf32> to vector<8x1792xf32>
      %sub3A_1719 = arith.subf %get3A_1716, %sub3A_1718 : vector<8x1792xf32>
      %mul3A_1720 = arith.mulf %sub3A_1719, %sub3A_1719 : vector<8x1792xf32>
      %add3A_1721 = arith.addf %add3A_1711, %mul3A_1720 : vector<8x1792xf32>
      %get3A_1722 = arith.constant 3 : index
      %get3A_1723 = arith.constant 96 : index
      %get3A_1724 = arith.constant 0 : index
      %get3A_1725 = vector.load %arg0[%get3A_1722, %get3A_1723, %get3A_1724] : memref<7x384x1792xf32, #tpu.memory_space<vmem>>, vector<1x8x1792xf32>
      %get3A_1726 = vector.shape_cast %get3A_1725 : vector<1x8x1792xf32> to vector<8x1792xf32>
      %slice3A_1727 = vector.extract_strided_slice %broadcast_in_dim3A_74 {offsets = [96, 0], sizes = [8, 1], strides = [1, 1]} : vector<384x1xf32> to vector<8x1xf32>
      %sub3A_1728 = vector.broadcast %slice3A_1727 : vector<8x1xf32> to vector<8x1792xf32>
      %sub3A_1729 = arith.subf %get3A_1726, %sub3A_1728 : vector<8x1792xf32>
      %mul3A_1730 = arith.mulf %sub3A_1729, %sub3A_1729 : vector<8x1792xf32>
      %add3A_1731 = arith.addf %add3A_1721, %mul3A_1730 : vector<8x1792xf32>
      %get3A_1732 = arith.constant 3 : index
      %get3A_1733 = arith.constant 104 : index
      %get3A_1734 = arith.constant 0 : index
      %get3A_1735 = vector.load %arg0[%get3A_1732, %get3A_1733, %get3A_1734] : memref<7x384x1792xf32, #tpu.memory_space<vmem>>, vector<1x8x1792xf32>
      %get3A_1736 = vector.shape_cast %get3A_1735 : vector<1x8x1792xf32> to vector<8x1792xf32>
      %slice3A_1737 = vector.extract_strided_slice %broadcast_in_dim3A_74 {offsets = [104, 0], sizes = [8, 1], strides = [1, 1]} : vector<384x1xf32> to vector<8x1xf32>
      %sub3A_1738 = vector.broadcast %slice3A_1737 : vector<8x1xf32> to vector<8x1792xf32>
      %sub3A_1739 = arith.subf %get3A_1736, %sub3A_1738 : vector<8x1792xf32>
      %mul3A_1740 = arith.mulf %sub3A_1739, %sub3A_1739 : vector<8x1792xf32>
      %add3A_1741 = arith.addf %add3A_1731, %mul3A_1740 : vector<8x1792xf32>
      %get3A_1742 = arith.constant 3 : index
      %get3A_1743 = arith.constant 112 : index
      %get3A_1744 = arith.constant 0 : index
      %get3A_1745 = vector.load %arg0[%get3A_1742, %get3A_1743, %get3A_1744] : memref<7x384x1792xf32, #tpu.memory_space<vmem>>, vector<1x8x1792xf32>
      %get3A_1746 = vector.shape_cast %get3A_1745 : vector<1x8x1792xf32> to vector<8x1792xf32>
      %slice3A_1747 = vector.extract_strided_slice %broadcast_in_dim3A_74 {offsets = [112, 0], sizes = [8, 1], strides = [1, 1]} : vector<384x1xf32> to vector<8x1xf32>
      %sub3A_1748 = vector.broadcast %slice3A_1747 : vector<8x1xf32> to vector<8x1792xf32>
      %sub3A_1749 = arith.subf %get3A_1746, %sub3A_1748 : vector<8x1792xf32>
      %mul3A_1750 = arith.mulf %sub3A_1749, %sub3A_1749 : vector<8x1792xf32>
      %add3A_1751 = arith.addf %add3A_1741, %mul3A_1750 : vector<8x1792xf32>
      %get3A_1752 = arith.constant 3 : index
      %get3A_1753 = arith.constant 120 : index
      %get3A_1754 = arith.constant 0 : index
      %get3A_1755 = vector.load %arg0[%get3A_1752, %get3A_1753, %get3A_1754] : memref<7x384x1792xf32, #tpu.memory_space<vmem>>, vector<1x8x1792xf32>
      %get3A_1756 = vector.shape_cast %get3A_1755 : vector<1x8x1792xf32> to vector<8x1792xf32>
      %slice3A_1757 = vector.extract_strided_slice %broadcast_in_dim3A_74 {offsets = [120, 0], sizes = [8, 1], strides = [1, 1]} : vector<384x1xf32> to vector<8x1xf32>
      %sub3A_1758 = vector.broadcast %slice3A_1757 : vector<8x1xf32> to vector<8x1792xf32>
      %sub3A_1759 = arith.subf %get3A_1756, %sub3A_1758 : vector<8x1792xf32>
      %mul3A_1760 = arith.mulf %sub3A_1759, %sub3A_1759 : vector<8x1792xf32>
      %add3A_1761 = arith.addf %add3A_1751, %mul3A_1760 : vector<8x1792xf32>
      %roll3A_1762 = arith.constant 4 : i32
      %roll3A_1763 = tpu.dynamic_rotate %add3A_1761 by %roll3A_1762 dim 0 : vector<8x1792xf32>, i32 -> vector<8x1792xf32>
      %add3A_1764 = arith.addf %add3A_1761, %roll3A_1763 : vector<8x1792xf32>
      %roll3A_1765 = arith.constant 2 : i32
      %roll3A_1766 = tpu.dynamic_rotate %add3A_1764 by %roll3A_1765 dim 0 : vector<8x1792xf32>, i32 -> vector<8x1792xf32>
      %add3A_1767 = arith.addf %add3A_1764, %roll3A_1766 : vector<8x1792xf32>
      %roll3A_1768 = arith.constant 1 : i32
      %roll3A_1769 = tpu.dynamic_rotate %add3A_1767 by %roll3A_1768 dim 0 : vector<8x1792xf32>, i32 -> vector<8x1792xf32>
      %add3A_1770 = arith.addf %add3A_1767, %roll3A_1769 : vector<8x1792xf32>
      %get3A_1771 = arith.constant 3 : index
      %get3A_1772 = arith.constant 128 : index
      %get3A_1773 = arith.constant 0 : index
      %get3A_1774 = vector.load %arg0[%get3A_1771, %get3A_1772, %get3A_1773] : memref<7x384x1792xf32, #tpu.memory_space<vmem>>, vector<1x8x1792xf32>
      %get3A_1775 = vector.shape_cast %get3A_1774 : vector<1x8x1792xf32> to vector<8x1792xf32>
      %slice3A_1776 = vector.extract_strided_slice %broadcast_in_dim3A_74 {offsets = [128, 0], sizes = [8, 1], strides = [1, 1]} : vector<384x1xf32> to vector<8x1xf32>
      %sub3A_1777 = vector.broadcast %slice3A_1776 : vector<8x1xf32> to vector<8x1792xf32>
      %sub3A_1778 = arith.subf %get3A_1775, %sub3A_1777 : vector<8x1792xf32>
      %mul3A_1779 = arith.mulf %sub3A_1778, %sub3A_1778 : vector<8x1792xf32>
      %get3A_1780 = arith.constant 3 : index
      %get3A_1781 = arith.constant 136 : index
      %get3A_1782 = arith.constant 0 : index
      %get3A_1783 = vector.load %arg0[%get3A_1780, %get3A_1781, %get3A_1782] : memref<7x384x1792xf32, #tpu.memory_space<vmem>>, vector<1x8x1792xf32>
      %get3A_1784 = vector.shape_cast %get3A_1783 : vector<1x8x1792xf32> to vector<8x1792xf32>
      %slice3A_1785 = vector.extract_strided_slice %broadcast_in_dim3A_74 {offsets = [136, 0], sizes = [8, 1], strides = [1, 1]} : vector<384x1xf32> to vector<8x1xf32>
      %sub3A_1786 = vector.broadcast %slice3A_1785 : vector<8x1xf32> to vector<8x1792xf32>
      %sub3A_1787 = arith.subf %get3A_1784, %sub3A_1786 : vector<8x1792xf32>
      %mul3A_1788 = arith.mulf %sub3A_1787, %sub3A_1787 : vector<8x1792xf32>
      %add3A_1789 = arith.addf %mul3A_1779, %mul3A_1788 : vector<8x1792xf32>
      %get3A_1790 = arith.constant 3 : index
      %get3A_1791 = arith.constant 144 : index
      %get3A_1792 = arith.constant 0 : index
      %get3A_1793 = vector.load %arg0[%get3A_1790, %get3A_1791, %get3A_1792] : memref<7x384x1792xf32, #tpu.memory_space<vmem>>, vector<1x8x1792xf32>
      %get3A_1794 = vector.shape_cast %get3A_1793 : vector<1x8x1792xf32> to vector<8x1792xf32>
      %slice3A_1795 = vector.extract_strided_slice %broadcast_in_dim3A_74 {offsets = [144, 0], sizes = [8, 1], strides = [1, 1]} : vector<384x1xf32> to vector<8x1xf32>
      %sub3A_1796 = vector.broadcast %slice3A_1795 : vector<8x1xf32> to vector<8x1792xf32>
      %sub3A_1797 = arith.subf %get3A_1794, %sub3A_1796 : vector<8x1792xf32>
      %mul3A_1798 = arith.mulf %sub3A_1797, %sub3A_1797 : vector<8x1792xf32>
      %add3A_1799 = arith.addf %add3A_1789, %mul3A_1798 : vector<8x1792xf32>
      %get3A_1800 = arith.constant 3 : index
      %get3A_1801 = arith.constant 152 : index
      %get3A_1802 = arith.constant 0 : index
      %get3A_1803 = vector.load %arg0[%get3A_1800, %get3A_1801, %get3A_1802] : memref<7x384x1792xf32, #tpu.memory_space<vmem>>, vector<1x8x1792xf32>
      %get3A_1804 = vector.shape_cast %get3A_1803 : vector<1x8x1792xf32> to vector<8x1792xf32>
      %slice3A_1805 = vector.extract_strided_slice %broadcast_in_dim3A_74 {offsets = [152, 0], sizes = [8, 1], strides = [1, 1]} : vector<384x1xf32> to vector<8x1xf32>
      %sub3A_1806 = vector.broadcast %slice3A_1805 : vector<8x1xf32> to vector<8x1792xf32>
      %sub3A_1807 = arith.subf %get3A_1804, %sub3A_1806 : vector<8x1792xf32>
      %mul3A_1808 = arith.mulf %sub3A_1807, %sub3A_1807 : vector<8x1792xf32>
      %add3A_1809 = arith.addf %add3A_1799, %mul3A_1808 : vector<8x1792xf32>
      %get3A_1810 = arith.constant 3 : index
      %get3A_1811 = arith.constant 160 : index
      %get3A_1812 = arith.constant 0 : index
      %get3A_1813 = vector.load %arg0[%get3A_1810, %get3A_1811, %get3A_1812] : memref<7x384x1792xf32, #tpu.memory_space<vmem>>, vector<1x8x1792xf32>
      %get3A_1814 = vector.shape_cast %get3A_1813 : vector<1x8x1792xf32> to vector<8x1792xf32>
      %slice3A_1815 = vector.extract_strided_slice %broadcast_in_dim3A_74 {offsets = [160, 0], sizes = [8, 1], strides = [1, 1]} : vector<384x1xf32> to vector<8x1xf32>
      %sub3A_1816 = vector.broadcast %slice3A_1815 : vector<8x1xf32> to vector<8x1792xf32>
      %sub3A_1817 = arith.subf %get3A_1814, %sub3A_1816 : vector<8x1792xf32>
      %mul3A_1818 = arith.mulf %sub3A_1817, %sub3A_1817 : vector<8x1792xf32>
      %add3A_1819 = arith.addf %add3A_1809, %mul3A_1818 : vector<8x1792xf32>
      %get3A_1820 = arith.constant 3 : index
      %get3A_1821 = arith.constant 168 : index
      %get3A_1822 = arith.constant 0 : index
      %get3A_1823 = vector.load %arg0[%get3A_1820, %get3A_1821, %get3A_1822] : memref<7x384x1792xf32, #tpu.memory_space<vmem>>, vector<1x8x1792xf32>
      %get3A_1824 = vector.shape_cast %get3A_1823 : vector<1x8x1792xf32> to vector<8x1792xf32>
      %slice3A_1825 = vector.extract_strided_slice %broadcast_in_dim3A_74 {offsets = [168, 0], sizes = [8, 1], strides = [1, 1]} : vector<384x1xf32> to vector<8x1xf32>
      %sub3A_1826 = vector.broadcast %slice3A_1825 : vector<8x1xf32> to vector<8x1792xf32>
      %sub3A_1827 = arith.subf %get3A_1824, %sub3A_1826 : vector<8x1792xf32>
      %mul3A_1828 = arith.mulf %sub3A_1827, %sub3A_1827 : vector<8x1792xf32>
      %add3A_1829 = arith.addf %add3A_1819, %mul3A_1828 : vector<8x1792xf32>
      %get3A_1830 = arith.constant 3 : index
      %get3A_1831 = arith.constant 176 : index
      %get3A_1832 = arith.constant 0 : index
      %get3A_1833 = vector.load %arg0[%get3A_1830, %get3A_1831, %get3A_1832] : memref<7x384x1792xf32, #tpu.memory_space<vmem>>, vector<1x8x1792xf32>
      %get3A_1834 = vector.shape_cast %get3A_1833 : vector<1x8x1792xf32> to vector<8x1792xf32>
      %slice3A_1835 = vector.extract_strided_slice %broadcast_in_dim3A_74 {offsets = [176, 0], sizes = [8, 1], strides = [1, 1]} : vector<384x1xf32> to vector<8x1xf32>
      %sub3A_1836 = vector.broadcast %slice3A_1835 : vector<8x1xf32> to vector<8x1792xf32>
      %sub3A_1837 = arith.subf %get3A_1834, %sub3A_1836 : vector<8x1792xf32>
      %mul3A_1838 = arith.mulf %sub3A_1837, %sub3A_1837 : vector<8x1792xf32>
      %add3A_1839 = arith.addf %add3A_1829, %mul3A_1838 : vector<8x1792xf32>
      %get3A_1840 = arith.constant 3 : index
      %get3A_1841 = arith.constant 184 : index
      %get3A_1842 = arith.constant 0 : index
      %get3A_1843 = vector.load %arg0[%get3A_1840, %get3A_1841, %get3A_1842] : memref<7x384x1792xf32, #tpu.memory_space<vmem>>, vector<1x8x1792xf32>
      %get3A_1844 = vector.shape_cast %get3A_1843 : vector<1x8x1792xf32> to vector<8x1792xf32>
      %slice3A_1845 = vector.extract_strided_slice %broadcast_in_dim3A_74 {offsets = [184, 0], sizes = [8, 1], strides = [1, 1]} : vector<384x1xf32> to vector<8x1xf32>
      %sub3A_1846 = vector.broadcast %slice3A_1845 : vector<8x1xf32> to vector<8x1792xf32>
      %sub3A_1847 = arith.subf %get3A_1844, %sub3A_1846 : vector<8x1792xf32>
      %mul3A_1848 = arith.mulf %sub3A_1847, %sub3A_1847 : vector<8x1792xf32>
      %add3A_1849 = arith.addf %add3A_1839, %mul3A_1848 : vector<8x1792xf32>
      %get3A_1850 = arith.constant 3 : index
      %get3A_1851 = arith.constant 192 : index
      %get3A_1852 = arith.constant 0 : index
      %get3A_1853 = vector.load %arg0[%get3A_1850, %get3A_1851, %get3A_1852] : memref<7x384x1792xf32, #tpu.memory_space<vmem>>, vector<1x8x1792xf32>
      %get3A_1854 = vector.shape_cast %get3A_1853 : vector<1x8x1792xf32> to vector<8x1792xf32>
      %slice3A_1855 = vector.extract_strided_slice %broadcast_in_dim3A_74 {offsets = [192, 0], sizes = [8, 1], strides = [1, 1]} : vector<384x1xf32> to vector<8x1xf32>
      %sub3A_1856 = vector.broadcast %slice3A_1855 : vector<8x1xf32> to vector<8x1792xf32>
      %sub3A_1857 = arith.subf %get3A_1854, %sub3A_1856 : vector<8x1792xf32>
      %mul3A_1858 = arith.mulf %sub3A_1857, %sub3A_1857 : vector<8x1792xf32>
      %add3A_1859 = arith.addf %add3A_1849, %mul3A_1858 : vector<8x1792xf32>
      %get3A_1860 = arith.constant 3 : index
      %get3A_1861 = arith.constant 200 : index
      %get3A_1862 = arith.constant 0 : index
      %get3A_1863 = vector.load %arg0[%get3A_1860, %get3A_1861, %get3A_1862] : memref<7x384x1792xf32, #tpu.memory_space<vmem>>, vector<1x8x1792xf32>
      %get3A_1864 = vector.shape_cast %get3A_1863 : vector<1x8x1792xf32> to vector<8x1792xf32>
      %slice3A_1865 = vector.extract_strided_slice %broadcast_in_dim3A_74 {offsets = [200, 0], sizes = [8, 1], strides = [1, 1]} : vector<384x1xf32> to vector<8x1xf32>
      %sub3A_1866 = vector.broadcast %slice3A_1865 : vector<8x1xf32> to vector<8x1792xf32>
      %sub3A_1867 = arith.subf %get3A_1864, %sub3A_1866 : vector<8x1792xf32>
      %mul3A_1868 = arith.mulf %sub3A_1867, %sub3A_1867 : vector<8x1792xf32>
      %add3A_1869 = arith.addf %add3A_1859, %mul3A_1868 : vector<8x1792xf32>
      %get3A_1870 = arith.constant 3 : index
      %get3A_1871 = arith.constant 208 : index
      %get3A_1872 = arith.constant 0 : index
      %get3A_1873 = vector.load %arg0[%get3A_1870, %get3A_1871, %get3A_1872] : memref<7x384x1792xf32, #tpu.memory_space<vmem>>, vector<1x8x1792xf32>
      %get3A_1874 = vector.shape_cast %get3A_1873 : vector<1x8x1792xf32> to vector<8x1792xf32>
      %slice3A_1875 = vector.extract_strided_slice %broadcast_in_dim3A_74 {offsets = [208, 0], sizes = [8, 1], strides = [1, 1]} : vector<384x1xf32> to vector<8x1xf32>
      %sub3A_1876 = vector.broadcast %slice3A_1875 : vector<8x1xf32> to vector<8x1792xf32>
      %sub3A_1877 = arith.subf %get3A_1874, %sub3A_1876 : vector<8x1792xf32>
      %mul3A_1878 = arith.mulf %sub3A_1877, %sub3A_1877 : vector<8x1792xf32>
      %add3A_1879 = arith.addf %add3A_1869, %mul3A_1878 : vector<8x1792xf32>
      %get3A_1880 = arith.constant 3 : index
      %get3A_1881 = arith.constant 216 : index
      %get3A_1882 = arith.constant 0 : index
      %get3A_1883 = vector.load %arg0[%get3A_1880, %get3A_1881, %get3A_1882] : memref<7x384x1792xf32, #tpu.memory_space<vmem>>, vector<1x8x1792xf32>
      %get3A_1884 = vector.shape_cast %get3A_1883 : vector<1x8x1792xf32> to vector<8x1792xf32>
      %slice3A_1885 = vector.extract_strided_slice %broadcast_in_dim3A_74 {offsets = [216, 0], sizes = [8, 1], strides = [1, 1]} : vector<384x1xf32> to vector<8x1xf32>
      %sub3A_1886 = vector.broadcast %slice3A_1885 : vector<8x1xf32> to vector<8x1792xf32>
      %sub3A_1887 = arith.subf %get3A_1884, %sub3A_1886 : vector<8x1792xf32>
      %mul3A_1888 = arith.mulf %sub3A_1887, %sub3A_1887 : vector<8x1792xf32>
      %add3A_1889 = arith.addf %add3A_1879, %mul3A_1888 : vector<8x1792xf32>
      %get3A_1890 = arith.constant 3 : index
      %get3A_1891 = arith.constant 224 : index
      %get3A_1892 = arith.constant 0 : index
      %get3A_1893 = vector.load %arg0[%get3A_1890, %get3A_1891, %get3A_1892] : memref<7x384x1792xf32, #tpu.memory_space<vmem>>, vector<1x8x1792xf32>
      %get3A_1894 = vector.shape_cast %get3A_1893 : vector<1x8x1792xf32> to vector<8x1792xf32>
      %slice3A_1895 = vector.extract_strided_slice %broadcast_in_dim3A_74 {offsets = [224, 0], sizes = [8, 1], strides = [1, 1]} : vector<384x1xf32> to vector<8x1xf32>
      %sub3A_1896 = vector.broadcast %slice3A_1895 : vector<8x1xf32> to vector<8x1792xf32>
      %sub3A_1897 = arith.subf %get3A_1894, %sub3A_1896 : vector<8x1792xf32>
      %mul3A_1898 = arith.mulf %sub3A_1897, %sub3A_1897 : vector<8x1792xf32>
      %add3A_1899 = arith.addf %add3A_1889, %mul3A_1898 : vector<8x1792xf32>
      %get3A_1900 = arith.constant 3 : index
      %get3A_1901 = arith.constant 232 : index
      %get3A_1902 = arith.constant 0 : index
      %get3A_1903 = vector.load %arg0[%get3A_1900, %get3A_1901, %get3A_1902] : memref<7x384x1792xf32, #tpu.memory_space<vmem>>, vector<1x8x1792xf32>
      %get3A_1904 = vector.shape_cast %get3A_1903 : vector<1x8x1792xf32> to vector<8x1792xf32>
      %slice3A_1905 = vector.extract_strided_slice %broadcast_in_dim3A_74 {offsets = [232, 0], sizes = [8, 1], strides = [1, 1]} : vector<384x1xf32> to vector<8x1xf32>
      %sub3A_1906 = vector.broadcast %slice3A_1905 : vector<8x1xf32> to vector<8x1792xf32>
      %sub3A_1907 = arith.subf %get3A_1904, %sub3A_1906 : vector<8x1792xf32>
      %mul3A_1908 = arith.mulf %sub3A_1907, %sub3A_1907 : vector<8x1792xf32>
      %add3A_1909 = arith.addf %add3A_1899, %mul3A_1908 : vector<8x1792xf32>
      %get3A_1910 = arith.constant 3 : index
      %get3A_1911 = arith.constant 240 : index
      %get3A_1912 = arith.constant 0 : index
      %get3A_1913 = vector.load %arg0[%get3A_1910, %get3A_1911, %get3A_1912] : memref<7x384x1792xf32, #tpu.memory_space<vmem>>, vector<1x8x1792xf32>
      %get3A_1914 = vector.shape_cast %get3A_1913 : vector<1x8x1792xf32> to vector<8x1792xf32>
      %slice3A_1915 = vector.extract_strided_slice %broadcast_in_dim3A_74 {offsets = [240, 0], sizes = [8, 1], strides = [1, 1]} : vector<384x1xf32> to vector<8x1xf32>
      %sub3A_1916 = vector.broadcast %slice3A_1915 : vector<8x1xf32> to vector<8x1792xf32>
      %sub3A_1917 = arith.subf %get3A_1914, %sub3A_1916 : vector<8x1792xf32>
      %mul3A_1918 = arith.mulf %sub3A_1917, %sub3A_1917 : vector<8x1792xf32>
      %add3A_1919 = arith.addf %add3A_1909, %mul3A_1918 : vector<8x1792xf32>
      %get3A_1920 = arith.constant 3 : index
      %get3A_1921 = arith.constant 248 : index
      %get3A_1922 = arith.constant 0 : index
      %get3A_1923 = vector.load %arg0[%get3A_1920, %get3A_1921, %get3A_1922] : memref<7x384x1792xf32, #tpu.memory_space<vmem>>, vector<1x8x1792xf32>
      %get3A_1924 = vector.shape_cast %get3A_1923 : vector<1x8x1792xf32> to vector<8x1792xf32>
      %slice3A_1925 = vector.extract_strided_slice %broadcast_in_dim3A_74 {offsets = [248, 0], sizes = [8, 1], strides = [1, 1]} : vector<384x1xf32> to vector<8x1xf32>
      %sub3A_1926 = vector.broadcast %slice3A_1925 : vector<8x1xf32> to vector<8x1792xf32>
      %sub3A_1927 = arith.subf %get3A_1924, %sub3A_1926 : vector<8x1792xf32>
      %mul3A_1928 = arith.mulf %sub3A_1927, %sub3A_1927 : vector<8x1792xf32>
      %add3A_1929 = arith.addf %add3A_1919, %mul3A_1928 : vector<8x1792xf32>
      %roll3A_1930 = arith.constant 4 : i32
      %roll3A_1931 = tpu.dynamic_rotate %add3A_1929 by %roll3A_1930 dim 0 : vector<8x1792xf32>, i32 -> vector<8x1792xf32>
      %add3A_1932 = arith.addf %add3A_1929, %roll3A_1931 : vector<8x1792xf32>
      %roll3A_1933 = arith.constant 2 : i32
      %roll3A_1934 = tpu.dynamic_rotate %add3A_1932 by %roll3A_1933 dim 0 : vector<8x1792xf32>, i32 -> vector<8x1792xf32>
      %add3A_1935 = arith.addf %add3A_1932, %roll3A_1934 : vector<8x1792xf32>
      %roll3A_1936 = arith.constant 1 : i32
      %roll3A_1937 = tpu.dynamic_rotate %add3A_1935 by %roll3A_1936 dim 0 : vector<8x1792xf32>, i32 -> vector<8x1792xf32>
      %add3A_1938 = arith.addf %add3A_1935, %roll3A_1937 : vector<8x1792xf32>
      %add3A_1939 = arith.addf %add3A_1770, %add3A_1938 : vector<8x1792xf32>
      %get3A_1940 = arith.constant 3 : index
      %get3A_1941 = arith.constant 256 : index
      %get3A_1942 = arith.constant 0 : index
      %get3A_1943 = vector.load %arg0[%get3A_1940, %get3A_1941, %get3A_1942] : memref<7x384x1792xf32, #tpu.memory_space<vmem>>, vector<1x8x1792xf32>
      %get3A_1944 = vector.shape_cast %get3A_1943 : vector<1x8x1792xf32> to vector<8x1792xf32>
      %slice3A_1945 = vector.extract_strided_slice %broadcast_in_dim3A_74 {offsets = [256, 0], sizes = [8, 1], strides = [1, 1]} : vector<384x1xf32> to vector<8x1xf32>
      %sub3A_1946 = vector.broadcast %slice3A_1945 : vector<8x1xf32> to vector<8x1792xf32>
      %sub3A_1947 = arith.subf %get3A_1944, %sub3A_1946 : vector<8x1792xf32>
      %mul3A_1948 = arith.mulf %sub3A_1947, %sub3A_1947 : vector<8x1792xf32>
      %get3A_1949 = arith.constant 3 : index
      %get3A_1950 = arith.constant 264 : index
      %get3A_1951 = arith.constant 0 : index
      %get3A_1952 = vector.load %arg0[%get3A_1949, %get3A_1950, %get3A_1951] : memref<7x384x1792xf32, #tpu.memory_space<vmem>>, vector<1x8x1792xf32>
      %get3A_1953 = vector.shape_cast %get3A_1952 : vector<1x8x1792xf32> to vector<8x1792xf32>
      %slice3A_1954 = vector.extract_strided_slice %broadcast_in_dim3A_74 {offsets = [264, 0], sizes = [8, 1], strides = [1, 1]} : vector<384x1xf32> to vector<8x1xf32>
      %sub3A_1955 = vector.broadcast %slice3A_1954 : vector<8x1xf32> to vector<8x1792xf32>
      %sub3A_1956 = arith.subf %get3A_1953, %sub3A_1955 : vector<8x1792xf32>
      %mul3A_1957 = arith.mulf %sub3A_1956, %sub3A_1956 : vector<8x1792xf32>
      %add3A_1958 = arith.addf %mul3A_1948, %mul3A_1957 : vector<8x1792xf32>
      %get3A_1959 = arith.constant 3 : index
      %get3A_1960 = arith.constant 272 : index
      %get3A_1961 = arith.constant 0 : index
      %get3A_1962 = vector.load %arg0[%get3A_1959, %get3A_1960, %get3A_1961] : memref<7x384x1792xf32, #tpu.memory_space<vmem>>, vector<1x8x1792xf32>
      %get3A_1963 = vector.shape_cast %get3A_1962 : vector<1x8x1792xf32> to vector<8x1792xf32>
      %slice3A_1964 = vector.extract_strided_slice %broadcast_in_dim3A_74 {offsets = [272, 0], sizes = [8, 1], strides = [1, 1]} : vector<384x1xf32> to vector<8x1xf32>
      %sub3A_1965 = vector.broadcast %slice3A_1964 : vector<8x1xf32> to vector<8x1792xf32>
      %sub3A_1966 = arith.subf %get3A_1963, %sub3A_1965 : vector<8x1792xf32>
      %mul3A_1967 = arith.mulf %sub3A_1966, %sub3A_1966 : vector<8x1792xf32>
      %add3A_1968 = arith.addf %add3A_1958, %mul3A_1967 : vector<8x1792xf32>
      %get3A_1969 = arith.constant 3 : index
      %get3A_1970 = arith.constant 280 : index
      %get3A_1971 = arith.constant 0 : index
      %get3A_1972 = vector.load %arg0[%get3A_1969, %get3A_1970, %get3A_1971] : memref<7x384x1792xf32, #tpu.memory_space<vmem>>, vector<1x8x1792xf32>
      %get3A_1973 = vector.shape_cast %get3A_1972 : vector<1x8x1792xf32> to vector<8x1792xf32>
      %slice3A_1974 = vector.extract_strided_slice %broadcast_in_dim3A_74 {offsets = [280, 0], sizes = [8, 1], strides = [1, 1]} : vector<384x1xf32> to vector<8x1xf32>
      %sub3A_1975 = vector.broadcast %slice3A_1974 : vector<8x1xf32> to vector<8x1792xf32>
      %sub3A_1976 = arith.subf %get3A_1973, %sub3A_1975 : vector<8x1792xf32>
      %mul3A_1977 = arith.mulf %sub3A_1976, %sub3A_1976 : vector<8x1792xf32>
      %add3A_1978 = arith.addf %add3A_1968, %mul3A_1977 : vector<8x1792xf32>
      %get3A_1979 = arith.constant 3 : index
      %get3A_1980 = arith.constant 288 : index
      %get3A_1981 = arith.constant 0 : index
      %get3A_1982 = vector.load %arg0[%get3A_1979, %get3A_1980, %get3A_1981] : memref<7x384x1792xf32, #tpu.memory_space<vmem>>, vector<1x8x1792xf32>
      %get3A_1983 = vector.shape_cast %get3A_1982 : vector<1x8x1792xf32> to vector<8x1792xf32>
      %slice3A_1984 = vector.extract_strided_slice %broadcast_in_dim3A_74 {offsets = [288, 0], sizes = [8, 1], strides = [1, 1]} : vector<384x1xf32> to vector<8x1xf32>
      %sub3A_1985 = vector.broadcast %slice3A_1984 : vector<8x1xf32> to vector<8x1792xf32>
      %sub3A_1986 = arith.subf %get3A_1983, %sub3A_1985 : vector<8x1792xf32>
      %mul3A_1987 = arith.mulf %sub3A_1986, %sub3A_1986 : vector<8x1792xf32>
      %add3A_1988 = arith.addf %add3A_1978, %mul3A_1987 : vector<8x1792xf32>
      %get3A_1989 = arith.constant 3 : index
      %get3A_1990 = arith.constant 296 : index
      %get3A_1991 = arith.constant 0 : index
      %get3A_1992 = vector.load %arg0[%get3A_1989, %get3A_1990, %get3A_1991] : memref<7x384x1792xf32, #tpu.memory_space<vmem>>, vector<1x8x1792xf32>
      %get3A_1993 = vector.shape_cast %get3A_1992 : vector<1x8x1792xf32> to vector<8x1792xf32>
      %slice3A_1994 = vector.extract_strided_slice %broadcast_in_dim3A_74 {offsets = [296, 0], sizes = [8, 1], strides = [1, 1]} : vector<384x1xf32> to vector<8x1xf32>
      %sub3A_1995 = vector.broadcast %slice3A_1994 : vector<8x1xf32> to vector<8x1792xf32>
      %sub3A_1996 = arith.subf %get3A_1993, %sub3A_1995 : vector<8x1792xf32>
      %mul3A_1997 = arith.mulf %sub3A_1996, %sub3A_1996 : vector<8x1792xf32>
      %add3A_1998 = arith.addf %add3A_1988, %mul3A_1997 : vector<8x1792xf32>
      %get3A_1999 = arith.constant 3 : index
      %get3A_2000 = arith.constant 304 : index
      %get3A_2001 = arith.constant 0 : index
      %get3A_2002 = vector.load %arg0[%get3A_1999, %get3A_2000, %get3A_2001] : memref<7x384x1792xf32, #tpu.memory_space<vmem>>, vector<1x8x1792xf32>
      %get3A_2003 = vector.shape_cast %get3A_2002 : vector<1x8x1792xf32> to vector<8x1792xf32>
      %slice3A_2004 = vector.extract_strided_slice %broadcast_in_dim3A_74 {offsets = [304, 0], sizes = [8, 1], strides = [1, 1]} : vector<384x1xf32> to vector<8x1xf32>
      %sub3A_2005 = vector.broadcast %slice3A_2004 : vector<8x1xf32> to vector<8x1792xf32>
      %sub3A_2006 = arith.subf %get3A_2003, %sub3A_2005 : vector<8x1792xf32>
      %mul3A_2007 = arith.mulf %sub3A_2006, %sub3A_2006 : vector<8x1792xf32>
      %add3A_2008 = arith.addf %add3A_1998, %mul3A_2007 : vector<8x1792xf32>
      %get3A_2009 = arith.constant 3 : index
      %get3A_2010 = arith.constant 312 : index
      %get3A_2011 = arith.constant 0 : index
      %get3A_2012 = vector.load %arg0[%get3A_2009, %get3A_2010, %get3A_2011] : memref<7x384x1792xf32, #tpu.memory_space<vmem>>, vector<1x8x1792xf32>
      %get3A_2013 = vector.shape_cast %get3A_2012 : vector<1x8x1792xf32> to vector<8x1792xf32>
      %slice3A_2014 = vector.extract_strided_slice %broadcast_in_dim3A_74 {offsets = [312, 0], sizes = [8, 1], strides = [1, 1]} : vector<384x1xf32> to vector<8x1xf32>
      %sub3A_2015 = vector.broadcast %slice3A_2014 : vector<8x1xf32> to vector<8x1792xf32>
      %sub3A_2016 = arith.subf %get3A_2013, %sub3A_2015 : vector<8x1792xf32>
      %mul3A_2017 = arith.mulf %sub3A_2016, %sub3A_2016 : vector<8x1792xf32>
      %add3A_2018 = arith.addf %add3A_2008, %mul3A_2017 : vector<8x1792xf32>
      %get3A_2019 = arith.constant 3 : index
      %get3A_2020 = arith.constant 320 : index
      %get3A_2021 = arith.constant 0 : index
      %get3A_2022 = vector.load %arg0[%get3A_2019, %get3A_2020, %get3A_2021] : memref<7x384x1792xf32, #tpu.memory_space<vmem>>, vector<1x8x1792xf32>
      %get3A_2023 = vector.shape_cast %get3A_2022 : vector<1x8x1792xf32> to vector<8x1792xf32>
      %slice3A_2024 = vector.extract_strided_slice %broadcast_in_dim3A_74 {offsets = [320, 0], sizes = [8, 1], strides = [1, 1]} : vector<384x1xf32> to vector<8x1xf32>
      %sub3A_2025 = vector.broadcast %slice3A_2024 : vector<8x1xf32> to vector<8x1792xf32>
      %sub3A_2026 = arith.subf %get3A_2023, %sub3A_2025 : vector<8x1792xf32>
      %mul3A_2027 = arith.mulf %sub3A_2026, %sub3A_2026 : vector<8x1792xf32>
      %add3A_2028 = arith.addf %add3A_2018, %mul3A_2027 : vector<8x1792xf32>
      %get3A_2029 = arith.constant 3 : index
      %get3A_2030 = arith.constant 328 : index
      %get3A_2031 = arith.constant 0 : index
      %get3A_2032 = vector.load %arg0[%get3A_2029, %get3A_2030, %get3A_2031] : memref<7x384x1792xf32, #tpu.memory_space<vmem>>, vector<1x8x1792xf32>
      %get3A_2033 = vector.shape_cast %get3A_2032 : vector<1x8x1792xf32> to vector<8x1792xf32>
      %slice3A_2034 = vector.extract_strided_slice %broadcast_in_dim3A_74 {offsets = [328, 0], sizes = [8, 1], strides = [1, 1]} : vector<384x1xf32> to vector<8x1xf32>
      %sub3A_2035 = vector.broadcast %slice3A_2034 : vector<8x1xf32> to vector<8x1792xf32>
      %sub3A_2036 = arith.subf %get3A_2033, %sub3A_2035 : vector<8x1792xf32>
      %mul3A_2037 = arith.mulf %sub3A_2036, %sub3A_2036 : vector<8x1792xf32>
      %add3A_2038 = arith.addf %add3A_2028, %mul3A_2037 : vector<8x1792xf32>
      %get3A_2039 = arith.constant 3 : index
      %get3A_2040 = arith.constant 336 : index
      %get3A_2041 = arith.constant 0 : index
      %get3A_2042 = vector.load %arg0[%get3A_2039, %get3A_2040, %get3A_2041] : memref<7x384x1792xf32, #tpu.memory_space<vmem>>, vector<1x8x1792xf32>
      %get3A_2043 = vector.shape_cast %get3A_2042 : vector<1x8x1792xf32> to vector<8x1792xf32>
      %slice3A_2044 = vector.extract_strided_slice %broadcast_in_dim3A_74 {offsets = [336, 0], sizes = [8, 1], strides = [1, 1]} : vector<384x1xf32> to vector<8x1xf32>
      %sub3A_2045 = vector.broadcast %slice3A_2044 : vector<8x1xf32> to vector<8x1792xf32>
      %sub3A_2046 = arith.subf %get3A_2043, %sub3A_2045 : vector<8x1792xf32>
      %mul3A_2047 = arith.mulf %sub3A_2046, %sub3A_2046 : vector<8x1792xf32>
      %add3A_2048 = arith.addf %add3A_2038, %mul3A_2047 : vector<8x1792xf32>
      %get3A_2049 = arith.constant 3 : index
      %get3A_2050 = arith.constant 344 : index
      %get3A_2051 = arith.constant 0 : index
      %get3A_2052 = vector.load %arg0[%get3A_2049, %get3A_2050, %get3A_2051] : memref<7x384x1792xf32, #tpu.memory_space<vmem>>, vector<1x8x1792xf32>
      %get3A_2053 = vector.shape_cast %get3A_2052 : vector<1x8x1792xf32> to vector<8x1792xf32>
      %slice3A_2054 = vector.extract_strided_slice %broadcast_in_dim3A_74 {offsets = [344, 0], sizes = [8, 1], strides = [1, 1]} : vector<384x1xf32> to vector<8x1xf32>
      %sub3A_2055 = vector.broadcast %slice3A_2054 : vector<8x1xf32> to vector<8x1792xf32>
      %sub3A_2056 = arith.subf %get3A_2053, %sub3A_2055 : vector<8x1792xf32>
      %mul3A_2057 = arith.mulf %sub3A_2056, %sub3A_2056 : vector<8x1792xf32>
      %add3A_2058 = arith.addf %add3A_2048, %mul3A_2057 : vector<8x1792xf32>
      %get3A_2059 = arith.constant 3 : index
      %get3A_2060 = arith.constant 352 : index
      %get3A_2061 = arith.constant 0 : index
      %get3A_2062 = vector.load %arg0[%get3A_2059, %get3A_2060, %get3A_2061] : memref<7x384x1792xf32, #tpu.memory_space<vmem>>, vector<1x8x1792xf32>
      %get3A_2063 = vector.shape_cast %get3A_2062 : vector<1x8x1792xf32> to vector<8x1792xf32>
      %slice3A_2064 = vector.extract_strided_slice %broadcast_in_dim3A_74 {offsets = [352, 0], sizes = [8, 1], strides = [1, 1]} : vector<384x1xf32> to vector<8x1xf32>
      %sub3A_2065 = vector.broadcast %slice3A_2064 : vector<8x1xf32> to vector<8x1792xf32>
      %sub3A_2066 = arith.subf %get3A_2063, %sub3A_2065 : vector<8x1792xf32>
      %mul3A_2067 = arith.mulf %sub3A_2066, %sub3A_2066 : vector<8x1792xf32>
      %add3A_2068 = arith.addf %add3A_2058, %mul3A_2067 : vector<8x1792xf32>
      %get3A_2069 = arith.constant 3 : index
      %get3A_2070 = arith.constant 360 : index
      %get3A_2071 = arith.constant 0 : index
      %get3A_2072 = vector.load %arg0[%get3A_2069, %get3A_2070, %get3A_2071] : memref<7x384x1792xf32, #tpu.memory_space<vmem>>, vector<1x8x1792xf32>
      %get3A_2073 = vector.shape_cast %get3A_2072 : vector<1x8x1792xf32> to vector<8x1792xf32>
      %slice3A_2074 = vector.extract_strided_slice %broadcast_in_dim3A_74 {offsets = [360, 0], sizes = [8, 1], strides = [1, 1]} : vector<384x1xf32> to vector<8x1xf32>
      %sub3A_2075 = vector.broadcast %slice3A_2074 : vector<8x1xf32> to vector<8x1792xf32>
      %sub3A_2076 = arith.subf %get3A_2073, %sub3A_2075 : vector<8x1792xf32>
      %mul3A_2077 = arith.mulf %sub3A_2076, %sub3A_2076 : vector<8x1792xf32>
      %add3A_2078 = arith.addf %add3A_2068, %mul3A_2077 : vector<8x1792xf32>
      %get3A_2079 = arith.constant 3 : index
      %get3A_2080 = arith.constant 368 : index
      %get3A_2081 = arith.constant 0 : index
      %get3A_2082 = vector.load %arg0[%get3A_2079, %get3A_2080, %get3A_2081] : memref<7x384x1792xf32, #tpu.memory_space<vmem>>, vector<1x8x1792xf32>
      %get3A_2083 = vector.shape_cast %get3A_2082 : vector<1x8x1792xf32> to vector<8x1792xf32>
      %slice3A_2084 = vector.extract_strided_slice %broadcast_in_dim3A_74 {offsets = [368, 0], sizes = [8, 1], strides = [1, 1]} : vector<384x1xf32> to vector<8x1xf32>
      %sub3A_2085 = vector.broadcast %slice3A_2084 : vector<8x1xf32> to vector<8x1792xf32>
      %sub3A_2086 = arith.subf %get3A_2083, %sub3A_2085 : vector<8x1792xf32>
      %mul3A_2087 = arith.mulf %sub3A_2086, %sub3A_2086 : vector<8x1792xf32>
      %add3A_2088 = arith.addf %add3A_2078, %mul3A_2087 : vector<8x1792xf32>
      %get3A_2089 = arith.constant 3 : index
      %get3A_2090 = arith.constant 376 : index
      %get3A_2091 = arith.constant 0 : index
      %get3A_2092 = vector.load %arg0[%get3A_2089, %get3A_2090, %get3A_2091] : memref<7x384x1792xf32, #tpu.memory_space<vmem>>, vector<1x8x1792xf32>
      %get3A_2093 = vector.shape_cast %get3A_2092 : vector<1x8x1792xf32> to vector<8x1792xf32>
      %slice3A_2094 = vector.extract_strided_slice %broadcast_in_dim3A_74 {offsets = [376, 0], sizes = [8, 1], strides = [1, 1]} : vector<384x1xf32> to vector<8x1xf32>
      %sub3A_2095 = vector.broadcast %slice3A_2094 : vector<8x1xf32> to vector<8x1792xf32>
      %sub3A_2096 = arith.subf %get3A_2093, %sub3A_2095 : vector<8x1792xf32>
      %mul3A_2097 = arith.mulf %sub3A_2096, %sub3A_2096 : vector<8x1792xf32>
      %add3A_2098 = arith.addf %add3A_2088, %mul3A_2097 : vector<8x1792xf32>
      %roll3A_2099 = arith.constant 4 : i32
      %roll3A_2100 = tpu.dynamic_rotate %add3A_2098 by %roll3A_2099 dim 0 : vector<8x1792xf32>, i32 -> vector<8x1792xf32>
      %add3A_2101 = arith.addf %add3A_2098, %roll3A_2100 : vector<8x1792xf32>
      %roll3A_2102 = arith.constant 2 : i32
      %roll3A_2103 = tpu.dynamic_rotate %add3A_2101 by %roll3A_2102 dim 0 : vector<8x1792xf32>, i32 -> vector<8x1792xf32>
      %add3A_2104 = arith.addf %add3A_2101, %roll3A_2103 : vector<8x1792xf32>
      %roll3A_2105 = arith.constant 1 : i32
      %roll3A_2106 = tpu.dynamic_rotate %add3A_2104 by %roll3A_2105 dim 0 : vector<8x1792xf32>, i32 -> vector<8x1792xf32>
      %add3A_2107 = arith.addf %add3A_2104, %roll3A_2106 : vector<8x1792xf32>
      %add3A_2108 = arith.addf %add3A_1939, %add3A_2107 : vector<8x1792xf32>
      %slice3A_2109 = vector.extract_strided_slice %add3A_2108 {offsets = [0, 0], sizes = [1, 1792], strides = [1, 1]} : vector<8x1792xf32> to vector<1x1792xf32>
      %swap3A_2110 = arith.constant 3 : index
      %swap3A_2111 = arith.constant 0 : index
      %swap3A_2112 = vector.load %arg4[%swap3A_2110, %swap3A_2111] : memref<8x1792xf32, #tpu.memory_space<vmem>>, vector<1x1792xf32>
      tpu.vector_store %arg4[%swap3A_2110, %swap3A_2111], %slice3A_2109 {strides = array<i32>} : memref<8x1792xf32, #tpu.memory_space<vmem>>, vector<1x1792xf32>,
      %get3A_2113 = arith.constant 4 : index
      %get3A_2114 = arith.constant 0 : index
      %get3A_2115 = arith.constant 0 : index
      %get3A_2116 = vector.load %arg0[%get3A_2113, %get3A_2114, %get3A_2115] : memref<7x384x1792xf32, #tpu.memory_space<vmem>>, vector<1x8x1792xf32>
      %get3A_2117 = vector.shape_cast %get3A_2116 : vector<1x8x1792xf32> to vector<8x1792xf32>
      %slice3A_2118 = vector.extract_strided_slice %broadcast_in_dim3A_74 {offsets = [0, 0], sizes = [8, 1], strides = [1, 1]} : vector<384x1xf32> to vector<8x1xf32>
      %sub3A_2119 = vector.broadcast %slice3A_2118 : vector<8x1xf32> to vector<8x1792xf32>
      %sub3A_2120 = arith.subf %get3A_2117, %sub3A_2119 : vector<8x1792xf32>
      %mul3A_2121 = arith.mulf %sub3A_2120, %sub3A_2120 : vector<8x1792xf32>
      %get3A_2122 = arith.constant 4 : index
      %get3A_2123 = arith.constant 8 : index
      %get3A_2124 = arith.constant 0 : index
      %get3A_2125 = vector.load %arg0[%get3A_2122, %get3A_2123, %get3A_2124] : memref<7x384x1792xf32, #tpu.memory_space<vmem>>, vector<1x8x1792xf32>
      %get3A_2126 = vector.shape_cast %get3A_2125 : vector<1x8x1792xf32> to vector<8x1792xf32>
      %slice3A_2127 = vector.extract_strided_slice %broadcast_in_dim3A_74 {offsets = [8, 0], sizes = [8, 1], strides = [1, 1]} : vector<384x1xf32> to vector<8x1xf32>
      %sub3A_2128 = vector.broadcast %slice3A_2127 : vector<8x1xf32> to vector<8x1792xf32>
      %sub3A_2129 = arith.subf %get3A_2126, %sub3A_2128 : vector<8x1792xf32>
      %mul3A_2130 = arith.mulf %sub3A_2129, %sub3A_2129 : vector<8x1792xf32>
      %add3A_2131 = arith.addf %mul3A_2121, %mul3A_2130 : vector<8x1792xf32>
      %get3A_2132 = arith.constant 4 : index
      %get3A_2133 = arith.constant 16 : index
      %get3A_2134 = arith.constant 0 : index
      %get3A_2135 = vector.load %arg0[%get3A_2132, %get3A_2133, %get3A_2134] : memref<7x384x1792xf32, #tpu.memory_space<vmem>>, vector<1x8x1792xf32>
      %get3A_2136 = vector.shape_cast %get3A_2135 : vector<1x8x1792xf32> to vector<8x1792xf32>
      %slice3A_2137 = vector.extract_strided_slice %broadcast_in_dim3A_74 {offsets = [16, 0], sizes = [8, 1], strides = [1, 1]} : vector<384x1xf32> to vector<8x1xf32>
      %sub3A_2138 = vector.broadcast %slice3A_2137 : vector<8x1xf32> to vector<8x1792xf32>
      %sub3A_2139 = arith.subf %get3A_2136, %sub3A_2138 : vector<8x1792xf32>
      %mul3A_2140 = arith.mulf %sub3A_2139, %sub3A_2139 : vector<8x1792xf32>
      %add3A_2141 = arith.addf %add3A_2131, %mul3A_2140 : vector<8x1792xf32>
      %get3A_2142 = arith.constant 4 : index
      %get3A_2143 = arith.constant 24 : index
      %get3A_2144 = arith.constant 0 : index
      %get3A_2145 = vector.load %arg0[%get3A_2142, %get3A_2143, %get3A_2144] : memref<7x384x1792xf32, #tpu.memory_space<vmem>>, vector<1x8x1792xf32>
      %get3A_2146 = vector.shape_cast %get3A_2145 : vector<1x8x1792xf32> to vector<8x1792xf32>
      %slice3A_2147 = vector.extract_strided_slice %broadcast_in_dim3A_74 {offsets = [24, 0], sizes = [8, 1], strides = [1, 1]} : vector<384x1xf32> to vector<8x1xf32>
      %sub3A_2148 = vector.broadcast %slice3A_2147 : vector<8x1xf32> to vector<8x1792xf32>
      %sub3A_2149 = arith.subf %get3A_2146, %sub3A_2148 : vector<8x1792xf32>
      %mul3A_2150 = arith.mulf %sub3A_2149, %sub3A_2149 : vector<8x1792xf32>
      %add3A_2151 = arith.addf %add3A_2141, %mul3A_2150 : vector<8x1792xf32>
      %get3A_2152 = arith.constant 4 : index
      %get3A_2153 = arith.constant 32 : index
      %get3A_2154 = arith.constant 0 : index
      %get3A_2155 = vector.load %arg0[%get3A_2152, %get3A_2153, %get3A_2154] : memref<7x384x1792xf32, #tpu.memory_space<vmem>>, vector<1x8x1792xf32>
      %get3A_2156 = vector.shape_cast %get3A_2155 : vector<1x8x1792xf32> to vector<8x1792xf32>
      %slice3A_2157 = vector.extract_strided_slice %broadcast_in_dim3A_74 {offsets = [32, 0], sizes = [8, 1], strides = [1, 1]} : vector<384x1xf32> to vector<8x1xf32>
      %sub3A_2158 = vector.broadcast %slice3A_2157 : vector<8x1xf32> to vector<8x1792xf32>
      %sub3A_2159 = arith.subf %get3A_2156, %sub3A_2158 : vector<8x1792xf32>
      %mul3A_2160 = arith.mulf %sub3A_2159, %sub3A_2159 : vector<8x1792xf32>
      %add3A_2161 = arith.addf %add3A_2151, %mul3A_2160 : vector<8x1792xf32>
      %get3A_2162 = arith.constant 4 : index
      %get3A_2163 = arith.constant 40 : index
      %get3A_2164 = arith.constant 0 : index
      %get3A_2165 = vector.load %arg0[%get3A_2162, %get3A_2163, %get3A_2164] : memref<7x384x1792xf32, #tpu.memory_space<vmem>>, vector<1x8x1792xf32>
      %get3A_2166 = vector.shape_cast %get3A_2165 : vector<1x8x1792xf32> to vector<8x1792xf32>
      %slice3A_2167 = vector.extract_strided_slice %broadcast_in_dim3A_74 {offsets = [40, 0], sizes = [8, 1], strides = [1, 1]} : vector<384x1xf32> to vector<8x1xf32>
      %sub3A_2168 = vector.broadcast %slice3A_2167 : vector<8x1xf32> to vector<8x1792xf32>
      %sub3A_2169 = arith.subf %get3A_2166, %sub3A_2168 : vector<8x1792xf32>
      %mul3A_2170 = arith.mulf %sub3A_2169, %sub3A_2169 : vector<8x1792xf32>
      %add3A_2171 = arith.addf %add3A_2161, %mul3A_2170 : vector<8x1792xf32>
      %get3A_2172 = arith.constant 4 : index
      %get3A_2173 = arith.constant 48 : index
      %get3A_2174 = arith.constant 0 : index
      %get3A_2175 = vector.load %arg0[%get3A_2172, %get3A_2173, %get3A_2174] : memref<7x384x1792xf32, #tpu.memory_space<vmem>>, vector<1x8x1792xf32>
      %get3A_2176 = vector.shape_cast %get3A_2175 : vector<1x8x1792xf32> to vector<8x1792xf32>
      %slice3A_2177 = vector.extract_strided_slice %broadcast_in_dim3A_74 {offsets = [48, 0], sizes = [8, 1], strides = [1, 1]} : vector<384x1xf32> to vector<8x1xf32>
      %sub3A_2178 = vector.broadcast %slice3A_2177 : vector<8x1xf32> to vector<8x1792xf32>
      %sub3A_2179 = arith.subf %get3A_2176, %sub3A_2178 : vector<8x1792xf32>
      %mul3A_2180 = arith.mulf %sub3A_2179, %sub3A_2179 : vector<8x1792xf32>
      %add3A_2181 = arith.addf %add3A_2171, %mul3A_2180 : vector<8x1792xf32>
      %get3A_2182 = arith.constant 4 : index
      %get3A_2183 = arith.constant 56 : index
      %get3A_2184 = arith.constant 0 : index
      %get3A_2185 = vector.load %arg0[%get3A_2182, %get3A_2183, %get3A_2184] : memref<7x384x1792xf32, #tpu.memory_space<vmem>>, vector<1x8x1792xf32>
      %get3A_2186 = vector.shape_cast %get3A_2185 : vector<1x8x1792xf32> to vector<8x1792xf32>
      %slice3A_2187 = vector.extract_strided_slice %broadcast_in_dim3A_74 {offsets = [56, 0], sizes = [8, 1], strides = [1, 1]} : vector<384x1xf32> to vector<8x1xf32>
      %sub3A_2188 = vector.broadcast %slice3A_2187 : vector<8x1xf32> to vector<8x1792xf32>
      %sub3A_2189 = arith.subf %get3A_2186, %sub3A_2188 : vector<8x1792xf32>
      %mul3A_2190 = arith.mulf %sub3A_2189, %sub3A_2189 : vector<8x1792xf32>
      %add3A_2191 = arith.addf %add3A_2181, %mul3A_2190 : vector<8x1792xf32>
      %get3A_2192 = arith.constant 4 : index
      %get3A_2193 = arith.constant 64 : index
      %get3A_2194 = arith.constant 0 : index
      %get3A_2195 = vector.load %arg0[%get3A_2192, %get3A_2193, %get3A_2194] : memref<7x384x1792xf32, #tpu.memory_space<vmem>>, vector<1x8x1792xf32>
      %get3A_2196 = vector.shape_cast %get3A_2195 : vector<1x8x1792xf32> to vector<8x1792xf32>
      %slice3A_2197 = vector.extract_strided_slice %broadcast_in_dim3A_74 {offsets = [64, 0], sizes = [8, 1], strides = [1, 1]} : vector<384x1xf32> to vector<8x1xf32>
      %sub3A_2198 = vector.broadcast %slice3A_2197 : vector<8x1xf32> to vector<8x1792xf32>
      %sub3A_2199 = arith.subf %get3A_2196, %sub3A_2198 : vector<8x1792xf32>
      %mul3A_2200 = arith.mulf %sub3A_2199, %sub3A_2199 : vector<8x1792xf32>
      %add3A_2201 = arith.addf %add3A_2191, %mul3A_2200 : vector<8x1792xf32>
      %get3A_2202 = arith.constant 4 : index
      %get3A_2203 = arith.constant 72 : index
      %get3A_2204 = arith.constant 0 : index
      %get3A_2205 = vector.load %arg0[%get3A_2202, %get3A_2203, %get3A_2204] : memref<7x384x1792xf32, #tpu.memory_space<vmem>>, vector<1x8x1792xf32>
      %get3A_2206 = vector.shape_cast %get3A_2205 : vector<1x8x1792xf32> to vector<8x1792xf32>
      %slice3A_2207 = vector.extract_strided_slice %broadcast_in_dim3A_74 {offsets = [72, 0], sizes = [8, 1], strides = [1, 1]} : vector<384x1xf32> to vector<8x1xf32>
      %sub3A_2208 = vector.broadcast %slice3A_2207 : vector<8x1xf32> to vector<8x1792xf32>
      %sub3A_2209 = arith.subf %get3A_2206, %sub3A_2208 : vector<8x1792xf32>
      %mul3A_2210 = arith.mulf %sub3A_2209, %sub3A_2209 : vector<8x1792xf32>
      %add3A_2211 = arith.addf %add3A_2201, %mul3A_2210 : vector<8x1792xf32>
      %get3A_2212 = arith.constant 4 : index
      %get3A_2213 = arith.constant 80 : index
      %get3A_2214 = arith.constant 0 : index
      %get3A_2215 = vector.load %arg0[%get3A_2212, %get3A_2213, %get3A_2214] : memref<7x384x1792xf32, #tpu.memory_space<vmem>>, vector<1x8x1792xf32>
      %get3A_2216 = vector.shape_cast %get3A_2215 : vector<1x8x1792xf32> to vector<8x1792xf32>
      %slice3A_2217 = vector.extract_strided_slice %broadcast_in_dim3A_74 {offsets = [80, 0], sizes = [8, 1], strides = [1, 1]} : vector<384x1xf32> to vector<8x1xf32>
      %sub3A_2218 = vector.broadcast %slice3A_2217 : vector<8x1xf32> to vector<8x1792xf32>
      %sub3A_2219 = arith.subf %get3A_2216, %sub3A_2218 : vector<8x1792xf32>
      %mul3A_2220 = arith.mulf %sub3A_2219, %sub3A_2219 : vector<8x1792xf32>
      %add3A_2221 = arith.addf %add3A_2211, %mul3A_2220 : vector<8x1792xf32>
      %get3A_2222 = arith.constant 4 : index
      %get3A_2223 = arith.constant 88 : index
      %get3A_2224 = arith.constant 0 : index
      %get3A_2225 = vector.load %arg0[%get3A_2222, %get3A_2223, %get3A_2224] : memref<7x384x1792xf32, #tpu.memory_space<vmem>>, vector<1x8x1792xf32>
      %get3A_2226 = vector.shape_cast %get3A_2225 : vector<1x8x1792xf32> to vector<8x1792xf32>
      %slice3A_2227 = vector.extract_strided_slice %broadcast_in_dim3A_74 {offsets = [88, 0], sizes = [8, 1], strides = [1, 1]} : vector<384x1xf32> to vector<8x1xf32>
      %sub3A_2228 = vector.broadcast %slice3A_2227 : vector<8x1xf32> to vector<8x1792xf32>
      %sub3A_2229 = arith.subf %get3A_2226, %sub3A_2228 : vector<8x1792xf32>
      %mul3A_2230 = arith.mulf %sub3A_2229, %sub3A_2229 : vector<8x1792xf32>
      %add3A_2231 = arith.addf %add3A_2221, %mul3A_2230 : vector<8x1792xf32>
      %get3A_2232 = arith.constant 4 : index
      %get3A_2233 = arith.constant 96 : index
      %get3A_2234 = arith.constant 0 : index
      %get3A_2235 = vector.load %arg0[%get3A_2232, %get3A_2233, %get3A_2234] : memref<7x384x1792xf32, #tpu.memory_space<vmem>>, vector<1x8x1792xf32>
      %get3A_2236 = vector.shape_cast %get3A_2235 : vector<1x8x1792xf32> to vector<8x1792xf32>
      %slice3A_2237 = vector.extract_strided_slice %broadcast_in_dim3A_74 {offsets = [96, 0], sizes = [8, 1], strides = [1, 1]} : vector<384x1xf32> to vector<8x1xf32>
      %sub3A_2238 = vector.broadcast %slice3A_2237 : vector<8x1xf32> to vector<8x1792xf32>
      %sub3A_2239 = arith.subf %get3A_2236, %sub3A_2238 : vector<8x1792xf32>
      %mul3A_2240 = arith.mulf %sub3A_2239, %sub3A_2239 : vector<8x1792xf32>
      %add3A_2241 = arith.addf %add3A_2231, %mul3A_2240 : vector<8x1792xf32>
      %get3A_2242 = arith.constant 4 : index
      %get3A_2243 = arith.constant 104 : index
      %get3A_2244 = arith.constant 0 : index
      %get3A_2245 = vector.load %arg0[%get3A_2242, %get3A_2243, %get3A_2244] : memref<7x384x1792xf32, #tpu.memory_space<vmem>>, vector<1x8x1792xf32>
      %get3A_2246 = vector.shape_cast %get3A_2245 : vector<1x8x1792xf32> to vector<8x1792xf32>
      %slice3A_2247 = vector.extract_strided_slice %broadcast_in_dim3A_74 {offsets = [104, 0], sizes = [8, 1], strides = [1, 1]} : vector<384x1xf32> to vector<8x1xf32>
      %sub3A_2248 = vector.broadcast %slice3A_2247 : vector<8x1xf32> to vector<8x1792xf32>
      %sub3A_2249 = arith.subf %get3A_2246, %sub3A_2248 : vector<8x1792xf32>
      %mul3A_2250 = arith.mulf %sub3A_2249, %sub3A_2249 : vector<8x1792xf32>
      %add3A_2251 = arith.addf %add3A_2241, %mul3A_2250 : vector<8x1792xf32>
      %get3A_2252 = arith.constant 4 : index
      %get3A_2253 = arith.constant 112 : index
      %get3A_2254 = arith.constant 0 : index
      %get3A_2255 = vector.load %arg0[%get3A_2252, %get3A_2253, %get3A_2254] : memref<7x384x1792xf32, #tpu.memory_space<vmem>>, vector<1x8x1792xf32>
      %get3A_2256 = vector.shape_cast %get3A_2255 : vector<1x8x1792xf32> to vector<8x1792xf32>
      %slice3A_2257 = vector.extract_strided_slice %broadcast_in_dim3A_74 {offsets = [112, 0], sizes = [8, 1], strides = [1, 1]} : vector<384x1xf32> to vector<8x1xf32>
      %sub3A_2258 = vector.broadcast %slice3A_2257 : vector<8x1xf32> to vector<8x1792xf32>
      %sub3A_2259 = arith.subf %get3A_2256, %sub3A_2258 : vector<8x1792xf32>
      %mul3A_2260 = arith.mulf %sub3A_2259, %sub3A_2259 : vector<8x1792xf32>
      %add3A_2261 = arith.addf %add3A_2251, %mul3A_2260 : vector<8x1792xf32>
      %get3A_2262 = arith.constant 4 : index
      %get3A_2263 = arith.constant 120 : index
      %get3A_2264 = arith.constant 0 : index
      %get3A_2265 = vector.load %arg0[%get3A_2262, %get3A_2263, %get3A_2264] : memref<7x384x1792xf32, #tpu.memory_space<vmem>>, vector<1x8x1792xf32>
      %get3A_2266 = vector.shape_cast %get3A_2265 : vector<1x8x1792xf32> to vector<8x1792xf32>
      %slice3A_2267 = vector.extract_strided_slice %broadcast_in_dim3A_74 {offsets = [120, 0], sizes = [8, 1], strides = [1, 1]} : vector<384x1xf32> to vector<8x1xf32>
      %sub3A_2268 = vector.broadcast %slice3A_2267 : vector<8x1xf32> to vector<8x1792xf32>
      %sub3A_2269 = arith.subf %get3A_2266, %sub3A_2268 : vector<8x1792xf32>
      %mul3A_2270 = arith.mulf %sub3A_2269, %sub3A_2269 : vector<8x1792xf32>
      %add3A_2271 = arith.addf %add3A_2261, %mul3A_2270 : vector<8x1792xf32>
      %roll3A_2272 = arith.constant 4 : i32
      %roll3A_2273 = tpu.dynamic_rotate %add3A_2271 by %roll3A_2272 dim 0 : vector<8x1792xf32>, i32 -> vector<8x1792xf32>
      %add3A_2274 = arith.addf %add3A_2271, %roll3A_2273 : vector<8x1792xf32>
      %roll3A_2275 = arith.constant 2 : i32
      %roll3A_2276 = tpu.dynamic_rotate %add3A_2274 by %roll3A_2275 dim 0 : vector<8x1792xf32>, i32 -> vector<8x1792xf32>
      %add3A_2277 = arith.addf %add3A_2274, %roll3A_2276 : vector<8x1792xf32>
      %roll3A_2278 = arith.constant 1 : i32
      %roll3A_2279 = tpu.dynamic_rotate %add3A_2277 by %roll3A_2278 dim 0 : vector<8x1792xf32>, i32 -> vector<8x1792xf32>
      %add3A_2280 = arith.addf %add3A_2277, %roll3A_2279 : vector<8x1792xf32>
      %get3A_2281 = arith.constant 4 : index
      %get3A_2282 = arith.constant 128 : index
      %get3A_2283 = arith.constant 0 : index
      %get3A_2284 = vector.load %arg0[%get3A_2281, %get3A_2282, %get3A_2283] : memref<7x384x1792xf32, #tpu.memory_space<vmem>>, vector<1x8x1792xf32>
      %get3A_2285 = vector.shape_cast %get3A_2284 : vector<1x8x1792xf32> to vector<8x1792xf32>
      %slice3A_2286 = vector.extract_strided_slice %broadcast_in_dim3A_74 {offsets = [128, 0], sizes = [8, 1], strides = [1, 1]} : vector<384x1xf32> to vector<8x1xf32>
      %sub3A_2287 = vector.broadcast %slice3A_2286 : vector<8x1xf32> to vector<8x1792xf32>
      %sub3A_2288 = arith.subf %get3A_2285, %sub3A_2287 : vector<8x1792xf32>
      %mul3A_2289 = arith.mulf %sub3A_2288, %sub3A_2288 : vector<8x1792xf32>
      %get3A_2290 = arith.constant 4 : index
      %get3A_2291 = arith.constant 136 : index
      %get3A_2292 = arith.constant 0 : index
      %get3A_2293 = vector.load %arg0[%get3A_2290, %get3A_2291, %get3A_2292] : memref<7x384x1792xf32, #tpu.memory_space<vmem>>, vector<1x8x1792xf32>
      %get3A_2294 = vector.shape_cast %get3A_2293 : vector<1x8x1792xf32> to vector<8x1792xf32>
      %slice3A_2295 = vector.extract_strided_slice %broadcast_in_dim3A_74 {offsets = [136, 0], sizes = [8, 1], strides = [1, 1]} : vector<384x1xf32> to vector<8x1xf32>
      %sub3A_2296 = vector.broadcast %slice3A_2295 : vector<8x1xf32> to vector<8x1792xf32>
      %sub3A_2297 = arith.subf %get3A_2294, %sub3A_2296 : vector<8x1792xf32>
      %mul3A_2298 = arith.mulf %sub3A_2297, %sub3A_2297 : vector<8x1792xf32>
      %add3A_2299 = arith.addf %mul3A_2289, %mul3A_2298 : vector<8x1792xf32>
      %get3A_2300 = arith.constant 4 : index
      %get3A_2301 = arith.constant 144 : index
      %get3A_2302 = arith.constant 0 : index
      %get3A_2303 = vector.load %arg0[%get3A_2300, %get3A_2301, %get3A_2302] : memref<7x384x1792xf32, #tpu.memory_space<vmem>>, vector<1x8x1792xf32>
      %get3A_2304 = vector.shape_cast %get3A_2303 : vector<1x8x1792xf32> to vector<8x1792xf32>
      %slice3A_2305 = vector.extract_strided_slice %broadcast_in_dim3A_74 {offsets = [144, 0], sizes = [8, 1], strides = [1, 1]} : vector<384x1xf32> to vector<8x1xf32>
      %sub3A_2306 = vector.broadcast %slice3A_2305 : vector<8x1xf32> to vector<8x1792xf32>
      %sub3A_2307 = arith.subf %get3A_2304, %sub3A_2306 : vector<8x1792xf32>
      %mul3A_2308 = arith.mulf %sub3A_2307, %sub3A_2307 : vector<8x1792xf32>
      %add3A_2309 = arith.addf %add3A_2299, %mul3A_2308 : vector<8x1792xf32>
      %get3A_2310 = arith.constant 4 : index
      %get3A_2311 = arith.constant 152 : index
      %get3A_2312 = arith.constant 0 : index
      %get3A_2313 = vector.load %arg0[%get3A_2310, %get3A_2311, %get3A_2312] : memref<7x384x1792xf32, #tpu.memory_space<vmem>>, vector<1x8x1792xf32>
      %get3A_2314 = vector.shape_cast %get3A_2313 : vector<1x8x1792xf32> to vector<8x1792xf32>
      %slice3A_2315 = vector.extract_strided_slice %broadcast_in_dim3A_74 {offsets = [152, 0], sizes = [8, 1], strides = [1, 1]} : vector<384x1xf32> to vector<8x1xf32>
      %sub3A_2316 = vector.broadcast %slice3A_2315 : vector<8x1xf32> to vector<8x1792xf32>
      %sub3A_2317 = arith.subf %get3A_2314, %sub3A_2316 : vector<8x1792xf32>
      %mul3A_2318 = arith.mulf %sub3A_2317, %sub3A_2317 : vector<8x1792xf32>
      %add3A_2319 = arith.addf %add3A_2309, %mul3A_2318 : vector<8x1792xf32>
      %get3A_2320 = arith.constant 4 : index
      %get3A_2321 = arith.constant 160 : index
      %get3A_2322 = arith.constant 0 : index
      %get3A_2323 = vector.load %arg0[%get3A_2320, %get3A_2321, %get3A_2322] : memref<7x384x1792xf32, #tpu.memory_space<vmem>>, vector<1x8x1792xf32>
      %get3A_2324 = vector.shape_cast %get3A_2323 : vector<1x8x1792xf32> to vector<8x1792xf32>
      %slice3A_2325 = vector.extract_strided_slice %broadcast_in_dim3A_74 {offsets = [160, 0], sizes = [8, 1], strides = [1, 1]} : vector<384x1xf32> to vector<8x1xf32>
      %sub3A_2326 = vector.broadcast %slice3A_2325 : vector<8x1xf32> to vector<8x1792xf32>
      %sub3A_2327 = arith.subf %get3A_2324, %sub3A_2326 : vector<8x1792xf32>
      %mul3A_2328 = arith.mulf %sub3A_2327, %sub3A_2327 : vector<8x1792xf32>
      %add3A_2329 = arith.addf %add3A_2319, %mul3A_2328 : vector<8x1792xf32>
      %get3A_2330 = arith.constant 4 : index
      %get3A_2331 = arith.constant 168 : index
      %get3A_2332 = arith.constant 0 : index
      %get3A_2333 = vector.load %arg0[%get3A_2330, %get3A_2331, %get3A_2332] : memref<7x384x1792xf32, #tpu.memory_space<vmem>>, vector<1x8x1792xf32>
      %get3A_2334 = vector.shape_cast %get3A_2333 : vector<1x8x1792xf32> to vector<8x1792xf32>
      %slice3A_2335 = vector.extract_strided_slice %broadcast_in_dim3A_74 {offsets = [168, 0], sizes = [8, 1], strides = [1, 1]} : vector<384x1xf32> to vector<8x1xf32>
      %sub3A_2336 = vector.broadcast %slice3A_2335 : vector<8x1xf32> to vector<8x1792xf32>
      %sub3A_2337 = arith.subf %get3A_2334, %sub3A_2336 : vector<8x1792xf32>
      %mul3A_2338 = arith.mulf %sub3A_2337, %sub3A_2337 : vector<8x1792xf32>
      %add3A_2339 = arith.addf %add3A_2329, %mul3A_2338 : vector<8x1792xf32>
      %get3A_2340 = arith.constant 4 : index
      %get3A_2341 = arith.constant 176 : index
      %get3A_2342 = arith.constant 0 : index
      %get3A_2343 = vector.load %arg0[%get3A_2340, %get3A_2341, %get3A_2342] : memref<7x384x1792xf32, #tpu.memory_space<vmem>>, vector<1x8x1792xf32>
      %get3A_2344 = vector.shape_cast %get3A_2343 : vector<1x8x1792xf32> to vector<8x1792xf32>
      %slice3A_2345 = vector.extract_strided_slice %broadcast_in_dim3A_74 {offsets = [176, 0], sizes = [8, 1], strides = [1, 1]} : vector<384x1xf32> to vector<8x1xf32>
      %sub3A_2346 = vector.broadcast %slice3A_2345 : vector<8x1xf32> to vector<8x1792xf32>
      %sub3A_2347 = arith.subf %get3A_2344, %sub3A_2346 : vector<8x1792xf32>
      %mul3A_2348 = arith.mulf %sub3A_2347, %sub3A_2347 : vector<8x1792xf32>
      %add3A_2349 = arith.addf %add3A_2339, %mul3A_2348 : vector<8x1792xf32>
      %get3A_2350 = arith.constant 4 : index
      %get3A_2351 = arith.constant 184 : index
      %get3A_2352 = arith.constant 0 : index
      %get3A_2353 = vector.load %arg0[%get3A_2350, %get3A_2351, %get3A_2352] : memref<7x384x1792xf32, #tpu.memory_space<vmem>>, vector<1x8x1792xf32>
      %get3A_2354 = vector.shape_cast %get3A_2353 : vector<1x8x1792xf32> to vector<8x1792xf32>
      %slice3A_2355 = vector.extract_strided_slice %broadcast_in_dim3A_74 {offsets = [184, 0], sizes = [8, 1], strides = [1, 1]} : vector<384x1xf32> to vector<8x1xf32>
      %sub3A_2356 = vector.broadcast %slice3A_2355 : vector<8x1xf32> to vector<8x1792xf32>
      %sub3A_2357 = arith.subf %get3A_2354, %sub3A_2356 : vector<8x1792xf32>
      %mul3A_2358 = arith.mulf %sub3A_2357, %sub3A_2357 : vector<8x1792xf32>
      %add3A_2359 = arith.addf %add3A_2349, %mul3A_2358 : vector<8x1792xf32>
      %get3A_2360 = arith.constant 4 : index
      %get3A_2361 = arith.constant 192 : index
      %get3A_2362 = arith.constant 0 : index
      %get3A_2363 = vector.load %arg0[%get3A_2360, %get3A_2361, %get3A_2362] : memref<7x384x1792xf32, #tpu.memory_space<vmem>>, vector<1x8x1792xf32>
      %get3A_2364 = vector.shape_cast %get3A_2363 : vector<1x8x1792xf32> to vector<8x1792xf32>
      %slice3A_2365 = vector.extract_strided_slice %broadcast_in_dim3A_74 {offsets = [192, 0], sizes = [8, 1], strides = [1, 1]} : vector<384x1xf32> to vector<8x1xf32>
      %sub3A_2366 = vector.broadcast %slice3A_2365 : vector<8x1xf32> to vector<8x1792xf32>
      %sub3A_2367 = arith.subf %get3A_2364, %sub3A_2366 : vector<8x1792xf32>
      %mul3A_2368 = arith.mulf %sub3A_2367, %sub3A_2367 : vector<8x1792xf32>
      %add3A_2369 = arith.addf %add3A_2359, %mul3A_2368 : vector<8x1792xf32>
      %get3A_2370 = arith.constant 4 : index
      %get3A_2371 = arith.constant 200 : index
      %get3A_2372 = arith.constant 0 : index
      %get3A_2373 = vector.load %arg0[%get3A_2370, %get3A_2371, %get3A_2372] : memref<7x384x1792xf32, #tpu.memory_space<vmem>>, vector<1x8x1792xf32>
      %get3A_2374 = vector.shape_cast %get3A_2373 : vector<1x8x1792xf32> to vector<8x1792xf32>
      %slice3A_2375 = vector.extract_strided_slice %broadcast_in_dim3A_74 {offsets = [200, 0], sizes = [8, 1], strides = [1, 1]} : vector<384x1xf32> to vector<8x1xf32>
      %sub3A_2376 = vector.broadcast %slice3A_2375 : vector<8x1xf32> to vector<8x1792xf32>
      %sub3A_2377 = arith.subf %get3A_2374, %sub3A_2376 : vector<8x1792xf32>
      %mul3A_2378 = arith.mulf %sub3A_2377, %sub3A_2377 : vector<8x1792xf32>
      %add3A_2379 = arith.addf %add3A_2369, %mul3A_2378 : vector<8x1792xf32>
      %get3A_2380 = arith.constant 4 : index
      %get3A_2381 = arith.constant 208 : index
      %get3A_2382 = arith.constant 0 : index
      %get3A_2383 = vector.load %arg0[%get3A_2380, %get3A_2381, %get3A_2382] : memref<7x384x1792xf32, #tpu.memory_space<vmem>>, vector<1x8x1792xf32>
      %get3A_2384 = vector.shape_cast %get3A_2383 : vector<1x8x1792xf32> to vector<8x1792xf32>
      %slice3A_2385 = vector.extract_strided_slice %broadcast_in_dim3A_74 {offsets = [208, 0], sizes = [8, 1], strides = [1, 1]} : vector<384x1xf32> to vector<8x1xf32>
      %sub3A_2386 = vector.broadcast %slice3A_2385 : vector<8x1xf32> to vector<8x1792xf32>
      %sub3A_2387 = arith.subf %get3A_2384, %sub3A_2386 : vector<8x1792xf32>
      %mul3A_2388 = arith.mulf %sub3A_2387, %sub3A_2387 : vector<8x1792xf32>
      %add3A_2389 = arith.addf %add3A_2379, %mul3A_2388 : vector<8x1792xf32>
      %get3A_2390 = arith.constant 4 : index
      %get3A_2391 = arith.constant 216 : index
      %get3A_2392 = arith.constant 0 : index
      %get3A_2393 = vector.load %arg0[%get3A_2390, %get3A_2391, %get3A_2392] : memref<7x384x1792xf32, #tpu.memory_space<vmem>>, vector<1x8x1792xf32>
      %get3A_2394 = vector.shape_cast %get3A_2393 : vector<1x8x1792xf32> to vector<8x1792xf32>
      %slice3A_2395 = vector.extract_strided_slice %broadcast_in_dim3A_74 {offsets = [216, 0], sizes = [8, 1], strides = [1, 1]} : vector<384x1xf32> to vector<8x1xf32>
      %sub3A_2396 = vector.broadcast %slice3A_2395 : vector<8x1xf32> to vector<8x1792xf32>
      %sub3A_2397 = arith.subf %get3A_2394, %sub3A_2396 : vector<8x1792xf32>
      %mul3A_2398 = arith.mulf %sub3A_2397, %sub3A_2397 : vector<8x1792xf32>
      %add3A_2399 = arith.addf %add3A_2389, %mul3A_2398 : vector<8x1792xf32>
      %get3A_2400 = arith.constant 4 : index
      %get3A_2401 = arith.constant 224 : index
      %get3A_2402 = arith.constant 0 : index
      %get3A_2403 = vector.load %arg0[%get3A_2400, %get3A_2401, %get3A_2402] : memref<7x384x1792xf32, #tpu.memory_space<vmem>>, vector<1x8x1792xf32>
      %get3A_2404 = vector.shape_cast %get3A_2403 : vector<1x8x1792xf32> to vector<8x1792xf32>
      %slice3A_2405 = vector.extract_strided_slice %broadcast_in_dim3A_74 {offsets = [224, 0], sizes = [8, 1], strides = [1, 1]} : vector<384x1xf32> to vector<8x1xf32>
      %sub3A_2406 = vector.broadcast %slice3A_2405 : vector<8x1xf32> to vector<8x1792xf32>
      %sub3A_2407 = arith.subf %get3A_2404, %sub3A_2406 : vector<8x1792xf32>
      %mul3A_2408 = arith.mulf %sub3A_2407, %sub3A_2407 : vector<8x1792xf32>
      %add3A_2409 = arith.addf %add3A_2399, %mul3A_2408 : vector<8x1792xf32>
      %get3A_2410 = arith.constant 4 : index
      %get3A_2411 = arith.constant 232 : index
      %get3A_2412 = arith.constant 0 : index
      %get3A_2413 = vector.load %arg0[%get3A_2410, %get3A_2411, %get3A_2412] : memref<7x384x1792xf32, #tpu.memory_space<vmem>>, vector<1x8x1792xf32>
      %get3A_2414 = vector.shape_cast %get3A_2413 : vector<1x8x1792xf32> to vector<8x1792xf32>
      %slice3A_2415 = vector.extract_strided_slice %broadcast_in_dim3A_74 {offsets = [232, 0], sizes = [8, 1], strides = [1, 1]} : vector<384x1xf32> to vector<8x1xf32>
      %sub3A_2416 = vector.broadcast %slice3A_2415 : vector<8x1xf32> to vector<8x1792xf32>
      %sub3A_2417 = arith.subf %get3A_2414, %sub3A_2416 : vector<8x1792xf32>
      %mul3A_2418 = arith.mulf %sub3A_2417, %sub3A_2417 : vector<8x1792xf32>
      %add3A_2419 = arith.addf %add3A_2409, %mul3A_2418 : vector<8x1792xf32>
      %get3A_2420 = arith.constant 4 : index
      %get3A_2421 = arith.constant 240 : index
      %get3A_2422 = arith.constant 0 : index
      %get3A_2423 = vector.load %arg0[%get3A_2420, %get3A_2421, %get3A_2422] : memref<7x384x1792xf32, #tpu.memory_space<vmem>>, vector<1x8x1792xf32>
      %get3A_2424 = vector.shape_cast %get3A_2423 : vector<1x8x1792xf32> to vector<8x1792xf32>
      %slice3A_2425 = vector.extract_strided_slice %broadcast_in_dim3A_74 {offsets = [240, 0], sizes = [8, 1], strides = [1, 1]} : vector<384x1xf32> to vector<8x1xf32>
      %sub3A_2426 = vector.broadcast %slice3A_2425 : vector<8x1xf32> to vector<8x1792xf32>
      %sub3A_2427 = arith.subf %get3A_2424, %sub3A_2426 : vector<8x1792xf32>
      %mul3A_2428 = arith.mulf %sub3A_2427, %sub3A_2427 : vector<8x1792xf32>
      %add3A_2429 = arith.addf %add3A_2419, %mul3A_2428 : vector<8x1792xf32>
      %get3A_2430 = arith.constant 4 : index
      %get3A_2431 = arith.constant 248 : index
      %get3A_2432 = arith.constant 0 : index
      %get3A_2433 = vector.load %arg0[%get3A_2430, %get3A_2431, %get3A_2432] : memref<7x384x1792xf32, #tpu.memory_space<vmem>>, vector<1x8x1792xf32>
      %get3A_2434 = vector.shape_cast %get3A_2433 : vector<1x8x1792xf32> to vector<8x1792xf32>
      %slice3A_2435 = vector.extract_strided_slice %broadcast_in_dim3A_74 {offsets = [248, 0], sizes = [8, 1], strides = [1, 1]} : vector<384x1xf32> to vector<8x1xf32>
      %sub3A_2436 = vector.broadcast %slice3A_2435 : vector<8x1xf32> to vector<8x1792xf32>
      %sub3A_2437 = arith.subf %get3A_2434, %sub3A_2436 : vector<8x1792xf32>
      %mul3A_2438 = arith.mulf %sub3A_2437, %sub3A_2437 : vector<8x1792xf32>
      %add3A_2439 = arith.addf %add3A_2429, %mul3A_2438 : vector<8x1792xf32>
      %roll3A_2440 = arith.constant 4 : i32
      %roll3A_2441 = tpu.dynamic_rotate %add3A_2439 by %roll3A_2440 dim 0 : vector<8x1792xf32>, i32 -> vector<8x1792xf32>
      %add3A_2442 = arith.addf %add3A_2439, %roll3A_2441 : vector<8x1792xf32>
      %roll3A_2443 = arith.constant 2 : i32
      %roll3A_2444 = tpu.dynamic_rotate %add3A_2442 by %roll3A_2443 dim 0 : vector<8x1792xf32>, i32 -> vector<8x1792xf32>
      %add3A_2445 = arith.addf %add3A_2442, %roll3A_2444 : vector<8x1792xf32>
      %roll3A_2446 = arith.constant 1 : i32
      %roll3A_2447 = tpu.dynamic_rotate %add3A_2445 by %roll3A_2446 dim 0 : vector<8x1792xf32>, i32 -> vector<8x1792xf32>
      %add3A_2448 = arith.addf %add3A_2445, %roll3A_2447 : vector<8x1792xf32>
      %add3A_2449 = arith.addf %add3A_2280, %add3A_2448 : vector<8x1792xf32>
      %get3A_2450 = arith.constant 4 : index
      %get3A_2451 = arith.constant 256 : index
      %get3A_2452 = arith.constant 0 : index
      %get3A_2453 = vector.load %arg0[%get3A_2450, %get3A_2451, %get3A_2452] : memref<7x384x1792xf32, #tpu.memory_space<vmem>>, vector<1x8x1792xf32>
      %get3A_2454 = vector.shape_cast %get3A_2453 : vector<1x8x1792xf32> to vector<8x1792xf32>
      %slice3A_2455 = vector.extract_strided_slice %broadcast_in_dim3A_74 {offsets = [256, 0], sizes = [8, 1], strides = [1, 1]} : vector<384x1xf32> to vector<8x1xf32>
      %sub3A_2456 = vector.broadcast %slice3A_2455 : vector<8x1xf32> to vector<8x1792xf32>
      %sub3A_2457 = arith.subf %get3A_2454, %sub3A_2456 : vector<8x1792xf32>
      %mul3A_2458 = arith.mulf %sub3A_2457, %sub3A_2457 : vector<8x1792xf32>
      %get3A_2459 = arith.constant 4 : index
      %get3A_2460 = arith.constant 264 : index
      %get3A_2461 = arith.constant 0 : index
      %get3A_2462 = vector.load %arg0[%get3A_2459, %get3A_2460, %get3A_2461] : memref<7x384x1792xf32, #tpu.memory_space<vmem>>, vector<1x8x1792xf32>
      %get3A_2463 = vector.shape_cast %get3A_2462 : vector<1x8x1792xf32> to vector<8x1792xf32>
      %slice3A_2464 = vector.extract_strided_slice %broadcast_in_dim3A_74 {offsets = [264, 0], sizes = [8, 1], strides = [1, 1]} : vector<384x1xf32> to vector<8x1xf32>
      %sub3A_2465 = vector.broadcast %slice3A_2464 : vector<8x1xf32> to vector<8x1792xf32>
      %sub3A_2466 = arith.subf %get3A_2463, %sub3A_2465 : vector<8x1792xf32>
      %mul3A_2467 = arith.mulf %sub3A_2466, %sub3A_2466 : vector<8x1792xf32>
      %add3A_2468 = arith.addf %mul3A_2458, %mul3A_2467 : vector<8x1792xf32>
      %get3A_2469 = arith.constant 4 : index
      %get3A_2470 = arith.constant 272 : index
      %get3A_2471 = arith.constant 0 : index
      %get3A_2472 = vector.load %arg0[%get3A_2469, %get3A_2470, %get3A_2471] : memref<7x384x1792xf32, #tpu.memory_space<vmem>>, vector<1x8x1792xf32>
      %get3A_2473 = vector.shape_cast %get3A_2472 : vector<1x8x1792xf32> to vector<8x1792xf32>
      %slice3A_2474 = vector.extract_strided_slice %broadcast_in_dim3A_74 {offsets = [272, 0], sizes = [8, 1], strides = [1, 1]} : vector<384x1xf32> to vector<8x1xf32>
      %sub3A_2475 = vector.broadcast %slice3A_2474 : vector<8x1xf32> to vector<8x1792xf32>
      %sub3A_2476 = arith.subf %get3A_2473, %sub3A_2475 : vector<8x1792xf32>
      %mul3A_2477 = arith.mulf %sub3A_2476, %sub3A_2476 : vector<8x1792xf32>
      %add3A_2478 = arith.addf %add3A_2468, %mul3A_2477 : vector<8x1792xf32>
      %get3A_2479 = arith.constant 4 : index
      %get3A_2480 = arith.constant 280 : index
      %get3A_2481 = arith.constant 0 : index
      %get3A_2482 = vector.load %arg0[%get3A_2479, %get3A_2480, %get3A_2481] : memref<7x384x1792xf32, #tpu.memory_space<vmem>>, vector<1x8x1792xf32>
      %get3A_2483 = vector.shape_cast %get3A_2482 : vector<1x8x1792xf32> to vector<8x1792xf32>
      %slice3A_2484 = vector.extract_strided_slice %broadcast_in_dim3A_74 {offsets = [280, 0], sizes = [8, 1], strides = [1, 1]} : vector<384x1xf32> to vector<8x1xf32>
      %sub3A_2485 = vector.broadcast %slice3A_2484 : vector<8x1xf32> to vector<8x1792xf32>
      %sub3A_2486 = arith.subf %get3A_2483, %sub3A_2485 : vector<8x1792xf32>
      %mul3A_2487 = arith.mulf %sub3A_2486, %sub3A_2486 : vector<8x1792xf32>
      %add3A_2488 = arith.addf %add3A_2478, %mul3A_2487 : vector<8x1792xf32>
      %get3A_2489 = arith.constant 4 : index
      %get3A_2490 = arith.constant 288 : index
      %get3A_2491 = arith.constant 0 : index
      %get3A_2492 = vector.load %arg0[%get3A_2489, %get3A_2490, %get3A_2491] : memref<7x384x1792xf32, #tpu.memory_space<vmem>>, vector<1x8x1792xf32>
      %get3A_2493 = vector.shape_cast %get3A_2492 : vector<1x8x1792xf32> to vector<8x1792xf32>
      %slice3A_2494 = vector.extract_strided_slice %broadcast_in_dim3A_74 {offsets = [288, 0], sizes = [8, 1], strides = [1, 1]} : vector<384x1xf32> to vector<8x1xf32>
      %sub3A_2495 = vector.broadcast %slice3A_2494 : vector<8x1xf32> to vector<8x1792xf32>
      %sub3A_2496 = arith.subf %get3A_2493, %sub3A_2495 : vector<8x1792xf32>
      %mul3A_2497 = arith.mulf %sub3A_2496, %sub3A_2496 : vector<8x1792xf32>
      %add3A_2498 = arith.addf %add3A_2488, %mul3A_2497 : vector<8x1792xf32>
      %get3A_2499 = arith.constant 4 : index
      %get3A_2500 = arith.constant 296 : index
      %get3A_2501 = arith.constant 0 : index
      %get3A_2502 = vector.load %arg0[%get3A_2499, %get3A_2500, %get3A_2501] : memref<7x384x1792xf32, #tpu.memory_space<vmem>>, vector<1x8x1792xf32>
      %get3A_2503 = vector.shape_cast %get3A_2502 : vector<1x8x1792xf32> to vector<8x1792xf32>
      %slice3A_2504 = vector.extract_strided_slice %broadcast_in_dim3A_74 {offsets = [296, 0], sizes = [8, 1], strides = [1, 1]} : vector<384x1xf32> to vector<8x1xf32>
      %sub3A_2505 = vector.broadcast %slice3A_2504 : vector<8x1xf32> to vector<8x1792xf32>
      %sub3A_2506 = arith.subf %get3A_2503, %sub3A_2505 : vector<8x1792xf32>
      %mul3A_2507 = arith.mulf %sub3A_2506, %sub3A_2506 : vector<8x1792xf32>
      %add3A_2508 = arith.addf %add3A_2498, %mul3A_2507 : vector<8x1792xf32>
      %get3A_2509 = arith.constant 4 : index
      %get3A_2510 = arith.constant 304 : index
      %get3A_2511 = arith.constant 0 : index
      %get3A_2512 = vector.load %arg0[%get3A_2509, %get3A_2510, %get3A_2511] : memref<7x384x1792xf32, #tpu.memory_space<vmem>>, vector<1x8x1792xf32>
      %get3A_2513 = vector.shape_cast %get3A_2512 : vector<1x8x1792xf32> to vector<8x1792xf32>
      %slice3A_2514 = vector.extract_strided_slice %broadcast_in_dim3A_74 {offsets = [304, 0], sizes = [8, 1], strides = [1, 1]} : vector<384x1xf32> to vector<8x1xf32>
      %sub3A_2515 = vector.broadcast %slice3A_2514 : vector<8x1xf32> to vector<8x1792xf32>
      %sub3A_2516 = arith.subf %get3A_2513, %sub3A_2515 : vector<8x1792xf32>
      %mul3A_2517 = arith.mulf %sub3A_2516, %sub3A_2516 : vector<8x1792xf32>
      %add3A_2518 = arith.addf %add3A_2508, %mul3A_2517 : vector<8x1792xf32>
      %get3A_2519 = arith.constant 4 : index
      %get3A_2520 = arith.constant 312 : index
      %get3A_2521 = arith.constant 0 : index
      %get3A_2522 = vector.load %arg0[%get3A_2519, %get3A_2520, %get3A_2521] : memref<7x384x1792xf32, #tpu.memory_space<vmem>>, vector<1x8x1792xf32>
      %get3A_2523 = vector.shape_cast %get3A_2522 : vector<1x8x1792xf32> to vector<8x1792xf32>
      %slice3A_2524 = vector.extract_strided_slice %broadcast_in_dim3A_74 {offsets = [312, 0], sizes = [8, 1], strides = [1, 1]} : vector<384x1xf32> to vector<8x1xf32>
      %sub3A_2525 = vector.broadcast %slice3A_2524 : vector<8x1xf32> to vector<8x1792xf32>
      %sub3A_2526 = arith.subf %get3A_2523, %sub3A_2525 : vector<8x1792xf32>
      %mul3A_2527 = arith.mulf %sub3A_2526, %sub3A_2526 : vector<8x1792xf32>
      %add3A_2528 = arith.addf %add3A_2518, %mul3A_2527 : vector<8x1792xf32>
      %get3A_2529 = arith.constant 4 : index
      %get3A_2530 = arith.constant 320 : index
      %get3A_2531 = arith.constant 0 : index
      %get3A_2532 = vector.load %arg0[%get3A_2529, %get3A_2530, %get3A_2531] : memref<7x384x1792xf32, #tpu.memory_space<vmem>>, vector<1x8x1792xf32>
      %get3A_2533 = vector.shape_cast %get3A_2532 : vector<1x8x1792xf32> to vector<8x1792xf32>
      %slice3A_2534 = vector.extract_strided_slice %broadcast_in_dim3A_74 {offsets = [320, 0], sizes = [8, 1], strides = [1, 1]} : vector<384x1xf32> to vector<8x1xf32>
      %sub3A_2535 = vector.broadcast %slice3A_2534 : vector<8x1xf32> to vector<8x1792xf32>
      %sub3A_2536 = arith.subf %get3A_2533, %sub3A_2535 : vector<8x1792xf32>
      %mul3A_2537 = arith.mulf %sub3A_2536, %sub3A_2536 : vector<8x1792xf32>
      %add3A_2538 = arith.addf %add3A_2528, %mul3A_2537 : vector<8x1792xf32>
      %get3A_2539 = arith.constant 4 : index
      %get3A_2540 = arith.constant 328 : index
      %get3A_2541 = arith.constant 0 : index
      %get3A_2542 = vector.load %arg0[%get3A_2539, %get3A_2540, %get3A_2541] : memref<7x384x1792xf32, #tpu.memory_space<vmem>>, vector<1x8x1792xf32>
      %get3A_2543 = vector.shape_cast %get3A_2542 : vector<1x8x1792xf32> to vector<8x1792xf32>
      %slice3A_2544 = vector.extract_strided_slice %broadcast_in_dim3A_74 {offsets = [328, 0], sizes = [8, 1], strides = [1, 1]} : vector<384x1xf32> to vector<8x1xf32>
      %sub3A_2545 = vector.broadcast %slice3A_2544 : vector<8x1xf32> to vector<8x1792xf32>
      %sub3A_2546 = arith.subf %get3A_2543, %sub3A_2545 : vector<8x1792xf32>
      %mul3A_2547 = arith.mulf %sub3A_2546, %sub3A_2546 : vector<8x1792xf32>
      %add3A_2548 = arith.addf %add3A_2538, %mul3A_2547 : vector<8x1792xf32>
      %get3A_2549 = arith.constant 4 : index
      %get3A_2550 = arith.constant 336 : index
      %get3A_2551 = arith.constant 0 : index
      %get3A_2552 = vector.load %arg0[%get3A_2549, %get3A_2550, %get3A_2551] : memref<7x384x1792xf32, #tpu.memory_space<vmem>>, vector<1x8x1792xf32>
      %get3A_2553 = vector.shape_cast %get3A_2552 : vector<1x8x1792xf32> to vector<8x1792xf32>
      %slice3A_2554 = vector.extract_strided_slice %broadcast_in_dim3A_74 {offsets = [336, 0], sizes = [8, 1], strides = [1, 1]} : vector<384x1xf32> to vector<8x1xf32>
      %sub3A_2555 = vector.broadcast %slice3A_2554 : vector<8x1xf32> to vector<8x1792xf32>
      %sub3A_2556 = arith.subf %get3A_2553, %sub3A_2555 : vector<8x1792xf32>
      %mul3A_2557 = arith.mulf %sub3A_2556, %sub3A_2556 : vector<8x1792xf32>
      %add3A_2558 = arith.addf %add3A_2548, %mul3A_2557 : vector<8x1792xf32>
      %get3A_2559 = arith.constant 4 : index
      %get3A_2560 = arith.constant 344 : index
      %get3A_2561 = arith.constant 0 : index
      %get3A_2562 = vector.load %arg0[%get3A_2559, %get3A_2560, %get3A_2561] : memref<7x384x1792xf32, #tpu.memory_space<vmem>>, vector<1x8x1792xf32>
      %get3A_2563 = vector.shape_cast %get3A_2562 : vector<1x8x1792xf32> to vector<8x1792xf32>
      %slice3A_2564 = vector.extract_strided_slice %broadcast_in_dim3A_74 {offsets = [344, 0], sizes = [8, 1], strides = [1, 1]} : vector<384x1xf32> to vector<8x1xf32>
      %sub3A_2565 = vector.broadcast %slice3A_2564 : vector<8x1xf32> to vector<8x1792xf32>
      %sub3A_2566 = arith.subf %get3A_2563, %sub3A_2565 : vector<8x1792xf32>
      %mul3A_2567 = arith.mulf %sub3A_2566, %sub3A_2566 : vector<8x1792xf32>
      %add3A_2568 = arith.addf %add3A_2558, %mul3A_2567 : vector<8x1792xf32>
      %get3A_2569 = arith.constant 4 : index
      %get3A_2570 = arith.constant 352 : index
      %get3A_2571 = arith.constant 0 : index
      %get3A_2572 = vector.load %arg0[%get3A_2569, %get3A_2570, %get3A_2571] : memref<7x384x1792xf32, #tpu.memory_space<vmem>>, vector<1x8x1792xf32>
      %get3A_2573 = vector.shape_cast %get3A_2572 : vector<1x8x1792xf32> to vector<8x1792xf32>
      %slice3A_2574 = vector.extract_strided_slice %broadcast_in_dim3A_74 {offsets = [352, 0], sizes = [8, 1], strides = [1, 1]} : vector<384x1xf32> to vector<8x1xf32>
      %sub3A_2575 = vector.broadcast %slice3A_2574 : vector<8x1xf32> to vector<8x1792xf32>
      %sub3A_2576 = arith.subf %get3A_2573, %sub3A_2575 : vector<8x1792xf32>
      %mul3A_2577 = arith.mulf %sub3A_2576, %sub3A_2576 : vector<8x1792xf32>
      %add3A_2578 = arith.addf %add3A_2568, %mul3A_2577 : vector<8x1792xf32>
      %get3A_2579 = arith.constant 4 : index
      %get3A_2580 = arith.constant 360 : index
      %get3A_2581 = arith.constant 0 : index
      %get3A_2582 = vector.load %arg0[%get3A_2579, %get3A_2580, %get3A_2581] : memref<7x384x1792xf32, #tpu.memory_space<vmem>>, vector<1x8x1792xf32>
      %get3A_2583 = vector.shape_cast %get3A_2582 : vector<1x8x1792xf32> to vector<8x1792xf32>
      %slice3A_2584 = vector.extract_strided_slice %broadcast_in_dim3A_74 {offsets = [360, 0], sizes = [8, 1], strides = [1, 1]} : vector<384x1xf32> to vector<8x1xf32>
      %sub3A_2585 = vector.broadcast %slice3A_2584 : vector<8x1xf32> to vector<8x1792xf32>
      %sub3A_2586 = arith.subf %get3A_2583, %sub3A_2585 : vector<8x1792xf32>
      %mul3A_2587 = arith.mulf %sub3A_2586, %sub3A_2586 : vector<8x1792xf32>
      %add3A_2588 = arith.addf %add3A_2578, %mul3A_2587 : vector<8x1792xf32>
      %get3A_2589 = arith.constant 4 : index
      %get3A_2590 = arith.constant 368 : index
      %get3A_2591 = arith.constant 0 : index
      %get3A_2592 = vector.load %arg0[%get3A_2589, %get3A_2590, %get3A_2591] : memref<7x384x1792xf32, #tpu.memory_space<vmem>>, vector<1x8x1792xf32>
      %get3A_2593 = vector.shape_cast %get3A_2592 : vector<1x8x1792xf32> to vector<8x1792xf32>
      %slice3A_2594 = vector.extract_strided_slice %broadcast_in_dim3A_74 {offsets = [368, 0], sizes = [8, 1], strides = [1, 1]} : vector<384x1xf32> to vector<8x1xf32>
      %sub3A_2595 = vector.broadcast %slice3A_2594 : vector<8x1xf32> to vector<8x1792xf32>
      %sub3A_2596 = arith.subf %get3A_2593, %sub3A_2595 : vector<8x1792xf32>
      %mul3A_2597 = arith.mulf %sub3A_2596, %sub3A_2596 : vector<8x1792xf32>
      %add3A_2598 = arith.addf %add3A_2588, %mul3A_2597 : vector<8x1792xf32>
      %get3A_2599 = arith.constant 4 : index
      %get3A_2600 = arith.constant 376 : index
      %get3A_2601 = arith.constant 0 : index
      %get3A_2602 = vector.load %arg0[%get3A_2599, %get3A_2600, %get3A_2601] : memref<7x384x1792xf32, #tpu.memory_space<vmem>>, vector<1x8x1792xf32>
      %get3A_2603 = vector.shape_cast %get3A_2602 : vector<1x8x1792xf32> to vector<8x1792xf32>
      %slice3A_2604 = vector.extract_strided_slice %broadcast_in_dim3A_74 {offsets = [376, 0], sizes = [8, 1], strides = [1, 1]} : vector<384x1xf32> to vector<8x1xf32>
      %sub3A_2605 = vector.broadcast %slice3A_2604 : vector<8x1xf32> to vector<8x1792xf32>
      %sub3A_2606 = arith.subf %get3A_2603, %sub3A_2605 : vector<8x1792xf32>
      %mul3A_2607 = arith.mulf %sub3A_2606, %sub3A_2606 : vector<8x1792xf32>
      %add3A_2608 = arith.addf %add3A_2598, %mul3A_2607 : vector<8x1792xf32>
      %roll3A_2609 = arith.constant 4 : i32
      %roll3A_2610 = tpu.dynamic_rotate %add3A_2608 by %roll3A_2609 dim 0 : vector<8x1792xf32>, i32 -> vector<8x1792xf32>
      %add3A_2611 = arith.addf %add3A_2608, %roll3A_2610 : vector<8x1792xf32>
      %roll3A_2612 = arith.constant 2 : i32
      %roll3A_2613 = tpu.dynamic_rotate %add3A_2611 by %roll3A_2612 dim 0 : vector<8x1792xf32>, i32 -> vector<8x1792xf32>
      %add3A_2614 = arith.addf %add3A_2611, %roll3A_2613 : vector<8x1792xf32>
      %roll3A_2615 = arith.constant 1 : i32
      %roll3A_2616 = tpu.dynamic_rotate %add3A_2614 by %roll3A_2615 dim 0 : vector<8x1792xf32>, i32 -> vector<8x1792xf32>
      %add3A_2617 = arith.addf %add3A_2614, %roll3A_2616 : vector<8x1792xf32>
      %add3A_2618 = arith.addf %add3A_2449, %add3A_2617 : vector<8x1792xf32>
      %slice3A_2619 = vector.extract_strided_slice %add3A_2618 {offsets = [0, 0], sizes = [1, 1792], strides = [1, 1]} : vector<8x1792xf32> to vector<1x1792xf32>
      %swap3A_2620 = arith.constant 4 : index
      %swap3A_2621 = arith.constant 0 : index
      %swap3A_2622 = vector.load %arg4[%swap3A_2620, %swap3A_2621] : memref<8x1792xf32, #tpu.memory_space<vmem>>, vector<1x1792xf32>
      tpu.vector_store %arg4[%swap3A_2620, %swap3A_2621], %slice3A_2619 {strides = array<i32>} : memref<8x1792xf32, #tpu.memory_space<vmem>>, vector<1x1792xf32>,
      %get3A_2623 = arith.constant 5 : index
      %get3A_2624 = arith.constant 0 : index
      %get3A_2625 = arith.constant 0 : index
      %get3A_2626 = vector.load %arg0[%get3A_2623, %get3A_2624, %get3A_2625] : memref<7x384x1792xf32, #tpu.memory_space<vmem>>, vector<1x8x1792xf32>
      %get3A_2627 = vector.shape_cast %get3A_2626 : vector<1x8x1792xf32> to vector<8x1792xf32>
      %slice3A_2628 = vector.extract_strided_slice %broadcast_in_dim3A_74 {offsets = [0, 0], sizes = [8, 1], strides = [1, 1]} : vector<384x1xf32> to vector<8x1xf32>
      %sub3A_2629 = vector.broadcast %slice3A_2628 : vector<8x1xf32> to vector<8x1792xf32>
      %sub3A_2630 = arith.subf %get3A_2627, %sub3A_2629 : vector<8x1792xf32>
      %mul3A_2631 = arith.mulf %sub3A_2630, %sub3A_2630 : vector<8x1792xf32>
      %get3A_2632 = arith.constant 5 : index
      %get3A_2633 = arith.constant 8 : index
      %get3A_2634 = arith.constant 0 : index
      %get3A_2635 = vector.load %arg0[%get3A_2632, %get3A_2633, %get3A_2634] : memref<7x384x1792xf32, #tpu.memory_space<vmem>>, vector<1x8x1792xf32>
      %get3A_2636 = vector.shape_cast %get3A_2635 : vector<1x8x1792xf32> to vector<8x1792xf32>
      %slice3A_2637 = vector.extract_strided_slice %broadcast_in_dim3A_74 {offsets = [8, 0], sizes = [8, 1], strides = [1, 1]} : vector<384x1xf32> to vector<8x1xf32>
      %sub3A_2638 = vector.broadcast %slice3A_2637 : vector<8x1xf32> to vector<8x1792xf32>
      %sub3A_2639 = arith.subf %get3A_2636, %sub3A_2638 : vector<8x1792xf32>
      %mul3A_2640 = arith.mulf %sub3A_2639, %sub3A_2639 : vector<8x1792xf32>
      %add3A_2641 = arith.addf %mul3A_2631, %mul3A_2640 : vector<8x1792xf32>
      %get3A_2642 = arith.constant 5 : index
      %get3A_2643 = arith.constant 16 : index
      %get3A_2644 = arith.constant 0 : index
      %get3A_2645 = vector.load %arg0[%get3A_2642, %get3A_2643, %get3A_2644] : memref<7x384x1792xf32, #tpu.memory_space<vmem>>, vector<1x8x1792xf32>
      %get3A_2646 = vector.shape_cast %get3A_2645 : vector<1x8x1792xf32> to vector<8x1792xf32>
      %slice3A_2647 = vector.extract_strided_slice %broadcast_in_dim3A_74 {offsets = [16, 0], sizes = [8, 1], strides = [1, 1]} : vector<384x1xf32> to vector<8x1xf32>
      %sub3A_2648 = vector.broadcast %slice3A_2647 : vector<8x1xf32> to vector<8x1792xf32>
      %sub3A_2649 = arith.subf %get3A_2646, %sub3A_2648 : vector<8x1792xf32>
      %mul3A_2650 = arith.mulf %sub3A_2649, %sub3A_2649 : vector<8x1792xf32>
      %add3A_2651 = arith.addf %add3A_2641, %mul3A_2650 : vector<8x1792xf32>
      %get3A_2652 = arith.constant 5 : index
      %get3A_2653 = arith.constant 24 : index
      %get3A_2654 = arith.constant 0 : index
      %get3A_2655 = vector.load %arg0[%get3A_2652, %get3A_2653, %get3A_2654] : memref<7x384x1792xf32, #tpu.memory_space<vmem>>, vector<1x8x1792xf32>
      %get3A_2656 = vector.shape_cast %get3A_2655 : vector<1x8x1792xf32> to vector<8x1792xf32>
      %slice3A_2657 = vector.extract_strided_slice %broadcast_in_dim3A_74 {offsets = [24, 0], sizes = [8, 1], strides = [1, 1]} : vector<384x1xf32> to vector<8x1xf32>
      %sub3A_2658 = vector.broadcast %slice3A_2657 : vector<8x1xf32> to vector<8x1792xf32>
      %sub3A_2659 = arith.subf %get3A_2656, %sub3A_2658 : vector<8x1792xf32>
      %mul3A_2660 = arith.mulf %sub3A_2659, %sub3A_2659 : vector<8x1792xf32>
      %add3A_2661 = arith.addf %add3A_2651, %mul3A_2660 : vector<8x1792xf32>
      %get3A_2662 = arith.constant 5 : index
      %get3A_2663 = arith.constant 32 : index
      %get3A_2664 = arith.constant 0 : index
      %get3A_2665 = vector.load %arg0[%get3A_2662, %get3A_2663, %get3A_2664] : memref<7x384x1792xf32, #tpu.memory_space<vmem>>, vector<1x8x1792xf32>
      %get3A_2666 = vector.shape_cast %get3A_2665 : vector<1x8x1792xf32> to vector<8x1792xf32>
      %slice3A_2667 = vector.extract_strided_slice %broadcast_in_dim3A_74 {offsets = [32, 0], sizes = [8, 1], strides = [1, 1]} : vector<384x1xf32> to vector<8x1xf32>
      %sub3A_2668 = vector.broadcast %slice3A_2667 : vector<8x1xf32> to vector<8x1792xf32>
      %sub3A_2669 = arith.subf %get3A_2666, %sub3A_2668 : vector<8x1792xf32>
      %mul3A_2670 = arith.mulf %sub3A_2669, %sub3A_2669 : vector<8x1792xf32>
      %add3A_2671 = arith.addf %add3A_2661, %mul3A_2670 : vector<8x1792xf32>
      %get3A_2672 = arith.constant 5 : index
      %get3A_2673 = arith.constant 40 : index
      %get3A_2674 = arith.constant 0 : index
      %get3A_2675 = vector.load %arg0[%get3A_2672, %get3A_2673, %get3A_2674] : memref<7x384x1792xf32, #tpu.memory_space<vmem>>, vector<1x8x1792xf32>
      %get3A_2676 = vector.shape_cast %get3A_2675 : vector<1x8x1792xf32> to vector<8x1792xf32>
      %slice3A_2677 = vector.extract_strided_slice %broadcast_in_dim3A_74 {offsets = [40, 0], sizes = [8, 1], strides = [1, 1]} : vector<384x1xf32> to vector<8x1xf32>
      %sub3A_2678 = vector.broadcast %slice3A_2677 : vector<8x1xf32> to vector<8x1792xf32>
      %sub3A_2679 = arith.subf %get3A_2676, %sub3A_2678 : vector<8x1792xf32>
      %mul3A_2680 = arith.mulf %sub3A_2679, %sub3A_2679 : vector<8x1792xf32>
      %add3A_2681 = arith.addf %add3A_2671, %mul3A_2680 : vector<8x1792xf32>
      %get3A_2682 = arith.constant 5 : index
      %get3A_2683 = arith.constant 48 : index
      %get3A_2684 = arith.constant 0 : index
      %get3A_2685 = vector.load %arg0[%get3A_2682, %get3A_2683, %get3A_2684] : memref<7x384x1792xf32, #tpu.memory_space<vmem>>, vector<1x8x1792xf32>
      %get3A_2686 = vector.shape_cast %get3A_2685 : vector<1x8x1792xf32> to vector<8x1792xf32>
      %slice3A_2687 = vector.extract_strided_slice %broadcast_in_dim3A_74 {offsets = [48, 0], sizes = [8, 1], strides = [1, 1]} : vector<384x1xf32> to vector<8x1xf32>
      %sub3A_2688 = vector.broadcast %slice3A_2687 : vector<8x1xf32> to vector<8x1792xf32>
      %sub3A_2689 = arith.subf %get3A_2686, %sub3A_2688 : vector<8x1792xf32>
      %mul3A_2690 = arith.mulf %sub3A_2689, %sub3A_2689 : vector<8x1792xf32>
      %add3A_2691 = arith.addf %add3A_2681, %mul3A_2690 : vector<8x1792xf32>
      %get3A_2692 = arith.constant 5 : index
      %get3A_2693 = arith.constant 56 : index
      %get3A_2694 = arith.constant 0 : index
      %get3A_2695 = vector.load %arg0[%get3A_2692, %get3A_2693, %get3A_2694] : memref<7x384x1792xf32, #tpu.memory_space<vmem>>, vector<1x8x1792xf32>
      %get3A_2696 = vector.shape_cast %get3A_2695 : vector<1x8x1792xf32> to vector<8x1792xf32>
      %slice3A_2697 = vector.extract_strided_slice %broadcast_in_dim3A_74 {offsets = [56, 0], sizes = [8, 1], strides = [1, 1]} : vector<384x1xf32> to vector<8x1xf32>
      %sub3A_2698 = vector.broadcast %slice3A_2697 : vector<8x1xf32> to vector<8x1792xf32>
      %sub3A_2699 = arith.subf %get3A_2696, %sub3A_2698 : vector<8x1792xf32>
      %mul3A_2700 = arith.mulf %sub3A_2699, %sub3A_2699 : vector<8x1792xf32>
      %add3A_2701 = arith.addf %add3A_2691, %mul3A_2700 : vector<8x1792xf32>
      %get3A_2702 = arith.constant 5 : index
      %get3A_2703 = arith.constant 64 : index
      %get3A_2704 = arith.constant 0 : index
      %get3A_2705 = vector.load %arg0[%get3A_2702, %get3A_2703, %get3A_2704] : memref<7x384x1792xf32, #tpu.memory_space<vmem>>, vector<1x8x1792xf32>
      %get3A_2706 = vector.shape_cast %get3A_2705 : vector<1x8x1792xf32> to vector<8x1792xf32>
      %slice3A_2707 = vector.extract_strided_slice %broadcast_in_dim3A_74 {offsets = [64, 0], sizes = [8, 1], strides = [1, 1]} : vector<384x1xf32> to vector<8x1xf32>
      %sub3A_2708 = vector.broadcast %slice3A_2707 : vector<8x1xf32> to vector<8x1792xf32>
      %sub3A_2709 = arith.subf %get3A_2706, %sub3A_2708 : vector<8x1792xf32>
      %mul3A_2710 = arith.mulf %sub3A_2709, %sub3A_2709 : vector<8x1792xf32>
      %add3A_2711 = arith.addf %add3A_2701, %mul3A_2710 : vector<8x1792xf32>
      %get3A_2712 = arith.constant 5 : index
      %get3A_2713 = arith.constant 72 : index
      %get3A_2714 = arith.constant 0 : index
      %get3A_2715 = vector.load %arg0[%get3A_2712, %get3A_2713, %get3A_2714] : memref<7x384x1792xf32, #tpu.memory_space<vmem>>, vector<1x8x1792xf32>
      %get3A_2716 = vector.shape_cast %get3A_2715 : vector<1x8x1792xf32> to vector<8x1792xf32>
      %slice3A_2717 = vector.extract_strided_slice %broadcast_in_dim3A_74 {offsets = [72, 0], sizes = [8, 1], strides = [1, 1]} : vector<384x1xf32> to vector<8x1xf32>
      %sub3A_2718 = vector.broadcast %slice3A_2717 : vector<8x1xf32> to vector<8x1792xf32>
      %sub3A_2719 = arith.subf %get3A_2716, %sub3A_2718 : vector<8x1792xf32>
      %mul3A_2720 = arith.mulf %sub3A_2719, %sub3A_2719 : vector<8x1792xf32>
      %add3A_2721 = arith.addf %add3A_2711, %mul3A_2720 : vector<8x1792xf32>
      %get3A_2722 = arith.constant 5 : index
      %get3A_2723 = arith.constant 80 : index
      %get3A_2724 = arith.constant 0 : index
      %get3A_2725 = vector.load %arg0[%get3A_2722, %get3A_2723, %get3A_2724] : memref<7x384x1792xf32, #tpu.memory_space<vmem>>, vector<1x8x1792xf32>
      %get3A_2726 = vector.shape_cast %get3A_2725 : vector<1x8x1792xf32> to vector<8x1792xf32>
      %slice3A_2727 = vector.extract_strided_slice %broadcast_in_dim3A_74 {offsets = [80, 0], sizes = [8, 1], strides = [1, 1]} : vector<384x1xf32> to vector<8x1xf32>
      %sub3A_2728 = vector.broadcast %slice3A_2727 : vector<8x1xf32> to vector<8x1792xf32>
      %sub3A_2729 = arith.subf %get3A_2726, %sub3A_2728 : vector<8x1792xf32>
      %mul3A_2730 = arith.mulf %sub3A_2729, %sub3A_2729 : vector<8x1792xf32>
      %add3A_2731 = arith.addf %add3A_2721, %mul3A_2730 : vector<8x1792xf32>
      %get3A_2732 = arith.constant 5 : index
      %get3A_2733 = arith.constant 88 : index
      %get3A_2734 = arith.constant 0 : index
      %get3A_2735 = vector.load %arg0[%get3A_2732, %get3A_2733, %get3A_2734] : memref<7x384x1792xf32, #tpu.memory_space<vmem>>, vector<1x8x1792xf32>
      %get3A_2736 = vector.shape_cast %get3A_2735 : vector<1x8x1792xf32> to vector<8x1792xf32>
      %slice3A_2737 = vector.extract_strided_slice %broadcast_in_dim3A_74 {offsets = [88, 0], sizes = [8, 1], strides = [1, 1]} : vector<384x1xf32> to vector<8x1xf32>
      %sub3A_2738 = vector.broadcast %slice3A_2737 : vector<8x1xf32> to vector<8x1792xf32>
      %sub3A_2739 = arith.subf %get3A_2736, %sub3A_2738 : vector<8x1792xf32>
      %mul3A_2740 = arith.mulf %sub3A_2739, %sub3A_2739 : vector<8x1792xf32>
      %add3A_2741 = arith.addf %add3A_2731, %mul3A_2740 : vector<8x1792xf32>
      %get3A_2742 = arith.constant 5 : index
      %get3A_2743 = arith.constant 96 : index
      %get3A_2744 = arith.constant 0 : index
      %get3A_2745 = vector.load %arg0[%get3A_2742, %get3A_2743, %get3A_2744] : memref<7x384x1792xf32, #tpu.memory_space<vmem>>, vector<1x8x1792xf32>
      %get3A_2746 = vector.shape_cast %get3A_2745 : vector<1x8x1792xf32> to vector<8x1792xf32>
      %slice3A_2747 = vector.extract_strided_slice %broadcast_in_dim3A_74 {offsets = [96, 0], sizes = [8, 1], strides = [1, 1]} : vector<384x1xf32> to vector<8x1xf32>
      %sub3A_2748 = vector.broadcast %slice3A_2747 : vector<8x1xf32> to vector<8x1792xf32>
      %sub3A_2749 = arith.subf %get3A_2746, %sub3A_2748 : vector<8x1792xf32>
      %mul3A_2750 = arith.mulf %sub3A_2749, %sub3A_2749 : vector<8x1792xf32>
      %add3A_2751 = arith.addf %add3A_2741, %mul3A_2750 : vector<8x1792xf32>
      %get3A_2752 = arith.constant 5 : index
      %get3A_2753 = arith.constant 104 : index
      %get3A_2754 = arith.constant 0 : index
      %get3A_2755 = vector.load %arg0[%get3A_2752, %get3A_2753, %get3A_2754] : memref<7x384x1792xf32, #tpu.memory_space<vmem>>, vector<1x8x1792xf32>
      %get3A_2756 = vector.shape_cast %get3A_2755 : vector<1x8x1792xf32> to vector<8x1792xf32>
      %slice3A_2757 = vector.extract_strided_slice %broadcast_in_dim3A_74 {offsets = [104, 0], sizes = [8, 1], strides = [1, 1]} : vector<384x1xf32> to vector<8x1xf32>
      %sub3A_2758 = vector.broadcast %slice3A_2757 : vector<8x1xf32> to vector<8x1792xf32>
      %sub3A_2759 = arith.subf %get3A_2756, %sub3A_2758 : vector<8x1792xf32>
      %mul3A_2760 = arith.mulf %sub3A_2759, %sub3A_2759 : vector<8x1792xf32>
      %add3A_2761 = arith.addf %add3A_2751, %mul3A_2760 : vector<8x1792xf32>
      %get3A_2762 = arith.constant 5 : index
      %get3A_2763 = arith.constant 112 : index
      %get3A_2764 = arith.constant 0 : index
      %get3A_2765 = vector.load %arg0[%get3A_2762, %get3A_2763, %get3A_2764] : memref<7x384x1792xf32, #tpu.memory_space<vmem>>, vector<1x8x1792xf32>
      %get3A_2766 = vector.shape_cast %get3A_2765 : vector<1x8x1792xf32> to vector<8x1792xf32>
      %slice3A_2767 = vector.extract_strided_slice %broadcast_in_dim3A_74 {offsets = [112, 0], sizes = [8, 1], strides = [1, 1]} : vector<384x1xf32> to vector<8x1xf32>
      %sub3A_2768 = vector.broadcast %slice3A_2767 : vector<8x1xf32> to vector<8x1792xf32>
      %sub3A_2769 = arith.subf %get3A_2766, %sub3A_2768 : vector<8x1792xf32>
      %mul3A_2770 = arith.mulf %sub3A_2769, %sub3A_2769 : vector<8x1792xf32>
      %add3A_2771 = arith.addf %add3A_2761, %mul3A_2770 : vector<8x1792xf32>
      %get3A_2772 = arith.constant 5 : index
      %get3A_2773 = arith.constant 120 : index
      %get3A_2774 = arith.constant 0 : index
      %get3A_2775 = vector.load %arg0[%get3A_2772, %get3A_2773, %get3A_2774] : memref<7x384x1792xf32, #tpu.memory_space<vmem>>, vector<1x8x1792xf32>
      %get3A_2776 = vector.shape_cast %get3A_2775 : vector<1x8x1792xf32> to vector<8x1792xf32>
      %slice3A_2777 = vector.extract_strided_slice %broadcast_in_dim3A_74 {offsets = [120, 0], sizes = [8, 1], strides = [1, 1]} : vector<384x1xf32> to vector<8x1xf32>
      %sub3A_2778 = vector.broadcast %slice3A_2777 : vector<8x1xf32> to vector<8x1792xf32>
      %sub3A_2779 = arith.subf %get3A_2776, %sub3A_2778 : vector<8x1792xf32>
      %mul3A_2780 = arith.mulf %sub3A_2779, %sub3A_2779 : vector<8x1792xf32>
      %add3A_2781 = arith.addf %add3A_2771, %mul3A_2780 : vector<8x1792xf32>
      %roll3A_2782 = arith.constant 4 : i32
      %roll3A_2783 = tpu.dynamic_rotate %add3A_2781 by %roll3A_2782 dim 0 : vector<8x1792xf32>, i32 -> vector<8x1792xf32>
      %add3A_2784 = arith.addf %add3A_2781, %roll3A_2783 : vector<8x1792xf32>
      %roll3A_2785 = arith.constant 2 : i32
      %roll3A_2786 = tpu.dynamic_rotate %add3A_2784 by %roll3A_2785 dim 0 : vector<8x1792xf32>, i32 -> vector<8x1792xf32>
      %add3A_2787 = arith.addf %add3A_2784, %roll3A_2786 : vector<8x1792xf32>
      %roll3A_2788 = arith.constant 1 : i32
      %roll3A_2789 = tpu.dynamic_rotate %add3A_2787 by %roll3A_2788 dim 0 : vector<8x1792xf32>, i32 -> vector<8x1792xf32>
      %add3A_2790 = arith.addf %add3A_2787, %roll3A_2789 : vector<8x1792xf32>
      %get3A_2791 = arith.constant 5 : index
      %get3A_2792 = arith.constant 128 : index
      %get3A_2793 = arith.constant 0 : index
      %get3A_2794 = vector.load %arg0[%get3A_2791, %get3A_2792, %get3A_2793] : memref<7x384x1792xf32, #tpu.memory_space<vmem>>, vector<1x8x1792xf32>
      %get3A_2795 = vector.shape_cast %get3A_2794 : vector<1x8x1792xf32> to vector<8x1792xf32>
      %slice3A_2796 = vector.extract_strided_slice %broadcast_in_dim3A_74 {offsets = [128, 0], sizes = [8, 1], strides = [1, 1]} : vector<384x1xf32> to vector<8x1xf32>
      %sub3A_2797 = vector.broadcast %slice3A_2796 : vector<8x1xf32> to vector<8x1792xf32>
      %sub3A_2798 = arith.subf %get3A_2795, %sub3A_2797 : vector<8x1792xf32>
      %mul3A_2799 = arith.mulf %sub3A_2798, %sub3A_2798 : vector<8x1792xf32>
      %get3A_2800 = arith.constant 5 : index
      %get3A_2801 = arith.constant 136 : index
      %get3A_2802 = arith.constant 0 : index
      %get3A_2803 = vector.load %arg0[%get3A_2800, %get3A_2801, %get3A_2802] : memref<7x384x1792xf32, #tpu.memory_space<vmem>>, vector<1x8x1792xf32>
      %get3A_2804 = vector.shape_cast %get3A_2803 : vector<1x8x1792xf32> to vector<8x1792xf32>
      %slice3A_2805 = vector.extract_strided_slice %broadcast_in_dim3A_74 {offsets = [136, 0], sizes = [8, 1], strides = [1, 1]} : vector<384x1xf32> to vector<8x1xf32>
      %sub3A_2806 = vector.broadcast %slice3A_2805 : vector<8x1xf32> to vector<8x1792xf32>
      %sub3A_2807 = arith.subf %get3A_2804, %sub3A_2806 : vector<8x1792xf32>
      %mul3A_2808 = arith.mulf %sub3A_2807, %sub3A_2807 : vector<8x1792xf32>
      %add3A_2809 = arith.addf %mul3A_2799, %mul3A_2808 : vector<8x1792xf32>
      %get3A_2810 = arith.constant 5 : index
      %get3A_2811 = arith.constant 144 : index
      %get3A_2812 = arith.constant 0 : index
      %get3A_2813 = vector.load %arg0[%get3A_2810, %get3A_2811, %get3A_2812] : memref<7x384x1792xf32, #tpu.memory_space<vmem>>, vector<1x8x1792xf32>
      %get3A_2814 = vector.shape_cast %get3A_2813 : vector<1x8x1792xf32> to vector<8x1792xf32>
      %slice3A_2815 = vector.extract_strided_slice %broadcast_in_dim3A_74 {offsets = [144, 0], sizes = [8, 1], strides = [1, 1]} : vector<384x1xf32> to vector<8x1xf32>
      %sub3A_2816 = vector.broadcast %slice3A_2815 : vector<8x1xf32> to vector<8x1792xf32>
      %sub3A_2817 = arith.subf %get3A_2814, %sub3A_2816 : vector<8x1792xf32>
      %mul3A_2818 = arith.mulf %sub3A_2817, %sub3A_2817 : vector<8x1792xf32>
      %add3A_2819 = arith.addf %add3A_2809, %mul3A_2818 : vector<8x1792xf32>
      %get3A_2820 = arith.constant 5 : index
      %get3A_2821 = arith.constant 152 : index
      %get3A_2822 = arith.constant 0 : index
      %get3A_2823 = vector.load %arg0[%get3A_2820, %get3A_2821, %get3A_2822] : memref<7x384x1792xf32, #tpu.memory_space<vmem>>, vector<1x8x1792xf32>
      %get3A_2824 = vector.shape_cast %get3A_2823 : vector<1x8x1792xf32> to vector<8x1792xf32>
      %slice3A_2825 = vector.extract_strided_slice %broadcast_in_dim3A_74 {offsets = [152, 0], sizes = [8, 1], strides = [1, 1]} : vector<384x1xf32> to vector<8x1xf32>
      %sub3A_2826 = vector.broadcast %slice3A_2825 : vector<8x1xf32> to vector<8x1792xf32>
      %sub3A_2827 = arith.subf %get3A_2824, %sub3A_2826 : vector<8x1792xf32>
      %mul3A_2828 = arith.mulf %sub3A_2827, %sub3A_2827 : vector<8x1792xf32>
      %add3A_2829 = arith.addf %add3A_2819, %mul3A_2828 : vector<8x1792xf32>
      %get3A_2830 = arith.constant 5 : index
      %get3A_2831 = arith.constant 160 : index
      %get3A_2832 = arith.constant 0 : index
      %get3A_2833 = vector.load %arg0[%get3A_2830, %get3A_2831, %get3A_2832] : memref<7x384x1792xf32, #tpu.memory_space<vmem>>, vector<1x8x1792xf32>
      %get3A_2834 = vector.shape_cast %get3A_2833 : vector<1x8x1792xf32> to vector<8x1792xf32>
      %slice3A_2835 = vector.extract_strided_slice %broadcast_in_dim3A_74 {offsets = [160, 0], sizes = [8, 1], strides = [1, 1]} : vector<384x1xf32> to vector<8x1xf32>
      %sub3A_2836 = vector.broadcast %slice3A_2835 : vector<8x1xf32> to vector<8x1792xf32>
      %sub3A_2837 = arith.subf %get3A_2834, %sub3A_2836 : vector<8x1792xf32>
      %mul3A_2838 = arith.mulf %sub3A_2837, %sub3A_2837 : vector<8x1792xf32>
      %add3A_2839 = arith.addf %add3A_2829, %mul3A_2838 : vector<8x1792xf32>
      %get3A_2840 = arith.constant 5 : index
      %get3A_2841 = arith.constant 168 : index
      %get3A_2842 = arith.constant 0 : index
      %get3A_2843 = vector.load %arg0[%get3A_2840, %get3A_2841, %get3A_2842] : memref<7x384x1792xf32, #tpu.memory_space<vmem>>, vector<1x8x1792xf32>
      %get3A_2844 = vector.shape_cast %get3A_2843 : vector<1x8x1792xf32> to vector<8x1792xf32>
      %slice3A_2845 = vector.extract_strided_slice %broadcast_in_dim3A_74 {offsets = [168, 0], sizes = [8, 1], strides = [1, 1]} : vector<384x1xf32> to vector<8x1xf32>
      %sub3A_2846 = vector.broadcast %slice3A_2845 : vector<8x1xf32> to vector<8x1792xf32>
      %sub3A_2847 = arith.subf %get3A_2844, %sub3A_2846 : vector<8x1792xf32>
      %mul3A_2848 = arith.mulf %sub3A_2847, %sub3A_2847 : vector<8x1792xf32>
      %add3A_2849 = arith.addf %add3A_2839, %mul3A_2848 : vector<8x1792xf32>
      %get3A_2850 = arith.constant 5 : index
      %get3A_2851 = arith.constant 176 : index
      %get3A_2852 = arith.constant 0 : index
      %get3A_2853 = vector.load %arg0[%get3A_2850, %get3A_2851, %get3A_2852] : memref<7x384x1792xf32, #tpu.memory_space<vmem>>, vector<1x8x1792xf32>
      %get3A_2854 = vector.shape_cast %get3A_2853 : vector<1x8x1792xf32> to vector<8x1792xf32>
      %slice3A_2855 = vector.extract_strided_slice %broadcast_in_dim3A_74 {offsets = [176, 0], sizes = [8, 1], strides = [1, 1]} : vector<384x1xf32> to vector<8x1xf32>
      %sub3A_2856 = vector.broadcast %slice3A_2855 : vector<8x1xf32> to vector<8x1792xf32>
      %sub3A_2857 = arith.subf %get3A_2854, %sub3A_2856 : vector<8x1792xf32>
      %mul3A_2858 = arith.mulf %sub3A_2857, %sub3A_2857 : vector<8x1792xf32>
      %add3A_2859 = arith.addf %add3A_2849, %mul3A_2858 : vector<8x1792xf32>
      %get3A_2860 = arith.constant 5 : index
      %get3A_2861 = arith.constant 184 : index
      %get3A_2862 = arith.constant 0 : index
      %get3A_2863 = vector.load %arg0[%get3A_2860, %get3A_2861, %get3A_2862] : memref<7x384x1792xf32, #tpu.memory_space<vmem>>, vector<1x8x1792xf32>
      %get3A_2864 = vector.shape_cast %get3A_2863 : vector<1x8x1792xf32> to vector<8x1792xf32>
      %slice3A_2865 = vector.extract_strided_slice %broadcast_in_dim3A_74 {offsets = [184, 0], sizes = [8, 1], strides = [1, 1]} : vector<384x1xf32> to vector<8x1xf32>
      %sub3A_2866 = vector.broadcast %slice3A_2865 : vector<8x1xf32> to vector<8x1792xf32>
      %sub3A_2867 = arith.subf %get3A_2864, %sub3A_2866 : vector<8x1792xf32>
      %mul3A_2868 = arith.mulf %sub3A_2867, %sub3A_2867 : vector<8x1792xf32>
      %add3A_2869 = arith.addf %add3A_2859, %mul3A_2868 : vector<8x1792xf32>
      %get3A_2870 = arith.constant 5 : index
      %get3A_2871 = arith.constant 192 : index
      %get3A_2872 = arith.constant 0 : index
      %get3A_2873 = vector.load %arg0[%get3A_2870, %get3A_2871, %get3A_2872] : memref<7x384x1792xf32, #tpu.memory_space<vmem>>, vector<1x8x1792xf32>
      %get3A_2874 = vector.shape_cast %get3A_2873 : vector<1x8x1792xf32> to vector<8x1792xf32>
      %slice3A_2875 = vector.extract_strided_slice %broadcast_in_dim3A_74 {offsets = [192, 0], sizes = [8, 1], strides = [1, 1]} : vector<384x1xf32> to vector<8x1xf32>
      %sub3A_2876 = vector.broadcast %slice3A_2875 : vector<8x1xf32> to vector<8x1792xf32>
      %sub3A_2877 = arith.subf %get3A_2874, %sub3A_2876 : vector<8x1792xf32>
      %mul3A_2878 = arith.mulf %sub3A_2877, %sub3A_2877 : vector<8x1792xf32>
      %add3A_2879 = arith.addf %add3A_2869, %mul3A_2878 : vector<8x1792xf32>
      %get3A_2880 = arith.constant 5 : index
      %get3A_2881 = arith.constant 200 : index
      %get3A_2882 = arith.constant 0 : index
      %get3A_2883 = vector.load %arg0[%get3A_2880, %get3A_2881, %get3A_2882] : memref<7x384x1792xf32, #tpu.memory_space<vmem>>, vector<1x8x1792xf32>
      %get3A_2884 = vector.shape_cast %get3A_2883 : vector<1x8x1792xf32> to vector<8x1792xf32>
      %slice3A_2885 = vector.extract_strided_slice %broadcast_in_dim3A_74 {offsets = [200, 0], sizes = [8, 1], strides = [1, 1]} : vector<384x1xf32> to vector<8x1xf32>
      %sub3A_2886 = vector.broadcast %slice3A_2885 : vector<8x1xf32> to vector<8x1792xf32>
      %sub3A_2887 = arith.subf %get3A_2884, %sub3A_2886 : vector<8x1792xf32>
      %mul3A_2888 = arith.mulf %sub3A_2887, %sub3A_2887 : vector<8x1792xf32>
      %add3A_2889 = arith.addf %add3A_2879, %mul3A_2888 : vector<8x1792xf32>
      %get3A_2890 = arith.constant 5 : index
      %get3A_2891 = arith.constant 208 : index
      %get3A_2892 = arith.constant 0 : index
      %get3A_2893 = vector.load %arg0[%get3A_2890, %get3A_2891, %get3A_2892] : memref<7x384x1792xf32, #tpu.memory_space<vmem>>, vector<1x8x1792xf32>
      %get3A_2894 = vector.shape_cast %get3A_2893 : vector<1x8x1792xf32> to vector<8x1792xf32>
      %slice3A_2895 = vector.extract_strided_slice %broadcast_in_dim3A_74 {offsets = [208, 0], sizes = [8, 1], strides = [1, 1]} : vector<384x1xf32> to vector<8x1xf32>
      %sub3A_2896 = vector.broadcast %slice3A_2895 : vector<8x1xf32> to vector<8x1792xf32>
      %sub3A_2897 = arith.subf %get3A_2894, %sub3A_2896 : vector<8x1792xf32>
      %mul3A_2898 = arith.mulf %sub3A_2897, %sub3A_2897 : vector<8x1792xf32>
      %add3A_2899 = arith.addf %add3A_2889, %mul3A_2898 : vector<8x1792xf32>
      %get3A_2900 = arith.constant 5 : index
      %get3A_2901 = arith.constant 216 : index
      %get3A_2902 = arith.constant 0 : index
      %get3A_2903 = vector.load %arg0[%get3A_2900, %get3A_2901, %get3A_2902] : memref<7x384x1792xf32, #tpu.memory_space<vmem>>, vector<1x8x1792xf32>
      %get3A_2904 = vector.shape_cast %get3A_2903 : vector<1x8x1792xf32> to vector<8x1792xf32>
      %slice3A_2905 = vector.extract_strided_slice %broadcast_in_dim3A_74 {offsets = [216, 0], sizes = [8, 1], strides = [1, 1]} : vector<384x1xf32> to vector<8x1xf32>
      %sub3A_2906 = vector.broadcast %slice3A_2905 : vector<8x1xf32> to vector<8x1792xf32>
      %sub3A_2907 = arith.subf %get3A_2904, %sub3A_2906 : vector<8x1792xf32>
      %mul3A_2908 = arith.mulf %sub3A_2907, %sub3A_2907 : vector<8x1792xf32>
      %add3A_2909 = arith.addf %add3A_2899, %mul3A_2908 : vector<8x1792xf32>
      %get3A_2910 = arith.constant 5 : index
      %get3A_2911 = arith.constant 224 : index
      %get3A_2912 = arith.constant 0 : index
      %get3A_2913 = vector.load %arg0[%get3A_2910, %get3A_2911, %get3A_2912] : memref<7x384x1792xf32, #tpu.memory_space<vmem>>, vector<1x8x1792xf32>
      %get3A_2914 = vector.shape_cast %get3A_2913 : vector<1x8x1792xf32> to vector<8x1792xf32>
      %slice3A_2915 = vector.extract_strided_slice %broadcast_in_dim3A_74 {offsets = [224, 0], sizes = [8, 1], strides = [1, 1]} : vector<384x1xf32> to vector<8x1xf32>
      %sub3A_2916 = vector.broadcast %slice3A_2915 : vector<8x1xf32> to vector<8x1792xf32>
      %sub3A_2917 = arith.subf %get3A_2914, %sub3A_2916 : vector<8x1792xf32>
      %mul3A_2918 = arith.mulf %sub3A_2917, %sub3A_2917 : vector<8x1792xf32>
      %add3A_2919 = arith.addf %add3A_2909, %mul3A_2918 : vector<8x1792xf32>
      %get3A_2920 = arith.constant 5 : index
      %get3A_2921 = arith.constant 232 : index
      %get3A_2922 = arith.constant 0 : index
      %get3A_2923 = vector.load %arg0[%get3A_2920, %get3A_2921, %get3A_2922] : memref<7x384x1792xf32, #tpu.memory_space<vmem>>, vector<1x8x1792xf32>
      %get3A_2924 = vector.shape_cast %get3A_2923 : vector<1x8x1792xf32> to vector<8x1792xf32>
      %slice3A_2925 = vector.extract_strided_slice %broadcast_in_dim3A_74 {offsets = [232, 0], sizes = [8, 1], strides = [1, 1]} : vector<384x1xf32> to vector<8x1xf32>
      %sub3A_2926 = vector.broadcast %slice3A_2925 : vector<8x1xf32> to vector<8x1792xf32>
      %sub3A_2927 = arith.subf %get3A_2924, %sub3A_2926 : vector<8x1792xf32>
      %mul3A_2928 = arith.mulf %sub3A_2927, %sub3A_2927 : vector<8x1792xf32>
      %add3A_2929 = arith.addf %add3A_2919, %mul3A_2928 : vector<8x1792xf32>
      %get3A_2930 = arith.constant 5 : index
      %get3A_2931 = arith.constant 240 : index
      %get3A_2932 = arith.constant 0 : index
      %get3A_2933 = vector.load %arg0[%get3A_2930, %get3A_2931, %get3A_2932] : memref<7x384x1792xf32, #tpu.memory_space<vmem>>, vector<1x8x1792xf32>
      %get3A_2934 = vector.shape_cast %get3A_2933 : vector<1x8x1792xf32> to vector<8x1792xf32>
      %slice3A_2935 = vector.extract_strided_slice %broadcast_in_dim3A_74 {offsets = [240, 0], sizes = [8, 1], strides = [1, 1]} : vector<384x1xf32> to vector<8x1xf32>
      %sub3A_2936 = vector.broadcast %slice3A_2935 : vector<8x1xf32> to vector<8x1792xf32>
      %sub3A_2937 = arith.subf %get3A_2934, %sub3A_2936 : vector<8x1792xf32>
      %mul3A_2938 = arith.mulf %sub3A_2937, %sub3A_2937 : vector<8x1792xf32>
      %add3A_2939 = arith.addf %add3A_2929, %mul3A_2938 : vector<8x1792xf32>
      %get3A_2940 = arith.constant 5 : index
      %get3A_2941 = arith.constant 248 : index
      %get3A_2942 = arith.constant 0 : index
      %get3A_2943 = vector.load %arg0[%get3A_2940, %get3A_2941, %get3A_2942] : memref<7x384x1792xf32, #tpu.memory_space<vmem>>, vector<1x8x1792xf32>
      %get3A_2944 = vector.shape_cast %get3A_2943 : vector<1x8x1792xf32> to vector<8x1792xf32>
      %slice3A_2945 = vector.extract_strided_slice %broadcast_in_dim3A_74 {offsets = [248, 0], sizes = [8, 1], strides = [1, 1]} : vector<384x1xf32> to vector<8x1xf32>
      %sub3A_2946 = vector.broadcast %slice3A_2945 : vector<8x1xf32> to vector<8x1792xf32>
      %sub3A_2947 = arith.subf %get3A_2944, %sub3A_2946 : vector<8x1792xf32>
      %mul3A_2948 = arith.mulf %sub3A_2947, %sub3A_2947 : vector<8x1792xf32>
      %add3A_2949 = arith.addf %add3A_2939, %mul3A_2948 : vector<8x1792xf32>
      %roll3A_2950 = arith.constant 4 : i32
      %roll3A_2951 = tpu.dynamic_rotate %add3A_2949 by %roll3A_2950 dim 0 : vector<8x1792xf32>, i32 -> vector<8x1792xf32>
      %add3A_2952 = arith.addf %add3A_2949, %roll3A_2951 : vector<8x1792xf32>
      %roll3A_2953 = arith.constant 2 : i32
      %roll3A_2954 = tpu.dynamic_rotate %add3A_2952 by %roll3A_2953 dim 0 : vector<8x1792xf32>, i32 -> vector<8x1792xf32>
      %add3A_2955 = arith.addf %add3A_2952, %roll3A_2954 : vector<8x1792xf32>
      %roll3A_2956 = arith.constant 1 : i32
      %roll3A_2957 = tpu.dynamic_rotate %add3A_2955 by %roll3A_2956 dim 0 : vector<8x1792xf32>, i32 -> vector<8x1792xf32>
      %add3A_2958 = arith.addf %add3A_2955, %roll3A_2957 : vector<8x1792xf32>
      %add3A_2959 = arith.addf %add3A_2790, %add3A_2958 : vector<8x1792xf32>
      %get3A_2960 = arith.constant 5 : index
      %get3A_2961 = arith.constant 256 : index
      %get3A_2962 = arith.constant 0 : index
      %get3A_2963 = vector.load %arg0[%get3A_2960, %get3A_2961, %get3A_2962] : memref<7x384x1792xf32, #tpu.memory_space<vmem>>, vector<1x8x1792xf32>
      %get3A_2964 = vector.shape_cast %get3A_2963 : vector<1x8x1792xf32> to vector<8x1792xf32>
      %slice3A_2965 = vector.extract_strided_slice %broadcast_in_dim3A_74 {offsets = [256, 0], sizes = [8, 1], strides = [1, 1]} : vector<384x1xf32> to vector<8x1xf32>
      %sub3A_2966 = vector.broadcast %slice3A_2965 : vector<8x1xf32> to vector<8x1792xf32>
      %sub3A_2967 = arith.subf %get3A_2964, %sub3A_2966 : vector<8x1792xf32>
      %mul3A_2968 = arith.mulf %sub3A_2967, %sub3A_2967 : vector<8x1792xf32>
      %get3A_2969 = arith.constant 5 : index
      %get3A_2970 = arith.constant 264 : index
      %get3A_2971 = arith.constant 0 : index
      %get3A_2972 = vector.load %arg0[%get3A_2969, %get3A_2970, %get3A_2971] : memref<7x384x1792xf32, #tpu.memory_space<vmem>>, vector<1x8x1792xf32>
      %get3A_2973 = vector.shape_cast %get3A_2972 : vector<1x8x1792xf32> to vector<8x1792xf32>
      %slice3A_2974 = vector.extract_strided_slice %broadcast_in_dim3A_74 {offsets = [264, 0], sizes = [8, 1], strides = [1, 1]} : vector<384x1xf32> to vector<8x1xf32>
      %sub3A_2975 = vector.broadcast %slice3A_2974 : vector<8x1xf32> to vector<8x1792xf32>
      %sub3A_2976 = arith.subf %get3A_2973, %sub3A_2975 : vector<8x1792xf32>
      %mul3A_2977 = arith.mulf %sub3A_2976, %sub3A_2976 : vector<8x1792xf32>
      %add3A_2978 = arith.addf %mul3A_2968, %mul3A_2977 : vector<8x1792xf32>
      %get3A_2979 = arith.constant 5 : index
      %get3A_2980 = arith.constant 272 : index
      %get3A_2981 = arith.constant 0 : index
      %get3A_2982 = vector.load %arg0[%get3A_2979, %get3A_2980, %get3A_2981] : memref<7x384x1792xf32, #tpu.memory_space<vmem>>, vector<1x8x1792xf32>
      %get3A_2983 = vector.shape_cast %get3A_2982 : vector<1x8x1792xf32> to vector<8x1792xf32>
      %slice3A_2984 = vector.extract_strided_slice %broadcast_in_dim3A_74 {offsets = [272, 0], sizes = [8, 1], strides = [1, 1]} : vector<384x1xf32> to vector<8x1xf32>
      %sub3A_2985 = vector.broadcast %slice3A_2984 : vector<8x1xf32> to vector<8x1792xf32>
      %sub3A_2986 = arith.subf %get3A_2983, %sub3A_2985 : vector<8x1792xf32>
      %mul3A_2987 = arith.mulf %sub3A_2986, %sub3A_2986 : vector<8x1792xf32>
      %add3A_2988 = arith.addf %add3A_2978, %mul3A_2987 : vector<8x1792xf32>
      %get3A_2989 = arith.constant 5 : index
      %get3A_2990 = arith.constant 280 : index
      %get3A_2991 = arith.constant 0 : index
      %get3A_2992 = vector.load %arg0[%get3A_2989, %get3A_2990, %get3A_2991] : memref<7x384x1792xf32, #tpu.memory_space<vmem>>, vector<1x8x1792xf32>
      %get3A_2993 = vector.shape_cast %get3A_2992 : vector<1x8x1792xf32> to vector<8x1792xf32>
      %slice3A_2994 = vector.extract_strided_slice %broadcast_in_dim3A_74 {offsets = [280, 0], sizes = [8, 1], strides = [1, 1]} : vector<384x1xf32> to vector<8x1xf32>
      %sub3A_2995 = vector.broadcast %slice3A_2994 : vector<8x1xf32> to vector<8x1792xf32>
      %sub3A_2996 = arith.subf %get3A_2993, %sub3A_2995 : vector<8x1792xf32>
      %mul3A_2997 = arith.mulf %sub3A_2996, %sub3A_2996 : vector<8x1792xf32>
      %add3A_2998 = arith.addf %add3A_2988, %mul3A_2997 : vector<8x1792xf32>
      %get3A_2999 = arith.constant 5 : index
      %get3A_3000 = arith.constant 288 : index
      %get3A_3001 = arith.constant 0 : index
      %get3A_3002 = vector.load %arg0[%get3A_2999, %get3A_3000, %get3A_3001] : memref<7x384x1792xf32, #tpu.memory_space<vmem>>, vector<1x8x1792xf32>
      %get3A_3003 = vector.shape_cast %get3A_3002 : vector<1x8x1792xf32> to vector<8x1792xf32>
      %slice3A_3004 = vector.extract_strided_slice %broadcast_in_dim3A_74 {offsets = [288, 0], sizes = [8, 1], strides = [1, 1]} : vector<384x1xf32> to vector<8x1xf32>
      %sub3A_3005 = vector.broadcast %slice3A_3004 : vector<8x1xf32> to vector<8x1792xf32>
      %sub3A_3006 = arith.subf %get3A_3003, %sub3A_3005 : vector<8x1792xf32>
      %mul3A_3007 = arith.mulf %sub3A_3006, %sub3A_3006 : vector<8x1792xf32>
      %add3A_3008 = arith.addf %add3A_2998, %mul3A_3007 : vector<8x1792xf32>
      %get3A_3009 = arith.constant 5 : index
      %get3A_3010 = arith.constant 296 : index
      %get3A_3011 = arith.constant 0 : index
      %get3A_3012 = vector.load %arg0[%get3A_3009, %get3A_3010, %get3A_3011] : memref<7x384x1792xf32, #tpu.memory_space<vmem>>, vector<1x8x1792xf32>
      %get3A_3013 = vector.shape_cast %get3A_3012 : vector<1x8x1792xf32> to vector<8x1792xf32>
      %slice3A_3014 = vector.extract_strided_slice %broadcast_in_dim3A_74 {offsets = [296, 0], sizes = [8, 1], strides = [1, 1]} : vector<384x1xf32> to vector<8x1xf32>
      %sub3A_3015 = vector.broadcast %slice3A_3014 : vector<8x1xf32> to vector<8x1792xf32>
      %sub3A_3016 = arith.subf %get3A_3013, %sub3A_3015 : vector<8x1792xf32>
      %mul3A_3017 = arith.mulf %sub3A_3016, %sub3A_3016 : vector<8x1792xf32>
      %add3A_3018 = arith.addf %add3A_3008, %mul3A_3017 : vector<8x1792xf32>
      %get3A_3019 = arith.constant 5 : index
      %get3A_3020 = arith.constant 304 : index
      %get3A_3021 = arith.constant 0 : index
      %get3A_3022 = vector.load %arg0[%get3A_3019, %get3A_3020, %get3A_3021] : memref<7x384x1792xf32, #tpu.memory_space<vmem>>, vector<1x8x1792xf32>
      %get3A_3023 = vector.shape_cast %get3A_3022 : vector<1x8x1792xf32> to vector<8x1792xf32>
      %slice3A_3024 = vector.extract_strided_slice %broadcast_in_dim3A_74 {offsets = [304, 0], sizes = [8, 1], strides = [1, 1]} : vector<384x1xf32> to vector<8x1xf32>
      %sub3A_3025 = vector.broadcast %slice3A_3024 : vector<8x1xf32> to vector<8x1792xf32>
      %sub3A_3026 = arith.subf %get3A_3023, %sub3A_3025 : vector<8x1792xf32>
      %mul3A_3027 = arith.mulf %sub3A_3026, %sub3A_3026 : vector<8x1792xf32>
      %add3A_3028 = arith.addf %add3A_3018, %mul3A_3027 : vector<8x1792xf32>
      %get3A_3029 = arith.constant 5 : index
      %get3A_3030 = arith.constant 312 : index
      %get3A_3031 = arith.constant 0 : index
      %get3A_3032 = vector.load %arg0[%get3A_3029, %get3A_3030, %get3A_3031] : memref<7x384x1792xf32, #tpu.memory_space<vmem>>, vector<1x8x1792xf32>
      %get3A_3033 = vector.shape_cast %get3A_3032 : vector<1x8x1792xf32> to vector<8x1792xf32>
      %slice3A_3034 = vector.extract_strided_slice %broadcast_in_dim3A_74 {offsets = [312, 0], sizes = [8, 1], strides = [1, 1]} : vector<384x1xf32> to vector<8x1xf32>
      %sub3A_3035 = vector.broadcast %slice3A_3034 : vector<8x1xf32> to vector<8x1792xf32>
      %sub3A_3036 = arith.subf %get3A_3033, %sub3A_3035 : vector<8x1792xf32>
      %mul3A_3037 = arith.mulf %sub3A_3036, %sub3A_3036 : vector<8x1792xf32>
      %add3A_3038 = arith.addf %add3A_3028, %mul3A_3037 : vector<8x1792xf32>
      %get3A_3039 = arith.constant 5 : index
      %get3A_3040 = arith.constant 320 : index
      %get3A_3041 = arith.constant 0 : index
      %get3A_3042 = vector.load %arg0[%get3A_3039, %get3A_3040, %get3A_3041] : memref<7x384x1792xf32, #tpu.memory_space<vmem>>, vector<1x8x1792xf32>
      %get3A_3043 = vector.shape_cast %get3A_3042 : vector<1x8x1792xf32> to vector<8x1792xf32>
      %slice3A_3044 = vector.extract_strided_slice %broadcast_in_dim3A_74 {offsets = [320, 0], sizes = [8, 1], strides = [1, 1]} : vector<384x1xf32> to vector<8x1xf32>
      %sub3A_3045 = vector.broadcast %slice3A_3044 : vector<8x1xf32> to vector<8x1792xf32>
      %sub3A_3046 = arith.subf %get3A_3043, %sub3A_3045 : vector<8x1792xf32>
      %mul3A_3047 = arith.mulf %sub3A_3046, %sub3A_3046 : vector<8x1792xf32>
      %add3A_3048 = arith.addf %add3A_3038, %mul3A_3047 : vector<8x1792xf32>
      %get3A_3049 = arith.constant 5 : index
      %get3A_3050 = arith.constant 328 : index
      %get3A_3051 = arith.constant 0 : index
      %get3A_3052 = vector.load %arg0[%get3A_3049, %get3A_3050, %get3A_3051] : memref<7x384x1792xf32, #tpu.memory_space<vmem>>, vector<1x8x1792xf32>
      %get3A_3053 = vector.shape_cast %get3A_3052 : vector<1x8x1792xf32> to vector<8x1792xf32>
      %slice3A_3054 = vector.extract_strided_slice %broadcast_in_dim3A_74 {offsets = [328, 0], sizes = [8, 1], strides = [1, 1]} : vector<384x1xf32> to vector<8x1xf32>
      %sub3A_3055 = vector.broadcast %slice3A_3054 : vector<8x1xf32> to vector<8x1792xf32>
      %sub3A_3056 = arith.subf %get3A_3053, %sub3A_3055 : vector<8x1792xf32>
      %mul3A_3057 = arith.mulf %sub3A_3056, %sub3A_3056 : vector<8x1792xf32>
      %add3A_3058 = arith.addf %add3A_3048, %mul3A_3057 : vector<8x1792xf32>
      %get3A_3059 = arith.constant 5 : index
      %get3A_3060 = arith.constant 336 : index
      %get3A_3061 = arith.constant 0 : index
      %get3A_3062 = vector.load %arg0[%get3A_3059, %get3A_3060, %get3A_3061] : memref<7x384x1792xf32, #tpu.memory_space<vmem>>, vector<1x8x1792xf32>
      %get3A_3063 = vector.shape_cast %get3A_3062 : vector<1x8x1792xf32> to vector<8x1792xf32>
      %slice3A_3064 = vector.extract_strided_slice %broadcast_in_dim3A_74 {offsets = [336, 0], sizes = [8, 1], strides = [1, 1]} : vector<384x1xf32> to vector<8x1xf32>
      %sub3A_3065 = vector.broadcast %slice3A_3064 : vector<8x1xf32> to vector<8x1792xf32>
      %sub3A_3066 = arith.subf %get3A_3063, %sub3A_3065 : vector<8x1792xf32>
      %mul3A_3067 = arith.mulf %sub3A_3066, %sub3A_3066 : vector<8x1792xf32>
      %add3A_3068 = arith.addf %add3A_3058, %mul3A_3067 : vector<8x1792xf32>
      %get3A_3069 = arith.constant 5 : index
      %get3A_3070 = arith.constant 344 : index
      %get3A_3071 = arith.constant 0 : index
      %get3A_3072 = vector.load %arg0[%get3A_3069, %get3A_3070, %get3A_3071] : memref<7x384x1792xf32, #tpu.memory_space<vmem>>, vector<1x8x1792xf32>
      %get3A_3073 = vector.shape_cast %get3A_3072 : vector<1x8x1792xf32> to vector<8x1792xf32>
      %slice3A_3074 = vector.extract_strided_slice %broadcast_in_dim3A_74 {offsets = [344, 0], sizes = [8, 1], strides = [1, 1]} : vector<384x1xf32> to vector<8x1xf32>
      %sub3A_3075 = vector.broadcast %slice3A_3074 : vector<8x1xf32> to vector<8x1792xf32>
      %sub3A_3076 = arith.subf %get3A_3073, %sub3A_3075 : vector<8x1792xf32>
      %mul3A_3077 = arith.mulf %sub3A_3076, %sub3A_3076 : vector<8x1792xf32>
      %add3A_3078 = arith.addf %add3A_3068, %mul3A_3077 : vector<8x1792xf32>
      %get3A_3079 = arith.constant 5 : index
      %get3A_3080 = arith.constant 352 : index
      %get3A_3081 = arith.constant 0 : index
      %get3A_3082 = vector.load %arg0[%get3A_3079, %get3A_3080, %get3A_3081] : memref<7x384x1792xf32, #tpu.memory_space<vmem>>, vector<1x8x1792xf32>
      %get3A_3083 = vector.shape_cast %get3A_3082 : vector<1x8x1792xf32> to vector<8x1792xf32>
      %slice3A_3084 = vector.extract_strided_slice %broadcast_in_dim3A_74 {offsets = [352, 0], sizes = [8, 1], strides = [1, 1]} : vector<384x1xf32> to vector<8x1xf32>
      %sub3A_3085 = vector.broadcast %slice3A_3084 : vector<8x1xf32> to vector<8x1792xf32>
      %sub3A_3086 = arith.subf %get3A_3083, %sub3A_3085 : vector<8x1792xf32>
      %mul3A_3087 = arith.mulf %sub3A_3086, %sub3A_3086 : vector<8x1792xf32>
      %add3A_3088 = arith.addf %add3A_3078, %mul3A_3087 : vector<8x1792xf32>
      %get3A_3089 = arith.constant 5 : index
      %get3A_3090 = arith.constant 360 : index
      %get3A_3091 = arith.constant 0 : index
      %get3A_3092 = vector.load %arg0[%get3A_3089, %get3A_3090, %get3A_3091] : memref<7x384x1792xf32, #tpu.memory_space<vmem>>, vector<1x8x1792xf32>
      %get3A_3093 = vector.shape_cast %get3A_3092 : vector<1x8x1792xf32> to vector<8x1792xf32>
      %slice3A_3094 = vector.extract_strided_slice %broadcast_in_dim3A_74 {offsets = [360, 0], sizes = [8, 1], strides = [1, 1]} : vector<384x1xf32> to vector<8x1xf32>
      %sub3A_3095 = vector.broadcast %slice3A_3094 : vector<8x1xf32> to vector<8x1792xf32>
      %sub3A_3096 = arith.subf %get3A_3093, %sub3A_3095 : vector<8x1792xf32>
      %mul3A_3097 = arith.mulf %sub3A_3096, %sub3A_3096 : vector<8x1792xf32>
      %add3A_3098 = arith.addf %add3A_3088, %mul3A_3097 : vector<8x1792xf32>
      %get3A_3099 = arith.constant 5 : index
      %get3A_3100 = arith.constant 368 : index
      %get3A_3101 = arith.constant 0 : index
      %get3A_3102 = vector.load %arg0[%get3A_3099, %get3A_3100, %get3A_3101] : memref<7x384x1792xf32, #tpu.memory_space<vmem>>, vector<1x8x1792xf32>
      %get3A_3103 = vector.shape_cast %get3A_3102 : vector<1x8x1792xf32> to vector<8x1792xf32>
      %slice3A_3104 = vector.extract_strided_slice %broadcast_in_dim3A_74 {offsets = [368, 0], sizes = [8, 1], strides = [1, 1]} : vector<384x1xf32> to vector<8x1xf32>
      %sub3A_3105 = vector.broadcast %slice3A_3104 : vector<8x1xf32> to vector<8x1792xf32>
      %sub3A_3106 = arith.subf %get3A_3103, %sub3A_3105 : vector<8x1792xf32>
      %mul3A_3107 = arith.mulf %sub3A_3106, %sub3A_3106 : vector<8x1792xf32>
      %add3A_3108 = arith.addf %add3A_3098, %mul3A_3107 : vector<8x1792xf32>
      %get3A_3109 = arith.constant 5 : index
      %get3A_3110 = arith.constant 376 : index
      %get3A_3111 = arith.constant 0 : index
      %get3A_3112 = vector.load %arg0[%get3A_3109, %get3A_3110, %get3A_3111] : memref<7x384x1792xf32, #tpu.memory_space<vmem>>, vector<1x8x1792xf32>
      %get3A_3113 = vector.shape_cast %get3A_3112 : vector<1x8x1792xf32> to vector<8x1792xf32>
      %slice3A_3114 = vector.extract_strided_slice %broadcast_in_dim3A_74 {offsets = [376, 0], sizes = [8, 1], strides = [1, 1]} : vector<384x1xf32> to vector<8x1xf32>
      %sub3A_3115 = vector.broadcast %slice3A_3114 : vector<8x1xf32> to vector<8x1792xf32>
      %sub3A_3116 = arith.subf %get3A_3113, %sub3A_3115 : vector<8x1792xf32>
      %mul3A_3117 = arith.mulf %sub3A_3116, %sub3A_3116 : vector<8x1792xf32>
      %add3A_3118 = arith.addf %add3A_3108, %mul3A_3117 : vector<8x1792xf32>
      %roll3A_3119 = arith.constant 4 : i32
      %roll3A_3120 = tpu.dynamic_rotate %add3A_3118 by %roll3A_3119 dim 0 : vector<8x1792xf32>, i32 -> vector<8x1792xf32>
      %add3A_3121 = arith.addf %add3A_3118, %roll3A_3120 : vector<8x1792xf32>
      %roll3A_3122 = arith.constant 2 : i32
      %roll3A_3123 = tpu.dynamic_rotate %add3A_3121 by %roll3A_3122 dim 0 : vector<8x1792xf32>, i32 -> vector<8x1792xf32>
      %add3A_3124 = arith.addf %add3A_3121, %roll3A_3123 : vector<8x1792xf32>
      %roll3A_3125 = arith.constant 1 : i32
      %roll3A_3126 = tpu.dynamic_rotate %add3A_3124 by %roll3A_3125 dim 0 : vector<8x1792xf32>, i32 -> vector<8x1792xf32>
      %add3A_3127 = arith.addf %add3A_3124, %roll3A_3126 : vector<8x1792xf32>
      %add3A_3128 = arith.addf %add3A_2959, %add3A_3127 : vector<8x1792xf32>
      %slice3A_3129 = vector.extract_strided_slice %add3A_3128 {offsets = [0, 0], sizes = [1, 1792], strides = [1, 1]} : vector<8x1792xf32> to vector<1x1792xf32>
      %swap3A_3130 = arith.constant 5 : index
      %swap3A_3131 = arith.constant 0 : index
      %swap3A_3132 = vector.load %arg4[%swap3A_3130, %swap3A_3131] : memref<8x1792xf32, #tpu.memory_space<vmem>>, vector<1x1792xf32>
      tpu.vector_store %arg4[%swap3A_3130, %swap3A_3131], %slice3A_3129 {strides = array<i32>} : memref<8x1792xf32, #tpu.memory_space<vmem>>, vector<1x1792xf32>,
      %get3A_3133 = arith.constant 6 : index
      %get3A_3134 = arith.constant 0 : index
      %get3A_3135 = arith.constant 0 : index
      %get3A_3136 = vector.load %arg0[%get3A_3133, %get3A_3134, %get3A_3135] : memref<7x384x1792xf32, #tpu.memory_space<vmem>>, vector<1x8x1792xf32>
      %get3A_3137 = vector.shape_cast %get3A_3136 : vector<1x8x1792xf32> to vector<8x1792xf32>
      %slice3A_3138 = vector.extract_strided_slice %broadcast_in_dim3A_74 {offsets = [0, 0], sizes = [8, 1], strides = [1, 1]} : vector<384x1xf32> to vector<8x1xf32>
      %sub3A_3139 = vector.broadcast %slice3A_3138 : vector<8x1xf32> to vector<8x1792xf32>
      %sub3A_3140 = arith.subf %get3A_3137, %sub3A_3139 : vector<8x1792xf32>
      %mul3A_3141 = arith.mulf %sub3A_3140, %sub3A_3140 : vector<8x1792xf32>
      %get3A_3142 = arith.constant 6 : index
      %get3A_3143 = arith.constant 8 : index
      %get3A_3144 = arith.constant 0 : index
      %get3A_3145 = vector.load %arg0[%get3A_3142, %get3A_3143, %get3A_3144] : memref<7x384x1792xf32, #tpu.memory_space<vmem>>, vector<1x8x1792xf32>
      %get3A_3146 = vector.shape_cast %get3A_3145 : vector<1x8x1792xf32> to vector<8x1792xf32>
      %slice3A_3147 = vector.extract_strided_slice %broadcast_in_dim3A_74 {offsets = [8, 0], sizes = [8, 1], strides = [1, 1]} : vector<384x1xf32> to vector<8x1xf32>
      %sub3A_3148 = vector.broadcast %slice3A_3147 : vector<8x1xf32> to vector<8x1792xf32>
      %sub3A_3149 = arith.subf %get3A_3146, %sub3A_3148 : vector<8x1792xf32>
      %mul3A_3150 = arith.mulf %sub3A_3149, %sub3A_3149 : vector<8x1792xf32>
      %add3A_3151 = arith.addf %mul3A_3141, %mul3A_3150 : vector<8x1792xf32>
      %get3A_3152 = arith.constant 6 : index
      %get3A_3153 = arith.constant 16 : index
      %get3A_3154 = arith.constant 0 : index
      %get3A_3155 = vector.load %arg0[%get3A_3152, %get3A_3153, %get3A_3154] : memref<7x384x1792xf32, #tpu.memory_space<vmem>>, vector<1x8x1792xf32>
      %get3A_3156 = vector.shape_cast %get3A_3155 : vector<1x8x1792xf32> to vector<8x1792xf32>
      %slice3A_3157 = vector.extract_strided_slice %broadcast_in_dim3A_74 {offsets = [16, 0], sizes = [8, 1], strides = [1, 1]} : vector<384x1xf32> to vector<8x1xf32>
      %sub3A_3158 = vector.broadcast %slice3A_3157 : vector<8x1xf32> to vector<8x1792xf32>
      %sub3A_3159 = arith.subf %get3A_3156, %sub3A_3158 : vector<8x1792xf32>
      %mul3A_3160 = arith.mulf %sub3A_3159, %sub3A_3159 : vector<8x1792xf32>
      %add3A_3161 = arith.addf %add3A_3151, %mul3A_3160 : vector<8x1792xf32>
      %get3A_3162 = arith.constant 6 : index
      %get3A_3163 = arith.constant 24 : index
      %get3A_3164 = arith.constant 0 : index
      %get3A_3165 = vector.load %arg0[%get3A_3162, %get3A_3163, %get3A_3164] : memref<7x384x1792xf32, #tpu.memory_space<vmem>>, vector<1x8x1792xf32>
      %get3A_3166 = vector.shape_cast %get3A_3165 : vector<1x8x1792xf32> to vector<8x1792xf32>
      %slice3A_3167 = vector.extract_strided_slice %broadcast_in_dim3A_74 {offsets = [24, 0], sizes = [8, 1], strides = [1, 1]} : vector<384x1xf32> to vector<8x1xf32>
      %sub3A_3168 = vector.broadcast %slice3A_3167 : vector<8x1xf32> to vector<8x1792xf32>
      %sub3A_3169 = arith.subf %get3A_3166, %sub3A_3168 : vector<8x1792xf32>
      %mul3A_3170 = arith.mulf %sub3A_3169, %sub3A_3169 : vector<8x1792xf32>
      %add3A_3171 = arith.addf %add3A_3161, %mul3A_3170 : vector<8x1792xf32>
      %get3A_3172 = arith.constant 6 : index
      %get3A_3173 = arith.constant 32 : index
      %get3A_3174 = arith.constant 0 : index
      %get3A_3175 = vector.load %arg0[%get3A_3172, %get3A_3173, %get3A_3174] : memref<7x384x1792xf32, #tpu.memory_space<vmem>>, vector<1x8x1792xf32>
      %get3A_3176 = vector.shape_cast %get3A_3175 : vector<1x8x1792xf32> to vector<8x1792xf32>
      %slice3A_3177 = vector.extract_strided_slice %broadcast_in_dim3A_74 {offsets = [32, 0], sizes = [8, 1], strides = [1, 1]} : vector<384x1xf32> to vector<8x1xf32>
      %sub3A_3178 = vector.broadcast %slice3A_3177 : vector<8x1xf32> to vector<8x1792xf32>
      %sub3A_3179 = arith.subf %get3A_3176, %sub3A_3178 : vector<8x1792xf32>
      %mul3A_3180 = arith.mulf %sub3A_3179, %sub3A_3179 : vector<8x1792xf32>
      %add3A_3181 = arith.addf %add3A_3171, %mul3A_3180 : vector<8x1792xf32>
      %get3A_3182 = arith.constant 6 : index
      %get3A_3183 = arith.constant 40 : index
      %get3A_3184 = arith.constant 0 : index
      %get3A_3185 = vector.load %arg0[%get3A_3182, %get3A_3183, %get3A_3184] : memref<7x384x1792xf32, #tpu.memory_space<vmem>>, vector<1x8x1792xf32>
      %get3A_3186 = vector.shape_cast %get3A_3185 : vector<1x8x1792xf32> to vector<8x1792xf32>
      %slice3A_3187 = vector.extract_strided_slice %broadcast_in_dim3A_74 {offsets = [40, 0], sizes = [8, 1], strides = [1, 1]} : vector<384x1xf32> to vector<8x1xf32>
      %sub3A_3188 = vector.broadcast %slice3A_3187 : vector<8x1xf32> to vector<8x1792xf32>
      %sub3A_3189 = arith.subf %get3A_3186, %sub3A_3188 : vector<8x1792xf32>
      %mul3A_3190 = arith.mulf %sub3A_3189, %sub3A_3189 : vector<8x1792xf32>
      %add3A_3191 = arith.addf %add3A_3181, %mul3A_3190 : vector<8x1792xf32>
      %get3A_3192 = arith.constant 6 : index
      %get3A_3193 = arith.constant 48 : index
      %get3A_3194 = arith.constant 0 : index
      %get3A_3195 = vector.load %arg0[%get3A_3192, %get3A_3193, %get3A_3194] : memref<7x384x1792xf32, #tpu.memory_space<vmem>>, vector<1x8x1792xf32>
      %get3A_3196 = vector.shape_cast %get3A_3195 : vector<1x8x1792xf32> to vector<8x1792xf32>
      %slice3A_3197 = vector.extract_strided_slice %broadcast_in_dim3A_74 {offsets = [48, 0], sizes = [8, 1], strides = [1, 1]} : vector<384x1xf32> to vector<8x1xf32>
      %sub3A_3198 = vector.broadcast %slice3A_3197 : vector<8x1xf32> to vector<8x1792xf32>
      %sub3A_3199 = arith.subf %get3A_3196, %sub3A_3198 : vector<8x1792xf32>
      %mul3A_3200 = arith.mulf %sub3A_3199, %sub3A_3199 : vector<8x1792xf32>
      %add3A_3201 = arith.addf %add3A_3191, %mul3A_3200 : vector<8x1792xf32>
      %get3A_3202 = arith.constant 6 : index
      %get3A_3203 = arith.constant 56 : index
      %get3A_3204 = arith.constant 0 : index
      %get3A_3205 = vector.load %arg0[%get3A_3202, %get3A_3203, %get3A_3204] : memref<7x384x1792xf32, #tpu.memory_space<vmem>>, vector<1x8x1792xf32>
      %get3A_3206 = vector.shape_cast %get3A_3205 : vector<1x8x1792xf32> to vector<8x1792xf32>
      %slice3A_3207 = vector.extract_strided_slice %broadcast_in_dim3A_74 {offsets = [56, 0], sizes = [8, 1], strides = [1, 1]} : vector<384x1xf32> to vector<8x1xf32>
      %sub3A_3208 = vector.broadcast %slice3A_3207 : vector<8x1xf32> to vector<8x1792xf32>
      %sub3A_3209 = arith.subf %get3A_3206, %sub3A_3208 : vector<8x1792xf32>
      %mul3A_3210 = arith.mulf %sub3A_3209, %sub3A_3209 : vector<8x1792xf32>
      %add3A_3211 = arith.addf %add3A_3201, %mul3A_3210 : vector<8x1792xf32>
      %get3A_3212 = arith.constant 6 : index
      %get3A_3213 = arith.constant 64 : index
      %get3A_3214 = arith.constant 0 : index
      %get3A_3215 = vector.load %arg0[%get3A_3212, %get3A_3213, %get3A_3214] : memref<7x384x1792xf32, #tpu.memory_space<vmem>>, vector<1x8x1792xf32>
      %get3A_3216 = vector.shape_cast %get3A_3215 : vector<1x8x1792xf32> to vector<8x1792xf32>
      %slice3A_3217 = vector.extract_strided_slice %broadcast_in_dim3A_74 {offsets = [64, 0], sizes = [8, 1], strides = [1, 1]} : vector<384x1xf32> to vector<8x1xf32>
      %sub3A_3218 = vector.broadcast %slice3A_3217 : vector<8x1xf32> to vector<8x1792xf32>
      %sub3A_3219 = arith.subf %get3A_3216, %sub3A_3218 : vector<8x1792xf32>
      %mul3A_3220 = arith.mulf %sub3A_3219, %sub3A_3219 : vector<8x1792xf32>
      %add3A_3221 = arith.addf %add3A_3211, %mul3A_3220 : vector<8x1792xf32>
      %get3A_3222 = arith.constant 6 : index
      %get3A_3223 = arith.constant 72 : index
      %get3A_3224 = arith.constant 0 : index
      %get3A_3225 = vector.load %arg0[%get3A_3222, %get3A_3223, %get3A_3224] : memref<7x384x1792xf32, #tpu.memory_space<vmem>>, vector<1x8x1792xf32>
      %get3A_3226 = vector.shape_cast %get3A_3225 : vector<1x8x1792xf32> to vector<8x1792xf32>
      %slice3A_3227 = vector.extract_strided_slice %broadcast_in_dim3A_74 {offsets = [72, 0], sizes = [8, 1], strides = [1, 1]} : vector<384x1xf32> to vector<8x1xf32>
      %sub3A_3228 = vector.broadcast %slice3A_3227 : vector<8x1xf32> to vector<8x1792xf32>
      %sub3A_3229 = arith.subf %get3A_3226, %sub3A_3228 : vector<8x1792xf32>
      %mul3A_3230 = arith.mulf %sub3A_3229, %sub3A_3229 : vector<8x1792xf32>
      %add3A_3231 = arith.addf %add3A_3221, %mul3A_3230 : vector<8x1792xf32>
      %get3A_3232 = arith.constant 6 : index
      %get3A_3233 = arith.constant 80 : index
      %get3A_3234 = arith.constant 0 : index
      %get3A_3235 = vector.load %arg0[%get3A_3232, %get3A_3233, %get3A_3234] : memref<7x384x1792xf32, #tpu.memory_space<vmem>>, vector<1x8x1792xf32>
      %get3A_3236 = vector.shape_cast %get3A_3235 : vector<1x8x1792xf32> to vector<8x1792xf32>
      %slice3A_3237 = vector.extract_strided_slice %broadcast_in_dim3A_74 {offsets = [80, 0], sizes = [8, 1], strides = [1, 1]} : vector<384x1xf32> to vector<8x1xf32>
      %sub3A_3238 = vector.broadcast %slice3A_3237 : vector<8x1xf32> to vector<8x1792xf32>
      %sub3A_3239 = arith.subf %get3A_3236, %sub3A_3238 : vector<8x1792xf32>
      %mul3A_3240 = arith.mulf %sub3A_3239, %sub3A_3239 : vector<8x1792xf32>
      %add3A_3241 = arith.addf %add3A_3231, %mul3A_3240 : vector<8x1792xf32>
      %get3A_3242 = arith.constant 6 : index
      %get3A_3243 = arith.constant 88 : index
      %get3A_3244 = arith.constant 0 : index
      %get3A_3245 = vector.load %arg0[%get3A_3242, %get3A_3243, %get3A_3244] : memref<7x384x1792xf32, #tpu.memory_space<vmem>>, vector<1x8x1792xf32>
      %get3A_3246 = vector.shape_cast %get3A_3245 : vector<1x8x1792xf32> to vector<8x1792xf32>
      %slice3A_3247 = vector.extract_strided_slice %broadcast_in_dim3A_74 {offsets = [88, 0], sizes = [8, 1], strides = [1, 1]} : vector<384x1xf32> to vector<8x1xf32>
      %sub3A_3248 = vector.broadcast %slice3A_3247 : vector<8x1xf32> to vector<8x1792xf32>
      %sub3A_3249 = arith.subf %get3A_3246, %sub3A_3248 : vector<8x1792xf32>
      %mul3A_3250 = arith.mulf %sub3A_3249, %sub3A_3249 : vector<8x1792xf32>
      %add3A_3251 = arith.addf %add3A_3241, %mul3A_3250 : vector<8x1792xf32>
      %get3A_3252 = arith.constant 6 : index
      %get3A_3253 = arith.constant 96 : index
      %get3A_3254 = arith.constant 0 : index
      %get3A_3255 = vector.load %arg0[%get3A_3252, %get3A_3253, %get3A_3254] : memref<7x384x1792xf32, #tpu.memory_space<vmem>>, vector<1x8x1792xf32>
      %get3A_3256 = vector.shape_cast %get3A_3255 : vector<1x8x1792xf32> to vector<8x1792xf32>
      %slice3A_3257 = vector.extract_strided_slice %broadcast_in_dim3A_74 {offsets = [96, 0], sizes = [8, 1], strides = [1, 1]} : vector<384x1xf32> to vector<8x1xf32>
      %sub3A_3258 = vector.broadcast %slice3A_3257 : vector<8x1xf32> to vector<8x1792xf32>
      %sub3A_3259 = arith.subf %get3A_3256, %sub3A_3258 : vector<8x1792xf32>
      %mul3A_3260 = arith.mulf %sub3A_3259, %sub3A_3259 : vector<8x1792xf32>
      %add3A_3261 = arith.addf %add3A_3251, %mul3A_3260 : vector<8x1792xf32>
      %get3A_3262 = arith.constant 6 : index
      %get3A_3263 = arith.constant 104 : index
      %get3A_3264 = arith.constant 0 : index
      %get3A_3265 = vector.load %arg0[%get3A_3262, %get3A_3263, %get3A_3264] : memref<7x384x1792xf32, #tpu.memory_space<vmem>>, vector<1x8x1792xf32>
      %get3A_3266 = vector.shape_cast %get3A_3265 : vector<1x8x1792xf32> to vector<8x1792xf32>
      %slice3A_3267 = vector.extract_strided_slice %broadcast_in_dim3A_74 {offsets = [104, 0], sizes = [8, 1], strides = [1, 1]} : vector<384x1xf32> to vector<8x1xf32>
      %sub3A_3268 = vector.broadcast %slice3A_3267 : vector<8x1xf32> to vector<8x1792xf32>
      %sub3A_3269 = arith.subf %get3A_3266, %sub3A_3268 : vector<8x1792xf32>
      %mul3A_3270 = arith.mulf %sub3A_3269, %sub3A_3269 : vector<8x1792xf32>
      %add3A_3271 = arith.addf %add3A_3261, %mul3A_3270 : vector<8x1792xf32>
      %get3A_3272 = arith.constant 6 : index
      %get3A_3273 = arith.constant 112 : index
      %get3A_3274 = arith.constant 0 : index
      %get3A_3275 = vector.load %arg0[%get3A_3272, %get3A_3273, %get3A_3274] : memref<7x384x1792xf32, #tpu.memory_space<vmem>>, vector<1x8x1792xf32>
      %get3A_3276 = vector.shape_cast %get3A_3275 : vector<1x8x1792xf32> to vector<8x1792xf32>
      %slice3A_3277 = vector.extract_strided_slice %broadcast_in_dim3A_74 {offsets = [112, 0], sizes = [8, 1], strides = [1, 1]} : vector<384x1xf32> to vector<8x1xf32>
      %sub3A_3278 = vector.broadcast %slice3A_3277 : vector<8x1xf32> to vector<8x1792xf32>
      %sub3A_3279 = arith.subf %get3A_3276, %sub3A_3278 : vector<8x1792xf32>
      %mul3A_3280 = arith.mulf %sub3A_3279, %sub3A_3279 : vector<8x1792xf32>
      %add3A_3281 = arith.addf %add3A_3271, %mul3A_3280 : vector<8x1792xf32>
      %get3A_3282 = arith.constant 6 : index
      %get3A_3283 = arith.constant 120 : index
      %get3A_3284 = arith.constant 0 : index
      %get3A_3285 = vector.load %arg0[%get3A_3282, %get3A_3283, %get3A_3284] : memref<7x384x1792xf32, #tpu.memory_space<vmem>>, vector<1x8x1792xf32>
      %get3A_3286 = vector.shape_cast %get3A_3285 : vector<1x8x1792xf32> to vector<8x1792xf32>
      %slice3A_3287 = vector.extract_strided_slice %broadcast_in_dim3A_74 {offsets = [120, 0], sizes = [8, 1], strides = [1, 1]} : vector<384x1xf32> to vector<8x1xf32>
      %sub3A_3288 = vector.broadcast %slice3A_3287 : vector<8x1xf32> to vector<8x1792xf32>
      %sub3A_3289 = arith.subf %get3A_3286, %sub3A_3288 : vector<8x1792xf32>
      %mul3A_3290 = arith.mulf %sub3A_3289, %sub3A_3289 : vector<8x1792xf32>
      %add3A_3291 = arith.addf %add3A_3281, %mul3A_3290 : vector<8x1792xf32>
      %roll3A_3292 = arith.constant 4 : i32
      %roll3A_3293 = tpu.dynamic_rotate %add3A_3291 by %roll3A_3292 dim 0 : vector<8x1792xf32>, i32 -> vector<8x1792xf32>
      %add3A_3294 = arith.addf %add3A_3291, %roll3A_3293 : vector<8x1792xf32>
      %roll3A_3295 = arith.constant 2 : i32
      %roll3A_3296 = tpu.dynamic_rotate %add3A_3294 by %roll3A_3295 dim 0 : vector<8x1792xf32>, i32 -> vector<8x1792xf32>
      %add3A_3297 = arith.addf %add3A_3294, %roll3A_3296 : vector<8x1792xf32>
      %roll3A_3298 = arith.constant 1 : i32
      %roll3A_3299 = tpu.dynamic_rotate %add3A_3297 by %roll3A_3298 dim 0 : vector<8x1792xf32>, i32 -> vector<8x1792xf32>
      %add3A_3300 = arith.addf %add3A_3297, %roll3A_3299 : vector<8x1792xf32>
      %get3A_3301 = arith.constant 6 : index
      %get3A_3302 = arith.constant 128 : index
      %get3A_3303 = arith.constant 0 : index
      %get3A_3304 = vector.load %arg0[%get3A_3301, %get3A_3302, %get3A_3303] : memref<7x384x1792xf32, #tpu.memory_space<vmem>>, vector<1x8x1792xf32>
      %get3A_3305 = vector.shape_cast %get3A_3304 : vector<1x8x1792xf32> to vector<8x1792xf32>
      %slice3A_3306 = vector.extract_strided_slice %broadcast_in_dim3A_74 {offsets = [128, 0], sizes = [8, 1], strides = [1, 1]} : vector<384x1xf32> to vector<8x1xf32>
      %sub3A_3307 = vector.broadcast %slice3A_3306 : vector<8x1xf32> to vector<8x1792xf32>
      %sub3A_3308 = arith.subf %get3A_3305, %sub3A_3307 : vector<8x1792xf32>
      %mul3A_3309 = arith.mulf %sub3A_3308, %sub3A_3308 : vector<8x1792xf32>
      %get3A_3310 = arith.constant 6 : index
      %get3A_3311 = arith.constant 136 : index
      %get3A_3312 = arith.constant 0 : index
      %get3A_3313 = vector.load %arg0[%get3A_3310, %get3A_3311, %get3A_3312] : memref<7x384x1792xf32, #tpu.memory_space<vmem>>, vector<1x8x1792xf32>
      %get3A_3314 = vector.shape_cast %get3A_3313 : vector<1x8x1792xf32> to vector<8x1792xf32>
      %slice3A_3315 = vector.extract_strided_slice %broadcast_in_dim3A_74 {offsets = [136, 0], sizes = [8, 1], strides = [1, 1]} : vector<384x1xf32> to vector<8x1xf32>
      %sub3A_3316 = vector.broadcast %slice3A_3315 : vector<8x1xf32> to vector<8x1792xf32>
      %sub3A_3317 = arith.subf %get3A_3314, %sub3A_3316 : vector<8x1792xf32>
      %mul3A_3318 = arith.mulf %sub3A_3317, %sub3A_3317 : vector<8x1792xf32>
      %add3A_3319 = arith.addf %mul3A_3309, %mul3A_3318 : vector<8x1792xf32>
      %get3A_3320 = arith.constant 6 : index
      %get3A_3321 = arith.constant 144 : index
      %get3A_3322 = arith.constant 0 : index
      %get3A_3323 = vector.load %arg0[%get3A_3320, %get3A_3321, %get3A_3322] : memref<7x384x1792xf32, #tpu.memory_space<vmem>>, vector<1x8x1792xf32>
      %get3A_3324 = vector.shape_cast %get3A_3323 : vector<1x8x1792xf32> to vector<8x1792xf32>
      %slice3A_3325 = vector.extract_strided_slice %broadcast_in_dim3A_74 {offsets = [144, 0], sizes = [8, 1], strides = [1, 1]} : vector<384x1xf32> to vector<8x1xf32>
      %sub3A_3326 = vector.broadcast %slice3A_3325 : vector<8x1xf32> to vector<8x1792xf32>
      %sub3A_3327 = arith.subf %get3A_3324, %sub3A_3326 : vector<8x1792xf32>
      %mul3A_3328 = arith.mulf %sub3A_3327, %sub3A_3327 : vector<8x1792xf32>
      %add3A_3329 = arith.addf %add3A_3319, %mul3A_3328 : vector<8x1792xf32>
      %get3A_3330 = arith.constant 6 : index
      %get3A_3331 = arith.constant 152 : index
      %get3A_3332 = arith.constant 0 : index
      %get3A_3333 = vector.load %arg0[%get3A_3330, %get3A_3331, %get3A_3332] : memref<7x384x1792xf32, #tpu.memory_space<vmem>>, vector<1x8x1792xf32>
      %get3A_3334 = vector.shape_cast %get3A_3333 : vector<1x8x1792xf32> to vector<8x1792xf32>
      %slice3A_3335 = vector.extract_strided_slice %broadcast_in_dim3A_74 {offsets = [152, 0], sizes = [8, 1], strides = [1, 1]} : vector<384x1xf32> to vector<8x1xf32>
      %sub3A_3336 = vector.broadcast %slice3A_3335 : vector<8x1xf32> to vector<8x1792xf32>
      %sub3A_3337 = arith.subf %get3A_3334, %sub3A_3336 : vector<8x1792xf32>
      %mul3A_3338 = arith.mulf %sub3A_3337, %sub3A_3337 : vector<8x1792xf32>
      %add3A_3339 = arith.addf %add3A_3329, %mul3A_3338 : vector<8x1792xf32>
      %get3A_3340 = arith.constant 6 : index
      %get3A_3341 = arith.constant 160 : index
      %get3A_3342 = arith.constant 0 : index
      %get3A_3343 = vector.load %arg0[%get3A_3340, %get3A_3341, %get3A_3342] : memref<7x384x1792xf32, #tpu.memory_space<vmem>>, vector<1x8x1792xf32>
      %get3A_3344 = vector.shape_cast %get3A_3343 : vector<1x8x1792xf32> to vector<8x1792xf32>
      %slice3A_3345 = vector.extract_strided_slice %broadcast_in_dim3A_74 {offsets = [160, 0], sizes = [8, 1], strides = [1, 1]} : vector<384x1xf32> to vector<8x1xf32>
      %sub3A_3346 = vector.broadcast %slice3A_3345 : vector<8x1xf32> to vector<8x1792xf32>
      %sub3A_3347 = arith.subf %get3A_3344, %sub3A_3346 : vector<8x1792xf32>
      %mul3A_3348 = arith.mulf %sub3A_3347, %sub3A_3347 : vector<8x1792xf32>
      %add3A_3349 = arith.addf %add3A_3339, %mul3A_3348 : vector<8x1792xf32>
      %get3A_3350 = arith.constant 6 : index
      %get3A_3351 = arith.constant 168 : index
      %get3A_3352 = arith.constant 0 : index
      %get3A_3353 = vector.load %arg0[%get3A_3350, %get3A_3351, %get3A_3352] : memref<7x384x1792xf32, #tpu.memory_space<vmem>>, vector<1x8x1792xf32>
      %get3A_3354 = vector.shape_cast %get3A_3353 : vector<1x8x1792xf32> to vector<8x1792xf32>
      %slice3A_3355 = vector.extract_strided_slice %broadcast_in_dim3A_74 {offsets = [168, 0], sizes = [8, 1], strides = [1, 1]} : vector<384x1xf32> to vector<8x1xf32>
      %sub3A_3356 = vector.broadcast %slice3A_3355 : vector<8x1xf32> to vector<8x1792xf32>
      %sub3A_3357 = arith.subf %get3A_3354, %sub3A_3356 : vector<8x1792xf32>
      %mul3A_3358 = arith.mulf %sub3A_3357, %sub3A_3357 : vector<8x1792xf32>
      %add3A_3359 = arith.addf %add3A_3349, %mul3A_3358 : vector<8x1792xf32>
      %get3A_3360 = arith.constant 6 : index
      %get3A_3361 = arith.constant 176 : index
      %get3A_3362 = arith.constant 0 : index
      %get3A_3363 = vector.load %arg0[%get3A_3360, %get3A_3361, %get3A_3362] : memref<7x384x1792xf32, #tpu.memory_space<vmem>>, vector<1x8x1792xf32>
      %get3A_3364 = vector.shape_cast %get3A_3363 : vector<1x8x1792xf32> to vector<8x1792xf32>
      %slice3A_3365 = vector.extract_strided_slice %broadcast_in_dim3A_74 {offsets = [176, 0], sizes = [8, 1], strides = [1, 1]} : vector<384x1xf32> to vector<8x1xf32>
      %sub3A_3366 = vector.broadcast %slice3A_3365 : vector<8x1xf32> to vector<8x1792xf32>
      %sub3A_3367 = arith.subf %get3A_3364, %sub3A_3366 : vector<8x1792xf32>
      %mul3A_3368 = arith.mulf %sub3A_3367, %sub3A_3367 : vector<8x1792xf32>
      %add3A_3369 = arith.addf %add3A_3359, %mul3A_3368 : vector<8x1792xf32>
      %get3A_3370 = arith.constant 6 : index
      %get3A_3371 = arith.constant 184 : index
      %get3A_3372 = arith.constant 0 : index
      %get3A_3373 = vector.load %arg0[%get3A_3370, %get3A_3371, %get3A_3372] : memref<7x384x1792xf32, #tpu.memory_space<vmem>>, vector<1x8x1792xf32>
      %get3A_3374 = vector.shape_cast %get3A_3373 : vector<1x8x1792xf32> to vector<8x1792xf32>
      %slice3A_3375 = vector.extract_strided_slice %broadcast_in_dim3A_74 {offsets = [184, 0], sizes = [8, 1], strides = [1, 1]} : vector<384x1xf32> to vector<8x1xf32>
      %sub3A_3376 = vector.broadcast %slice3A_3375 : vector<8x1xf32> to vector<8x1792xf32>
      %sub3A_3377 = arith.subf %get3A_3374, %sub3A_3376 : vector<8x1792xf32>
      %mul3A_3378 = arith.mulf %sub3A_3377, %sub3A_3377 : vector<8x1792xf32>
      %add3A_3379 = arith.addf %add3A_3369, %mul3A_3378 : vector<8x1792xf32>
      %get3A_3380 = arith.constant 6 : index
      %get3A_3381 = arith.constant 192 : index
      %get3A_3382 = arith.constant 0 : index
      %get3A_3383 = vector.load %arg0[%get3A_3380, %get3A_3381, %get3A_3382] : memref<7x384x1792xf32, #tpu.memory_space<vmem>>, vector<1x8x1792xf32>
      %get3A_3384 = vector.shape_cast %get3A_3383 : vector<1x8x1792xf32> to vector<8x1792xf32>
      %slice3A_3385 = vector.extract_strided_slice %broadcast_in_dim3A_74 {offsets = [192, 0], sizes = [8, 1], strides = [1, 1]} : vector<384x1xf32> to vector<8x1xf32>
      %sub3A_3386 = vector.broadcast %slice3A_3385 : vector<8x1xf32> to vector<8x1792xf32>
      %sub3A_3387 = arith.subf %get3A_3384, %sub3A_3386 : vector<8x1792xf32>
      %mul3A_3388 = arith.mulf %sub3A_3387, %sub3A_3387 : vector<8x1792xf32>
      %add3A_3389 = arith.addf %add3A_3379, %mul3A_3388 : vector<8x1792xf32>
      %get3A_3390 = arith.constant 6 : index
      %get3A_3391 = arith.constant 200 : index
      %get3A_3392 = arith.constant 0 : index
      %get3A_3393 = vector.load %arg0[%get3A_3390, %get3A_3391, %get3A_3392] : memref<7x384x1792xf32, #tpu.memory_space<vmem>>, vector<1x8x1792xf32>
      %get3A_3394 = vector.shape_cast %get3A_3393 : vector<1x8x1792xf32> to vector<8x1792xf32>
      %slice3A_3395 = vector.extract_strided_slice %broadcast_in_dim3A_74 {offsets = [200, 0], sizes = [8, 1], strides = [1, 1]} : vector<384x1xf32> to vector<8x1xf32>
      %sub3A_3396 = vector.broadcast %slice3A_3395 : vector<8x1xf32> to vector<8x1792xf32>
      %sub3A_3397 = arith.subf %get3A_3394, %sub3A_3396 : vector<8x1792xf32>
      %mul3A_3398 = arith.mulf %sub3A_3397, %sub3A_3397 : vector<8x1792xf32>
      %add3A_3399 = arith.addf %add3A_3389, %mul3A_3398 : vector<8x1792xf32>
      %get3A_3400 = arith.constant 6 : index
      %get3A_3401 = arith.constant 208 : index
      %get3A_3402 = arith.constant 0 : index
      %get3A_3403 = vector.load %arg0[%get3A_3400, %get3A_3401, %get3A_3402] : memref<7x384x1792xf32, #tpu.memory_space<vmem>>, vector<1x8x1792xf32>
      %get3A_3404 = vector.shape_cast %get3A_3403 : vector<1x8x1792xf32> to vector<8x1792xf32>
      %slice3A_3405 = vector.extract_strided_slice %broadcast_in_dim3A_74 {offsets = [208, 0], sizes = [8, 1], strides = [1, 1]} : vector<384x1xf32> to vector<8x1xf32>
      %sub3A_3406 = vector.broadcast %slice3A_3405 : vector<8x1xf32> to vector<8x1792xf32>
      %sub3A_3407 = arith.subf %get3A_3404, %sub3A_3406 : vector<8x1792xf32>
      %mul3A_3408 = arith.mulf %sub3A_3407, %sub3A_3407 : vector<8x1792xf32>
      %add3A_3409 = arith.addf %add3A_3399, %mul3A_3408 : vector<8x1792xf32>
      %get3A_3410 = arith.constant 6 : index
      %get3A_3411 = arith.constant 216 : index
      %get3A_3412 = arith.constant 0 : index
      %get3A_3413 = vector.load %arg0[%get3A_3410, %get3A_3411, %get3A_3412] : memref<7x384x1792xf32, #tpu.memory_space<vmem>>, vector<1x8x1792xf32>
      %get3A_3414 = vector.shape_cast %get3A_3413 : vector<1x8x1792xf32> to vector<8x1792xf32>
      %slice3A_3415 = vector.extract_strided_slice %broadcast_in_dim3A_74 {offsets = [216, 0], sizes = [8, 1], strides = [1, 1]} : vector<384x1xf32> to vector<8x1xf32>
      %sub3A_3416 = vector.broadcast %slice3A_3415 : vector<8x1xf32> to vector<8x1792xf32>
      %sub3A_3417 = arith.subf %get3A_3414, %sub3A_3416 : vector<8x1792xf32>
      %mul3A_3418 = arith.mulf %sub3A_3417, %sub3A_3417 : vector<8x1792xf32>
      %add3A_3419 = arith.addf %add3A_3409, %mul3A_3418 : vector<8x1792xf32>
      %get3A_3420 = arith.constant 6 : index
      %get3A_3421 = arith.constant 224 : index
      %get3A_3422 = arith.constant 0 : index
      %get3A_3423 = vector.load %arg0[%get3A_3420, %get3A_3421, %get3A_3422] : memref<7x384x1792xf32, #tpu.memory_space<vmem>>, vector<1x8x1792xf32>
      %get3A_3424 = vector.shape_cast %get3A_3423 : vector<1x8x1792xf32> to vector<8x1792xf32>
      %slice3A_3425 = vector.extract_strided_slice %broadcast_in_dim3A_74 {offsets = [224, 0], sizes = [8, 1], strides = [1, 1]} : vector<384x1xf32> to vector<8x1xf32>
      %sub3A_3426 = vector.broadcast %slice3A_3425 : vector<8x1xf32> to vector<8x1792xf32>
      %sub3A_3427 = arith.subf %get3A_3424, %sub3A_3426 : vector<8x1792xf32>
      %mul3A_3428 = arith.mulf %sub3A_3427, %sub3A_3427 : vector<8x1792xf32>
      %add3A_3429 = arith.addf %add3A_3419, %mul3A_3428 : vector<8x1792xf32>
      %get3A_3430 = arith.constant 6 : index
      %get3A_3431 = arith.constant 232 : index
      %get3A_3432 = arith.constant 0 : index
      %get3A_3433 = vector.load %arg0[%get3A_3430, %get3A_3431, %get3A_3432] : memref<7x384x1792xf32, #tpu.memory_space<vmem>>, vector<1x8x1792xf32>
      %get3A_3434 = vector.shape_cast %get3A_3433 : vector<1x8x1792xf32> to vector<8x1792xf32>
      %slice3A_3435 = vector.extract_strided_slice %broadcast_in_dim3A_74 {offsets = [232, 0], sizes = [8, 1], strides = [1, 1]} : vector<384x1xf32> to vector<8x1xf32>
      %sub3A_3436 = vector.broadcast %slice3A_3435 : vector<8x1xf32> to vector<8x1792xf32>
      %sub3A_3437 = arith.subf %get3A_3434, %sub3A_3436 : vector<8x1792xf32>
      %mul3A_3438 = arith.mulf %sub3A_3437, %sub3A_3437 : vector<8x1792xf32>
      %add3A_3439 = arith.addf %add3A_3429, %mul3A_3438 : vector<8x1792xf32>
      %get3A_3440 = arith.constant 6 : index
      %get3A_3441 = arith.constant 240 : index
      %get3A_3442 = arith.constant 0 : index
      %get3A_3443 = vector.load %arg0[%get3A_3440, %get3A_3441, %get3A_3442] : memref<7x384x1792xf32, #tpu.memory_space<vmem>>, vector<1x8x1792xf32>
      %get3A_3444 = vector.shape_cast %get3A_3443 : vector<1x8x1792xf32> to vector<8x1792xf32>
      %slice3A_3445 = vector.extract_strided_slice %broadcast_in_dim3A_74 {offsets = [240, 0], sizes = [8, 1], strides = [1, 1]} : vector<384x1xf32> to vector<8x1xf32>
      %sub3A_3446 = vector.broadcast %slice3A_3445 : vector<8x1xf32> to vector<8x1792xf32>
      %sub3A_3447 = arith.subf %get3A_3444, %sub3A_3446 : vector<8x1792xf32>
      %mul3A_3448 = arith.mulf %sub3A_3447, %sub3A_3447 : vector<8x1792xf32>
      %add3A_3449 = arith.addf %add3A_3439, %mul3A_3448 : vector<8x1792xf32>
      %get3A_3450 = arith.constant 6 : index
      %get3A_3451 = arith.constant 248 : index
      %get3A_3452 = arith.constant 0 : index
      %get3A_3453 = vector.load %arg0[%get3A_3450, %get3A_3451, %get3A_3452] : memref<7x384x1792xf32, #tpu.memory_space<vmem>>, vector<1x8x1792xf32>
      %get3A_3454 = vector.shape_cast %get3A_3453 : vector<1x8x1792xf32> to vector<8x1792xf32>
      %slice3A_3455 = vector.extract_strided_slice %broadcast_in_dim3A_74 {offsets = [248, 0], sizes = [8, 1], strides = [1, 1]} : vector<384x1xf32> to vector<8x1xf32>
      %sub3A_3456 = vector.broadcast %slice3A_3455 : vector<8x1xf32> to vector<8x1792xf32>
      %sub3A_3457 = arith.subf %get3A_3454, %sub3A_3456 : vector<8x1792xf32>
      %mul3A_3458 = arith.mulf %sub3A_3457, %sub3A_3457 : vector<8x1792xf32>
      %add3A_3459 = arith.addf %add3A_3449, %mul3A_3458 : vector<8x1792xf32>
      %roll3A_3460 = arith.constant 4 : i32
      %roll3A_3461 = tpu.dynamic_rotate %add3A_3459 by %roll3A_3460 dim 0 : vector<8x1792xf32>, i32 -> vector<8x1792xf32>
      %add3A_3462 = arith.addf %add3A_3459, %roll3A_3461 : vector<8x1792xf32>
      %roll3A_3463 = arith.constant 2 : i32
      %roll3A_3464 = tpu.dynamic_rotate %add3A_3462 by %roll3A_3463 dim 0 : vector<8x1792xf32>, i32 -> vector<8x1792xf32>
      %add3A_3465 = arith.addf %add3A_3462, %roll3A_3464 : vector<8x1792xf32>
      %roll3A_3466 = arith.constant 1 : i32
      %roll3A_3467 = tpu.dynamic_rotate %add3A_3465 by %roll3A_3466 dim 0 : vector<8x1792xf32>, i32 -> vector<8x1792xf32>
      %add3A_3468 = arith.addf %add3A_3465, %roll3A_3467 : vector<8x1792xf32>
      %add3A_3469 = arith.addf %add3A_3300, %add3A_3468 : vector<8x1792xf32>
      %get3A_3470 = arith.constant 6 : index
      %get3A_3471 = arith.constant 256 : index
      %get3A_3472 = arith.constant 0 : index
      %get3A_3473 = vector.load %arg0[%get3A_3470, %get3A_3471, %get3A_3472] : memref<7x384x1792xf32, #tpu.memory_space<vmem>>, vector<1x8x1792xf32>
      %get3A_3474 = vector.shape_cast %get3A_3473 : vector<1x8x1792xf32> to vector<8x1792xf32>
      %slice3A_3475 = vector.extract_strided_slice %broadcast_in_dim3A_74 {offsets = [256, 0], sizes = [8, 1], strides = [1, 1]} : vector<384x1xf32> to vector<8x1xf32>
      %sub3A_3476 = vector.broadcast %slice3A_3475 : vector<8x1xf32> to vector<8x1792xf32>
      %sub3A_3477 = arith.subf %get3A_3474, %sub3A_3476 : vector<8x1792xf32>
      %mul3A_3478 = arith.mulf %sub3A_3477, %sub3A_3477 : vector<8x1792xf32>
      %get3A_3479 = arith.constant 6 : index
      %get3A_3480 = arith.constant 264 : index
      %get3A_3481 = arith.constant 0 : index
      %get3A_3482 = vector.load %arg0[%get3A_3479, %get3A_3480, %get3A_3481] : memref<7x384x1792xf32, #tpu.memory_space<vmem>>, vector<1x8x1792xf32>
      %get3A_3483 = vector.shape_cast %get3A_3482 : vector<1x8x1792xf32> to vector<8x1792xf32>
      %slice3A_3484 = vector.extract_strided_slice %broadcast_in_dim3A_74 {offsets = [264, 0], sizes = [8, 1], strides = [1, 1]} : vector<384x1xf32> to vector<8x1xf32>
      %sub3A_3485 = vector.broadcast %slice3A_3484 : vector<8x1xf32> to vector<8x1792xf32>
      %sub3A_3486 = arith.subf %get3A_3483, %sub3A_3485 : vector<8x1792xf32>
      %mul3A_3487 = arith.mulf %sub3A_3486, %sub3A_3486 : vector<8x1792xf32>
      %add3A_3488 = arith.addf %mul3A_3478, %mul3A_3487 : vector<8x1792xf32>
      %get3A_3489 = arith.constant 6 : index
      %get3A_3490 = arith.constant 272 : index
      %get3A_3491 = arith.constant 0 : index
      %get3A_3492 = vector.load %arg0[%get3A_3489, %get3A_3490, %get3A_3491] : memref<7x384x1792xf32, #tpu.memory_space<vmem>>, vector<1x8x1792xf32>
      %get3A_3493 = vector.shape_cast %get3A_3492 : vector<1x8x1792xf32> to vector<8x1792xf32>
      %slice3A_3494 = vector.extract_strided_slice %broadcast_in_dim3A_74 {offsets = [272, 0], sizes = [8, 1], strides = [1, 1]} : vector<384x1xf32> to vector<8x1xf32>
      %sub3A_3495 = vector.broadcast %slice3A_3494 : vector<8x1xf32> to vector<8x1792xf32>
      %sub3A_3496 = arith.subf %get3A_3493, %sub3A_3495 : vector<8x1792xf32>
      %mul3A_3497 = arith.mulf %sub3A_3496, %sub3A_3496 : vector<8x1792xf32>
      %add3A_3498 = arith.addf %add3A_3488, %mul3A_3497 : vector<8x1792xf32>
      %get3A_3499 = arith.constant 6 : index
      %get3A_3500 = arith.constant 280 : index
      %get3A_3501 = arith.constant 0 : index
      %get3A_3502 = vector.load %arg0[%get3A_3499, %get3A_3500, %get3A_3501] : memref<7x384x1792xf32, #tpu.memory_space<vmem>>, vector<1x8x1792xf32>
      %get3A_3503 = vector.shape_cast %get3A_3502 : vector<1x8x1792xf32> to vector<8x1792xf32>
      %slice3A_3504 = vector.extract_strided_slice %broadcast_in_dim3A_74 {offsets = [280, 0], sizes = [8, 1], strides = [1, 1]} : vector<384x1xf32> to vector<8x1xf32>
      %sub3A_3505 = vector.broadcast %slice3A_3504 : vector<8x1xf32> to vector<8x1792xf32>
      %sub3A_3506 = arith.subf %get3A_3503, %sub3A_3505 : vector<8x1792xf32>
      %mul3A_3507 = arith.mulf %sub3A_3506, %sub3A_3506 : vector<8x1792xf32>
      %add3A_3508 = arith.addf %add3A_3498, %mul3A_3507 : vector<8x1792xf32>
      %get3A_3509 = arith.constant 6 : index
      %get3A_3510 = arith.constant 288 : index
      %get3A_3511 = arith.constant 0 : index
      %get3A_3512 = vector.load %arg0[%get3A_3509, %get3A_3510, %get3A_3511] : memref<7x384x1792xf32, #tpu.memory_space<vmem>>, vector<1x8x1792xf32>
      %get3A_3513 = vector.shape_cast %get3A_3512 : vector<1x8x1792xf32> to vector<8x1792xf32>
      %slice3A_3514 = vector.extract_strided_slice %broadcast_in_dim3A_74 {offsets = [288, 0], sizes = [8, 1], strides = [1, 1]} : vector<384x1xf32> to vector<8x1xf32>
      %sub3A_3515 = vector.broadcast %slice3A_3514 : vector<8x1xf32> to vector<8x1792xf32>
      %sub3A_3516 = arith.subf %get3A_3513, %sub3A_3515 : vector<8x1792xf32>
      %mul3A_3517 = arith.mulf %sub3A_3516, %sub3A_3516 : vector<8x1792xf32>
      %add3A_3518 = arith.addf %add3A_3508, %mul3A_3517 : vector<8x1792xf32>
      %get3A_3519 = arith.constant 6 : index
      %get3A_3520 = arith.constant 296 : index
      %get3A_3521 = arith.constant 0 : index
      %get3A_3522 = vector.load %arg0[%get3A_3519, %get3A_3520, %get3A_3521] : memref<7x384x1792xf32, #tpu.memory_space<vmem>>, vector<1x8x1792xf32>
      %get3A_3523 = vector.shape_cast %get3A_3522 : vector<1x8x1792xf32> to vector<8x1792xf32>
      %slice3A_3524 = vector.extract_strided_slice %broadcast_in_dim3A_74 {offsets = [296, 0], sizes = [8, 1], strides = [1, 1]} : vector<384x1xf32> to vector<8x1xf32>
      %sub3A_3525 = vector.broadcast %slice3A_3524 : vector<8x1xf32> to vector<8x1792xf32>
      %sub3A_3526 = arith.subf %get3A_3523, %sub3A_3525 : vector<8x1792xf32>
      %mul3A_3527 = arith.mulf %sub3A_3526, %sub3A_3526 : vector<8x1792xf32>
      %add3A_3528 = arith.addf %add3A_3518, %mul3A_3527 : vector<8x1792xf32>
      %get3A_3529 = arith.constant 6 : index
      %get3A_3530 = arith.constant 304 : index
      %get3A_3531 = arith.constant 0 : index
      %get3A_3532 = vector.load %arg0[%get3A_3529, %get3A_3530, %get3A_3531] : memref<7x384x1792xf32, #tpu.memory_space<vmem>>, vector<1x8x1792xf32>
      %get3A_3533 = vector.shape_cast %get3A_3532 : vector<1x8x1792xf32> to vector<8x1792xf32>
      %slice3A_3534 = vector.extract_strided_slice %broadcast_in_dim3A_74 {offsets = [304, 0], sizes = [8, 1], strides = [1, 1]} : vector<384x1xf32> to vector<8x1xf32>
      %sub3A_3535 = vector.broadcast %slice3A_3534 : vector<8x1xf32> to vector<8x1792xf32>
      %sub3A_3536 = arith.subf %get3A_3533, %sub3A_3535 : vector<8x1792xf32>
      %mul3A_3537 = arith.mulf %sub3A_3536, %sub3A_3536 : vector<8x1792xf32>
      %add3A_3538 = arith.addf %add3A_3528, %mul3A_3537 : vector<8x1792xf32>
      %get3A_3539 = arith.constant 6 : index
      %get3A_3540 = arith.constant 312 : index
      %get3A_3541 = arith.constant 0 : index
      %get3A_3542 = vector.load %arg0[%get3A_3539, %get3A_3540, %get3A_3541] : memref<7x384x1792xf32, #tpu.memory_space<vmem>>, vector<1x8x1792xf32>
      %get3A_3543 = vector.shape_cast %get3A_3542 : vector<1x8x1792xf32> to vector<8x1792xf32>
      %slice3A_3544 = vector.extract_strided_slice %broadcast_in_dim3A_74 {offsets = [312, 0], sizes = [8, 1], strides = [1, 1]} : vector<384x1xf32> to vector<8x1xf32>
      %sub3A_3545 = vector.broadcast %slice3A_3544 : vector<8x1xf32> to vector<8x1792xf32>
      %sub3A_3546 = arith.subf %get3A_3543, %sub3A_3545 : vector<8x1792xf32>
      %mul3A_3547 = arith.mulf %sub3A_3546, %sub3A_3546 : vector<8x1792xf32>
      %add3A_3548 = arith.addf %add3A_3538, %mul3A_3547 : vector<8x1792xf32>
      %get3A_3549 = arith.constant 6 : index
      %get3A_3550 = arith.constant 320 : index
      %get3A_3551 = arith.constant 0 : index
      %get3A_3552 = vector.load %arg0[%get3A_3549, %get3A_3550, %get3A_3551] : memref<7x384x1792xf32, #tpu.memory_space<vmem>>, vector<1x8x1792xf32>
      %get3A_3553 = vector.shape_cast %get3A_3552 : vector<1x8x1792xf32> to vector<8x1792xf32>
      %slice3A_3554 = vector.extract_strided_slice %broadcast_in_dim3A_74 {offsets = [320, 0], sizes = [8, 1], strides = [1, 1]} : vector<384x1xf32> to vector<8x1xf32>
      %sub3A_3555 = vector.broadcast %slice3A_3554 : vector<8x1xf32> to vector<8x1792xf32>
      %sub3A_3556 = arith.subf %get3A_3553, %sub3A_3555 : vector<8x1792xf32>
      %mul3A_3557 = arith.mulf %sub3A_3556, %sub3A_3556 : vector<8x1792xf32>
      %add3A_3558 = arith.addf %add3A_3548, %mul3A_3557 : vector<8x1792xf32>
      %get3A_3559 = arith.constant 6 : index
      %get3A_3560 = arith.constant 328 : index
      %get3A_3561 = arith.constant 0 : index
      %get3A_3562 = vector.load %arg0[%get3A_3559, %get3A_3560, %get3A_3561] : memref<7x384x1792xf32, #tpu.memory_space<vmem>>, vector<1x8x1792xf32>
      %get3A_3563 = vector.shape_cast %get3A_3562 : vector<1x8x1792xf32> to vector<8x1792xf32>
      %slice3A_3564 = vector.extract_strided_slice %broadcast_in_dim3A_74 {offsets = [328, 0], sizes = [8, 1], strides = [1, 1]} : vector<384x1xf32> to vector<8x1xf32>
      %sub3A_3565 = vector.broadcast %slice3A_3564 : vector<8x1xf32> to vector<8x1792xf32>
      %sub3A_3566 = arith.subf %get3A_3563, %sub3A_3565 : vector<8x1792xf32>
      %mul3A_3567 = arith.mulf %sub3A_3566, %sub3A_3566 : vector<8x1792xf32>
      %add3A_3568 = arith.addf %add3A_3558, %mul3A_3567 : vector<8x1792xf32>
      %get3A_3569 = arith.constant 6 : index
      %get3A_3570 = arith.constant 336 : index
      %get3A_3571 = arith.constant 0 : index
      %get3A_3572 = vector.load %arg0[%get3A_3569, %get3A_3570, %get3A_3571] : memref<7x384x1792xf32, #tpu.memory_space<vmem>>, vector<1x8x1792xf32>
      %get3A_3573 = vector.shape_cast %get3A_3572 : vector<1x8x1792xf32> to vector<8x1792xf32>
      %slice3A_3574 = vector.extract_strided_slice %broadcast_in_dim3A_74 {offsets = [336, 0], sizes = [8, 1], strides = [1, 1]} : vector<384x1xf32> to vector<8x1xf32>
      %sub3A_3575 = vector.broadcast %slice3A_3574 : vector<8x1xf32> to vector<8x1792xf32>
      %sub3A_3576 = arith.subf %get3A_3573, %sub3A_3575 : vector<8x1792xf32>
      %mul3A_3577 = arith.mulf %sub3A_3576, %sub3A_3576 : vector<8x1792xf32>
      %add3A_3578 = arith.addf %add3A_3568, %mul3A_3577 : vector<8x1792xf32>
      %get3A_3579 = arith.constant 6 : index
      %get3A_3580 = arith.constant 344 : index
      %get3A_3581 = arith.constant 0 : index
      %get3A_3582 = vector.load %arg0[%get3A_3579, %get3A_3580, %get3A_3581] : memref<7x384x1792xf32, #tpu.memory_space<vmem>>, vector<1x8x1792xf32>
      %get3A_3583 = vector.shape_cast %get3A_3582 : vector<1x8x1792xf32> to vector<8x1792xf32>
      %slice3A_3584 = vector.extract_strided_slice %broadcast_in_dim3A_74 {offsets = [344, 0], sizes = [8, 1], strides = [1, 1]} : vector<384x1xf32> to vector<8x1xf32>
      %sub3A_3585 = vector.broadcast %slice3A_3584 : vector<8x1xf32> to vector<8x1792xf32>
      %sub3A_3586 = arith.subf %get3A_3583, %sub3A_3585 : vector<8x1792xf32>
      %mul3A_3587 = arith.mulf %sub3A_3586, %sub3A_3586 : vector<8x1792xf32>
      %add3A_3588 = arith.addf %add3A_3578, %mul3A_3587 : vector<8x1792xf32>
      %get3A_3589 = arith.constant 6 : index
      %get3A_3590 = arith.constant 352 : index
      %get3A_3591 = arith.constant 0 : index
      %get3A_3592 = vector.load %arg0[%get3A_3589, %get3A_3590, %get3A_3591] : memref<7x384x1792xf32, #tpu.memory_space<vmem>>, vector<1x8x1792xf32>
      %get3A_3593 = vector.shape_cast %get3A_3592 : vector<1x8x1792xf32> to vector<8x1792xf32>
      %slice3A_3594 = vector.extract_strided_slice %broadcast_in_dim3A_74 {offsets = [352, 0], sizes = [8, 1], strides = [1, 1]} : vector<384x1xf32> to vector<8x1xf32>
      %sub3A_3595 = vector.broadcast %slice3A_3594 : vector<8x1xf32> to vector<8x1792xf32>
      %sub3A_3596 = arith.subf %get3A_3593, %sub3A_3595 : vector<8x1792xf32>
      %mul3A_3597 = arith.mulf %sub3A_3596, %sub3A_3596 : vector<8x1792xf32>
      %add3A_3598 = arith.addf %add3A_3588, %mul3A_3597 : vector<8x1792xf32>
      %get3A_3599 = arith.constant 6 : index
      %get3A_3600 = arith.constant 360 : index
      %get3A_3601 = arith.constant 0 : index
      %get3A_3602 = vector.load %arg0[%get3A_3599, %get3A_3600, %get3A_3601] : memref<7x384x1792xf32, #tpu.memory_space<vmem>>, vector<1x8x1792xf32>
      %get3A_3603 = vector.shape_cast %get3A_3602 : vector<1x8x1792xf32> to vector<8x1792xf32>
      %slice3A_3604 = vector.extract_strided_slice %broadcast_in_dim3A_74 {offsets = [360, 0], sizes = [8, 1], strides = [1, 1]} : vector<384x1xf32> to vector<8x1xf32>
      %sub3A_3605 = vector.broadcast %slice3A_3604 : vector<8x1xf32> to vector<8x1792xf32>
      %sub3A_3606 = arith.subf %get3A_3603, %sub3A_3605 : vector<8x1792xf32>
      %mul3A_3607 = arith.mulf %sub3A_3606, %sub3A_3606 : vector<8x1792xf32>
      %add3A_3608 = arith.addf %add3A_3598, %mul3A_3607 : vector<8x1792xf32>
      %get3A_3609 = arith.constant 6 : index
      %get3A_3610 = arith.constant 368 : index
      %get3A_3611 = arith.constant 0 : index
      %get3A_3612 = vector.load %arg0[%get3A_3609, %get3A_3610, %get3A_3611] : memref<7x384x1792xf32, #tpu.memory_space<vmem>>, vector<1x8x1792xf32>
      %get3A_3613 = vector.shape_cast %get3A_3612 : vector<1x8x1792xf32> to vector<8x1792xf32>
      %slice3A_3614 = vector.extract_strided_slice %broadcast_in_dim3A_74 {offsets = [368, 0], sizes = [8, 1], strides = [1, 1]} : vector<384x1xf32> to vector<8x1xf32>
      %sub3A_3615 = vector.broadcast %slice3A_3614 : vector<8x1xf32> to vector<8x1792xf32>
      %sub3A_3616 = arith.subf %get3A_3613, %sub3A_3615 : vector<8x1792xf32>
      %mul3A_3617 = arith.mulf %sub3A_3616, %sub3A_3616 : vector<8x1792xf32>
      %add3A_3618 = arith.addf %add3A_3608, %mul3A_3617 : vector<8x1792xf32>
      %get3A_3619 = arith.constant 6 : index
      %get3A_3620 = arith.constant 376 : index
      %get3A_3621 = arith.constant 0 : index
      %get3A_3622 = vector.load %arg0[%get3A_3619, %get3A_3620, %get3A_3621] : memref<7x384x1792xf32, #tpu.memory_space<vmem>>, vector<1x8x1792xf32>
      %get3A_3623 = vector.shape_cast %get3A_3622 : vector<1x8x1792xf32> to vector<8x1792xf32>
      %slice3A_3624 = vector.extract_strided_slice %broadcast_in_dim3A_74 {offsets = [376, 0], sizes = [8, 1], strides = [1, 1]} : vector<384x1xf32> to vector<8x1xf32>
      %sub3A_3625 = vector.broadcast %slice3A_3624 : vector<8x1xf32> to vector<8x1792xf32>
      %sub3A_3626 = arith.subf %get3A_3623, %sub3A_3625 : vector<8x1792xf32>
      %mul3A_3627 = arith.mulf %sub3A_3626, %sub3A_3626 : vector<8x1792xf32>
      %add3A_3628 = arith.addf %add3A_3618, %mul3A_3627 : vector<8x1792xf32>
      %roll3A_3629 = arith.constant 4 : i32
      %roll3A_3630 = tpu.dynamic_rotate %add3A_3628 by %roll3A_3629 dim 0 : vector<8x1792xf32>, i32 -> vector<8x1792xf32>
      %add3A_3631 = arith.addf %add3A_3628, %roll3A_3630 : vector<8x1792xf32>
      %roll3A_3632 = arith.constant 2 : i32
      %roll3A_3633 = tpu.dynamic_rotate %add3A_3631 by %roll3A_3632 dim 0 : vector<8x1792xf32>, i32 -> vector<8x1792xf32>
      %add3A_3634 = arith.addf %add3A_3631, %roll3A_3633 : vector<8x1792xf32>
      %roll3A_3635 = arith.constant 1 : i32
      %roll3A_3636 = tpu.dynamic_rotate %add3A_3634 by %roll3A_3635 dim 0 : vector<8x1792xf32>, i32 -> vector<8x1792xf32>
      %add3A_3637 = arith.addf %add3A_3634, %roll3A_3636 : vector<8x1792xf32>
      %add3A_3638 = arith.addf %add3A_3469, %add3A_3637 : vector<8x1792xf32>
      %slice3A_3639 = vector.extract_strided_slice %add3A_3638 {offsets = [0, 0], sizes = [1, 1792], strides = [1, 1]} : vector<8x1792xf32> to vector<1x1792xf32>
      %swap3A_3640 = arith.constant 6 : index
      %swap3A_3641 = arith.constant 0 : index
      %swap3A_3642 = vector.load %arg4[%swap3A_3640, %swap3A_3641] : memref<8x1792xf32, #tpu.memory_space<vmem>>, vector<1x1792xf32>
      tpu.vector_store %arg4[%swap3A_3640, %swap3A_3641], %slice3A_3639 {strides = array<i32>} : memref<8x1792xf32, #tpu.memory_space<vmem>>, vector<1x1792xf32>,
      %get3A_3643 = arith.constant 0 : index
      %get3A_3644 = arith.constant 0 : index
      %get3A_3645 = vector.load %arg3[%get3A_3643, %get3A_3644] : memref<8x1792xf32, #tpu.memory_space<vmem>>, vector<8x1792xf32>
      %get3A_3646 = arith.constant 0 : index
      %get3A_3647 = arith.constant 0 : index
      %get3A_3648 = vector.load %arg4[%get3A_3646, %get3A_3647] : memref<8x1792xf32, #tpu.memory_space<vmem>>, vector<8x1792xf32>
      %sqrt3A = math.sqrt %get3A_3648 : vector<8x1792xf32>
      %min3A = arith.minimumf %get3A_3645, %sqrt3A : vector<8x1792xf32>
      %swap3A_3649 = arith.constant 0 : index
      %swap3A_3650 = arith.constant 0 : index
      %swap3A_3651 = vector.load %arg3[%swap3A_3649, %swap3A_3650] : memref<8x1792xf32, #tpu.memory_space<vmem>>, vector<8x1792xf32>
      tpu.vector_store %arg3[%swap3A_3649, %swap3A_3650], %min3A {strides = array<i32>} : memref<8x1792xf32, #tpu.memory_space<vmem>>, vector<8x1792xf32>,
      %reduce_max3A = vector.shape_cast %min3A : vector<8x1792xf32> to vector<1x8x1792xf32>
      %reduce_max3A_3652 = arith.constant dense<0xFF800000> : vector<1xf32>
      %reduce_max3A_3653 = vector.multi_reduction <maximumf>, %reduce_max3A, %reduce_max3A_3652 [1, 2] : vector<1x8x1792xf32> to vector<1xf32>
      %reduce_max3A_3654 = vector.shape_cast %reduce_max3A_3653 : vector<1xf32> to vector<1x1x1xf32>
      %reduce_max3A_3655 = vector.extract %reduce_max3A_3654[0, 0, 0] : f32 from vector<1x1x1xf32>
      %eq3A_3656 = vector.broadcast %reduce_max3A_3655 : f32 to vector<8x1792xf32>
      %eq3A_3657 = arith.cmpf oeq, %min3A, %eq3A_3656 : vector<8x1792xf32>
      %get3A_3658 = arith.constant 0 : index
      %get3A_3659 = arith.constant 0 : index
      %get3A_3660 = vector.load %arg5[%get3A_3658, %get3A_3659] : memref<8x1792xi32, #tpu.memory_space<vmem>>, vector<8x1792xi32>
      %jit3A_3661 = arith.constant 12544 : i32
      %broadcast_in_dim3A_3662 = vector.broadcast %jit3A_3661 : i32 to vector<8x1792xi32>
      %select_n3A_3663 = arith.select %eq3A_3657, %get3A_3660, %broadcast_in_dim3A_3662 : vector<8x1792xi1>, vector<8x1792xi32>
      %reduce_min3A = vector.shape_cast %select_n3A_3663 : vector<8x1792xi32> to vector<1x8x1792xi32>
      %reduce_min3A_3664 = arith.constant dense<2147483647> : vector<1xi32>
      %reduce_min3A_3665 = vector.multi_reduction <minsi>, %reduce_min3A, %reduce_min3A_3664 [1, 2] : vector<1x8x1792xi32> to vector<1xi32>
      %reduce_min3A_3666 = vector.shape_cast %reduce_min3A_3665 : vector<1xi32> to vector<1x1x1xi32>
      %reduce_min3A_3667 = vector.extract %reduce_min3A_3666[0, 0, 0] : i32 from vector<1x1x1xi32>
      %swap3A_3668 = arith.index_cast %scan3A_26 : i32 to index
      %swap3A_3669 = memref.load %arg2[%swap3A_3668] : memref<627xi32, #tpu.memory_space<smem>>
      memref.store %reduce_min3A_3667, %arg2[%swap3A_3668] : memref<627xi32, #tpu.memory_space<smem>>
      scf.yield %reduce_min3A_3667 : i32
    }
    %scan3A_25 = arith.constant 626 : i32
    return
  }
}

</mosaic_0001>

<sc_bundles>
// kernel: kernel.4.cloned.1.call-start
scs
__scs_entry_jumppad:
0x0: {  	(pc) =	sbr.rel $0x88, $3  }
0x1: {  	(tag) =	ssettag $0x0;
	lr =	simm.s32 $0x1  }
0x2: {  	[smem:$0x3FA0] =	sst lr;
	_ =	strace $0xD0000000  }
0x3: {  	_ = 	snop  }
0x4: {  	_ = 	snop  }
0x5: {  	_ = 	snop  }
0x6: {  	_ = 	snop  }
0x7: {  	_ = 	snop  }
__scs_overlays_trampoline_lowered:
0x8: {  	[smem:$0x3FAF] =	sst s0  }
0x9: {  	[smem:$0x3FB0] =	sst s1  }
0xa: {  	[smem:$0x3FB1] =	sst s2  }
0xb: {  	[smem:$0x3FB2] =	sst s3  }
0xc: {  	[smem:$0x3FB3] =	sst s4  }
0xd: {  	[smem:$0x3FB4] =	sst s5  }
0xe: {  	[smem:$0x3FB5] =	sst s6  }
0xf: {  	[smem:$0x3FB6] =	sst s7  }
0x10: {  	[smem:$0x3FB7] =	sst s8  }
0x11: {  	[smem:$0x3FB8] =	sst s9;
	s0 =	simm.s32 @!p0 $0x0  }
0x12: {  	s1 =	sld [smem:$0x3F9E];
	s0 =	simm.s32 @p0 $0x1  }
0x13: {  	[smem:$0x3FB9] =	sst s0;
	s0 =	simm.s32 @!p1 $0x0  }
0x14: {  	s2 =	sld [smem:$0x3F9D];
	s0 =	simm.s32 @p1 $0x1  }
0x15: {  	[smem:$0x3FBA] =	sst s0;
	s0 =	simm.s32 @!p2 $0x0  }
0x16: {  	s3 =	sld [smem:$0x3FDB];
	s0 =	simm.s32 @p2 $0x1  }
0x17: {  	s4 =	simm.s32 $0x1BF5;
	[smem:$0x3FBC] =	sst s0  }
0x18: {  	s0 =	sld [smem:$0x3F9F];
	_ =	swait.ge [sflag:s4], $0x0  }
0x19: {  	s7 =	sld [smem:$0x3FA0]  }
0x1a: {  	s8 =	sadd.s32 $0xFFFFE003, lr  }
0x1b: {  	s9 =	sadd.s32 $0xFFFFFEF7, lr;
	s5 =	simm.s32 $0xFFFFFFFF;
	p2 =	slt.u32 s8, $0xFFFFF086  }
0x1c: {  	p1 =	slt.u32 s9, $0xF7A;
	s5 =	simm.s32 @!p2 $0x0  }
0x1d: {  	s5 =	simm.s32 @p1 $0x1;
	p0 =	seq.s32 s7, s2  }
0x1e: {  	s7 =	smul.u32 @!p0 $0xF7A, s2;
	p2 =	seq.s32 @!p0 s5, $0x0  }
0x1f: {  	s9 =	smul.u32 $0xF7A, s1;
	s8 =	simm.s32 @!p0 $0x1BF5;
	p2 =	por !p2, p0  }
0x20: {  	[sflag:s8] =	ssyncset.s32 @!p0 $0xFFFFF086;
	s6 =	sadd.s32 @!p0 s3, s7;
	s7 =	simm.s32 @!p0 $0x108  }
0x21: {  	s3 =	sadd.s32 s3, s9;
	s6 =	sadd.s32 @!p0 $0x88, s6;
	s7 =	simm.s32 @p2 $0x1082  }
0x22: {  	[simem:s7], [sflag:s8] =	dma.local @!p0 [hbm:s6], $0xF7A  }
0x23: {  	s9 =	sor.u32 $0xD0000000, s2;
	s6 =	simm.s32 $0x108;
	_ =	swait.ge @!p0 [sflag:s8], $0x0  }
0x24: {  	s3 =	sadd.s32 $0x88, s3;
	s6 =	simm.s32 @!p1 $0x1082;
	[sflag:s4] =	ssyncset.s32 $0xFFFFF086  }
0x25: {  	[simem:s6], [sflag:s4] =	dma.local [hbm:s3], $0xF7A  }
0x26: {  	[smem:$0x3FA0] =	sst s1;
	(tag) =	ssettag s2;
	_ =	strace s9  }
0x27: {  	s1 =	sld [smem:$0x3FB0]  }
0x28: {  	s2 =	sld [smem:$0x3FB1]  }
0x29: {  	s4 =	sld [smem:$0x3FB3]  }
0x2a: {  	p0 =	seq.s32 s5, $0x0;
	s5 =	sld [smem:$0x3FB4]  }
0x2b: {  	s6 =	sld [smem:$0x3FB5]  }
0x2c: {  	s7 =	sld [smem:$0x3FB6]  }
0x2d: {  	s3 =	simm.s32 $0x108;
	s8 =	sld [smem:$0x3FB7]  }
0x2e: {  	s3 =	simm.s32 @!p0 $0x1082;
	s9 =	sld [smem:$0x3FB8]  }
0x2f: {  	lr =	sadd.s32 s0, s3;
	s0 =	sld [smem:$0x3FAF]  }
0x30: {  	s3 =	sld [smem:$0x3FB2]  }
0x31: {  	[smem:$0x3FBB] =	sst s10  }
0x32: {  	s10 =	sld [smem:$0x3FB9];
	_ =	sdelay $0x3  }
0x33: {  	p0 =	seq.s32 s10, $0x1;
	s10 =	sld [smem:$0x3FBB];
	_ =	sdelay $0x3  }
0x34: {  	[smem:$0x3FBB] =	sst s10  }
0x35: {  	s10 =	sld [smem:$0x3FBA];
	_ =	sdelay $0x3  }
0x36: {  	p1 =	seq.s32 s10, $0x1;
	s10 =	sld [smem:$0x3FBB];
	_ =	sdelay $0x3  }
0x37: {  	[smem:$0x3FBB] =	sst s10  }
0x38: {  	s10 =	sld [smem:$0x3FBC]  }
0x39: {  	_ = 	snop;
	(pc) =	sbr.ind lr, $3  }
0x3a: {  	_ = 	snop  }
0x3b: {  	_ = 	snop  }
0x3c: {  	p2 =	seq.s32 s10, $0x1;
	s10 =	sld [smem:$0x3FBB]  }
0x3d: {  	_ =	shalt  }
0x3e: {  	_ =	shalt  }
0x3f: {  	_ =	shalt  }
0x40: {  	_ =	shalt  }
0x41: {  	_ =	shalt  }
0x42: {  	_ =	shalt  }
0x43: {  	_ =	shalt  }
0x44: {  	_ =	shalt  }
0x45: {  	_ =	shalt  }
0x46: {  	_ =	shalt  }
0x47: {  	_ =	shalt  }
0x48: {  	_ =	shalt  }
0x49: {  	_ =	shalt  }
0x4a: {  	_ =	shalt  }
0x4b: {  	_ =	shalt  }
0x4c: {  	_ =	shalt  }
0x4d: {  	_ =	shalt  }
0x4e: {  	_ =	shalt  }
0x4f: {  	_ =	shalt  }
0x50: {  	_ =	shalt  }
0x51: {  	_ =	shalt  }
0x52: {  	_ =	shalt  }
0x53: {  	_ =	shalt  }
0x54: {  	_ =	shalt  }
0x55: {  	_ =	shalt  }
0x56: {  	_ =	shalt  }
0x57: {  	_ =	shalt  }
0x58: {  	_ =	shalt  }
0x59: {  	_ =	shalt  }
0x5a: {  	_ =	shalt  }
0x5b: {  	_ =	shalt  }
0x5c: {  	_ =	shalt  }
0x5d: {  	_ =	shalt  }
0x5e: {  	_ =	shalt  }
0x5f: {  	_ =	shalt  }
0x60: {  	_ =	shalt  }
0x61: {  	_ =	shalt  }
0x62: {  	_ =	shalt  }
0x63: {  	_ =	shalt  }
0x64: {  	_ =	shalt  }
0x65: {  	_ =	shalt  }
0x66: {  	_ =	shalt  }
0x67: {  	_ =	shalt  }
0x68: {  	_ =	shalt  }
0x69: {  	_ =	shalt  }
0x6a: {  	_ =	shalt  }
0x6b: {  	_ =	shalt  }
0x6c: {  	_ =	shalt  }
0x6d: {  	_ =	shalt  }
0x6e: {  	_ =	shalt  }
0x6f: {  	_ =	shalt  }
0x70: {  	_ =	shalt  }
0x71: {  	_ =	shalt  }
0x72: {  	_ =	shalt  }
0x73: {  	_ =	shalt  }
0x74: {  	_ =	shalt  }
0x75: {  	_ =	shalt  }
0x76: {  	_ =	shalt  }
0x77: {  	_ =	shalt  }
0x78: {  	_ =	shalt  }
0x79: {  	_ =	shalt  }
0x7a: {  	_ =	shalt  }
0x7b: {  	_ =	shalt  }
0x7c: {  	_ =	shalt  }
0x7d: {  	_ =	shalt  }
0x7e: {  	_ =	shalt  }
0x7f: {  	_ =	shalt  }
0x80: {  	_ =	shalt  }
0x81: {  	_ =	shalt  }
0x82: {  	_ =	shalt  }
0x83: {  	_ =	shalt  }
0x84: {  	_ =	shalt  }
0x85: {  	_ =	shalt  }
0x86: {  	_ =	shalt  }
0x87: {  	_ =	shalt  }
.Lfunc_end0:
.L_simem_size_0:
called_computation_lowered:
.L_overlay_start_0:
0x88: {  	s2 =	sld [smem:$0x3FD9]  }
0x89: {  	s3 =	sld [smem:$0x3FFE];
	_ =	sdelay $0x1  }
0x8a: {  	s1 =	srdreg.scid  }
0x8b: {  	s0 =	sand.u32 $0x1, s1  }
0x8c: {  	s17 =	sshll.u32 s0, $0xA;
	s2 =	sadd.s32 s3, s2  }
0x8d: {  	s2 =	sadd.s32 s2, s17  }
0x8e: {  	[smem:$0x3FC7] =	sst s2  }
0x8f: {  	_ = 	snop  }
0x90: {  	s2 =	sld [smem:$0x3FD0];
	(tm) =	ssettm $0x1  }
0x91: {  	s18 =	sld [smem:$0x3FFB];
	_ =	sdelay $0x3  }
0x92: {  	_ =	strace s18  }
0x93: {  	s3 =	sld [smem:$0x3FFC];
	_ =	sdelay $0x3  }
0x94: {  	_ =	strace s3  }
0x95: {  	s3 =	sld [smem:$0x3FFD];
	_ =	sdelay $0x3  }
0x96: {  	_ =	strace s3  }
0x97: {  	_ =	strace $0x8FFFFFFF  }
0x98: {  	s19 =	sld [smem:$0x3FDB];
	_ =	sdelay $0x1  }
0x99: {  	s4 =	simm.s32 $_scs_section_size  }
0x9a: {  	s5 =	simm.s32 $_size__tile_overlayer_lowered;
	s6 =	simm.s32 $_tile_overlayer_lowered  }
0x9b: {  	s22 =	simm.s32 $0x1BFF;
	s21 =	sshll.u32 s6, $0x1;
	s3 =	sadd.s32 s4, s19  }
0x9c: {  	s7 =	simm.s32 $0x0;
	s20 =	sshll.u32 s5, $0x1;
	s5 =	sadd.s32 s21, s3  }
0x9d: {  	[timem:s7], [sflag:s22] =	dma.local [hbm:s5], s20  }
0x9e: {  	_ =	swait.ge [sflag:s22], s20  }
0x9f: {  	s4 =	ssub.s32 $0x0, s20;
	[sflag:s22] =	ssyncset.done $0x0  }
0xa0: {  	[sflag:s22] =	ssyncadd.s32 s4;
	_ =	sdelay $0x1  }
0xa1: {  	s23 =	simm.s32 $0x1B8B  }
0xa2: {  	_ =	swait.ge [sflag:s23], $0x1  }
0xa3: {  	[sflag:s23] =	ssyncset.done $0x0  }
0xa4: {  	s25 =	simm.s32 $0x1B8E;
	s24 =	sld [smem:$0x3FFE];
	[sflag:s23] =	ssyncadd.s32 $0xFFFFFFFF  }
0xa5: {  	s26 =	simm.s32 $execute0_lowered;
	[smem:$0x3FD2] =	sst s25  }
0xa6: {  	s5 =	sshll.u32 s26, $0x1;
	_ =	strace $0x80000046;
	[dreg:$0x1] =	wrdreg $0xFFFFFFFF  }
0xa7: {  	s28 =	simm.s32 $_size_execute0_lowered;
	s3 =	sadd.s32 s3, s5;
	[dreg:$0x0] =	wrdreg $0x0  }
0xa8: {  	s5 =	sshll.u32 s28, $0x1;
	[dreg:$0x2] =	wrdreg s3  }
0xa9: {  	[dreg:$0x3] =	wrdreg s5  }
0xaa: {  	[dreg:$0x4] =	wrdreg $0xC0  }
0xab: {  	_ =	task [dreg:s7], $0x5FFFF  }
0xac: {  	[dreg:$0x1] =	wrdreg $0xFFFFFFFF  }
0xad: {  	[dreg:$0x0] =	wrdreg $0x60  }
0xae: {  	[dreg:$0x2] =	wrdreg s24  }
0xaf: {  	[dreg:$0x3] =	wrdreg s2  }
0xb0: {  	[dreg:$0x4] =	wrdreg $0x9  }
0xb1: {  	_ =	task.clear_ibuf [dreg:s7], $0x5FFFF;
	_ =	strace $0x90000046  }
0xb2: {  	s29 =	simm.s32 $0x9;
	_ =	strace $0x80000048  }
0xb3: {  	_ =	swait.ge [sflag:s29], $0x1  }
0xb4: {  	[sflag:s29] =	ssyncadd.s32 $0xFFFFFFFF  }
0xb5: {  	_ =	strace $0x90000048  }
0xb6: {  	_ =	sfence  }
0xb7: {  	s30 =	sld [smem:$0x0];
	_ =	sdelay $0x2  }
0xb8: {  	s31 =	sshll.u32 s1, $0xD;
	s1 =	sshrl.u32 s1, $0x2  }
0xb9: {  	s3 =	sand.u32 $0x4000, s31;
	s1 =	sadd.s32 s1, s30  }
0xba: {  	s0 =	sor.u32 s3, s0;
	s1 =	sshll.u32 s1, $0x11  }
0xbb: {  	s0 =	sor.u32 s1, s0  }
0xbc: {  	s0 =	sadd.s32 $0x8F2B, s0  }
0xbd: {  	[sflag:s0] =	ssyncadd.remote.s32 $0x1  }
0xbe: {  	_ =	sfence.sel $0xFFFF  }
0xbf: {  	[dreg:$0x0] =	wrdreg $0xFFFFFFFF;
	(pc) =	sbr.abs _section_cstart, $3  }
0xc0: {  	[dreg:$0x1] =	wrdreg $0xFFFFFFFF  }
0xc1: {  	_ =	task.clear_ibuf [dreg:s7], $0x2FFFF;
	_ =	strace $0x9FFFFFFF  }
0xc2: {  	(tm) =	ssettm $0x7FFFFFFF  }
0xc3: {  	_ =	shalt  }
tec
execute0_lowered:
.L_overlay_start_1:
0x0: {  	(tag) =	ssettag $0x1  }
0x1: {  	s5 =	rddreg [dreg:$0x0]  }
0x2: {  	s1 =	srdreg.scid;
	s0 =	stileid.u32  }
0x3: {  	s4 =	rddreg [dreg:$0x1];
	s2 =	simm.s32 $0x0;
	s10 =	simm.s32 $0x880  }
0x4: {  	s11 =	simm.s32 $0xC80;
	s12 =	simm.s32 $0x1480;
	s13 =	simm.s32 $0x1880  }
0x5: {  	s14 =	simm.s32 $0x2080;
	s3 =	sand.u32 $0x1, s1;
	s6 =	sshll.u32 s0, $0x1  }
0x6: {  	s15 =	simm.s32 $0x1;
	s1 =	rddreg [dreg:$0x2];
	s6 =	sor.u32 s3, s6  }
0x7: {  	[smem:$0x7FF] =	sst s2;
	s8 =	ssub.s32 $0x2, s3;
	s7 =	smul.u32 $0x480, s6  }
0x8: {  	_ =	strace $0x80000047;
	s9 =	sshrl.u32 s8, $0x1;
	s6 =	smul.u32 $0x3, s6  }
0x9: {  	v2 =	vlaneseq.u32;
	s3 =	sadd.s32 $0x600, s5;
	s8 =	ssub.s32 s8, s9;
	s9 =	simm.s32 $0x80  }
0xa: {  	vm0 =	vmmov $0xffff;
	vm1 =	vmmov $0xff;
	v1 =	vshrl.u32 v2, $0x3;
	s7 =	sadd.s32 s7, s5;
	s4 =	sadd.s32 s4, s6;
	s5 =	sadd.s32 $0x700, s5  }
0xb: {  	v0 =	vand.u32 $0x7, v2;
	v2 =	vor.u32 $0x8, v2;
	v1 =	vmul.u32 $0x8, v1;
	s6 =	sadd.s32 $0x93600, s7;
	s7 =	smax.u32 s8, $0x1;
	s8 =	simm.s32 $0x2  }
.LBB2_1:
0xc: {  	[tilespmem:s2], [sflag:$0x2] =	stream.linear.gather [hbm4b:s4+s2], $0x18, $0x38;
	[tilespmem:$0x2480] =	vst v63  }
0xd: {  	_ =	swait.ge [sflag:s8], $0x18  }
0xe: {  	[sflag:s8] =	ssyncset.done $0x0  }
0xf: {  	[sflag:s8] =	ssyncadd.s32 $0xFFFFFFE8  }
0x10: {  	v3 =	vld [tilespmem:$0x0];
	_ =	sdelay $0x4  }
0x11: {  	v4 =	vshrl.u32 v3, $0x3  }
0x12: {  	v4 =	vmul.u32 $0x18, v4  }
0x13: {  	v3 =	vand.u32 $0x7, v3  }
0x14: {  	v3 =	vor.u32 v3, v4  }
0x15: {  	v4 =	vperm.xlane v3, v0;
	_ =	sdelay $0x1  }
0x16: {  	v4 =	vadd.s32 v1, v4;
	_ =	sdelay $0x1  }
0x17: {  	v3 =	vperm.xlane v3, v2;
	_ =	sdelay $0x1  }
0x18: {  	v3 =	vadd.s32 v1, v3  }
0x19: {  	[tilespmem:s9], [sflag:$0x1] =	stream.indirect_vreg.gather [hbm4b:s3+s2], $0x80, v4, vm0, $0xb8;
	[tilespmem:$0x2480] =	vst v63  }
0x1a: {  	_ = 	snop  }
0x1b: {  	[tilespmem:s10], [sflag:$0x1] =	stream.indirect_vreg.gather [hbm4b:s5+s2], $0x80, v4, vm1, $0xb8;
	[tilespmem:$0x2480] =	vst v63  }
0x1c: {  	_ = 	snop  }
0x1d: {  	[tilespmem:s11], [sflag:$0x1] =	stream.indirect_vreg.gather [hbm4b:s3+s2], $0x80, v3, vm0, $0xb8;
	[tilespmem:$0x2480] =	vst v63  }
0x1e: {  	_ = 	snop  }
0x1f: {  	[tilespmem:s12], [sflag:$0x1] =	stream.indirect_vreg.gather [hbm4b:s5+s2], $0x80, v3, vm1, $0xb8;
	[tilespmem:$0x2480] =	vst v63  }
0x20: {  	v3 =	vld.msk [tilespmem:$0x10], $0xff;
	_ =	sdelay $0x4  }
0x21: {  	v63 =	vshrl.u32 v3, $0x3  }
0x22: {  	v4 =	vmul.u32 $0x18, v63  }
0x23: {  	v3 =	vand.u32 $0x7, v3  }
0x24: {  	v3 =	vor.u32 v3, v4  }
0x25: {  	v3 =	vperm.xlane v3, v0;
	_ =	sdelay $0x1  }
0x26: {  	v3 =	vadd.s32 v1, v3;
	_ =	sdelay $0x4  }
0x27: {  	[tilespmem:s13], [sflag:$0x1] =	stream.indirect_vreg.gather [hbm4b:s3+s2], $0x80, v3, vm0, $0xb8;
	[tilespmem:$0x2480] =	vst v63  }
0x28: {  	_ = 	snop  }
0x29: {  	[tilespmem:s14], [sflag:$0x1] =	stream.indirect_vreg.gather [hbm4b:s5+s2], $0x80, v3, vm1, $0xb8;
	[tilespmem:$0x2480] =	vst v63  }
0x2a: {  	_ =	swait.ge [sflag:s15], $0x2400  }
0x2b: {  	p0 =	sne.s32 s7, $0x1;
	[sflag:s15] =	ssyncset.done $0x0  }
.Ltmp0:
0x2c: {  	[sflag:s15] =	ssyncadd.s32 $0xFFFFDC00;
	(pc) =	sbr.rel @p0 .LBB2_1-.Ltmp0, $4  }
0x2d: {  	[hbm4b:s6+s2] =	stream.linear.scatter [tilespmem:s9], [sflag:$0x2], $0x2400, $0x38;
	[tilespmem:$0x2480] =	vst v63  }
0x2e: {  	_ =	swait.ge [sflag:s8], $0x2400  }
0x2f: {  	[sflag:s8] =	ssyncset.done $0x0  }
0x30: {  	s7 =	sadd.s32 $0xFFFFFFFF, s7;
	[sflag:s8] =	ssyncadd.s32 $0xFFFFDC00  }
0x31: {  	_ =	sfence.sel $0x180000  }
0x32: {  	[bflag:$0x0] =	sbarrier.arrive $0xFFFF  }
0x33: {  	p0 =	sne.s32 s0, $0x0;
	_ =	strace $0x90000047  }
0x34: {  	s0 =	sadd.s32 @!p0 $0x100000, s1;
	[bflag:$0x2] =	sbarrier.arrive $0xFFFF  }
0x35: {  	[sflag:s0] =	ssyncadd.tile.s32 @!p0 $0x1;
	_ =	shalt  }
.Lfunc_end2:
_tile_overlayer_lowered:
.L_overlay_start_2:
0x36: {  	(tag) =	ssettag $0x2  }
0x37: {  	s0 =	rddreg [dreg:$0x0];
	s2 =	stileid.u32  }
0x38: {  	s1 =	rddreg [dreg:$0x1];
	p0 =	sne.s32 s2, $0x0  }
0x39: {  	s3 =	rddreg [dreg:$0x2];
	[bflag:$0x3] =	sbarrier.arrive $0xFFFF;
	s2 =	simm.s32 @!p0 $0x1C02  }
0x3a: {  	[timem:s3], [sflag:s2] =	dma.local @!p0 [hbm:s0], s1  }
0x3b: {  	s0 =	simm.s32 @!p0 $0x2  }
0x3c: {  	_ =	swait.ge @!p0 [sflag:s0], s1  }
0x3d: {  	s1 =	ssub.s32 @!p0 $0x0, s1;
	[sflag:s0] =	ssyncset.done @!p0 $0x0  }
0x3e: {  	[sflag:s0] =	ssyncadd.s32 @!p0 s1  }
0x3f: {  	[bflag:$0x3] =	sbarrier.arrive $0xFFFF  }
0x40: {  	_ =	shalt  }

</sc_bundles>
